<compile_context>
chip_gen: v7x
topology: tpu7x:2x2x1
jax: 0.10.2.dev20260603
libtpu: 0.0.44.dev20260713+nightly
codegen_flags: <defaults>
</compile_context>

<pallas_src>
import functools

import jax
import jax.numpy as jnp
from jax import lax
from jax.experimental import pallas as pl
from jax.experimental.pallas import tpu as pltpu
from jax.experimental.pallas import tpu_sc as plsc

_OHEM_RATIO = 3.0
_SMOOTH = 1e-06
_SENT = -2147483648
_N_IMG = 8
_HW = 512 * 512
_CHUNK = _HW // 16
_VECS = _CHUNK // 16


def _scan_hist(merged_v, k):

    def body(i, carry):
        acc, running = carry
        j = 127 - i
        h = merged_v[pl.ds(j * 16, 16)]
        tot = jnp.sum(h)
        pre = plsc.cumsum(h)
        suf_inc = (tot - pre) + h
        t_inc = running + suf_inc
        t_exc = t_inc - h
        idx = j * 16 + lax.iota(jnp.int32, 16)
        packed = jnp.where(t_inc >= k, (idx << 19) + t_exc, -1)
        return jnp.maximum(acc, packed), running + tot

    acc, _ = plsc.parallel_loop(
        0, 128, carry=(jnp.full((16,), -1, jnp.int32), jnp.int32(0)), unroll=4
    )(body)
    p = jnp.max(acc)
    return p >> 19, p & ((1 << 19) - 1)


def _sc_body(preds_hbm, tgts_hbm, eff_hbm, out_hbm,
             key_v, tgt_v, eff_v, hist_v, hist2_v, merged2_v, merged_v,
             zero_v, zc_v, cnt_v, mcnt_v,
             idx16_v, outvec_v, sharedH_v, sharedC_v):
    cid = lax.axis_index("c")
    sid = lax.axis_index("s")
    off = sid * _CHUNK

    iota = lax.iota(jnp.int32, 16)
    ones = jnp.ones((16,), jnp.int32)
    zeros16 = jnp.zeros((16,), jnp.int32)

    for r in range(16):
        for c in range(8):
            zero_v[r, pl.ds(c * 16, 16)] = zeros16
        zc_v[r, :] = zeros16
    idx16_v[...] = iota

    def zero_hist():
        for r in range(128):
            hist_v[pl.ds(r * 16, 16)] = zeros16

    def pack_hist():
        for i in range(128):
            hist2_v[i // 8, pl.ds((i % 8) * 16, 16)] = hist_v[pl.ds(i * 16, 16)]

    def unpack_merged():
        for i in range(128):
            merged_v[pl.ds(i * 16, 16)] = merged2_v[i // 8, pl.ds((i % 8) * 16, 16)]

    def merge_hist():
        pack_hist()
        pltpu.sync_copy(hist2_v, sharedH_v.at[idx16_v], add=True)

    def img_body(t, _):
        img = 2 * t + cid
        pltpu.sync_copy(preds_hbm.at[img, pl.ds(off, _CHUNK)], key_v)
        pltpu.sync_copy(tgts_hbm.at[img, pl.ds(off, _CHUNK)], tgt_v)
        pltpu.sync_copy(eff_hbm.at[img, pl.ds(off, _CHUNK)], eff_v)

        zero_hist()
        for r in range(16):
            cnt_v[r, :] = zeros16

        def p1(j, carry):
            accp, accn = carry
            sl = pl.ds(j * 16, 16)
            v = key_v[sl]
            tt = tgt_v[sl]
            ee = eff_v[sl]
            neg = tt <= 0.5
            key = jnp.where(v >= 0, v, v ^ 0x7FFFFFFF)
            mk = jnp.where(neg, key, _SENT)
            key_v[sl] = mk
            b1 = (mk >> 21) + 1024
            plsc.addupdate_scatter(hist_v, [b1], ones, mask=neg)
            accp = accp + jnp.where((tt > 0.5) & (ee > 0.5), 1, 0)
            accn = accn + jnp.where(neg, 1, 0)
            return accp, accn

        accp, accn = plsc.parallel_loop(0, _VECS, carry=(zeros16, zeros16), unroll=8)(p1)
        cnt_v[0, :] = accp
        cnt_v[1, :] = accn

        plsc.subcore_barrier()

        @pl.when(sid == 0)
        def _():
            pltpu.sync_copy(zero_v, sharedH_v)
            pltpu.sync_copy(zc_v, sharedC_v)

        plsc.subcore_barrier()
        merge_hist()
        pltpu.sync_copy(cnt_v, sharedC_v.at[idx16_v], add=True)
        plsc.subcore_barrier()
        pltpu.sync_copy(sharedH_v, merged2_v)
        pltpu.sync_copy(sharedC_v, mcnt_v)
        unpack_merged()

        pos_num = jnp.sum(mcnt_v[0, :])
        neg_tot = jnp.sum(mcnt_v[1, :])
        k1 = jnp.minimum(3 * pos_num, neg_tot)

        b1_bin, tex1 = _scan_hist(merged_v, k1)
        k2 = k1 - tex1

        k3 = k2
        pre22 = b1_bin
        b3_bin = k3
        keystar = (pre22 << 10) + b3_bin
        lbits = jnp.where(keystar >= 0, keystar, keystar ^ 0x7FFFFFFF)

        @pl.when(sid == 0)
        def _():
            ov = jnp.where(
                iota == 0,
                lbits,
                jnp.where(iota == 1, pos_num, jnp.where(iota == 2, k1, 0)),
            )
            outvec_v[...] = ov
            pltpu.sync_copy(outvec_v, out_hbm.at[img])

        plsc.subcore_barrier()
        return 0

    lax.fori_loop(0, _N_IMG // 2, img_body, 0)


def _sc_select(preds, targets, effective_maps):
    preds_i = lax.bitcast_convert_type(preds[:, 0, :, :], jnp.int32).reshape(
        _N_IMG, -1
    )
    tgts = targets[:, 0, :, :].reshape(_N_IMG, -1)
    eff = effective_maps.reshape(_N_IMG, -1)
    mesh = plsc.VectorSubcoreMesh(core_axis_name="c", subcore_axis_name="s")
    fn = pl.kernel(
        _sc_body,
        out_type=jax.ShapeDtypeStruct((_N_IMG, 16), jnp.int32),
        mesh=mesh,
        scratch_types=[
            pltpu.VMEM((_CHUNK,), jnp.int32),
            pltpu.VMEM((_CHUNK,), jnp.float32),
            pltpu.VMEM((_CHUNK,), jnp.float32),
            pltpu.VMEM((2048,), jnp.int32),
            pltpu.VMEM((16, 128), jnp.int32),
            pltpu.VMEM((16, 128), jnp.int32),
            pltpu.VMEM((2048,), jnp.int32),
            pltpu.VMEM((16, 128), jnp.int32),
            pltpu.VMEM((16, 16), jnp.int32),
            pltpu.VMEM((16, 16), jnp.int32),
            pltpu.VMEM((16, 16), jnp.int32),
            pltpu.VMEM((16,), jnp.int32),
            pltpu.VMEM((16,), jnp.int32),
            pltpu.VMEM_SHARED((16, 128), jnp.int32),
            pltpu.VMEM_SHARED((16, 16), jnp.int32),
        ],
        compiler_params=pltpu.CompilerParams(needs_layout_passes=False),
    )
    return fn(preds_i, tgts, eff)


def _loss_body(pt_ref, tt_ref, pk_ref, tk_ref, eff_ref, thr_ref,
               text_ref, kern_ref):
    logits_t = pt_ref[0, 0]
    tt = tt_ref[0, 0]
    eff = eff_ref[0]
    pred = jax.nn.sigmoid(logits_t)

    pos = tt > 0.5
    effg = eff > 0.5

    lbits = thr_ref[0, 0, 0]
    pos_num = thr_ref[0, 0, 1]
    neg_num = thr_ref[0, 0, 2]

    tlogit = lax.bitcast_convert_type(jnp.full((1, 1), lbits, jnp.int32),
                                      jnp.float32)
    thr = jax.nn.sigmoid(tlogit)

    sel = ((pred >= thr) | pos) & effg
    cond = (pos_num == 0) | (neg_num == 0)
    sel_f = jnp.where(
        cond,
        (eff != 0.0).astype(jnp.float32),
        sel.astype(jnp.float32),
    )

    t_f = pos.astype(jnp.float32) * sel_f
    p_f = pred * sel_f
    pg = jnp.sum(p_f * t_f)
    p2 = jnp.sum(p_f * p_f)
    g2 = jnp.sum(t_f * t_f)
    text_loss = 1.0 - (2.0 * pg + _SMOOTH) / (p2 + g2 + _SMOOTH)

    pred_k = jax.nn.sigmoid(pk_ref[0, 0])
    sel2 = ((pred > 0.5) & effg).astype(jnp.float32)
    tk_f = (tk_ref[0, 0] > 0.5).astype(jnp.float32) * sel2
    pk_f = pred_k * sel2
    pg2 = jnp.sum(pk_f * tk_f)
    p2b = jnp.sum(pk_f * pk_f)
    g2b = jnp.sum(tk_f * tk_f)
    kernel_loss = 1.0 - (2.0 * pg2 + _SMOOTH) / (p2b + g2b + _SMOOTH)

    text_ref[0, 0, :] = jnp.full((128,), text_loss, dtype=jnp.float32)
    kern_ref[0, 0, :] = jnp.full((128,), kernel_loss, dtype=jnp.float32)


def kernel(preds, targets, effective_maps):
    n, _, h, w = preds.shape
    thr = _sc_select(preds, targets, effective_maps).reshape(n, 1, 16)

    img_spec = pl.BlockSpec((1, h, w), lambda i: (i, 0, 0))
    ch0_spec = pl.BlockSpec((1, 1, h, w), lambda i: (i, 0, 0, 0))
    ch1_spec = pl.BlockSpec((1, 1, h, w), lambda i: (i, 1, 0, 0))
    thr_spec = pl.BlockSpec((1, 1, 16), lambda i: (i, 0, 0),
                            memory_space=pltpu.SMEM)
    out_spec = pl.BlockSpec((1, 1, 128), lambda i: (i, 0, 0))
    text, kern = pl.pallas_call(
        _loss_body,
        grid=(n,),
        in_specs=[ch0_spec, ch0_spec, ch1_spec, ch1_spec, img_spec, thr_spec],
        out_specs=[out_spec, out_spec],
        out_shape=[
            jax.ShapeDtypeStruct((n, 1, 128), jnp.float32),
            jax.ShapeDtypeStruct((n, 1, 128), jnp.float32),
        ],
        compiler_params=pltpu.CompilerParams(
            dimension_semantics=("arbitrary",),
        ),
    )(preds, targets, preds, targets, effective_maps, thr)
    return text[:, 0, 0], kern[:, 0, 0]

# --- scband reference (transcript-rebuilt; emitter-appended) ---
"""Pipeline reference for scband-text-kernel-loss-13400297963741 (READ-ONLY COPY).

The authoritative reference and input builder live on the scoring server;
editing this copy changes nothing except your own understanding.
"""

import jax, jax.numpy as jnp
import numpy as np

OHEM_RATIO = 3.0
SMOOTH = 1e-06


def setup_inputs(seed: int = 0) -> dict:
    key = jax.random.key(seed)
    k1, k2, k3 = jax.random.split(key, 3)
    preds = jax.random.normal(k1, (8, 6, 512, 512), dtype=jnp.float32)
    targets = jax.random.uniform(k2, (8, 2, 512, 512), dtype=jnp.float32)
    effective_maps = jax.random.uniform(k3, (8, 512, 512), dtype=jnp.float32)
    return {"preds": preds, "targets": targets, "effective_maps": effective_maps}


def _ohem_image(pred_text, target_text, effective_map):
    pos = target_text > 0.5
    pos_num = jnp.sum(pos) - jnp.sum(pos & (effective_map <= 0.5))
    neg_total = jnp.sum(target_text <= 0.5)
    neg_num = jnp.minimum(pos_num.astype(jnp.float32) * OHEM_RATIO, neg_total.astype(jnp.float32))
    # scores of negative pixels; positives pushed to -inf so they sort last
    flat = jnp.where((target_text <= 0.5).ravel(), pred_text.ravel(), -jnp.inf)
    sorted_desc = jnp.sort(flat)[::-1]
    idx = jnp.clip(neg_num.astype(jnp.int32) - 1, 0, flat.size - 1)
    threshold = sorted_desc[idx]
    selected = ((pred_text >= threshold) | pos) & (effective_map > 0.5)
    cond = (pos_num == 0) | (neg_num == 0)
    return jnp.where(cond, effective_map != 0, selected)


def _dice_loss(pred, target, effective_map):
    t = (target > 0.5).astype(pred.dtype)
    p = pred.reshape(pred.shape[0], -1)
    t = t.reshape(t.shape[0], -1)
    e = effective_map.reshape(effective_map.shape[0], -1).astype(pred.dtype)
    p = p * e
    t = t * e
    PG = jnp.sum(p * t, axis=1)
    P2 = jnp.sum(p * p, axis=1)
    G2 = jnp.sum(t * t, axis=1)
    dice = (2.0 * PG + SMOOTH) / (P2 + G2 + SMOOTH)
    return 1.0 - dice


def reference(preds, targets, effective_maps):
    pred_texts = jax.nn.sigmoid(preds[:, 0, :, :])
    pred_kernels = jax.nn.sigmoid(preds[:, 1, :, :])
    target_texts = targets[:, 0, :, :]
    target_kernels = targets[:, 1, :, :]
    selected_masks = jnp.stack(
        [_ohem_image(pred_texts[i], target_texts[i], effective_maps[i]) for i in range(preds.shape[0])],
        axis=0,
    )
    text_loss = _dice_loss(pred_texts, target_texts, selected_masks.astype(jnp.float32))
    selected_masks2 = (pred_texts > 0.5).astype(jnp.float32) * (effective_maps > 0.5).astype(jnp.float32)
    kernel_loss = _dice_loss(pred_kernels, target_kernels, selected_masks2)
    return (text_loss, kernel_loss)

if __name__ == "__main__":
    import jax
    _d = setup_inputs()
    print(jax.jit(kernel)(*tuple(_d.values())))

</pallas_src>

<mosaic_0001>
#map = affine_map<(d0, d1) -> (0, 0)>
module attributes {stable_mosaic.version = 14 : i64} {
  func.func @_sc_body(%arg0: i32, %arg1: i32, %arg2: memref<8x262144xi32, #tpu.memory_space<hbm>>, %arg3: memref<8x262144xf32, #tpu.memory_space<hbm>>, %arg4: memref<8x262144xf32, #tpu.memory_space<hbm>>, %arg5: memref<8x16xi32, #tpu.memory_space<hbm>>, %arg6: memref<16384xi32, #tpu.memory_space<vmem>>, %arg7: memref<16384xf32, #tpu.memory_space<vmem>>, %arg8: memref<16384xf32, #tpu.memory_space<vmem>>, %arg9: memref<2048xi32, #tpu.memory_space<vmem>>, %arg10: memref<16x128xi32, #tpu.memory_space<vmem>>, %arg11: memref<16x128xi32, #tpu.memory_space<vmem>>, %arg12: memref<2048xi32, #tpu.memory_space<vmem>>, %arg13: memref<16x128xi32, #tpu.memory_space<vmem>>, %arg14: memref<16x16xi32, #tpu.memory_space<vmem>>, %arg15: memref<16x16xi32, #tpu.memory_space<vmem>>, %arg16: memref<16x16xi32, #tpu.memory_space<vmem>>, %arg17: memref<16xi32, #tpu.memory_space<vmem>>, %arg18: memref<16xi32, #tpu.memory_space<vmem>>, %arg19: memref<16x128xi32, #tpu.memory_space<vmem_shared>>, %arg20: memref<16x16xi32, #tpu.memory_space<vmem_shared>>) attributes {dimension_semantics = [#tpu.dimension_semantics<core_parallel>, #tpu.dimension_semantics<subcore_parallel>], iteration_bounds = array<i64: 2, 16>, scalar_prefetch = 0 : i64, scratch_operands = 15 : i64, tpu.core_type = #tpu.core_type<sc_vector_subcore>, window_params = [{transform_indices = #map}, {transform_indices = #map}, {transform_indices = #map}, {transform_indices = #map}]} {
    %mul3A = arith.constant 16384 : i32
    %mul3A_0 = arith.muli %arg1, %mul3A : i32
    %iota3A = tpu.iota {dimensions = array<i32: 0>} : vector<16xi32>
    %broadcast_in_dim3A = arith.constant 1 : i32
    %broadcast_in_dim3A_1 = vector.broadcast %broadcast_in_dim3A : i32 to vector<16xi32>
    %broadcast_in_dim3A_2 = arith.constant 0 : i32
    %broadcast_in_dim3A_3 = vector.broadcast %broadcast_in_dim3A_2 : i32 to vector<16xi32>
    %swap3A = arith.constant 0 : i32
    %swap3A_4 = arith.index_cast %swap3A : i32 to index
    %swap3A_5 = arith.constant 0 : index
    %swap3A_6 = tpu.vector_load %arg13[%swap3A_4, %swap3A_5] {strides = array<i32>} : memref<16x128xi32, #tpu.memory_space<vmem>>, vector<16xi32>,
    tpu.vector_store %arg13[%swap3A_4, %swap3A_5], %broadcast_in_dim3A_3 {strides = array<i32>} : memref<16x128xi32, #tpu.memory_space<vmem>>, vector<16xi32>,
    %swap3A_7 = arith.constant 0 : i32
    %swap3A_8 = arith.index_cast %swap3A_7 : i32 to index
    %swap3A_9 = arith.constant 16 : index
    %swap3A_10 = tpu.vector_load %arg13[%swap3A_8, %swap3A_9] {strides = array<i32>} : memref<16x128xi32, #tpu.memory_space<vmem>>, vector<16xi32>,
    tpu.vector_store %arg13[%swap3A_8, %swap3A_9], %broadcast_in_dim3A_3 {strides = array<i32>} : memref<16x128xi32, #tpu.memory_space<vmem>>, vector<16xi32>,
    %swap3A_11 = arith.constant 0 : i32
    %swap3A_12 = arith.index_cast %swap3A_11 : i32 to index
    %swap3A_13 = arith.constant 32 : index
    %swap3A_14 = tpu.vector_load %arg13[%swap3A_12, %swap3A_13] {strides = array<i32>} : memref<16x128xi32, #tpu.memory_space<vmem>>, vector<16xi32>,
    tpu.vector_store %arg13[%swap3A_12, %swap3A_13], %broadcast_in_dim3A_3 {strides = array<i32>} : memref<16x128xi32, #tpu.memory_space<vmem>>, vector<16xi32>,
    %swap3A_15 = arith.constant 0 : i32
    %swap3A_16 = arith.index_cast %swap3A_15 : i32 to index
    %swap3A_17 = arith.constant 48 : index
    %swap3A_18 = tpu.vector_load %arg13[%swap3A_16, %swap3A_17] {strides = array<i32>} : memref<16x128xi32, #tpu.memory_space<vmem>>, vector<16xi32>,
    tpu.vector_store %arg13[%swap3A_16, %swap3A_17], %broadcast_in_dim3A_3 {strides = array<i32>} : memref<16x128xi32, #tpu.memory_space<vmem>>, vector<16xi32>,
    %swap3A_19 = arith.constant 0 : i32
    %swap3A_20 = arith.index_cast %swap3A_19 : i32 to index
    %swap3A_21 = arith.constant 64 : index
    %swap3A_22 = tpu.vector_load %arg13[%swap3A_20, %swap3A_21] {strides = array<i32>} : memref<16x128xi32, #tpu.memory_space<vmem>>, vector<16xi32>,
    tpu.vector_store %arg13[%swap3A_20, %swap3A_21], %broadcast_in_dim3A_3 {strides = array<i32>} : memref<16x128xi32, #tpu.memory_space<vmem>>, vector<16xi32>,
    %swap3A_23 = arith.constant 0 : i32
    %swap3A_24 = arith.index_cast %swap3A_23 : i32 to index
    %swap3A_25 = arith.constant 80 : index
    %swap3A_26 = tpu.vector_load %arg13[%swap3A_24, %swap3A_25] {strides = array<i32>} : memref<16x128xi32, #tpu.memory_space<vmem>>, vector<16xi32>,
    tpu.vector_store %arg13[%swap3A_24, %swap3A_25], %broadcast_in_dim3A_3 {strides = array<i32>} : memref<16x128xi32, #tpu.memory_space<vmem>>, vector<16xi32>,
    %swap3A_27 = arith.constant 0 : i32
    %swap3A_28 = arith.index_cast %swap3A_27 : i32 to index
    %swap3A_29 = arith.constant 96 : index
    %swap3A_30 = tpu.vector_load %arg13[%swap3A_28, %swap3A_29] {strides = array<i32>} : memref<16x128xi32, #tpu.memory_space<vmem>>, vector<16xi32>,
    tpu.vector_store %arg13[%swap3A_28, %swap3A_29], %broadcast_in_dim3A_3 {strides = array<i32>} : memref<16x128xi32, #tpu.memory_space<vmem>>, vector<16xi32>,
    %swap3A_31 = arith.constant 0 : i32
    %swap3A_32 = arith.index_cast %swap3A_31 : i32 to index
    %swap3A_33 = arith.constant 112 : index
    %swap3A_34 = tpu.vector_load %arg13[%swap3A_32, %swap3A_33] {strides = array<i32>} : memref<16x128xi32, #tpu.memory_space<vmem>>, vector<16xi32>,
    tpu.vector_store %arg13[%swap3A_32, %swap3A_33], %broadcast_in_dim3A_3 {strides = array<i32>} : memref<16x128xi32, #tpu.memory_space<vmem>>, vector<16xi32>,
    %swap3A_35 = arith.constant 0 : i32
    %swap3A_36 = arith.index_cast %swap3A_35 : i32 to index
    %swap3A_37 = arith.constant 0 : index
    %swap3A_38 = tpu.vector_load %arg14[%swap3A_36, %swap3A_37] {strides = array<i32>} : memref<16x16xi32, #tpu.memory_space<vmem>>, vector<16xi32>,
    tpu.vector_store %arg14[%swap3A_36, %swap3A_37], %broadcast_in_dim3A_3 {strides = array<i32>} : memref<16x16xi32, #tpu.memory_space<vmem>>, vector<16xi32>,
    %swap3A_39 = arith.constant 1 : i32
    %swap3A_40 = arith.index_cast %swap3A_39 : i32 to index
    %swap3A_41 = arith.constant 0 : index
    %swap3A_42 = tpu.vector_load %arg13[%swap3A_40, %swap3A_41] {strides = array<i32>} : memref<16x128xi32, #tpu.memory_space<vmem>>, vector<16xi32>,
    tpu.vector_store %arg13[%swap3A_40, %swap3A_41], %broadcast_in_dim3A_3 {strides = array<i32>} : memref<16x128xi32, #tpu.memory_space<vmem>>, vector<16xi32>,
    %swap3A_43 = arith.constant 1 : i32
    %swap3A_44 = arith.index_cast %swap3A_43 : i32 to index
    %swap3A_45 = arith.constant 16 : index
    %swap3A_46 = tpu.vector_load %arg13[%swap3A_44, %swap3A_45] {strides = array<i32>} : memref<16x128xi32, #tpu.memory_space<vmem>>, vector<16xi32>,
    tpu.vector_store %arg13[%swap3A_44, %swap3A_45], %broadcast_in_dim3A_3 {strides = array<i32>} : memref<16x128xi32, #tpu.memory_space<vmem>>, vector<16xi32>,
    %swap3A_47 = arith.constant 1 : i32
    %swap3A_48 = arith.index_cast %swap3A_47 : i32 to index
    %swap3A_49 = arith.constant 32 : index
    %swap3A_50 = tpu.vector_load %arg13[%swap3A_48, %swap3A_49] {strides = array<i32>} : memref<16x128xi32, #tpu.memory_space<vmem>>, vector<16xi32>,
    tpu.vector_store %arg13[%swap3A_48, %swap3A_49], %broadcast_in_dim3A_3 {strides = array<i32>} : memref<16x128xi32, #tpu.memory_space<vmem>>, vector<16xi32>,
    %swap3A_51 = arith.constant 1 : i32
    %swap3A_52 = arith.index_cast %swap3A_51 : i32 to index
    %swap3A_53 = arith.constant 48 : index
    %swap3A_54 = tpu.vector_load %arg13[%swap3A_52, %swap3A_53] {strides = array<i32>} : memref<16x128xi32, #tpu.memory_space<vmem>>, vector<16xi32>,
    tpu.vector_store %arg13[%swap3A_52, %swap3A_53], %broadcast_in_dim3A_3 {strides = array<i32>} : memref<16x128xi32, #tpu.memory_space<vmem>>, vector<16xi32>,
    %swap3A_55 = arith.constant 1 : i32
    %swap3A_56 = arith.index_cast %swap3A_55 : i32 to index
    %swap3A_57 = arith.constant 64 : index
    %swap3A_58 = tpu.vector_load %arg13[%swap3A_56, %swap3A_57] {strides = array<i32>} : memref<16x128xi32, #tpu.memory_space<vmem>>, vector<16xi32>,
    tpu.vector_store %arg13[%swap3A_56, %swap3A_57], %broadcast_in_dim3A_3 {strides = array<i32>} : memref<16x128xi32, #tpu.memory_space<vmem>>, vector<16xi32>,
    %swap3A_59 = arith.constant 1 : i32
    %swap3A_60 = arith.index_cast %swap3A_59 : i32 to index
    %swap3A_61 = arith.constant 80 : index
    %swap3A_62 = tpu.vector_load %arg13[%swap3A_60, %swap3A_61] {strides = array<i32>} : memref<16x128xi32, #tpu.memory_space<vmem>>, vector<16xi32>,
    tpu.vector_store %arg13[%swap3A_60, %swap3A_61], %broadcast_in_dim3A_3 {strides = array<i32>} : memref<16x128xi32, #tpu.memory_space<vmem>>, vector<16xi32>,
    %swap3A_63 = arith.constant 1 : i32
    %swap3A_64 = arith.index_cast %swap3A_63 : i32 to index
    %swap3A_65 = arith.constant 96 : index
    %swap3A_66 = tpu.vector_load %arg13[%swap3A_64, %swap3A_65] {strides = array<i32>} : memref<16x128xi32, #tpu.memory_space<vmem>>, vector<16xi32>,
    tpu.vector_store %arg13[%swap3A_64, %swap3A_65], %broadcast_in_dim3A_3 {strides = array<i32>} : memref<16x128xi32, #tpu.memory_space<vmem>>, vector<16xi32>,
    %swap3A_67 = arith.constant 1 : i32
    %swap3A_68 = arith.index_cast %swap3A_67 : i32 to index
    %swap3A_69 = arith.constant 112 : index
    %swap3A_70 = tpu.vector_load %arg13[%swap3A_68, %swap3A_69] {strides = array<i32>} : memref<16x128xi32, #tpu.memory_space<vmem>>, vector<16xi32>,
    tpu.vector_store %arg13[%swap3A_68, %swap3A_69], %broadcast_in_dim3A_3 {strides = array<i32>} : memref<16x128xi32, #tpu.memory_space<vmem>>, vector<16xi32>,
    %swap3A_71 = arith.constant 1 : i32
    %swap3A_72 = arith.index_cast %swap3A_71 : i32 to index
    %swap3A_73 = arith.constant 0 : index
    %swap3A_74 = tpu.vector_load %arg14[%swap3A_72, %swap3A_73] {strides = array<i32>} : memref<16x16xi32, #tpu.memory_space<vmem>>, vector<16xi32>,
    tpu.vector_store %arg14[%swap3A_72, %swap3A_73], %broadcast_in_dim3A_3 {strides = array<i32>} : memref<16x16xi32, #tpu.memory_space<vmem>>, vector<16xi32>,
    %swap3A_75 = arith.constant 2 : i32
    %swap3A_76 = arith.index_cast %swap3A_75 : i32 to index
    %swap3A_77 = arith.constant 0 : index
    %swap3A_78 = tpu.vector_load %arg13[%swap3A_76, %swap3A_77] {strides = array<i32>} : memref<16x128xi32, #tpu.memory_space<vmem>>, vector<16xi32>,
    tpu.vector_store %arg13[%swap3A_76, %swap3A_77], %broadcast_in_dim3A_3 {strides = array<i32>} : memref<16x128xi32, #tpu.memory_space<vmem>>, vector<16xi32>,
    %swap3A_79 = arith.constant 2 : i32
    %swap3A_80 = arith.index_cast %swap3A_79 : i32 to index
    %swap3A_81 = arith.constant 16 : index
    %swap3A_82 = tpu.vector_load %arg13[%swap3A_80, %swap3A_81] {strides = array<i32>} : memref<16x128xi32, #tpu.memory_space<vmem>>, vector<16xi32>,
    tpu.vector_store %arg13[%swap3A_80, %swap3A_81], %broadcast_in_dim3A_3 {strides = array<i32>} : memref<16x128xi32, #tpu.memory_space<vmem>>, vector<16xi32>,
    %swap3A_83 = arith.constant 2 : i32
    %swap3A_84 = arith.index_cast %swap3A_83 : i32 to index
    %swap3A_85 = arith.constant 32 : index
    %swap3A_86 = tpu.vector_load %arg13[%swap3A_84, %swap3A_85] {strides = array<i32>} : memref<16x128xi32, #tpu.memory_space<vmem>>, vector<16xi32>,
    tpu.vector_store %arg13[%swap3A_84, %swap3A_85], %broadcast_in_dim3A_3 {strides = array<i32>} : memref<16x128xi32, #tpu.memory_space<vmem>>, vector<16xi32>,
    %swap3A_87 = arith.constant 2 : i32
    %swap3A_88 = arith.index_cast %swap3A_87 : i32 to index
    %swap3A_89 = arith.constant 48 : index
    %swap3A_90 = tpu.vector_load %arg13[%swap3A_88, %swap3A_89] {strides = array<i32>} : memref<16x128xi32, #tpu.memory_space<vmem>>, vector<16xi32>,
    tpu.vector_store %arg13[%swap3A_88, %swap3A_89], %broadcast_in_dim3A_3 {strides = array<i32>} : memref<16x128xi32, #tpu.memory_space<vmem>>, vector<16xi32>,
    %swap3A_91 = arith.constant 2 : i32
    %swap3A_92 = arith.index_cast %swap3A_91 : i32 to index
    %swap3A_93 = arith.constant 64 : index
    %swap3A_94 = tpu.vector_load %arg13[%swap3A_92, %swap3A_93] {strides = array<i32>} : memref<16x128xi32, #tpu.memory_space<vmem>>, vector<16xi32>,
    tpu.vector_store %arg13[%swap3A_92, %swap3A_93], %broadcast_in_dim3A_3 {strides = array<i32>} : memref<16x128xi32, #tpu.memory_space<vmem>>, vector<16xi32>,
    %swap3A_95 = arith.constant 2 : i32
    %swap3A_96 = arith.index_cast %swap3A_95 : i32 to index
    %swap3A_97 = arith.constant 80 : index
    %swap3A_98 = tpu.vector_load %arg13[%swap3A_96, %swap3A_97] {strides = array<i32>} : memref<16x128xi32, #tpu.memory_space<vmem>>, vector<16xi32>,
    tpu.vector_store %arg13[%swap3A_96, %swap3A_97], %broadcast_in_dim3A_3 {strides = array<i32>} : memref<16x128xi32, #tpu.memory_space<vmem>>, vector<16xi32>,
    %swap3A_99 = arith.constant 2 : i32
    %swap3A_100 = arith.index_cast %swap3A_99 : i32 to index
    %swap3A_101 = arith.constant 96 : index
    %swap3A_102 = tpu.vector_load %arg13[%swap3A_100, %swap3A_101] {strides = array<i32>} : memref<16x128xi32, #tpu.memory_space<vmem>>, vector<16xi32>,
    tpu.vector_store %arg13[%swap3A_100, %swap3A_101], %broadcast_in_dim3A_3 {strides = array<i32>} : memref<16x128xi32, #tpu.memory_space<vmem>>, vector<16xi32>,
    %swap3A_103 = arith.constant 2 : i32
    %swap3A_104 = arith.index_cast %swap3A_103 : i32 to index
    %swap3A_105 = arith.constant 112 : index
    %swap3A_106 = tpu.vector_load %arg13[%swap3A_104, %swap3A_105] {strides = array<i32>} : memref<16x128xi32, #tpu.memory_space<vmem>>, vector<16xi32>,
    tpu.vector_store %arg13[%swap3A_104, %swap3A_105], %broadcast_in_dim3A_3 {strides = array<i32>} : memref<16x128xi32, #tpu.memory_space<vmem>>, vector<16xi32>,
    %swap3A_107 = arith.constant 2 : i32
    %swap3A_108 = arith.index_cast %swap3A_107 : i32 to index
    %swap3A_109 = arith.constant 0 : index
    %swap3A_110 = tpu.vector_load %arg14[%swap3A_108, %swap3A_109] {strides = array<i32>} : memref<16x16xi32, #tpu.memory_space<vmem>>, vector<16xi32>,
    tpu.vector_store %arg14[%swap3A_108, %swap3A_109], %broadcast_in_dim3A_3 {strides = array<i32>} : memref<16x16xi32, #tpu.memory_space<vmem>>, vector<16xi32>,
    %swap3A_111 = arith.constant 3 : i32
    %swap3A_112 = arith.index_cast %swap3A_111 : i32 to index
    %swap3A_113 = arith.constant 0 : index
    %swap3A_114 = tpu.vector_load %arg13[%swap3A_112, %swap3A_113] {strides = array<i32>} : memref<16x128xi32, #tpu.memory_space<vmem>>, vector<16xi32>,
    tpu.vector_store %arg13[%swap3A_112, %swap3A_113], %broadcast_in_dim3A_3 {strides = array<i32>} : memref<16x128xi32, #tpu.memory_space<vmem>>, vector<16xi32>,
    %swap3A_115 = arith.constant 3 : i32
    %swap3A_116 = arith.index_cast %swap3A_115 : i32 to index
    %swap3A_117 = arith.constant 16 : index
    %swap3A_118 = tpu.vector_load %arg13[%swap3A_116, %swap3A_117] {strides = array<i32>} : memref<16x128xi32, #tpu.memory_space<vmem>>, vector<16xi32>,
    tpu.vector_store %arg13[%swap3A_116, %swap3A_117], %broadcast_in_dim3A_3 {strides = array<i32>} : memref<16x128xi32, #tpu.memory_space<vmem>>, vector<16xi32>,
    %swap3A_119 = arith.constant 3 : i32
    %swap3A_120 = arith.index_cast %swap3A_119 : i32 to index
    %swap3A_121 = arith.constant 32 : index
    %swap3A_122 = tpu.vector_load %arg13[%swap3A_120, %swap3A_121] {strides = array<i32>} : memref<16x128xi32, #tpu.memory_space<vmem>>, vector<16xi32>,
    tpu.vector_store %arg13[%swap3A_120, %swap3A_121], %broadcast_in_dim3A_3 {strides = array<i32>} : memref<16x128xi32, #tpu.memory_space<vmem>>, vector<16xi32>,
    %swap3A_123 = arith.constant 3 : i32
    %swap3A_124 = arith.index_cast %swap3A_123 : i32 to index
    %swap3A_125 = arith.constant 48 : index
    %swap3A_126 = tpu.vector_load %arg13[%swap3A_124, %swap3A_125] {strides = array<i32>} : memref<16x128xi32, #tpu.memory_space<vmem>>, vector<16xi32>,
    tpu.vector_store %arg13[%swap3A_124, %swap3A_125], %broadcast_in_dim3A_3 {strides = array<i32>} : memref<16x128xi32, #tpu.memory_space<vmem>>, vector<16xi32>,
    %swap3A_127 = arith.constant 3 : i32
    %swap3A_128 = arith.index_cast %swap3A_127 : i32 to index
    %swap3A_129 = arith.constant 64 : index
    %swap3A_130 = tpu.vector_load %arg13[%swap3A_128, %swap3A_129] {strides = array<i32>} : memref<16x128xi32, #tpu.memory_space<vmem>>, vector<16xi32>,
    tpu.vector_store %arg13[%swap3A_128, %swap3A_129], %broadcast_in_dim3A_3 {strides = array<i32>} : memref<16x128xi32, #tpu.memory_space<vmem>>, vector<16xi32>,
    %swap3A_131 = arith.constant 3 : i32
    %swap3A_132 = arith.index_cast %swap3A_131 : i32 to index
    %swap3A_133 = arith.constant 80 : index
    %swap3A_134 = tpu.vector_load %arg13[%swap3A_132, %swap3A_133] {strides = array<i32>} : memref<16x128xi32, #tpu.memory_space<vmem>>, vector<16xi32>,
    tpu.vector_store %arg13[%swap3A_132, %swap3A_133], %broadcast_in_dim3A_3 {strides = array<i32>} : memref<16x128xi32, #tpu.memory_space<vmem>>, vector<16xi32>,
    %swap3A_135 = arith.constant 3 : i32
    %swap3A_136 = arith.index_cast %swap3A_135 : i32 to index
    %swap3A_137 = arith.constant 96 : index
    %swap3A_138 = tpu.vector_load %arg13[%swap3A_136, %swap3A_137] {strides = array<i32>} : memref<16x128xi32, #tpu.memory_space<vmem>>, vector<16xi32>,
    tpu.vector_store %arg13[%swap3A_136, %swap3A_137], %broadcast_in_dim3A_3 {strides = array<i32>} : memref<16x128xi32, #tpu.memory_space<vmem>>, vector<16xi32>,
    %swap3A_139 = arith.constant 3 : i32
    %swap3A_140 = arith.index_cast %swap3A_139 : i32 to index
    %swap3A_141 = arith.constant 112 : index
    %swap3A_142 = tpu.vector_load %arg13[%swap3A_140, %swap3A_141] {strides = array<i32>} : memref<16x128xi32, #tpu.memory_space<vmem>>, vector<16xi32>,
    tpu.vector_store %arg13[%swap3A_140, %swap3A_141], %broadcast_in_dim3A_3 {strides = array<i32>} : memref<16x128xi32, #tpu.memory_space<vmem>>, vector<16xi32>,
    %swap3A_143 = arith.constant 3 : i32
    %swap3A_144 = arith.index_cast %swap3A_143 : i32 to index
    %swap3A_145 = arith.constant 0 : index
    %swap3A_146 = tpu.vector_load %arg14[%swap3A_144, %swap3A_145] {strides = array<i32>} : memref<16x16xi32, #tpu.memory_space<vmem>>, vector<16xi32>,
    tpu.vector_store %arg14[%swap3A_144, %swap3A_145], %broadcast_in_dim3A_3 {strides = array<i32>} : memref<16x16xi32, #tpu.memory_space<vmem>>, vector<16xi32>,
    %swap3A_147 = arith.constant 4 : i32
    %swap3A_148 = arith.index_cast %swap3A_147 : i32 to index
    %swap3A_149 = arith.constant 0 : index
    %swap3A_150 = tpu.vector_load %arg13[%swap3A_148, %swap3A_149] {strides = array<i32>} : memref<16x128xi32, #tpu.memory_space<vmem>>, vector<16xi32>,
    tpu.vector_store %arg13[%swap3A_148, %swap3A_149], %broadcast_in_dim3A_3 {strides = array<i32>} : memref<16x128xi32, #tpu.memory_space<vmem>>, vector<16xi32>,
    %swap3A_151 = arith.constant 4 : i32
    %swap3A_152 = arith.index_cast %swap3A_151 : i32 to index
    %swap3A_153 = arith.constant 16 : index
    %swap3A_154 = tpu.vector_load %arg13[%swap3A_152, %swap3A_153] {strides = array<i32>} : memref<16x128xi32, #tpu.memory_space<vmem>>, vector<16xi32>,
    tpu.vector_store %arg13[%swap3A_152, %swap3A_153], %broadcast_in_dim3A_3 {strides = array<i32>} : memref<16x128xi32, #tpu.memory_space<vmem>>, vector<16xi32>,
    %swap3A_155 = arith.constant 4 : i32
    %swap3A_156 = arith.index_cast %swap3A_155 : i32 to index
    %swap3A_157 = arith.constant 32 : index
    %swap3A_158 = tpu.vector_load %arg13[%swap3A_156, %swap3A_157] {strides = array<i32>} : memref<16x128xi32, #tpu.memory_space<vmem>>, vector<16xi32>,
    tpu.vector_store %arg13[%swap3A_156, %swap3A_157], %broadcast_in_dim3A_3 {strides = array<i32>} : memref<16x128xi32, #tpu.memory_space<vmem>>, vector<16xi32>,
    %swap3A_159 = arith.constant 4 : i32
    %swap3A_160 = arith.index_cast %swap3A_159 : i32 to index
    %swap3A_161 = arith.constant 48 : index
    %swap3A_162 = tpu.vector_load %arg13[%swap3A_160, %swap3A_161] {strides = array<i32>} : memref<16x128xi32, #tpu.memory_space<vmem>>, vector<16xi32>,
    tpu.vector_store %arg13[%swap3A_160, %swap3A_161], %broadcast_in_dim3A_3 {strides = array<i32>} : memref<16x128xi32, #tpu.memory_space<vmem>>, vector<16xi32>,
    %swap3A_163 = arith.constant 4 : i32
    %swap3A_164 = arith.index_cast %swap3A_163 : i32 to index
    %swap3A_165 = arith.constant 64 : index
    %swap3A_166 = tpu.vector_load %arg13[%swap3A_164, %swap3A_165] {strides = array<i32>} : memref<16x128xi32, #tpu.memory_space<vmem>>, vector<16xi32>,
    tpu.vector_store %arg13[%swap3A_164, %swap3A_165], %broadcast_in_dim3A_3 {strides = array<i32>} : memref<16x128xi32, #tpu.memory_space<vmem>>, vector<16xi32>,
    %swap3A_167 = arith.constant 4 : i32
    %swap3A_168 = arith.index_cast %swap3A_167 : i32 to index
    %swap3A_169 = arith.constant 80 : index
    %swap3A_170 = tpu.vector_load %arg13[%swap3A_168, %swap3A_169] {strides = array<i32>} : memref<16x128xi32, #tpu.memory_space<vmem>>, vector<16xi32>,
    tpu.vector_store %arg13[%swap3A_168, %swap3A_169], %broadcast_in_dim3A_3 {strides = array<i32>} : memref<16x128xi32, #tpu.memory_space<vmem>>, vector<16xi32>,
    %swap3A_171 = arith.constant 4 : i32
    %swap3A_172 = arith.index_cast %swap3A_171 : i32 to index
    %swap3A_173 = arith.constant 96 : index
    %swap3A_174 = tpu.vector_load %arg13[%swap3A_172, %swap3A_173] {strides = array<i32>} : memref<16x128xi32, #tpu.memory_space<vmem>>, vector<16xi32>,
    tpu.vector_store %arg13[%swap3A_172, %swap3A_173], %broadcast_in_dim3A_3 {strides = array<i32>} : memref<16x128xi32, #tpu.memory_space<vmem>>, vector<16xi32>,
    %swap3A_175 = arith.constant 4 : i32
    %swap3A_176 = arith.index_cast %swap3A_175 : i32 to index
    %swap3A_177 = arith.constant 112 : index
    %swap3A_178 = tpu.vector_load %arg13[%swap3A_176, %swap3A_177] {strides = array<i32>} : memref<16x128xi32, #tpu.memory_space<vmem>>, vector<16xi32>,
    tpu.vector_store %arg13[%swap3A_176, %swap3A_177], %broadcast_in_dim3A_3 {strides = array<i32>} : memref<16x128xi32, #tpu.memory_space<vmem>>, vector<16xi32>,
    %swap3A_179 = arith.constant 4 : i32
    %swap3A_180 = arith.index_cast %swap3A_179 : i32 to index
    %swap3A_181 = arith.constant 0 : index
    %swap3A_182 = tpu.vector_load %arg14[%swap3A_180, %swap3A_181] {strides = array<i32>} : memref<16x16xi32, #tpu.memory_space<vmem>>, vector<16xi32>,
    tpu.vector_store %arg14[%swap3A_180, %swap3A_181], %broadcast_in_dim3A_3 {strides = array<i32>} : memref<16x16xi32, #tpu.memory_space<vmem>>, vector<16xi32>,
    %swap3A_183 = arith.constant 5 : i32
    %swap3A_184 = arith.index_cast %swap3A_183 : i32 to index
    %swap3A_185 = arith.constant 0 : index
    %swap3A_186 = tpu.vector_load %arg13[%swap3A_184, %swap3A_185] {strides = array<i32>} : memref<16x128xi32, #tpu.memory_space<vmem>>, vector<16xi32>,
    tpu.vector_store %arg13[%swap3A_184, %swap3A_185], %broadcast_in_dim3A_3 {strides = array<i32>} : memref<16x128xi32, #tpu.memory_space<vmem>>, vector<16xi32>,
    %swap3A_187 = arith.constant 5 : i32
    %swap3A_188 = arith.index_cast %swap3A_187 : i32 to index
    %swap3A_189 = arith.constant 16 : index
    %swap3A_190 = tpu.vector_load %arg13[%swap3A_188, %swap3A_189] {strides = array<i32>} : memref<16x128xi32, #tpu.memory_space<vmem>>, vector<16xi32>,
    tpu.vector_store %arg13[%swap3A_188, %swap3A_189], %broadcast_in_dim3A_3 {strides = array<i32>} : memref<16x128xi32, #tpu.memory_space<vmem>>, vector<16xi32>,
    %swap3A_191 = arith.constant 5 : i32
    %swap3A_192 = arith.index_cast %swap3A_191 : i32 to index
    %swap3A_193 = arith.constant 32 : index
    %swap3A_194 = tpu.vector_load %arg13[%swap3A_192, %swap3A_193] {strides = array<i32>} : memref<16x128xi32, #tpu.memory_space<vmem>>, vector<16xi32>,
    tpu.vector_store %arg13[%swap3A_192, %swap3A_193], %broadcast_in_dim3A_3 {strides = array<i32>} : memref<16x128xi32, #tpu.memory_space<vmem>>, vector<16xi32>,
    %swap3A_195 = arith.constant 5 : i32
    %swap3A_196 = arith.index_cast %swap3A_195 : i32 to index
    %swap3A_197 = arith.constant 48 : index
    %swap3A_198 = tpu.vector_load %arg13[%swap3A_196, %swap3A_197] {strides = array<i32>} : memref<16x128xi32, #tpu.memory_space<vmem>>, vector<16xi32>,
    tpu.vector_store %arg13[%swap3A_196, %swap3A_197], %broadcast_in_dim3A_3 {strides = array<i32>} : memref<16x128xi32, #tpu.memory_space<vmem>>, vector<16xi32>,
    %swap3A_199 = arith.constant 5 : i32
    %swap3A_200 = arith.index_cast %swap3A_199 : i32 to index
    %swap3A_201 = arith.constant 64 : index
    %swap3A_202 = tpu.vector_load %arg13[%swap3A_200, %swap3A_201] {strides = array<i32>} : memref<16x128xi32, #tpu.memory_space<vmem>>, vector<16xi32>,
    tpu.vector_store %arg13[%swap3A_200, %swap3A_201], %broadcast_in_dim3A_3 {strides = array<i32>} : memref<16x128xi32, #tpu.memory_space<vmem>>, vector<16xi32>,
    %swap3A_203 = arith.constant 5 : i32
    %swap3A_204 = arith.index_cast %swap3A_203 : i32 to index
    %swap3A_205 = arith.constant 80 : index
    %swap3A_206 = tpu.vector_load %arg13[%swap3A_204, %swap3A_205] {strides = array<i32>} : memref<16x128xi32, #tpu.memory_space<vmem>>, vector<16xi32>,
    tpu.vector_store %arg13[%swap3A_204, %swap3A_205], %broadcast_in_dim3A_3 {strides = array<i32>} : memref<16x128xi32, #tpu.memory_space<vmem>>, vector<16xi32>,
    %swap3A_207 = arith.constant 5 : i32
    %swap3A_208 = arith.index_cast %swap3A_207 : i32 to index
    %swap3A_209 = arith.constant 96 : index
    %swap3A_210 = tpu.vector_load %arg13[%swap3A_208, %swap3A_209] {strides = array<i32>} : memref<16x128xi32, #tpu.memory_space<vmem>>, vector<16xi32>,
    tpu.vector_store %arg13[%swap3A_208, %swap3A_209], %broadcast_in_dim3A_3 {strides = array<i32>} : memref<16x128xi32, #tpu.memory_space<vmem>>, vector<16xi32>,
    %swap3A_211 = arith.constant 5 : i32
    %swap3A_212 = arith.index_cast %swap3A_211 : i32 to index
    %swap3A_213 = arith.constant 112 : index
    %swap3A_214 = tpu.vector_load %arg13[%swap3A_212, %swap3A_213] {strides = array<i32>} : memref<16x128xi32, #tpu.memory_space<vmem>>, vector<16xi32>,
    tpu.vector_store %arg13[%swap3A_212, %swap3A_213], %broadcast_in_dim3A_3 {strides = array<i32>} : memref<16x128xi32, #tpu.memory_space<vmem>>, vector<16xi32>,
    %swap3A_215 = arith.constant 5 : i32
    %swap3A_216 = arith.index_cast %swap3A_215 : i32 to index
    %swap3A_217 = arith.constant 0 : index
    %swap3A_218 = tpu.vector_load %arg14[%swap3A_216, %swap3A_217] {strides = array<i32>} : memref<16x16xi32, #tpu.memory_space<vmem>>, vector<16xi32>,
    tpu.vector_store %arg14[%swap3A_216, %swap3A_217], %broadcast_in_dim3A_3 {strides = array<i32>} : memref<16x16xi32, #tpu.memory_space<vmem>>, vector<16xi32>,
    %swap3A_219 = arith.constant 6 : i32
    %swap3A_220 = arith.index_cast %swap3A_219 : i32 to index
    %swap3A_221 = arith.constant 0 : index
    %swap3A_222 = tpu.vector_load %arg13[%swap3A_220, %swap3A_221] {strides = array<i32>} : memref<16x128xi32, #tpu.memory_space<vmem>>, vector<16xi32>,
    tpu.vector_store %arg13[%swap3A_220, %swap3A_221], %broadcast_in_dim3A_3 {strides = array<i32>} : memref<16x128xi32, #tpu.memory_space<vmem>>, vector<16xi32>,
    %swap3A_223 = arith.constant 6 : i32
    %swap3A_224 = arith.index_cast %swap3A_223 : i32 to index
    %swap3A_225 = arith.constant 16 : index
    %swap3A_226 = tpu.vector_load %arg13[%swap3A_224, %swap3A_225] {strides = array<i32>} : memref<16x128xi32, #tpu.memory_space<vmem>>, vector<16xi32>,
    tpu.vector_store %arg13[%swap3A_224, %swap3A_225], %broadcast_in_dim3A_3 {strides = array<i32>} : memref<16x128xi32, #tpu.memory_space<vmem>>, vector<16xi32>,
    %swap3A_227 = arith.constant 6 : i32
    %swap3A_228 = arith.index_cast %swap3A_227 : i32 to index
    %swap3A_229 = arith.constant 32 : index
    %swap3A_230 = tpu.vector_load %arg13[%swap3A_228, %swap3A_229] {strides = array<i32>} : memref<16x128xi32, #tpu.memory_space<vmem>>, vector<16xi32>,
    tpu.vector_store %arg13[%swap3A_228, %swap3A_229], %broadcast_in_dim3A_3 {strides = array<i32>} : memref<16x128xi32, #tpu.memory_space<vmem>>, vector<16xi32>,
    %swap3A_231 = arith.constant 6 : i32
    %swap3A_232 = arith.index_cast %swap3A_231 : i32 to index
    %swap3A_233 = arith.constant 48 : index
    %swap3A_234 = tpu.vector_load %arg13[%swap3A_232, %swap3A_233] {strides = array<i32>} : memref<16x128xi32, #tpu.memory_space<vmem>>, vector<16xi32>,
    tpu.vector_store %arg13[%swap3A_232, %swap3A_233], %broadcast_in_dim3A_3 {strides = array<i32>} : memref<16x128xi32, #tpu.memory_space<vmem>>, vector<16xi32>,
    %swap3A_235 = arith.constant 6 : i32
    %swap3A_236 = arith.index_cast %swap3A_235 : i32 to index
    %swap3A_237 = arith.constant 64 : index
    %swap3A_238 = tpu.vector_load %arg13[%swap3A_236, %swap3A_237] {strides = array<i32>} : memref<16x128xi32, #tpu.memory_space<vmem>>, vector<16xi32>,
    tpu.vector_store %arg13[%swap3A_236, %swap3A_237], %broadcast_in_dim3A_3 {strides = array<i32>} : memref<16x128xi32, #tpu.memory_space<vmem>>, vector<16xi32>,
    %swap3A_239 = arith.constant 6 : i32
    %swap3A_240 = arith.index_cast %swap3A_239 : i32 to index
    %swap3A_241 = arith.constant 80 : index
    %swap3A_242 = tpu.vector_load %arg13[%swap3A_240, %swap3A_241] {strides = array<i32>} : memref<16x128xi32, #tpu.memory_space<vmem>>, vector<16xi32>,
    tpu.vector_store %arg13[%swap3A_240, %swap3A_241], %broadcast_in_dim3A_3 {strides = array<i32>} : memref<16x128xi32, #tpu.memory_space<vmem>>, vector<16xi32>,
    %swap3A_243 = arith.constant 6 : i32
    %swap3A_244 = arith.index_cast %swap3A_243 : i32 to index
    %swap3A_245 = arith.constant 96 : index
    %swap3A_246 = tpu.vector_load %arg13[%swap3A_244, %swap3A_245] {strides = array<i32>} : memref<16x128xi32, #tpu.memory_space<vmem>>, vector<16xi32>,
    tpu.vector_store %arg13[%swap3A_244, %swap3A_245], %broadcast_in_dim3A_3 {strides = array<i32>} : memref<16x128xi32, #tpu.memory_space<vmem>>, vector<16xi32>,
    %swap3A_247 = arith.constant 6 : i32
    %swap3A_248 = arith.index_cast %swap3A_247 : i32 to index
    %swap3A_249 = arith.constant 112 : index
    %swap3A_250 = tpu.vector_load %arg13[%swap3A_248, %swap3A_249] {strides = array<i32>} : memref<16x128xi32, #tpu.memory_space<vmem>>, vector<16xi32>,
    tpu.vector_store %arg13[%swap3A_248, %swap3A_249], %broadcast_in_dim3A_3 {strides = array<i32>} : memref<16x128xi32, #tpu.memory_space<vmem>>, vector<16xi32>,
    %swap3A_251 = arith.constant 6 : i32
    %swap3A_252 = arith.index_cast %swap3A_251 : i32 to index
    %swap3A_253 = arith.constant 0 : index
    %swap3A_254 = tpu.vector_load %arg14[%swap3A_252, %swap3A_253] {strides = array<i32>} : memref<16x16xi32, #tpu.memory_space<vmem>>, vector<16xi32>,
    tpu.vector_store %arg14[%swap3A_252, %swap3A_253], %broadcast_in_dim3A_3 {strides = array<i32>} : memref<16x16xi32, #tpu.memory_space<vmem>>, vector<16xi32>,
    %swap3A_255 = arith.constant 7 : i32
    %swap3A_256 = arith.index_cast %swap3A_255 : i32 to index
    %swap3A_257 = arith.constant 0 : index
    %swap3A_258 = tpu.vector_load %arg13[%swap3A_256, %swap3A_257] {strides = array<i32>} : memref<16x128xi32, #tpu.memory_space<vmem>>, vector<16xi32>,
    tpu.vector_store %arg13[%swap3A_256, %swap3A_257], %broadcast_in_dim3A_3 {strides = array<i32>} : memref<16x128xi32, #tpu.memory_space<vmem>>, vector<16xi32>,
    %swap3A_259 = arith.constant 7 : i32
    %swap3A_260 = arith.index_cast %swap3A_259 : i32 to index
    %swap3A_261 = arith.constant 16 : index
    %swap3A_262 = tpu.vector_load %arg13[%swap3A_260, %swap3A_261] {strides = array<i32>} : memref<16x128xi32, #tpu.memory_space<vmem>>, vector<16xi32>,
    tpu.vector_store %arg13[%swap3A_260, %swap3A_261], %broadcast_in_dim3A_3 {strides = array<i32>} : memref<16x128xi32, #tpu.memory_space<vmem>>, vector<16xi32>,
    %swap3A_263 = arith.constant 7 : i32
    %swap3A_264 = arith.index_cast %swap3A_263 : i32 to index
    %swap3A_265 = arith.constant 32 : index
    %swap3A_266 = tpu.vector_load %arg13[%swap3A_264, %swap3A_265] {strides = array<i32>} : memref<16x128xi32, #tpu.memory_space<vmem>>, vector<16xi32>,
    tpu.vector_store %arg13[%swap3A_264, %swap3A_265], %broadcast_in_dim3A_3 {strides = array<i32>} : memref<16x128xi32, #tpu.memory_space<vmem>>, vector<16xi32>,
    %swap3A_267 = arith.constant 7 : i32
    %swap3A_268 = arith.index_cast %swap3A_267 : i32 to index
    %swap3A_269 = arith.constant 48 : index
    %swap3A_270 = tpu.vector_load %arg13[%swap3A_268, %swap3A_269] {strides = array<i32>} : memref<16x128xi32, #tpu.memory_space<vmem>>, vector<16xi32>,
    tpu.vector_store %arg13[%swap3A_268, %swap3A_269], %broadcast_in_dim3A_3 {strides = array<i32>} : memref<16x128xi32, #tpu.memory_space<vmem>>, vector<16xi32>,
    %swap3A_271 = arith.constant 7 : i32
    %swap3A_272 = arith.index_cast %swap3A_271 : i32 to index
    %swap3A_273 = arith.constant 64 : index
    %swap3A_274 = tpu.vector_load %arg13[%swap3A_272, %swap3A_273] {strides = array<i32>} : memref<16x128xi32, #tpu.memory_space<vmem>>, vector<16xi32>,
    tpu.vector_store %arg13[%swap3A_272, %swap3A_273], %broadcast_in_dim3A_3 {strides = array<i32>} : memref<16x128xi32, #tpu.memory_space<vmem>>, vector<16xi32>,
    %swap3A_275 = arith.constant 7 : i32
    %swap3A_276 = arith.index_cast %swap3A_275 : i32 to index
    %swap3A_277 = arith.constant 80 : index
    %swap3A_278 = tpu.vector_load %arg13[%swap3A_276, %swap3A_277] {strides = array<i32>} : memref<16x128xi32, #tpu.memory_space<vmem>>, vector<16xi32>,
    tpu.vector_store %arg13[%swap3A_276, %swap3A_277], %broadcast_in_dim3A_3 {strides = array<i32>} : memref<16x128xi32, #tpu.memory_space<vmem>>, vector<16xi32>,
    %swap3A_279 = arith.constant 7 : i32
    %swap3A_280 = arith.index_cast %swap3A_279 : i32 to index
    %swap3A_281 = arith.constant 96 : index
    %swap3A_282 = tpu.vector_load %arg13[%swap3A_280, %swap3A_281] {strides = array<i32>} : memref<16x128xi32, #tpu.memory_space<vmem>>, vector<16xi32>,
    tpu.vector_store %arg13[%swap3A_280, %swap3A_281], %broadcast_in_dim3A_3 {strides = array<i32>} : memref<16x128xi32, #tpu.memory_space<vmem>>, vector<16xi32>,
    %swap3A_283 = arith.constant 7 : i32
    %swap3A_284 = arith.index_cast %swap3A_283 : i32 to index
    %swap3A_285 = arith.constant 112 : index
    %swap3A_286 = tpu.vector_load %arg13[%swap3A_284, %swap3A_285] {strides = array<i32>} : memref<16x128xi32, #tpu.memory_space<vmem>>, vector<16xi32>,
    tpu.vector_store %arg13[%swap3A_284, %swap3A_285], %broadcast_in_dim3A_3 {strides = array<i32>} : memref<16x128xi32, #tpu.memory_space<vmem>>, vector<16xi32>,
    %swap3A_287 = arith.constant 7 : i32
    %swap3A_288 = arith.index_cast %swap3A_287 : i32 to index
    %swap3A_289 = arith.constant 0 : index
    %swap3A_290 = tpu.vector_load %arg14[%swap3A_288, %swap3A_289] {strides = array<i32>} : memref<16x16xi32, #tpu.memory_space<vmem>>, vector<16xi32>,
    tpu.vector_store %arg14[%swap3A_288, %swap3A_289], %broadcast_in_dim3A_3 {strides = array<i32>} : memref<16x16xi32, #tpu.memory_space<vmem>>, vector<16xi32>,
    %swap3A_291 = arith.constant 8 : i32
    %swap3A_292 = arith.index_cast %swap3A_291 : i32 to index
    %swap3A_293 = arith.constant 0 : index
    %swap3A_294 = tpu.vector_load %arg13[%swap3A_292, %swap3A_293] {strides = array<i32>} : memref<16x128xi32, #tpu.memory_space<vmem>>, vector<16xi32>,
    tpu.vector_store %arg13[%swap3A_292, %swap3A_293], %broadcast_in_dim3A_3 {strides = array<i32>} : memref<16x128xi32, #tpu.memory_space<vmem>>, vector<16xi32>,
    %swap3A_295 = arith.constant 8 : i32
    %swap3A_296 = arith.index_cast %swap3A_295 : i32 to index
    %swap3A_297 = arith.constant 16 : index
    %swap3A_298 = tpu.vector_load %arg13[%swap3A_296, %swap3A_297] {strides = array<i32>} : memref<16x128xi32, #tpu.memory_space<vmem>>, vector<16xi32>,
    tpu.vector_store %arg13[%swap3A_296, %swap3A_297], %broadcast_in_dim3A_3 {strides = array<i32>} : memref<16x128xi32, #tpu.memory_space<vmem>>, vector<16xi32>,
    %swap3A_299 = arith.constant 8 : i32
    %swap3A_300 = arith.index_cast %swap3A_299 : i32 to index
    %swap3A_301 = arith.constant 32 : index
    %swap3A_302 = tpu.vector_load %arg13[%swap3A_300, %swap3A_301] {strides = array<i32>} : memref<16x128xi32, #tpu.memory_space<vmem>>, vector<16xi32>,
    tpu.vector_store %arg13[%swap3A_300, %swap3A_301], %broadcast_in_dim3A_3 {strides = array<i32>} : memref<16x128xi32, #tpu.memory_space<vmem>>, vector<16xi32>,
    %swap3A_303 = arith.constant 8 : i32
    %swap3A_304 = arith.index_cast %swap3A_303 : i32 to index
    %swap3A_305 = arith.constant 48 : index
    %swap3A_306 = tpu.vector_load %arg13[%swap3A_304, %swap3A_305] {strides = array<i32>} : memref<16x128xi32, #tpu.memory_space<vmem>>, vector<16xi32>,
    tpu.vector_store %arg13[%swap3A_304, %swap3A_305], %broadcast_in_dim3A_3 {strides = array<i32>} : memref<16x128xi32, #tpu.memory_space<vmem>>, vector<16xi32>,
    %swap3A_307 = arith.constant 8 : i32
    %swap3A_308 = arith.index_cast %swap3A_307 : i32 to index
    %swap3A_309 = arith.constant 64 : index
    %swap3A_310 = tpu.vector_load %arg13[%swap3A_308, %swap3A_309] {strides = array<i32>} : memref<16x128xi32, #tpu.memory_space<vmem>>, vector<16xi32>,
    tpu.vector_store %arg13[%swap3A_308, %swap3A_309], %broadcast_in_dim3A_3 {strides = array<i32>} : memref<16x128xi32, #tpu.memory_space<vmem>>, vector<16xi32>,
    %swap3A_311 = arith.constant 8 : i32
    %swap3A_312 = arith.index_cast %swap3A_311 : i32 to index
    %swap3A_313 = arith.constant 80 : index
    %swap3A_314 = tpu.vector_load %arg13[%swap3A_312, %swap3A_313] {strides = array<i32>} : memref<16x128xi32, #tpu.memory_space<vmem>>, vector<16xi32>,
    tpu.vector_store %arg13[%swap3A_312, %swap3A_313], %broadcast_in_dim3A_3 {strides = array<i32>} : memref<16x128xi32, #tpu.memory_space<vmem>>, vector<16xi32>,
    %swap3A_315 = arith.constant 8 : i32
    %swap3A_316 = arith.index_cast %swap3A_315 : i32 to index
    %swap3A_317 = arith.constant 96 : index
    %swap3A_318 = tpu.vector_load %arg13[%swap3A_316, %swap3A_317] {strides = array<i32>} : memref<16x128xi32, #tpu.memory_space<vmem>>, vector<16xi32>,
    tpu.vector_store %arg13[%swap3A_316, %swap3A_317], %broadcast_in_dim3A_3 {strides = array<i32>} : memref<16x128xi32, #tpu.memory_space<vmem>>, vector<16xi32>,
    %swap3A_319 = arith.constant 8 : i32
    %swap3A_320 = arith.index_cast %swap3A_319 : i32 to index
    %swap3A_321 = arith.constant 112 : index
    %swap3A_322 = tpu.vector_load %arg13[%swap3A_320, %swap3A_321] {strides = array<i32>} : memref<16x128xi32, #tpu.memory_space<vmem>>, vector<16xi32>,
    tpu.vector_store %arg13[%swap3A_320, %swap3A_321], %broadcast_in_dim3A_3 {strides = array<i32>} : memref<16x128xi32, #tpu.memory_space<vmem>>, vector<16xi32>,
    %swap3A_323 = arith.constant 8 : i32
    %swap3A_324 = arith.index_cast %swap3A_323 : i32 to index
    %swap3A_325 = arith.constant 0 : index
    %swap3A_326 = tpu.vector_load %arg14[%swap3A_324, %swap3A_325] {strides = array<i32>} : memref<16x16xi32, #tpu.memory_space<vmem>>, vector<16xi32>,
    tpu.vector_store %arg14[%swap3A_324, %swap3A_325], %broadcast_in_dim3A_3 {strides = array<i32>} : memref<16x16xi32, #tpu.memory_space<vmem>>, vector<16xi32>,
    %swap3A_327 = arith.constant 9 : i32
    %swap3A_328 = arith.index_cast %swap3A_327 : i32 to index
    %swap3A_329 = arith.constant 0 : index
    %swap3A_330 = tpu.vector_load %arg13[%swap3A_328, %swap3A_329] {strides = array<i32>} : memref<16x128xi32, #tpu.memory_space<vmem>>, vector<16xi32>,
    tpu.vector_store %arg13[%swap3A_328, %swap3A_329], %broadcast_in_dim3A_3 {strides = array<i32>} : memref<16x128xi32, #tpu.memory_space<vmem>>, vector<16xi32>,
    %swap3A_331 = arith.constant 9 : i32
    %swap3A_332 = arith.index_cast %swap3A_331 : i32 to index
    %swap3A_333 = arith.constant 16 : index
    %swap3A_334 = tpu.vector_load %arg13[%swap3A_332, %swap3A_333] {strides = array<i32>} : memref<16x128xi32, #tpu.memory_space<vmem>>, vector<16xi32>,
    tpu.vector_store %arg13[%swap3A_332, %swap3A_333], %broadcast_in_dim3A_3 {strides = array<i32>} : memref<16x128xi32, #tpu.memory_space<vmem>>, vector<16xi32>,
    %swap3A_335 = arith.constant 9 : i32
    %swap3A_336 = arith.index_cast %swap3A_335 : i32 to index
    %swap3A_337 = arith.constant 32 : index
    %swap3A_338 = tpu.vector_load %arg13[%swap3A_336, %swap3A_337] {strides = array<i32>} : memref<16x128xi32, #tpu.memory_space<vmem>>, vector<16xi32>,
    tpu.vector_store %arg13[%swap3A_336, %swap3A_337], %broadcast_in_dim3A_3 {strides = array<i32>} : memref<16x128xi32, #tpu.memory_space<vmem>>, vector<16xi32>,
    %swap3A_339 = arith.constant 9 : i32
    %swap3A_340 = arith.index_cast %swap3A_339 : i32 to index
    %swap3A_341 = arith.constant 48 : index
    %swap3A_342 = tpu.vector_load %arg13[%swap3A_340, %swap3A_341] {strides = array<i32>} : memref<16x128xi32, #tpu.memory_space<vmem>>, vector<16xi32>,
    tpu.vector_store %arg13[%swap3A_340, %swap3A_341], %broadcast_in_dim3A_3 {strides = array<i32>} : memref<16x128xi32, #tpu.memory_space<vmem>>, vector<16xi32>,
    %swap3A_343 = arith.constant 9 : i32
    %swap3A_344 = arith.index_cast %swap3A_343 : i32 to index
    %swap3A_345 = arith.constant 64 : index
    %swap3A_346 = tpu.vector_load %arg13[%swap3A_344, %swap3A_345] {strides = array<i32>} : memref<16x128xi32, #tpu.memory_space<vmem>>, vector<16xi32>,
    tpu.vector_store %arg13[%swap3A_344, %swap3A_345], %broadcast_in_dim3A_3 {strides = array<i32>} : memref<16x128xi32, #tpu.memory_space<vmem>>, vector<16xi32>,
    %swap3A_347 = arith.constant 9 : i32
    %swap3A_348 = arith.index_cast %swap3A_347 : i32 to index
    %swap3A_349 = arith.constant 80 : index
    %swap3A_350 = tpu.vector_load %arg13[%swap3A_348, %swap3A_349] {strides = array<i32>} : memref<16x128xi32, #tpu.memory_space<vmem>>, vector<16xi32>,
    tpu.vector_store %arg13[%swap3A_348, %swap3A_349], %broadcast_in_dim3A_3 {strides = array<i32>} : memref<16x128xi32, #tpu.memory_space<vmem>>, vector<16xi32>,
    %swap3A_351 = arith.constant 9 : i32
    %swap3A_352 = arith.index_cast %swap3A_351 : i32 to index
    %swap3A_353 = arith.constant 96 : index
    %swap3A_354 = tpu.vector_load %arg13[%swap3A_352, %swap3A_353] {strides = array<i32>} : memref<16x128xi32, #tpu.memory_space<vmem>>, vector<16xi32>,
    tpu.vector_store %arg13[%swap3A_352, %swap3A_353], %broadcast_in_dim3A_3 {strides = array<i32>} : memref<16x128xi32, #tpu.memory_space<vmem>>, vector<16xi32>,
    %swap3A_355 = arith.constant 9 : i32
    %swap3A_356 = arith.index_cast %swap3A_355 : i32 to index
    %swap3A_357 = arith.constant 112 : index
    %swap3A_358 = tpu.vector_load %arg13[%swap3A_356, %swap3A_357] {strides = array<i32>} : memref<16x128xi32, #tpu.memory_space<vmem>>, vector<16xi32>,
    tpu.vector_store %arg13[%swap3A_356, %swap3A_357], %broadcast_in_dim3A_3 {strides = array<i32>} : memref<16x128xi32, #tpu.memory_space<vmem>>, vector<16xi32>,
    %swap3A_359 = arith.constant 9 : i32
    %swap3A_360 = arith.index_cast %swap3A_359 : i32 to index
    %swap3A_361 = arith.constant 0 : index
    %swap3A_362 = tpu.vector_load %arg14[%swap3A_360, %swap3A_361] {strides = array<i32>} : memref<16x16xi32, #tpu.memory_space<vmem>>, vector<16xi32>,
    tpu.vector_store %arg14[%swap3A_360, %swap3A_361], %broadcast_in_dim3A_3 {strides = array<i32>} : memref<16x16xi32, #tpu.memory_space<vmem>>, vector<16xi32>,
    %swap3A_363 = arith.constant 10 : i32
    %swap3A_364 = arith.index_cast %swap3A_363 : i32 to index
    %swap3A_365 = arith.constant 0 : index
    %swap3A_366 = tpu.vector_load %arg13[%swap3A_364, %swap3A_365] {strides = array<i32>} : memref<16x128xi32, #tpu.memory_space<vmem>>, vector<16xi32>,
    tpu.vector_store %arg13[%swap3A_364, %swap3A_365], %broadcast_in_dim3A_3 {strides = array<i32>} : memref<16x128xi32, #tpu.memory_space<vmem>>, vector<16xi32>,
    %swap3A_367 = arith.constant 10 : i32
    %swap3A_368 = arith.index_cast %swap3A_367 : i32 to index
    %swap3A_369 = arith.constant 16 : index
    %swap3A_370 = tpu.vector_load %arg13[%swap3A_368, %swap3A_369] {strides = array<i32>} : memref<16x128xi32, #tpu.memory_space<vmem>>, vector<16xi32>,
    tpu.vector_store %arg13[%swap3A_368, %swap3A_369], %broadcast_in_dim3A_3 {strides = array<i32>} : memref<16x128xi32, #tpu.memory_space<vmem>>, vector<16xi32>,
    %swap3A_371 = arith.constant 10 : i32
    %swap3A_372 = arith.index_cast %swap3A_371 : i32 to index
    %swap3A_373 = arith.constant 32 : index
    %swap3A_374 = tpu.vector_load %arg13[%swap3A_372, %swap3A_373] {strides = array<i32>} : memref<16x128xi32, #tpu.memory_space<vmem>>, vector<16xi32>,
    tpu.vector_store %arg13[%swap3A_372, %swap3A_373], %broadcast_in_dim3A_3 {strides = array<i32>} : memref<16x128xi32, #tpu.memory_space<vmem>>, vector<16xi32>,
    %swap3A_375 = arith.constant 10 : i32
    %swap3A_376 = arith.index_cast %swap3A_375 : i32 to index
    %swap3A_377 = arith.constant 48 : index
    %swap3A_378 = tpu.vector_load %arg13[%swap3A_376, %swap3A_377] {strides = array<i32>} : memref<16x128xi32, #tpu.memory_space<vmem>>, vector<16xi32>,
    tpu.vector_store %arg13[%swap3A_376, %swap3A_377], %broadcast_in_dim3A_3 {strides = array<i32>} : memref<16x128xi32, #tpu.memory_space<vmem>>, vector<16xi32>,
    %swap3A_379 = arith.constant 10 : i32
    %swap3A_380 = arith.index_cast %swap3A_379 : i32 to index
    %swap3A_381 = arith.constant 64 : index
    %swap3A_382 = tpu.vector_load %arg13[%swap3A_380, %swap3A_381] {strides = array<i32>} : memref<16x128xi32, #tpu.memory_space<vmem>>, vector<16xi32>,
    tpu.vector_store %arg13[%swap3A_380, %swap3A_381], %broadcast_in_dim3A_3 {strides = array<i32>} : memref<16x128xi32, #tpu.memory_space<vmem>>, vector<16xi32>,
    %swap3A_383 = arith.constant 10 : i32
    %swap3A_384 = arith.index_cast %swap3A_383 : i32 to index
    %swap3A_385 = arith.constant 80 : index
    %swap3A_386 = tpu.vector_load %arg13[%swap3A_384, %swap3A_385] {strides = array<i32>} : memref<16x128xi32, #tpu.memory_space<vmem>>, vector<16xi32>,
    tpu.vector_store %arg13[%swap3A_384, %swap3A_385], %broadcast_in_dim3A_3 {strides = array<i32>} : memref<16x128xi32, #tpu.memory_space<vmem>>, vector<16xi32>,
    %swap3A_387 = arith.constant 10 : i32
    %swap3A_388 = arith.index_cast %swap3A_387 : i32 to index
    %swap3A_389 = arith.constant 96 : index
    %swap3A_390 = tpu.vector_load %arg13[%swap3A_388, %swap3A_389] {strides = array<i32>} : memref<16x128xi32, #tpu.memory_space<vmem>>, vector<16xi32>,
    tpu.vector_store %arg13[%swap3A_388, %swap3A_389], %broadcast_in_dim3A_3 {strides = array<i32>} : memref<16x128xi32, #tpu.memory_space<vmem>>, vector<16xi32>,
    %swap3A_391 = arith.constant 10 : i32
    %swap3A_392 = arith.index_cast %swap3A_391 : i32 to index
    %swap3A_393 = arith.constant 112 : index
    %swap3A_394 = tpu.vector_load %arg13[%swap3A_392, %swap3A_393] {strides = array<i32>} : memref<16x128xi32, #tpu.memory_space<vmem>>, vector<16xi32>,
    tpu.vector_store %arg13[%swap3A_392, %swap3A_393], %broadcast_in_dim3A_3 {strides = array<i32>} : memref<16x128xi32, #tpu.memory_space<vmem>>, vector<16xi32>,
    %swap3A_395 = arith.constant 10 : i32
    %swap3A_396 = arith.index_cast %swap3A_395 : i32 to index
    %swap3A_397 = arith.constant 0 : index
    %swap3A_398 = tpu.vector_load %arg14[%swap3A_396, %swap3A_397] {strides = array<i32>} : memref<16x16xi32, #tpu.memory_space<vmem>>, vector<16xi32>,
    tpu.vector_store %arg14[%swap3A_396, %swap3A_397], %broadcast_in_dim3A_3 {strides = array<i32>} : memref<16x16xi32, #tpu.memory_space<vmem>>, vector<16xi32>,
    %swap3A_399 = arith.constant 11 : i32
    %swap3A_400 = arith.index_cast %swap3A_399 : i32 to index
    %swap3A_401 = arith.constant 0 : index
    %swap3A_402 = tpu.vector_load %arg13[%swap3A_400, %swap3A_401] {strides = array<i32>} : memref<16x128xi32, #tpu.memory_space<vmem>>, vector<16xi32>,
    tpu.vector_store %arg13[%swap3A_400, %swap3A_401], %broadcast_in_dim3A_3 {strides = array<i32>} : memref<16x128xi32, #tpu.memory_space<vmem>>, vector<16xi32>,
    %swap3A_403 = arith.constant 11 : i32
    %swap3A_404 = arith.index_cast %swap3A_403 : i32 to index
    %swap3A_405 = arith.constant 16 : index
    %swap3A_406 = tpu.vector_load %arg13[%swap3A_404, %swap3A_405] {strides = array<i32>} : memref<16x128xi32, #tpu.memory_space<vmem>>, vector<16xi32>,
    tpu.vector_store %arg13[%swap3A_404, %swap3A_405], %broadcast_in_dim3A_3 {strides = array<i32>} : memref<16x128xi32, #tpu.memory_space<vmem>>, vector<16xi32>,
    %swap3A_407 = arith.constant 11 : i32
    %swap3A_408 = arith.index_cast %swap3A_407 : i32 to index
    %swap3A_409 = arith.constant 32 : index
    %swap3A_410 = tpu.vector_load %arg13[%swap3A_408, %swap3A_409] {strides = array<i32>} : memref<16x128xi32, #tpu.memory_space<vmem>>, vector<16xi32>,
    tpu.vector_store %arg13[%swap3A_408, %swap3A_409], %broadcast_in_dim3A_3 {strides = array<i32>} : memref<16x128xi32, #tpu.memory_space<vmem>>, vector<16xi32>,
    %swap3A_411 = arith.constant 11 : i32
    %swap3A_412 = arith.index_cast %swap3A_411 : i32 to index
    %swap3A_413 = arith.constant 48 : index
    %swap3A_414 = tpu.vector_load %arg13[%swap3A_412, %swap3A_413] {strides = array<i32>} : memref<16x128xi32, #tpu.memory_space<vmem>>, vector<16xi32>,
    tpu.vector_store %arg13[%swap3A_412, %swap3A_413], %broadcast_in_dim3A_3 {strides = array<i32>} : memref<16x128xi32, #tpu.memory_space<vmem>>, vector<16xi32>,
    %swap3A_415 = arith.constant 11 : i32
    %swap3A_416 = arith.index_cast %swap3A_415 : i32 to index
    %swap3A_417 = arith.constant 64 : index
    %swap3A_418 = tpu.vector_load %arg13[%swap3A_416, %swap3A_417] {strides = array<i32>} : memref<16x128xi32, #tpu.memory_space<vmem>>, vector<16xi32>,
    tpu.vector_store %arg13[%swap3A_416, %swap3A_417], %broadcast_in_dim3A_3 {strides = array<i32>} : memref<16x128xi32, #tpu.memory_space<vmem>>, vector<16xi32>,
    %swap3A_419 = arith.constant 11 : i32
    %swap3A_420 = arith.index_cast %swap3A_419 : i32 to index
    %swap3A_421 = arith.constant 80 : index
    %swap3A_422 = tpu.vector_load %arg13[%swap3A_420, %swap3A_421] {strides = array<i32>} : memref<16x128xi32, #tpu.memory_space<vmem>>, vector<16xi32>,
    tpu.vector_store %arg13[%swap3A_420, %swap3A_421], %broadcast_in_dim3A_3 {strides = array<i32>} : memref<16x128xi32, #tpu.memory_space<vmem>>, vector<16xi32>,
    %swap3A_423 = arith.constant 11 : i32
    %swap3A_424 = arith.index_cast %swap3A_423 : i32 to index
    %swap3A_425 = arith.constant 96 : index
    %swap3A_426 = tpu.vector_load %arg13[%swap3A_424, %swap3A_425] {strides = array<i32>} : memref<16x128xi32, #tpu.memory_space<vmem>>, vector<16xi32>,
    tpu.vector_store %arg13[%swap3A_424, %swap3A_425], %broadcast_in_dim3A_3 {strides = array<i32>} : memref<16x128xi32, #tpu.memory_space<vmem>>, vector<16xi32>,
    %swap3A_427 = arith.constant 11 : i32
    %swap3A_428 = arith.index_cast %swap3A_427 : i32 to index
    %swap3A_429 = arith.constant 112 : index
    %swap3A_430 = tpu.vector_load %arg13[%swap3A_428, %swap3A_429] {strides = array<i32>} : memref<16x128xi32, #tpu.memory_space<vmem>>, vector<16xi32>,
    tpu.vector_store %arg13[%swap3A_428, %swap3A_429], %broadcast_in_dim3A_3 {strides = array<i32>} : memref<16x128xi32, #tpu.memory_space<vmem>>, vector<16xi32>,
    %swap3A_431 = arith.constant 11 : i32
    %swap3A_432 = arith.index_cast %swap3A_431 : i32 to index
    %swap3A_433 = arith.constant 0 : index
    %swap3A_434 = tpu.vector_load %arg14[%swap3A_432, %swap3A_433] {strides = array<i32>} : memref<16x16xi32, #tpu.memory_space<vmem>>, vector<16xi32>,
    tpu.vector_store %arg14[%swap3A_432, %swap3A_433], %broadcast_in_dim3A_3 {strides = array<i32>} : memref<16x16xi32, #tpu.memory_space<vmem>>, vector<16xi32>,
    %swap3A_435 = arith.constant 12 : i32
    %swap3A_436 = arith.index_cast %swap3A_435 : i32 to index
    %swap3A_437 = arith.constant 0 : index
    %swap3A_438 = tpu.vector_load %arg13[%swap3A_436, %swap3A_437] {strides = array<i32>} : memref<16x128xi32, #tpu.memory_space<vmem>>, vector<16xi32>,
    tpu.vector_store %arg13[%swap3A_436, %swap3A_437], %broadcast_in_dim3A_3 {strides = array<i32>} : memref<16x128xi32, #tpu.memory_space<vmem>>, vector<16xi32>,
    %swap3A_439 = arith.constant 12 : i32
    %swap3A_440 = arith.index_cast %swap3A_439 : i32 to index
    %swap3A_441 = arith.constant 16 : index
    %swap3A_442 = tpu.vector_load %arg13[%swap3A_440, %swap3A_441] {strides = array<i32>} : memref<16x128xi32, #tpu.memory_space<vmem>>, vector<16xi32>,
    tpu.vector_store %arg13[%swap3A_440, %swap3A_441], %broadcast_in_dim3A_3 {strides = array<i32>} : memref<16x128xi32, #tpu.memory_space<vmem>>, vector<16xi32>,
    %swap3A_443 = arith.constant 12 : i32
    %swap3A_444 = arith.index_cast %swap3A_443 : i32 to index
    %swap3A_445 = arith.constant 32 : index
    %swap3A_446 = tpu.vector_load %arg13[%swap3A_444, %swap3A_445] {strides = array<i32>} : memref<16x128xi32, #tpu.memory_space<vmem>>, vector<16xi32>,
    tpu.vector_store %arg13[%swap3A_444, %swap3A_445], %broadcast_in_dim3A_3 {strides = array<i32>} : memref<16x128xi32, #tpu.memory_space<vmem>>, vector<16xi32>,
    %swap3A_447 = arith.constant 12 : i32
    %swap3A_448 = arith.index_cast %swap3A_447 : i32 to index
    %swap3A_449 = arith.constant 48 : index
    %swap3A_450 = tpu.vector_load %arg13[%swap3A_448, %swap3A_449] {strides = array<i32>} : memref<16x128xi32, #tpu.memory_space<vmem>>, vector<16xi32>,
    tpu.vector_store %arg13[%swap3A_448, %swap3A_449], %broadcast_in_dim3A_3 {strides = array<i32>} : memref<16x128xi32, #tpu.memory_space<vmem>>, vector<16xi32>,
    %swap3A_451 = arith.constant 12 : i32
    %swap3A_452 = arith.index_cast %swap3A_451 : i32 to index
    %swap3A_453 = arith.constant 64 : index
    %swap3A_454 = tpu.vector_load %arg13[%swap3A_452, %swap3A_453] {strides = array<i32>} : memref<16x128xi32, #tpu.memory_space<vmem>>, vector<16xi32>,
    tpu.vector_store %arg13[%swap3A_452, %swap3A_453], %broadcast_in_dim3A_3 {strides = array<i32>} : memref<16x128xi32, #tpu.memory_space<vmem>>, vector<16xi32>,
    %swap3A_455 = arith.constant 12 : i32
    %swap3A_456 = arith.index_cast %swap3A_455 : i32 to index
    %swap3A_457 = arith.constant 80 : index
    %swap3A_458 = tpu.vector_load %arg13[%swap3A_456, %swap3A_457] {strides = array<i32>} : memref<16x128xi32, #tpu.memory_space<vmem>>, vector<16xi32>,
    tpu.vector_store %arg13[%swap3A_456, %swap3A_457], %broadcast_in_dim3A_3 {strides = array<i32>} : memref<16x128xi32, #tpu.memory_space<vmem>>, vector<16xi32>,
    %swap3A_459 = arith.constant 12 : i32
    %swap3A_460 = arith.index_cast %swap3A_459 : i32 to index
    %swap3A_461 = arith.constant 96 : index
    %swap3A_462 = tpu.vector_load %arg13[%swap3A_460, %swap3A_461] {strides = array<i32>} : memref<16x128xi32, #tpu.memory_space<vmem>>, vector<16xi32>,
    tpu.vector_store %arg13[%swap3A_460, %swap3A_461], %broadcast_in_dim3A_3 {strides = array<i32>} : memref<16x128xi32, #tpu.memory_space<vmem>>, vector<16xi32>,
    %swap3A_463 = arith.constant 12 : i32
    %swap3A_464 = arith.index_cast %swap3A_463 : i32 to index
    %swap3A_465 = arith.constant 112 : index
    %swap3A_466 = tpu.vector_load %arg13[%swap3A_464, %swap3A_465] {strides = array<i32>} : memref<16x128xi32, #tpu.memory_space<vmem>>, vector<16xi32>,
    tpu.vector_store %arg13[%swap3A_464, %swap3A_465], %broadcast_in_dim3A_3 {strides = array<i32>} : memref<16x128xi32, #tpu.memory_space<vmem>>, vector<16xi32>,
    %swap3A_467 = arith.constant 12 : i32
    %swap3A_468 = arith.index_cast %swap3A_467 : i32 to index
    %swap3A_469 = arith.constant 0 : index
    %swap3A_470 = tpu.vector_load %arg14[%swap3A_468, %swap3A_469] {strides = array<i32>} : memref<16x16xi32, #tpu.memory_space<vmem>>, vector<16xi32>,
    tpu.vector_store %arg14[%swap3A_468, %swap3A_469], %broadcast_in_dim3A_3 {strides = array<i32>} : memref<16x16xi32, #tpu.memory_space<vmem>>, vector<16xi32>,
    %swap3A_471 = arith.constant 13 : i32
    %swap3A_472 = arith.index_cast %swap3A_471 : i32 to index
    %swap3A_473 = arith.constant 0 : index
    %swap3A_474 = tpu.vector_load %arg13[%swap3A_472, %swap3A_473] {strides = array<i32>} : memref<16x128xi32, #tpu.memory_space<vmem>>, vector<16xi32>,
    tpu.vector_store %arg13[%swap3A_472, %swap3A_473], %broadcast_in_dim3A_3 {strides = array<i32>} : memref<16x128xi32, #tpu.memory_space<vmem>>, vector<16xi32>,
    %swap3A_475 = arith.constant 13 : i32
    %swap3A_476 = arith.index_cast %swap3A_475 : i32 to index
    %swap3A_477 = arith.constant 16 : index
    %swap3A_478 = tpu.vector_load %arg13[%swap3A_476, %swap3A_477] {strides = array<i32>} : memref<16x128xi32, #tpu.memory_space<vmem>>, vector<16xi32>,
    tpu.vector_store %arg13[%swap3A_476, %swap3A_477], %broadcast_in_dim3A_3 {strides = array<i32>} : memref<16x128xi32, #tpu.memory_space<vmem>>, vector<16xi32>,
    %swap3A_479 = arith.constant 13 : i32
    %swap3A_480 = arith.index_cast %swap3A_479 : i32 to index
    %swap3A_481 = arith.constant 32 : index
    %swap3A_482 = tpu.vector_load %arg13[%swap3A_480, %swap3A_481] {strides = array<i32>} : memref<16x128xi32, #tpu.memory_space<vmem>>, vector<16xi32>,
    tpu.vector_store %arg13[%swap3A_480, %swap3A_481], %broadcast_in_dim3A_3 {strides = array<i32>} : memref<16x128xi32, #tpu.memory_space<vmem>>, vector<16xi32>,
    %swap3A_483 = arith.constant 13 : i32
    %swap3A_484 = arith.index_cast %swap3A_483 : i32 to index
    %swap3A_485 = arith.constant 48 : index
    %swap3A_486 = tpu.vector_load %arg13[%swap3A_484, %swap3A_485] {strides = array<i32>} : memref<16x128xi32, #tpu.memory_space<vmem>>, vector<16xi32>,
    tpu.vector_store %arg13[%swap3A_484, %swap3A_485], %broadcast_in_dim3A_3 {strides = array<i32>} : memref<16x128xi32, #tpu.memory_space<vmem>>, vector<16xi32>,
    %swap3A_487 = arith.constant 13 : i32
    %swap3A_488 = arith.index_cast %swap3A_487 : i32 to index
    %swap3A_489 = arith.constant 64 : index
    %swap3A_490 = tpu.vector_load %arg13[%swap3A_488, %swap3A_489] {strides = array<i32>} : memref<16x128xi32, #tpu.memory_space<vmem>>, vector<16xi32>,
    tpu.vector_store %arg13[%swap3A_488, %swap3A_489], %broadcast_in_dim3A_3 {strides = array<i32>} : memref<16x128xi32, #tpu.memory_space<vmem>>, vector<16xi32>,
    %swap3A_491 = arith.constant 13 : i32
    %swap3A_492 = arith.index_cast %swap3A_491 : i32 to index
    %swap3A_493 = arith.constant 80 : index
    %swap3A_494 = tpu.vector_load %arg13[%swap3A_492, %swap3A_493] {strides = array<i32>} : memref<16x128xi32, #tpu.memory_space<vmem>>, vector<16xi32>,
    tpu.vector_store %arg13[%swap3A_492, %swap3A_493], %broadcast_in_dim3A_3 {strides = array<i32>} : memref<16x128xi32, #tpu.memory_space<vmem>>, vector<16xi32>,
    %swap3A_495 = arith.constant 13 : i32
    %swap3A_496 = arith.index_cast %swap3A_495 : i32 to index
    %swap3A_497 = arith.constant 96 : index
    %swap3A_498 = tpu.vector_load %arg13[%swap3A_496, %swap3A_497] {strides = array<i32>} : memref<16x128xi32, #tpu.memory_space<vmem>>, vector<16xi32>,
    tpu.vector_store %arg13[%swap3A_496, %swap3A_497], %broadcast_in_dim3A_3 {strides = array<i32>} : memref<16x128xi32, #tpu.memory_space<vmem>>, vector<16xi32>,
    %swap3A_499 = arith.constant 13 : i32
    %swap3A_500 = arith.index_cast %swap3A_499 : i32 to index
    %swap3A_501 = arith.constant 112 : index
    %swap3A_502 = tpu.vector_load %arg13[%swap3A_500, %swap3A_501] {strides = array<i32>} : memref<16x128xi32, #tpu.memory_space<vmem>>, vector<16xi32>,
    tpu.vector_store %arg13[%swap3A_500, %swap3A_501], %broadcast_in_dim3A_3 {strides = array<i32>} : memref<16x128xi32, #tpu.memory_space<vmem>>, vector<16xi32>,
    %swap3A_503 = arith.constant 13 : i32
    %swap3A_504 = arith.index_cast %swap3A_503 : i32 to index
    %swap3A_505 = arith.constant 0 : index
    %swap3A_506 = tpu.vector_load %arg14[%swap3A_504, %swap3A_505] {strides = array<i32>} : memref<16x16xi32, #tpu.memory_space<vmem>>, vector<16xi32>,
    tpu.vector_store %arg14[%swap3A_504, %swap3A_505], %broadcast_in_dim3A_3 {strides = array<i32>} : memref<16x16xi32, #tpu.memory_space<vmem>>, vector<16xi32>,
    %swap3A_507 = arith.constant 14 : i32
    %swap3A_508 = arith.index_cast %swap3A_507 : i32 to index
    %swap3A_509 = arith.constant 0 : index
    %swap3A_510 = tpu.vector_load %arg13[%swap3A_508, %swap3A_509] {strides = array<i32>} : memref<16x128xi32, #tpu.memory_space<vmem>>, vector<16xi32>,
    tpu.vector_store %arg13[%swap3A_508, %swap3A_509], %broadcast_in_dim3A_3 {strides = array<i32>} : memref<16x128xi32, #tpu.memory_space<vmem>>, vector<16xi32>,
    %swap3A_511 = arith.constant 14 : i32
    %swap3A_512 = arith.index_cast %swap3A_511 : i32 to index
    %swap3A_513 = arith.constant 16 : index
    %swap3A_514 = tpu.vector_load %arg13[%swap3A_512, %swap3A_513] {strides = array<i32>} : memref<16x128xi32, #tpu.memory_space<vmem>>, vector<16xi32>,
    tpu.vector_store %arg13[%swap3A_512, %swap3A_513], %broadcast_in_dim3A_3 {strides = array<i32>} : memref<16x128xi32, #tpu.memory_space<vmem>>, vector<16xi32>,
    %swap3A_515 = arith.constant 14 : i32
    %swap3A_516 = arith.index_cast %swap3A_515 : i32 to index
    %swap3A_517 = arith.constant 32 : index
    %swap3A_518 = tpu.vector_load %arg13[%swap3A_516, %swap3A_517] {strides = array<i32>} : memref<16x128xi32, #tpu.memory_space<vmem>>, vector<16xi32>,
    tpu.vector_store %arg13[%swap3A_516, %swap3A_517], %broadcast_in_dim3A_3 {strides = array<i32>} : memref<16x128xi32, #tpu.memory_space<vmem>>, vector<16xi32>,
    %swap3A_519 = arith.constant 14 : i32
    %swap3A_520 = arith.index_cast %swap3A_519 : i32 to index
    %swap3A_521 = arith.constant 48 : index
    %swap3A_522 = tpu.vector_load %arg13[%swap3A_520, %swap3A_521] {strides = array<i32>} : memref<16x128xi32, #tpu.memory_space<vmem>>, vector<16xi32>,
    tpu.vector_store %arg13[%swap3A_520, %swap3A_521], %broadcast_in_dim3A_3 {strides = array<i32>} : memref<16x128xi32, #tpu.memory_space<vmem>>, vector<16xi32>,
    %swap3A_523 = arith.constant 14 : i32
    %swap3A_524 = arith.index_cast %swap3A_523 : i32 to index
    %swap3A_525 = arith.constant 64 : index
    %swap3A_526 = tpu.vector_load %arg13[%swap3A_524, %swap3A_525] {strides = array<i32>} : memref<16x128xi32, #tpu.memory_space<vmem>>, vector<16xi32>,
    tpu.vector_store %arg13[%swap3A_524, %swap3A_525], %broadcast_in_dim3A_3 {strides = array<i32>} : memref<16x128xi32, #tpu.memory_space<vmem>>, vector<16xi32>,
    %swap3A_527 = arith.constant 14 : i32
    %swap3A_528 = arith.index_cast %swap3A_527 : i32 to index
    %swap3A_529 = arith.constant 80 : index
    %swap3A_530 = tpu.vector_load %arg13[%swap3A_528, %swap3A_529] {strides = array<i32>} : memref<16x128xi32, #tpu.memory_space<vmem>>, vector<16xi32>,
    tpu.vector_store %arg13[%swap3A_528, %swap3A_529], %broadcast_in_dim3A_3 {strides = array<i32>} : memref<16x128xi32, #tpu.memory_space<vmem>>, vector<16xi32>,
    %swap3A_531 = arith.constant 14 : i32
    %swap3A_532 = arith.index_cast %swap3A_531 : i32 to index
    %swap3A_533 = arith.constant 96 : index
    %swap3A_534 = tpu.vector_load %arg13[%swap3A_532, %swap3A_533] {strides = array<i32>} : memref<16x128xi32, #tpu.memory_space<vmem>>, vector<16xi32>,
    tpu.vector_store %arg13[%swap3A_532, %swap3A_533], %broadcast_in_dim3A_3 {strides = array<i32>} : memref<16x128xi32, #tpu.memory_space<vmem>>, vector<16xi32>,
    %swap3A_535 = arith.constant 14 : i32
    %swap3A_536 = arith.index_cast %swap3A_535 : i32 to index
    %swap3A_537 = arith.constant 112 : index
    %swap3A_538 = tpu.vector_load %arg13[%swap3A_536, %swap3A_537] {strides = array<i32>} : memref<16x128xi32, #tpu.memory_space<vmem>>, vector<16xi32>,
    tpu.vector_store %arg13[%swap3A_536, %swap3A_537], %broadcast_in_dim3A_3 {strides = array<i32>} : memref<16x128xi32, #tpu.memory_space<vmem>>, vector<16xi32>,
    %swap3A_539 = arith.constant 14 : i32
    %swap3A_540 = arith.index_cast %swap3A_539 : i32 to index
    %swap3A_541 = arith.constant 0 : index
    %swap3A_542 = tpu.vector_load %arg14[%swap3A_540, %swap3A_541] {strides = array<i32>} : memref<16x16xi32, #tpu.memory_space<vmem>>, vector<16xi32>,
    tpu.vector_store %arg14[%swap3A_540, %swap3A_541], %broadcast_in_dim3A_3 {strides = array<i32>} : memref<16x16xi32, #tpu.memory_space<vmem>>, vector<16xi32>,
    %swap3A_543 = arith.constant 15 : i32
    %swap3A_544 = arith.index_cast %swap3A_543 : i32 to index
    %swap3A_545 = arith.constant 0 : index
    %swap3A_546 = tpu.vector_load %arg13[%swap3A_544, %swap3A_545] {strides = array<i32>} : memref<16x128xi32, #tpu.memory_space<vmem>>, vector<16xi32>,
    tpu.vector_store %arg13[%swap3A_544, %swap3A_545], %broadcast_in_dim3A_3 {strides = array<i32>} : memref<16x128xi32, #tpu.memory_space<vmem>>, vector<16xi32>,
    %swap3A_547 = arith.constant 15 : i32
    %swap3A_548 = arith.index_cast %swap3A_547 : i32 to index
    %swap3A_549 = arith.constant 16 : index
    %swap3A_550 = tpu.vector_load %arg13[%swap3A_548, %swap3A_549] {strides = array<i32>} : memref<16x128xi32, #tpu.memory_space<vmem>>, vector<16xi32>,
    tpu.vector_store %arg13[%swap3A_548, %swap3A_549], %broadcast_in_dim3A_3 {strides = array<i32>} : memref<16x128xi32, #tpu.memory_space<vmem>>, vector<16xi32>,
    %swap3A_551 = arith.constant 15 : i32
    %swap3A_552 = arith.index_cast %swap3A_551 : i32 to index
    %swap3A_553 = arith.constant 32 : index
    %swap3A_554 = tpu.vector_load %arg13[%swap3A_552, %swap3A_553] {strides = array<i32>} : memref<16x128xi32, #tpu.memory_space<vmem>>, vector<16xi32>,
    tpu.vector_store %arg13[%swap3A_552, %swap3A_553], %broadcast_in_dim3A_3 {strides = array<i32>} : memref<16x128xi32, #tpu.memory_space<vmem>>, vector<16xi32>,
    %swap3A_555 = arith.constant 15 : i32
    %swap3A_556 = arith.index_cast %swap3A_555 : i32 to index
    %swap3A_557 = arith.constant 48 : index
    %swap3A_558 = tpu.vector_load %arg13[%swap3A_556, %swap3A_557] {strides = array<i32>} : memref<16x128xi32, #tpu.memory_space<vmem>>, vector<16xi32>,
    tpu.vector_store %arg13[%swap3A_556, %swap3A_557], %broadcast_in_dim3A_3 {strides = array<i32>} : memref<16x128xi32, #tpu.memory_space<vmem>>, vector<16xi32>,
    %swap3A_559 = arith.constant 15 : i32
    %swap3A_560 = arith.index_cast %swap3A_559 : i32 to index
    %swap3A_561 = arith.constant 64 : index
    %swap3A_562 = tpu.vector_load %arg13[%swap3A_560, %swap3A_561] {strides = array<i32>} : memref<16x128xi32, #tpu.memory_space<vmem>>, vector<16xi32>,
    tpu.vector_store %arg13[%swap3A_560, %swap3A_561], %broadcast_in_dim3A_3 {strides = array<i32>} : memref<16x128xi32, #tpu.memory_space<vmem>>, vector<16xi32>,
    %swap3A_563 = arith.constant 15 : i32
    %swap3A_564 = arith.index_cast %swap3A_563 : i32 to index
    %swap3A_565 = arith.constant 80 : index
    %swap3A_566 = tpu.vector_load %arg13[%swap3A_564, %swap3A_565] {strides = array<i32>} : memref<16x128xi32, #tpu.memory_space<vmem>>, vector<16xi32>,
    tpu.vector_store %arg13[%swap3A_564, %swap3A_565], %broadcast_in_dim3A_3 {strides = array<i32>} : memref<16x128xi32, #tpu.memory_space<vmem>>, vector<16xi32>,
    %swap3A_567 = arith.constant 15 : i32
    %swap3A_568 = arith.index_cast %swap3A_567 : i32 to index
    %swap3A_569 = arith.constant 96 : index
    %swap3A_570 = tpu.vector_load %arg13[%swap3A_568, %swap3A_569] {strides = array<i32>} : memref<16x128xi32, #tpu.memory_space<vmem>>, vector<16xi32>,
    tpu.vector_store %arg13[%swap3A_568, %swap3A_569], %broadcast_in_dim3A_3 {strides = array<i32>} : memref<16x128xi32, #tpu.memory_space<vmem>>, vector<16xi32>,
    %swap3A_571 = arith.constant 15 : i32
    %swap3A_572 = arith.index_cast %swap3A_571 : i32 to index
    %swap3A_573 = arith.constant 112 : index
    %swap3A_574 = tpu.vector_load %arg13[%swap3A_572, %swap3A_573] {strides = array<i32>} : memref<16x128xi32, #tpu.memory_space<vmem>>, vector<16xi32>,
    tpu.vector_store %arg13[%swap3A_572, %swap3A_573], %broadcast_in_dim3A_3 {strides = array<i32>} : memref<16x128xi32, #tpu.memory_space<vmem>>, vector<16xi32>,
    %swap3A_575 = arith.constant 15 : i32
    %swap3A_576 = arith.index_cast %swap3A_575 : i32 to index
    %swap3A_577 = arith.constant 0 : index
    %swap3A_578 = tpu.vector_load %arg14[%swap3A_576, %swap3A_577] {strides = array<i32>} : memref<16x16xi32, #tpu.memory_space<vmem>>, vector<16xi32>,
    tpu.vector_store %arg14[%swap3A_576, %swap3A_577], %broadcast_in_dim3A_3 {strides = array<i32>} : memref<16x16xi32, #tpu.memory_space<vmem>>, vector<16xi32>,
    %swap3A_579 = arith.constant 0 : index
    %swap3A_580 = tpu.vector_load %arg17[%swap3A_579] {strides = array<i32>} : memref<16xi32, #tpu.memory_space<vmem>>, vector<16xi32>,
    tpu.vector_store %arg17[%swap3A_579], %iota3A {strides = array<i32>} : memref<16xi32, #tpu.memory_space<vmem>>, vector<16xi32>,
    %scan3A = arith.constant 0 : i32
    %scan3A_581 = arith.constant 0 : i32
    %scan3A_582 = arith.constant 4 : i32
    %scan3A_583 = arith.addi %scan3A_581, %scan3A_582 : i32
    %scan3A_584 = arith.constant 1 : i32
    %scan3A_585 = scf.for %scan3A_587 = %scan3A_581 to %scan3A_583 step %scan3A_584 iter_args(%scan3A_588 = %scan3A) -> (i32)  : i32 {
      %mul3A_589 = arith.constant 2 : i32
      %mul3A_590 = arith.muli %mul3A_589, %scan3A_587 : i32
      %add3A = arith.addi %mul3A_590, %arg0 : i32
      "tpu.region"() ({
        %run_scoped3A = tpu.sem_alloc : memref<!tpu.dma_semaphore, #tpu.memory_space<semaphore_mem>>
        %dma_start3A = tpu.memref_slice %arg2[%add3A, %mul3A_0] : memref<8x262144xi32, #tpu.memory_space<hbm>> -> memref<1x16384xi32, #tpu.memory_space<hbm>>
        %dma_start3A_2505 = tpu.memref_squeeze %dma_start3A : memref<1x16384xi32, #tpu.memory_space<hbm>> -> memref<16384xi32, #tpu.memory_space<hbm>>
        %dma_start3A_2506 = tpu.memref_slice %arg2[%add3A, %mul3A_0] : memref<8x262144xi32, #tpu.memory_space<hbm>> -> memref<1x16384xi32, #tpu.memory_space<hbm>>
        %dma_start3A_2507 = tpu.memref_squeeze %dma_start3A_2506 : memref<1x16384xi32, #tpu.memory_space<hbm>> -> memref<16384xi32, #tpu.memory_space<hbm>>
        tpu.enqueue_dma source(%dma_start3A_2507 : memref<16384xi32, #tpu.memory_space<hbm>>) target(%arg6 : memref<16384xi32, #tpu.memory_space<vmem>>) target_semaphore(%run_scoped3A : memref<!tpu.dma_semaphore, #tpu.memory_space<semaphore_mem>>)
        %dma_wait3A = tpu.memref_slice %arg2[%add3A, %mul3A_0] : memref<8x262144xi32, #tpu.memory_space<hbm>> -> memref<1x16384xi32, #tpu.memory_space<hbm>>
        %dma_wait3A_2508 = tpu.memref_squeeze %dma_wait3A : memref<1x16384xi32, #tpu.memory_space<hbm>> -> memref<16384xi32, #tpu.memory_space<hbm>>
        %dma_wait3A_2509 = tpu.memref_slice %arg2[%add3A, %mul3A_0] : memref<8x262144xi32, #tpu.memory_space<hbm>> -> memref<1x16384xi32, #tpu.memory_space<hbm>>
        %dma_wait3A_2510 = tpu.memref_squeeze %dma_wait3A_2509 : memref<1x16384xi32, #tpu.memory_space<hbm>> -> memref<16384xi32, #tpu.memory_space<hbm>>
        tpu.wait_dma2 semaphore(%run_scoped3A : memref<!tpu.dma_semaphore, #tpu.memory_space<semaphore_mem>>) src(%dma_wait3A_2510 : memref<16384xi32, #tpu.memory_space<hbm>>) dst(%arg6 : memref<16384xi32, #tpu.memory_space<vmem>>)
        tpu.yield
      }) : () -> ()
      "tpu.region"() ({
        %run_scoped3A = tpu.sem_alloc : memref<!tpu.dma_semaphore, #tpu.memory_space<semaphore_mem>>
        %dma_start3A = tpu.memref_slice %arg3[%add3A, %mul3A_0] : memref<8x262144xf32, #tpu.memory_space<hbm>> -> memref<1x16384xf32, #tpu.memory_space<hbm>>
        %dma_start3A_2505 = tpu.memref_squeeze %dma_start3A : memref<1x16384xf32, #tpu.memory_space<hbm>> -> memref<16384xf32, #tpu.memory_space<hbm>>
        %dma_start3A_2506 = tpu.memref_slice %arg3[%add3A, %mul3A_0] : memref<8x262144xf32, #tpu.memory_space<hbm>> -> memref<1x16384xf32, #tpu.memory_space<hbm>>
        %dma_start3A_2507 = tpu.memref_squeeze %dma_start3A_2506 : memref<1x16384xf32, #tpu.memory_space<hbm>> -> memref<16384xf32, #tpu.memory_space<hbm>>
        tpu.enqueue_dma source(%dma_start3A_2507 : memref<16384xf32, #tpu.memory_space<hbm>>) target(%arg7 : memref<16384xf32, #tpu.memory_space<vmem>>) target_semaphore(%run_scoped3A : memref<!tpu.dma_semaphore, #tpu.memory_space<semaphore_mem>>)
        %dma_wait3A = tpu.memref_slice %arg3[%add3A, %mul3A_0] : memref<8x262144xf32, #tpu.memory_space<hbm>> -> memref<1x16384xf32, #tpu.memory_space<hbm>>
        %dma_wait3A_2508 = tpu.memref_squeeze %dma_wait3A : memref<1x16384xf32, #tpu.memory_space<hbm>> -> memref<16384xf32, #tpu.memory_space<hbm>>
        %dma_wait3A_2509 = tpu.memref_slice %arg3[%add3A, %mul3A_0] : memref<8x262144xf32, #tpu.memory_space<hbm>> -> memref<1x16384xf32, #tpu.memory_space<hbm>>
        %dma_wait3A_2510 = tpu.memref_squeeze %dma_wait3A_2509 : memref<1x16384xf32, #tpu.memory_space<hbm>> -> memref<16384xf32, #tpu.memory_space<hbm>>
        tpu.wait_dma2 semaphore(%run_scoped3A : memref<!tpu.dma_semaphore, #tpu.memory_space<semaphore_mem>>) src(%dma_wait3A_2510 : memref<16384xf32, #tpu.memory_space<hbm>>) dst(%arg7 : memref<16384xf32, #tpu.memory_space<vmem>>)
        tpu.yield
      }) : () -> ()
      "tpu.region"() ({
        %run_scoped3A = tpu.sem_alloc : memref<!tpu.dma_semaphore, #tpu.memory_space<semaphore_mem>>
        %dma_start3A = tpu.memref_slice %arg4[%add3A, %mul3A_0] : memref<8x262144xf32, #tpu.memory_space<hbm>> -> memref<1x16384xf32, #tpu.memory_space<hbm>>
        %dma_start3A_2505 = tpu.memref_squeeze %dma_start3A : memref<1x16384xf32, #tpu.memory_space<hbm>> -> memref<16384xf32, #tpu.memory_space<hbm>>
        %dma_start3A_2506 = tpu.memref_slice %arg4[%add3A, %mul3A_0] : memref<8x262144xf32, #tpu.memory_space<hbm>> -> memref<1x16384xf32, #tpu.memory_space<hbm>>
        %dma_start3A_2507 = tpu.memref_squeeze %dma_start3A_2506 : memref<1x16384xf32, #tpu.memory_space<hbm>> -> memref<16384xf32, #tpu.memory_space<hbm>>
        tpu.enqueue_dma source(%dma_start3A_2507 : memref<16384xf32, #tpu.memory_space<hbm>>) target(%arg8 : memref<16384xf32, #tpu.memory_space<vmem>>) target_semaphore(%run_scoped3A : memref<!tpu.dma_semaphore, #tpu.memory_space<semaphore_mem>>)
        %dma_wait3A = tpu.memref_slice %arg4[%add3A, %mul3A_0] : memref<8x262144xf32, #tpu.memory_space<hbm>> -> memref<1x16384xf32, #tpu.memory_space<hbm>>
        %dma_wait3A_2508 = tpu.memref_squeeze %dma_wait3A : memref<1x16384xf32, #tpu.memory_space<hbm>> -> memref<16384xf32, #tpu.memory_space<hbm>>
        %dma_wait3A_2509 = tpu.memref_slice %arg4[%add3A, %mul3A_0] : memref<8x262144xf32, #tpu.memory_space<hbm>> -> memref<1x16384xf32, #tpu.memory_space<hbm>>
        %dma_wait3A_2510 = tpu.memref_squeeze %dma_wait3A_2509 : memref<1x16384xf32, #tpu.memory_space<hbm>> -> memref<16384xf32, #tpu.memory_space<hbm>>
        tpu.wait_dma2 semaphore(%run_scoped3A : memref<!tpu.dma_semaphore, #tpu.memory_space<semaphore_mem>>) src(%dma_wait3A_2510 : memref<16384xf32, #tpu.memory_space<hbm>>) dst(%arg8 : memref<16384xf32, #tpu.memory_space<vmem>>)
        tpu.yield
      }) : () -> ()
      %swap3A_591 = arith.constant 0 : index
      %swap3A_592 = tpu.vector_load %arg9[%swap3A_591] {strides = array<i32>} : memref<2048xi32, #tpu.memory_space<vmem>>, vector<16xi32>,
      tpu.vector_store %arg9[%swap3A_591], %broadcast_in_dim3A_3 {strides = array<i32>} : memref<2048xi32, #tpu.memory_space<vmem>>, vector<16xi32>,
      %swap3A_593 = arith.constant 16 : index
      %swap3A_594 = tpu.vector_load %arg9[%swap3A_593] {strides = array<i32>} : memref<2048xi32, #tpu.memory_space<vmem>>, vector<16xi32>,
      tpu.vector_store %arg9[%swap3A_593], %broadcast_in_dim3A_3 {strides = array<i32>} : memref<2048xi32, #tpu.memory_space<vmem>>, vector<16xi32>,
      %swap3A_595 = arith.constant 32 : index
      %swap3A_596 = tpu.vector_load %arg9[%swap3A_595] {strides = array<i32>} : memref<2048xi32, #tpu.memory_space<vmem>>, vector<16xi32>,
      tpu.vector_store %arg9[%swap3A_595], %broadcast_in_dim3A_3 {strides = array<i32>} : memref<2048xi32, #tpu.memory_space<vmem>>, vector<16xi32>,
      %swap3A_597 = arith.constant 48 : index
      %swap3A_598 = tpu.vector_load %arg9[%swap3A_597] {strides = array<i32>} : memref<2048xi32, #tpu.memory_space<vmem>>, vector<16xi32>,
      tpu.vector_store %arg9[%swap3A_597], %broadcast_in_dim3A_3 {strides = array<i32>} : memref<2048xi32, #tpu.memory_space<vmem>>, vector<16xi32>,
      %swap3A_599 = arith.constant 64 : index
      %swap3A_600 = tpu.vector_load %arg9[%swap3A_599] {strides = array<i32>} : memref<2048xi32, #tpu.memory_space<vmem>>, vector<16xi32>,
      tpu.vector_store %arg9[%swap3A_599], %broadcast_in_dim3A_3 {strides = array<i32>} : memref<2048xi32, #tpu.memory_space<vmem>>, vector<16xi32>,
      %swap3A_601 = arith.constant 80 : index
      %swap3A_602 = tpu.vector_load %arg9[%swap3A_601] {strides = array<i32>} : memref<2048xi32, #tpu.memory_space<vmem>>, vector<16xi32>,
      tpu.vector_store %arg9[%swap3A_601], %broadcast_in_dim3A_3 {strides = array<i32>} : memref<2048xi32, #tpu.memory_space<vmem>>, vector<16xi32>,
      %swap3A_603 = arith.constant 96 : index
      %swap3A_604 = tpu.vector_load %arg9[%swap3A_603] {strides = array<i32>} : memref<2048xi32, #tpu.memory_space<vmem>>, vector<16xi32>,
      tpu.vector_store %arg9[%swap3A_603], %broadcast_in_dim3A_3 {strides = array<i32>} : memref<2048xi32, #tpu.memory_space<vmem>>, vector<16xi32>,
      %swap3A_605 = arith.constant 112 : index
      %swap3A_606 = tpu.vector_load %arg9[%swap3A_605] {strides = array<i32>} : memref<2048xi32, #tpu.memory_space<vmem>>, vector<16xi32>,
      tpu.vector_store %arg9[%swap3A_605], %broadcast_in_dim3A_3 {strides = array<i32>} : memref<2048xi32, #tpu.memory_space<vmem>>, vector<16xi32>,
      %swap3A_607 = arith.constant 128 : index
      %swap3A_608 = tpu.vector_load %arg9[%swap3A_607] {strides = array<i32>} : memref<2048xi32, #tpu.memory_space<vmem>>, vector<16xi32>,
      tpu.vector_store %arg9[%swap3A_607], %broadcast_in_dim3A_3 {strides = array<i32>} : memref<2048xi32, #tpu.memory_space<vmem>>, vector<16xi32>,
      %swap3A_609 = arith.constant 144 : index
      %swap3A_610 = tpu.vector_load %arg9[%swap3A_609] {strides = array<i32>} : memref<2048xi32, #tpu.memory_space<vmem>>, vector<16xi32>,
      tpu.vector_store %arg9[%swap3A_609], %broadcast_in_dim3A_3 {strides = array<i32>} : memref<2048xi32, #tpu.memory_space<vmem>>, vector<16xi32>,
      %swap3A_611 = arith.constant 160 : index
      %swap3A_612 = tpu.vector_load %arg9[%swap3A_611] {strides = array<i32>} : memref<2048xi32, #tpu.memory_space<vmem>>, vector<16xi32>,
      tpu.vector_store %arg9[%swap3A_611], %broadcast_in_dim3A_3 {strides = array<i32>} : memref<2048xi32, #tpu.memory_space<vmem>>, vector<16xi32>,
      %swap3A_613 = arith.constant 176 : index
      %swap3A_614 = tpu.vector_load %arg9[%swap3A_613] {strides = array<i32>} : memref<2048xi32, #tpu.memory_space<vmem>>, vector<16xi32>,
      tpu.vector_store %arg9[%swap3A_613], %broadcast_in_dim3A_3 {strides = array<i32>} : memref<2048xi32, #tpu.memory_space<vmem>>, vector<16xi32>,
      %swap3A_615 = arith.constant 192 : index
      %swap3A_616 = tpu.vector_load %arg9[%swap3A_615] {strides = array<i32>} : memref<2048xi32, #tpu.memory_space<vmem>>, vector<16xi32>,
      tpu.vector_store %arg9[%swap3A_615], %broadcast_in_dim3A_3 {strides = array<i32>} : memref<2048xi32, #tpu.memory_space<vmem>>, vector<16xi32>,
      %swap3A_617 = arith.constant 208 : index
      %swap3A_618 = tpu.vector_load %arg9[%swap3A_617] {strides = array<i32>} : memref<2048xi32, #tpu.memory_space<vmem>>, vector<16xi32>,
      tpu.vector_store %arg9[%swap3A_617], %broadcast_in_dim3A_3 {strides = array<i32>} : memref<2048xi32, #tpu.memory_space<vmem>>, vector<16xi32>,
      %swap3A_619 = arith.constant 224 : index
      %swap3A_620 = tpu.vector_load %arg9[%swap3A_619] {strides = array<i32>} : memref<2048xi32, #tpu.memory_space<vmem>>, vector<16xi32>,
      tpu.vector_store %arg9[%swap3A_619], %broadcast_in_dim3A_3 {strides = array<i32>} : memref<2048xi32, #tpu.memory_space<vmem>>, vector<16xi32>,
      %swap3A_621 = arith.constant 240 : index
      %swap3A_622 = tpu.vector_load %arg9[%swap3A_621] {strides = array<i32>} : memref<2048xi32, #tpu.memory_space<vmem>>, vector<16xi32>,
      tpu.vector_store %arg9[%swap3A_621], %broadcast_in_dim3A_3 {strides = array<i32>} : memref<2048xi32, #tpu.memory_space<vmem>>, vector<16xi32>,
      %swap3A_623 = arith.constant 256 : index
      %swap3A_624 = tpu.vector_load %arg9[%swap3A_623] {strides = array<i32>} : memref<2048xi32, #tpu.memory_space<vmem>>, vector<16xi32>,
      tpu.vector_store %arg9[%swap3A_623], %broadcast_in_dim3A_3 {strides = array<i32>} : memref<2048xi32, #tpu.memory_space<vmem>>, vector<16xi32>,
      %swap3A_625 = arith.constant 272 : index
      %swap3A_626 = tpu.vector_load %arg9[%swap3A_625] {strides = array<i32>} : memref<2048xi32, #tpu.memory_space<vmem>>, vector<16xi32>,
      tpu.vector_store %arg9[%swap3A_625], %broadcast_in_dim3A_3 {strides = array<i32>} : memref<2048xi32, #tpu.memory_space<vmem>>, vector<16xi32>,
      %swap3A_627 = arith.constant 288 : index
      %swap3A_628 = tpu.vector_load %arg9[%swap3A_627] {strides = array<i32>} : memref<2048xi32, #tpu.memory_space<vmem>>, vector<16xi32>,
      tpu.vector_store %arg9[%swap3A_627], %broadcast_in_dim3A_3 {strides = array<i32>} : memref<2048xi32, #tpu.memory_space<vmem>>, vector<16xi32>,
      %swap3A_629 = arith.constant 304 : index
      %swap3A_630 = tpu.vector_load %arg9[%swap3A_629] {strides = array<i32>} : memref<2048xi32, #tpu.memory_space<vmem>>, vector<16xi32>,
      tpu.vector_store %arg9[%swap3A_629], %broadcast_in_dim3A_3 {strides = array<i32>} : memref<2048xi32, #tpu.memory_space<vmem>>, vector<16xi32>,
      %swap3A_631 = arith.constant 320 : index
      %swap3A_632 = tpu.vector_load %arg9[%swap3A_631] {strides = array<i32>} : memref<2048xi32, #tpu.memory_space<vmem>>, vector<16xi32>,
      tpu.vector_store %arg9[%swap3A_631], %broadcast_in_dim3A_3 {strides = array<i32>} : memref<2048xi32, #tpu.memory_space<vmem>>, vector<16xi32>,
      %swap3A_633 = arith.constant 336 : index
      %swap3A_634 = tpu.vector_load %arg9[%swap3A_633] {strides = array<i32>} : memref<2048xi32, #tpu.memory_space<vmem>>, vector<16xi32>,
      tpu.vector_store %arg9[%swap3A_633], %broadcast_in_dim3A_3 {strides = array<i32>} : memref<2048xi32, #tpu.memory_space<vmem>>, vector<16xi32>,
      %swap3A_635 = arith.constant 352 : index
      %swap3A_636 = tpu.vector_load %arg9[%swap3A_635] {strides = array<i32>} : memref<2048xi32, #tpu.memory_space<vmem>>, vector<16xi32>,
      tpu.vector_store %arg9[%swap3A_635], %broadcast_in_dim3A_3 {strides = array<i32>} : memref<2048xi32, #tpu.memory_space<vmem>>, vector<16xi32>,
      %swap3A_637 = arith.constant 368 : index
      %swap3A_638 = tpu.vector_load %arg9[%swap3A_637] {strides = array<i32>} : memref<2048xi32, #tpu.memory_space<vmem>>, vector<16xi32>,
      tpu.vector_store %arg9[%swap3A_637], %broadcast_in_dim3A_3 {strides = array<i32>} : memref<2048xi32, #tpu.memory_space<vmem>>, vector<16xi32>,
      %swap3A_639 = arith.constant 384 : index
      %swap3A_640 = tpu.vector_load %arg9[%swap3A_639] {strides = array<i32>} : memref<2048xi32, #tpu.memory_space<vmem>>, vector<16xi32>,
      tpu.vector_store %arg9[%swap3A_639], %broadcast_in_dim3A_3 {strides = array<i32>} : memref<2048xi32, #tpu.memory_space<vmem>>, vector<16xi32>,
      %swap3A_641 = arith.constant 400 : index
      %swap3A_642 = tpu.vector_load %arg9[%swap3A_641] {strides = array<i32>} : memref<2048xi32, #tpu.memory_space<vmem>>, vector<16xi32>,
      tpu.vector_store %arg9[%swap3A_641], %broadcast_in_dim3A_3 {strides = array<i32>} : memref<2048xi32, #tpu.memory_space<vmem>>, vector<16xi32>,
      %swap3A_643 = arith.constant 416 : index
      %swap3A_644 = tpu.vector_load %arg9[%swap3A_643] {strides = array<i32>} : memref<2048xi32, #tpu.memory_space<vmem>>, vector<16xi32>,
      tpu.vector_store %arg9[%swap3A_643], %broadcast_in_dim3A_3 {strides = array<i32>} : memref<2048xi32, #tpu.memory_space<vmem>>, vector<16xi32>,
      %swap3A_645 = arith.constant 432 : index
      %swap3A_646 = tpu.vector_load %arg9[%swap3A_645] {strides = array<i32>} : memref<2048xi32, #tpu.memory_space<vmem>>, vector<16xi32>,
      tpu.vector_store %arg9[%swap3A_645], %broadcast_in_dim3A_3 {strides = array<i32>} : memref<2048xi32, #tpu.memory_space<vmem>>, vector<16xi32>,
      %swap3A_647 = arith.constant 448 : index
      %swap3A_648 = tpu.vector_load %arg9[%swap3A_647] {strides = array<i32>} : memref<2048xi32, #tpu.memory_space<vmem>>, vector<16xi32>,
      tpu.vector_store %arg9[%swap3A_647], %broadcast_in_dim3A_3 {strides = array<i32>} : memref<2048xi32, #tpu.memory_space<vmem>>, vector<16xi32>,
      %swap3A_649 = arith.constant 464 : index
      %swap3A_650 = tpu.vector_load %arg9[%swap3A_649] {strides = array<i32>} : memref<2048xi32, #tpu.memory_space<vmem>>, vector<16xi32>,
      tpu.vector_store %arg9[%swap3A_649], %broadcast_in_dim3A_3 {strides = array<i32>} : memref<2048xi32, #tpu.memory_space<vmem>>, vector<16xi32>,
      %swap3A_651 = arith.constant 480 : index
      %swap3A_652 = tpu.vector_load %arg9[%swap3A_651] {strides = array<i32>} : memref<2048xi32, #tpu.memory_space<vmem>>, vector<16xi32>,
      tpu.vector_store %arg9[%swap3A_651], %broadcast_in_dim3A_3 {strides = array<i32>} : memref<2048xi32, #tpu.memory_space<vmem>>, vector<16xi32>,
      %swap3A_653 = arith.constant 496 : index
      %swap3A_654 = tpu.vector_load %arg9[%swap3A_653] {strides = array<i32>} : memref<2048xi32, #tpu.memory_space<vmem>>, vector<16xi32>,
      tpu.vector_store %arg9[%swap3A_653], %broadcast_in_dim3A_3 {strides = array<i32>} : memref<2048xi32, #tpu.memory_space<vmem>>, vector<16xi32>,
      %swap3A_655 = arith.constant 512 : index
      %swap3A_656 = tpu.vector_load %arg9[%swap3A_655] {strides = array<i32>} : memref<2048xi32, #tpu.memory_space<vmem>>, vector<16xi32>,
      tpu.vector_store %arg9[%swap3A_655], %broadcast_in_dim3A_3 {strides = array<i32>} : memref<2048xi32, #tpu.memory_space<vmem>>, vector<16xi32>,
      %swap3A_657 = arith.constant 528 : index
      %swap3A_658 = tpu.vector_load %arg9[%swap3A_657] {strides = array<i32>} : memref<2048xi32, #tpu.memory_space<vmem>>, vector<16xi32>,
      tpu.vector_store %arg9[%swap3A_657], %broadcast_in_dim3A_3 {strides = array<i32>} : memref<2048xi32, #tpu.memory_space<vmem>>, vector<16xi32>,
      %swap3A_659 = arith.constant 544 : index
      %swap3A_660 = tpu.vector_load %arg9[%swap3A_659] {strides = array<i32>} : memref<2048xi32, #tpu.memory_space<vmem>>, vector<16xi32>,
      tpu.vector_store %arg9[%swap3A_659], %broadcast_in_dim3A_3 {strides = array<i32>} : memref<2048xi32, #tpu.memory_space<vmem>>, vector<16xi32>,
      %swap3A_661 = arith.constant 560 : index
      %swap3A_662 = tpu.vector_load %arg9[%swap3A_661] {strides = array<i32>} : memref<2048xi32, #tpu.memory_space<vmem>>, vector<16xi32>,
      tpu.vector_store %arg9[%swap3A_661], %broadcast_in_dim3A_3 {strides = array<i32>} : memref<2048xi32, #tpu.memory_space<vmem>>, vector<16xi32>,
      %swap3A_663 = arith.constant 576 : index
      %swap3A_664 = tpu.vector_load %arg9[%swap3A_663] {strides = array<i32>} : memref<2048xi32, #tpu.memory_space<vmem>>, vector<16xi32>,
      tpu.vector_store %arg9[%swap3A_663], %broadcast_in_dim3A_3 {strides = array<i32>} : memref<2048xi32, #tpu.memory_space<vmem>>, vector<16xi32>,
      %swap3A_665 = arith.constant 592 : index
      %swap3A_666 = tpu.vector_load %arg9[%swap3A_665] {strides = array<i32>} : memref<2048xi32, #tpu.memory_space<vmem>>, vector<16xi32>,
      tpu.vector_store %arg9[%swap3A_665], %broadcast_in_dim3A_3 {strides = array<i32>} : memref<2048xi32, #tpu.memory_space<vmem>>, vector<16xi32>,
      %swap3A_667 = arith.constant 608 : index
      %swap3A_668 = tpu.vector_load %arg9[%swap3A_667] {strides = array<i32>} : memref<2048xi32, #tpu.memory_space<vmem>>, vector<16xi32>,
      tpu.vector_store %arg9[%swap3A_667], %broadcast_in_dim3A_3 {strides = array<i32>} : memref<2048xi32, #tpu.memory_space<vmem>>, vector<16xi32>,
      %swap3A_669 = arith.constant 624 : index
      %swap3A_670 = tpu.vector_load %arg9[%swap3A_669] {strides = array<i32>} : memref<2048xi32, #tpu.memory_space<vmem>>, vector<16xi32>,
      tpu.vector_store %arg9[%swap3A_669], %broadcast_in_dim3A_3 {strides = array<i32>} : memref<2048xi32, #tpu.memory_space<vmem>>, vector<16xi32>,
      %swap3A_671 = arith.constant 640 : index
      %swap3A_672 = tpu.vector_load %arg9[%swap3A_671] {strides = array<i32>} : memref<2048xi32, #tpu.memory_space<vmem>>, vector<16xi32>,
      tpu.vector_store %arg9[%swap3A_671], %broadcast_in_dim3A_3 {strides = array<i32>} : memref<2048xi32, #tpu.memory_space<vmem>>, vector<16xi32>,
      %swap3A_673 = arith.constant 656 : index
      %swap3A_674 = tpu.vector_load %arg9[%swap3A_673] {strides = array<i32>} : memref<2048xi32, #tpu.memory_space<vmem>>, vector<16xi32>,
      tpu.vector_store %arg9[%swap3A_673], %broadcast_in_dim3A_3 {strides = array<i32>} : memref<2048xi32, #tpu.memory_space<vmem>>, vector<16xi32>,
      %swap3A_675 = arith.constant 672 : index
      %swap3A_676 = tpu.vector_load %arg9[%swap3A_675] {strides = array<i32>} : memref<2048xi32, #tpu.memory_space<vmem>>, vector<16xi32>,
      tpu.vector_store %arg9[%swap3A_675], %broadcast_in_dim3A_3 {strides = array<i32>} : memref<2048xi32, #tpu.memory_space<vmem>>, vector<16xi32>,
      %swap3A_677 = arith.constant 688 : index
      %swap3A_678 = tpu.vector_load %arg9[%swap3A_677] {strides = array<i32>} : memref<2048xi32, #tpu.memory_space<vmem>>, vector<16xi32>,
      tpu.vector_store %arg9[%swap3A_677], %broadcast_in_dim3A_3 {strides = array<i32>} : memref<2048xi32, #tpu.memory_space<vmem>>, vector<16xi32>,
      %swap3A_679 = arith.constant 704 : index
      %swap3A_680 = tpu.vector_load %arg9[%swap3A_679] {strides = array<i32>} : memref<2048xi32, #tpu.memory_space<vmem>>, vector<16xi32>,
      tpu.vector_store %arg9[%swap3A_679], %broadcast_in_dim3A_3 {strides = array<i32>} : memref<2048xi32, #tpu.memory_space<vmem>>, vector<16xi32>,
      %swap3A_681 = arith.constant 720 : index
      %swap3A_682 = tpu.vector_load %arg9[%swap3A_681] {strides = array<i32>} : memref<2048xi32, #tpu.memory_space<vmem>>, vector<16xi32>,
      tpu.vector_store %arg9[%swap3A_681], %broadcast_in_dim3A_3 {strides = array<i32>} : memref<2048xi32, #tpu.memory_space<vmem>>, vector<16xi32>,
      %swap3A_683 = arith.constant 736 : index
      %swap3A_684 = tpu.vector_load %arg9[%swap3A_683] {strides = array<i32>} : memref<2048xi32, #tpu.memory_space<vmem>>, vector<16xi32>,
      tpu.vector_store %arg9[%swap3A_683], %broadcast_in_dim3A_3 {strides = array<i32>} : memref<2048xi32, #tpu.memory_space<vmem>>, vector<16xi32>,
      %swap3A_685 = arith.constant 752 : index
      %swap3A_686 = tpu.vector_load %arg9[%swap3A_685] {strides = array<i32>} : memref<2048xi32, #tpu.memory_space<vmem>>, vector<16xi32>,
      tpu.vector_store %arg9[%swap3A_685], %broadcast_in_dim3A_3 {strides = array<i32>} : memref<2048xi32, #tpu.memory_space<vmem>>, vector<16xi32>,
      %swap3A_687 = arith.constant 768 : index
      %swap3A_688 = tpu.vector_load %arg9[%swap3A_687] {strides = array<i32>} : memref<2048xi32, #tpu.memory_space<vmem>>, vector<16xi32>,
      tpu.vector_store %arg9[%swap3A_687], %broadcast_in_dim3A_3 {strides = array<i32>} : memref<2048xi32, #tpu.memory_space<vmem>>, vector<16xi32>,
      %swap3A_689 = arith.constant 784 : index
      %swap3A_690 = tpu.vector_load %arg9[%swap3A_689] {strides = array<i32>} : memref<2048xi32, #tpu.memory_space<vmem>>, vector<16xi32>,
      tpu.vector_store %arg9[%swap3A_689], %broadcast_in_dim3A_3 {strides = array<i32>} : memref<2048xi32, #tpu.memory_space<vmem>>, vector<16xi32>,
      %swap3A_691 = arith.constant 800 : index
      %swap3A_692 = tpu.vector_load %arg9[%swap3A_691] {strides = array<i32>} : memref<2048xi32, #tpu.memory_space<vmem>>, vector<16xi32>,
      tpu.vector_store %arg9[%swap3A_691], %broadcast_in_dim3A_3 {strides = array<i32>} : memref<2048xi32, #tpu.memory_space<vmem>>, vector<16xi32>,
      %swap3A_693 = arith.constant 816 : index
      %swap3A_694 = tpu.vector_load %arg9[%swap3A_693] {strides = array<i32>} : memref<2048xi32, #tpu.memory_space<vmem>>, vector<16xi32>,
      tpu.vector_store %arg9[%swap3A_693], %broadcast_in_dim3A_3 {strides = array<i32>} : memref<2048xi32, #tpu.memory_space<vmem>>, vector<16xi32>,
      %swap3A_695 = arith.constant 832 : index
      %swap3A_696 = tpu.vector_load %arg9[%swap3A_695] {strides = array<i32>} : memref<2048xi32, #tpu.memory_space<vmem>>, vector<16xi32>,
      tpu.vector_store %arg9[%swap3A_695], %broadcast_in_dim3A_3 {strides = array<i32>} : memref<2048xi32, #tpu.memory_space<vmem>>, vector<16xi32>,
      %swap3A_697 = arith.constant 848 : index
      %swap3A_698 = tpu.vector_load %arg9[%swap3A_697] {strides = array<i32>} : memref<2048xi32, #tpu.memory_space<vmem>>, vector<16xi32>,
      tpu.vector_store %arg9[%swap3A_697], %broadcast_in_dim3A_3 {strides = array<i32>} : memref<2048xi32, #tpu.memory_space<vmem>>, vector<16xi32>,
      %swap3A_699 = arith.constant 864 : index
      %swap3A_700 = tpu.vector_load %arg9[%swap3A_699] {strides = array<i32>} : memref<2048xi32, #tpu.memory_space<vmem>>, vector<16xi32>,
      tpu.vector_store %arg9[%swap3A_699], %broadcast_in_dim3A_3 {strides = array<i32>} : memref<2048xi32, #tpu.memory_space<vmem>>, vector<16xi32>,
      %swap3A_701 = arith.constant 880 : index
      %swap3A_702 = tpu.vector_load %arg9[%swap3A_701] {strides = array<i32>} : memref<2048xi32, #tpu.memory_space<vmem>>, vector<16xi32>,
      tpu.vector_store %arg9[%swap3A_701], %broadcast_in_dim3A_3 {strides = array<i32>} : memref<2048xi32, #tpu.memory_space<vmem>>, vector<16xi32>,
      %swap3A_703 = arith.constant 896 : index
      %swap3A_704 = tpu.vector_load %arg9[%swap3A_703] {strides = array<i32>} : memref<2048xi32, #tpu.memory_space<vmem>>, vector<16xi32>,
      tpu.vector_store %arg9[%swap3A_703], %broadcast_in_dim3A_3 {strides = array<i32>} : memref<2048xi32, #tpu.memory_space<vmem>>, vector<16xi32>,
      %swap3A_705 = arith.constant 912 : index
      %swap3A_706 = tpu.vector_load %arg9[%swap3A_705] {strides = array<i32>} : memref<2048xi32, #tpu.memory_space<vmem>>, vector<16xi32>,
      tpu.vector_store %arg9[%swap3A_705], %broadcast_in_dim3A_3 {strides = array<i32>} : memref<2048xi32, #tpu.memory_space<vmem>>, vector<16xi32>,
      %swap3A_707 = arith.constant 928 : index
      %swap3A_708 = tpu.vector_load %arg9[%swap3A_707] {strides = array<i32>} : memref<2048xi32, #tpu.memory_space<vmem>>, vector<16xi32>,
      tpu.vector_store %arg9[%swap3A_707], %broadcast_in_dim3A_3 {strides = array<i32>} : memref<2048xi32, #tpu.memory_space<vmem>>, vector<16xi32>,
      %swap3A_709 = arith.constant 944 : index
      %swap3A_710 = tpu.vector_load %arg9[%swap3A_709] {strides = array<i32>} : memref<2048xi32, #tpu.memory_space<vmem>>, vector<16xi32>,
      tpu.vector_store %arg9[%swap3A_709], %broadcast_in_dim3A_3 {strides = array<i32>} : memref<2048xi32, #tpu.memory_space<vmem>>, vector<16xi32>,
      %swap3A_711 = arith.constant 960 : index
      %swap3A_712 = tpu.vector_load %arg9[%swap3A_711] {strides = array<i32>} : memref<2048xi32, #tpu.memory_space<vmem>>, vector<16xi32>,
      tpu.vector_store %arg9[%swap3A_711], %broadcast_in_dim3A_3 {strides = array<i32>} : memref<2048xi32, #tpu.memory_space<vmem>>, vector<16xi32>,
      %swap3A_713 = arith.constant 976 : index
      %swap3A_714 = tpu.vector_load %arg9[%swap3A_713] {strides = array<i32>} : memref<2048xi32, #tpu.memory_space<vmem>>, vector<16xi32>,
      tpu.vector_store %arg9[%swap3A_713], %broadcast_in_dim3A_3 {strides = array<i32>} : memref<2048xi32, #tpu.memory_space<vmem>>, vector<16xi32>,
      %swap3A_715 = arith.constant 992 : index
      %swap3A_716 = tpu.vector_load %arg9[%swap3A_715] {strides = array<i32>} : memref<2048xi32, #tpu.memory_space<vmem>>, vector<16xi32>,
      tpu.vector_store %arg9[%swap3A_715], %broadcast_in_dim3A_3 {strides = array<i32>} : memref<2048xi32, #tpu.memory_space<vmem>>, vector<16xi32>,
      %swap3A_717 = arith.constant 1008 : index
      %swap3A_718 = tpu.vector_load %arg9[%swap3A_717] {strides = array<i32>} : memref<2048xi32, #tpu.memory_space<vmem>>, vector<16xi32>,
      tpu.vector_store %arg9[%swap3A_717], %broadcast_in_dim3A_3 {strides = array<i32>} : memref<2048xi32, #tpu.memory_space<vmem>>, vector<16xi32>,
      %swap3A_719 = arith.constant 1024 : index
      %swap3A_720 = tpu.vector_load %arg9[%swap3A_719] {strides = array<i32>} : memref<2048xi32, #tpu.memory_space<vmem>>, vector<16xi32>,
      tpu.vector_store %arg9[%swap3A_719], %broadcast_in_dim3A_3 {strides = array<i32>} : memref<2048xi32, #tpu.memory_space<vmem>>, vector<16xi32>,
      %swap3A_721 = arith.constant 1040 : index
      %swap3A_722 = tpu.vector_load %arg9[%swap3A_721] {strides = array<i32>} : memref<2048xi32, #tpu.memory_space<vmem>>, vector<16xi32>,
      tpu.vector_store %arg9[%swap3A_721], %broadcast_in_dim3A_3 {strides = array<i32>} : memref<2048xi32, #tpu.memory_space<vmem>>, vector<16xi32>,
      %swap3A_723 = arith.constant 1056 : index
      %swap3A_724 = tpu.vector_load %arg9[%swap3A_723] {strides = array<i32>} : memref<2048xi32, #tpu.memory_space<vmem>>, vector<16xi32>,
      tpu.vector_store %arg9[%swap3A_723], %broadcast_in_dim3A_3 {strides = array<i32>} : memref<2048xi32, #tpu.memory_space<vmem>>, vector<16xi32>,
      %swap3A_725 = arith.constant 1072 : index
      %swap3A_726 = tpu.vector_load %arg9[%swap3A_725] {strides = array<i32>} : memref<2048xi32, #tpu.memory_space<vmem>>, vector<16xi32>,
      tpu.vector_store %arg9[%swap3A_725], %broadcast_in_dim3A_3 {strides = array<i32>} : memref<2048xi32, #tpu.memory_space<vmem>>, vector<16xi32>,
      %swap3A_727 = arith.constant 1088 : index
      %swap3A_728 = tpu.vector_load %arg9[%swap3A_727] {strides = array<i32>} : memref<2048xi32, #tpu.memory_space<vmem>>, vector<16xi32>,
      tpu.vector_store %arg9[%swap3A_727], %broadcast_in_dim3A_3 {strides = array<i32>} : memref<2048xi32, #tpu.memory_space<vmem>>, vector<16xi32>,
      %swap3A_729 = arith.constant 1104 : index
      %swap3A_730 = tpu.vector_load %arg9[%swap3A_729] {strides = array<i32>} : memref<2048xi32, #tpu.memory_space<vmem>>, vector<16xi32>,
      tpu.vector_store %arg9[%swap3A_729], %broadcast_in_dim3A_3 {strides = array<i32>} : memref<2048xi32, #tpu.memory_space<vmem>>, vector<16xi32>,
      %swap3A_731 = arith.constant 1120 : index
      %swap3A_732 = tpu.vector_load %arg9[%swap3A_731] {strides = array<i32>} : memref<2048xi32, #tpu.memory_space<vmem>>, vector<16xi32>,
      tpu.vector_store %arg9[%swap3A_731], %broadcast_in_dim3A_3 {strides = array<i32>} : memref<2048xi32, #tpu.memory_space<vmem>>, vector<16xi32>,
      %swap3A_733 = arith.constant 1136 : index
      %swap3A_734 = tpu.vector_load %arg9[%swap3A_733] {strides = array<i32>} : memref<2048xi32, #tpu.memory_space<vmem>>, vector<16xi32>,
      tpu.vector_store %arg9[%swap3A_733], %broadcast_in_dim3A_3 {strides = array<i32>} : memref<2048xi32, #tpu.memory_space<vmem>>, vector<16xi32>,
      %swap3A_735 = arith.constant 1152 : index
      %swap3A_736 = tpu.vector_load %arg9[%swap3A_735] {strides = array<i32>} : memref<2048xi32, #tpu.memory_space<vmem>>, vector<16xi32>,
      tpu.vector_store %arg9[%swap3A_735], %broadcast_in_dim3A_3 {strides = array<i32>} : memref<2048xi32, #tpu.memory_space<vmem>>, vector<16xi32>,
      %swap3A_737 = arith.constant 1168 : index
      %swap3A_738 = tpu.vector_load %arg9[%swap3A_737] {strides = array<i32>} : memref<2048xi32, #tpu.memory_space<vmem>>, vector<16xi32>,
      tpu.vector_store %arg9[%swap3A_737], %broadcast_in_dim3A_3 {strides = array<i32>} : memref<2048xi32, #tpu.memory_space<vmem>>, vector<16xi32>,
      %swap3A_739 = arith.constant 1184 : index
      %swap3A_740 = tpu.vector_load %arg9[%swap3A_739] {strides = array<i32>} : memref<2048xi32, #tpu.memory_space<vmem>>, vector<16xi32>,
      tpu.vector_store %arg9[%swap3A_739], %broadcast_in_dim3A_3 {strides = array<i32>} : memref<2048xi32, #tpu.memory_space<vmem>>, vector<16xi32>,
      %swap3A_741 = arith.constant 1200 : index
      %swap3A_742 = tpu.vector_load %arg9[%swap3A_741] {strides = array<i32>} : memref<2048xi32, #tpu.memory_space<vmem>>, vector<16xi32>,
      tpu.vector_store %arg9[%swap3A_741], %broadcast_in_dim3A_3 {strides = array<i32>} : memref<2048xi32, #tpu.memory_space<vmem>>, vector<16xi32>,
      %swap3A_743 = arith.constant 1216 : index
      %swap3A_744 = tpu.vector_load %arg9[%swap3A_743] {strides = array<i32>} : memref<2048xi32, #tpu.memory_space<vmem>>, vector<16xi32>,
      tpu.vector_store %arg9[%swap3A_743], %broadcast_in_dim3A_3 {strides = array<i32>} : memref<2048xi32, #tpu.memory_space<vmem>>, vector<16xi32>,
      %swap3A_745 = arith.constant 1232 : index
      %swap3A_746 = tpu.vector_load %arg9[%swap3A_745] {strides = array<i32>} : memref<2048xi32, #tpu.memory_space<vmem>>, vector<16xi32>,
      tpu.vector_store %arg9[%swap3A_745], %broadcast_in_dim3A_3 {strides = array<i32>} : memref<2048xi32, #tpu.memory_space<vmem>>, vector<16xi32>,
      %swap3A_747 = arith.constant 1248 : index
      %swap3A_748 = tpu.vector_load %arg9[%swap3A_747] {strides = array<i32>} : memref<2048xi32, #tpu.memory_space<vmem>>, vector<16xi32>,
      tpu.vector_store %arg9[%swap3A_747], %broadcast_in_dim3A_3 {strides = array<i32>} : memref<2048xi32, #tpu.memory_space<vmem>>, vector<16xi32>,
      %swap3A_749 = arith.constant 1264 : index
      %swap3A_750 = tpu.vector_load %arg9[%swap3A_749] {strides = array<i32>} : memref<2048xi32, #tpu.memory_space<vmem>>, vector<16xi32>,
      tpu.vector_store %arg9[%swap3A_749], %broadcast_in_dim3A_3 {strides = array<i32>} : memref<2048xi32, #tpu.memory_space<vmem>>, vector<16xi32>,
      %swap3A_751 = arith.constant 1280 : index
      %swap3A_752 = tpu.vector_load %arg9[%swap3A_751] {strides = array<i32>} : memref<2048xi32, #tpu.memory_space<vmem>>, vector<16xi32>,
      tpu.vector_store %arg9[%swap3A_751], %broadcast_in_dim3A_3 {strides = array<i32>} : memref<2048xi32, #tpu.memory_space<vmem>>, vector<16xi32>,
      %swap3A_753 = arith.constant 1296 : index
      %swap3A_754 = tpu.vector_load %arg9[%swap3A_753] {strides = array<i32>} : memref<2048xi32, #tpu.memory_space<vmem>>, vector<16xi32>,
      tpu.vector_store %arg9[%swap3A_753], %broadcast_in_dim3A_3 {strides = array<i32>} : memref<2048xi32, #tpu.memory_space<vmem>>, vector<16xi32>,
      %swap3A_755 = arith.constant 1312 : index
      %swap3A_756 = tpu.vector_load %arg9[%swap3A_755] {strides = array<i32>} : memref<2048xi32, #tpu.memory_space<vmem>>, vector<16xi32>,
      tpu.vector_store %arg9[%swap3A_755], %broadcast_in_dim3A_3 {strides = array<i32>} : memref<2048xi32, #tpu.memory_space<vmem>>, vector<16xi32>,
      %swap3A_757 = arith.constant 1328 : index
      %swap3A_758 = tpu.vector_load %arg9[%swap3A_757] {strides = array<i32>} : memref<2048xi32, #tpu.memory_space<vmem>>, vector<16xi32>,
      tpu.vector_store %arg9[%swap3A_757], %broadcast_in_dim3A_3 {strides = array<i32>} : memref<2048xi32, #tpu.memory_space<vmem>>, vector<16xi32>,
      %swap3A_759 = arith.constant 1344 : index
      %swap3A_760 = tpu.vector_load %arg9[%swap3A_759] {strides = array<i32>} : memref<2048xi32, #tpu.memory_space<vmem>>, vector<16xi32>,
      tpu.vector_store %arg9[%swap3A_759], %broadcast_in_dim3A_3 {strides = array<i32>} : memref<2048xi32, #tpu.memory_space<vmem>>, vector<16xi32>,
      %swap3A_761 = arith.constant 1360 : index
      %swap3A_762 = tpu.vector_load %arg9[%swap3A_761] {strides = array<i32>} : memref<2048xi32, #tpu.memory_space<vmem>>, vector<16xi32>,
      tpu.vector_store %arg9[%swap3A_761], %broadcast_in_dim3A_3 {strides = array<i32>} : memref<2048xi32, #tpu.memory_space<vmem>>, vector<16xi32>,
      %swap3A_763 = arith.constant 1376 : index
      %swap3A_764 = tpu.vector_load %arg9[%swap3A_763] {strides = array<i32>} : memref<2048xi32, #tpu.memory_space<vmem>>, vector<16xi32>,
      tpu.vector_store %arg9[%swap3A_763], %broadcast_in_dim3A_3 {strides = array<i32>} : memref<2048xi32, #tpu.memory_space<vmem>>, vector<16xi32>,
      %swap3A_765 = arith.constant 1392 : index
      %swap3A_766 = tpu.vector_load %arg9[%swap3A_765] {strides = array<i32>} : memref<2048xi32, #tpu.memory_space<vmem>>, vector<16xi32>,
      tpu.vector_store %arg9[%swap3A_765], %broadcast_in_dim3A_3 {strides = array<i32>} : memref<2048xi32, #tpu.memory_space<vmem>>, vector<16xi32>,
      %swap3A_767 = arith.constant 1408 : index
      %swap3A_768 = tpu.vector_load %arg9[%swap3A_767] {strides = array<i32>} : memref<2048xi32, #tpu.memory_space<vmem>>, vector<16xi32>,
      tpu.vector_store %arg9[%swap3A_767], %broadcast_in_dim3A_3 {strides = array<i32>} : memref<2048xi32, #tpu.memory_space<vmem>>, vector<16xi32>,
      %swap3A_769 = arith.constant 1424 : index
      %swap3A_770 = tpu.vector_load %arg9[%swap3A_769] {strides = array<i32>} : memref<2048xi32, #tpu.memory_space<vmem>>, vector<16xi32>,
      tpu.vector_store %arg9[%swap3A_769], %broadcast_in_dim3A_3 {strides = array<i32>} : memref<2048xi32, #tpu.memory_space<vmem>>, vector<16xi32>,
      %swap3A_771 = arith.constant 1440 : index
      %swap3A_772 = tpu.vector_load %arg9[%swap3A_771] {strides = array<i32>} : memref<2048xi32, #tpu.memory_space<vmem>>, vector<16xi32>,
      tpu.vector_store %arg9[%swap3A_771], %broadcast_in_dim3A_3 {strides = array<i32>} : memref<2048xi32, #tpu.memory_space<vmem>>, vector<16xi32>,
      %swap3A_773 = arith.constant 1456 : index
      %swap3A_774 = tpu.vector_load %arg9[%swap3A_773] {strides = array<i32>} : memref<2048xi32, #tpu.memory_space<vmem>>, vector<16xi32>,
      tpu.vector_store %arg9[%swap3A_773], %broadcast_in_dim3A_3 {strides = array<i32>} : memref<2048xi32, #tpu.memory_space<vmem>>, vector<16xi32>,
      %swap3A_775 = arith.constant 1472 : index
      %swap3A_776 = tpu.vector_load %arg9[%swap3A_775] {strides = array<i32>} : memref<2048xi32, #tpu.memory_space<vmem>>, vector<16xi32>,
      tpu.vector_store %arg9[%swap3A_775], %broadcast_in_dim3A_3 {strides = array<i32>} : memref<2048xi32, #tpu.memory_space<vmem>>, vector<16xi32>,
      %swap3A_777 = arith.constant 1488 : index
      %swap3A_778 = tpu.vector_load %arg9[%swap3A_777] {strides = array<i32>} : memref<2048xi32, #tpu.memory_space<vmem>>, vector<16xi32>,
      tpu.vector_store %arg9[%swap3A_777], %broadcast_in_dim3A_3 {strides = array<i32>} : memref<2048xi32, #tpu.memory_space<vmem>>, vector<16xi32>,
      %swap3A_779 = arith.constant 1504 : index
      %swap3A_780 = tpu.vector_load %arg9[%swap3A_779] {strides = array<i32>} : memref<2048xi32, #tpu.memory_space<vmem>>, vector<16xi32>,
      tpu.vector_store %arg9[%swap3A_779], %broadcast_in_dim3A_3 {strides = array<i32>} : memref<2048xi32, #tpu.memory_space<vmem>>, vector<16xi32>,
      %swap3A_781 = arith.constant 1520 : index
      %swap3A_782 = tpu.vector_load %arg9[%swap3A_781] {strides = array<i32>} : memref<2048xi32, #tpu.memory_space<vmem>>, vector<16xi32>,
      tpu.vector_store %arg9[%swap3A_781], %broadcast_in_dim3A_3 {strides = array<i32>} : memref<2048xi32, #tpu.memory_space<vmem>>, vector<16xi32>,
      %swap3A_783 = arith.constant 1536 : index
      %swap3A_784 = tpu.vector_load %arg9[%swap3A_783] {strides = array<i32>} : memref<2048xi32, #tpu.memory_space<vmem>>, vector<16xi32>,
      tpu.vector_store %arg9[%swap3A_783], %broadcast_in_dim3A_3 {strides = array<i32>} : memref<2048xi32, #tpu.memory_space<vmem>>, vector<16xi32>,
      %swap3A_785 = arith.constant 1552 : index
      %swap3A_786 = tpu.vector_load %arg9[%swap3A_785] {strides = array<i32>} : memref<2048xi32, #tpu.memory_space<vmem>>, vector<16xi32>,
      tpu.vector_store %arg9[%swap3A_785], %broadcast_in_dim3A_3 {strides = array<i32>} : memref<2048xi32, #tpu.memory_space<vmem>>, vector<16xi32>,
      %swap3A_787 = arith.constant 1568 : index
      %swap3A_788 = tpu.vector_load %arg9[%swap3A_787] {strides = array<i32>} : memref<2048xi32, #tpu.memory_space<vmem>>, vector<16xi32>,
      tpu.vector_store %arg9[%swap3A_787], %broadcast_in_dim3A_3 {strides = array<i32>} : memref<2048xi32, #tpu.memory_space<vmem>>, vector<16xi32>,
      %swap3A_789 = arith.constant 1584 : index
      %swap3A_790 = tpu.vector_load %arg9[%swap3A_789] {strides = array<i32>} : memref<2048xi32, #tpu.memory_space<vmem>>, vector<16xi32>,
      tpu.vector_store %arg9[%swap3A_789], %broadcast_in_dim3A_3 {strides = array<i32>} : memref<2048xi32, #tpu.memory_space<vmem>>, vector<16xi32>,
      %swap3A_791 = arith.constant 1600 : index
      %swap3A_792 = tpu.vector_load %arg9[%swap3A_791] {strides = array<i32>} : memref<2048xi32, #tpu.memory_space<vmem>>, vector<16xi32>,
      tpu.vector_store %arg9[%swap3A_791], %broadcast_in_dim3A_3 {strides = array<i32>} : memref<2048xi32, #tpu.memory_space<vmem>>, vector<16xi32>,
      %swap3A_793 = arith.constant 1616 : index
      %swap3A_794 = tpu.vector_load %arg9[%swap3A_793] {strides = array<i32>} : memref<2048xi32, #tpu.memory_space<vmem>>, vector<16xi32>,
      tpu.vector_store %arg9[%swap3A_793], %broadcast_in_dim3A_3 {strides = array<i32>} : memref<2048xi32, #tpu.memory_space<vmem>>, vector<16xi32>,
      %swap3A_795 = arith.constant 1632 : index
      %swap3A_796 = tpu.vector_load %arg9[%swap3A_795] {strides = array<i32>} : memref<2048xi32, #tpu.memory_space<vmem>>, vector<16xi32>,
      tpu.vector_store %arg9[%swap3A_795], %broadcast_in_dim3A_3 {strides = array<i32>} : memref<2048xi32, #tpu.memory_space<vmem>>, vector<16xi32>,
      %swap3A_797 = arith.constant 1648 : index
      %swap3A_798 = tpu.vector_load %arg9[%swap3A_797] {strides = array<i32>} : memref<2048xi32, #tpu.memory_space<vmem>>, vector<16xi32>,
      tpu.vector_store %arg9[%swap3A_797], %broadcast_in_dim3A_3 {strides = array<i32>} : memref<2048xi32, #tpu.memory_space<vmem>>, vector<16xi32>,
      %swap3A_799 = arith.constant 1664 : index
      %swap3A_800 = tpu.vector_load %arg9[%swap3A_799] {strides = array<i32>} : memref<2048xi32, #tpu.memory_space<vmem>>, vector<16xi32>,
      tpu.vector_store %arg9[%swap3A_799], %broadcast_in_dim3A_3 {strides = array<i32>} : memref<2048xi32, #tpu.memory_space<vmem>>, vector<16xi32>,
      %swap3A_801 = arith.constant 1680 : index
      %swap3A_802 = tpu.vector_load %arg9[%swap3A_801] {strides = array<i32>} : memref<2048xi32, #tpu.memory_space<vmem>>, vector<16xi32>,
      tpu.vector_store %arg9[%swap3A_801], %broadcast_in_dim3A_3 {strides = array<i32>} : memref<2048xi32, #tpu.memory_space<vmem>>, vector<16xi32>,
      %swap3A_803 = arith.constant 1696 : index
      %swap3A_804 = tpu.vector_load %arg9[%swap3A_803] {strides = array<i32>} : memref<2048xi32, #tpu.memory_space<vmem>>, vector<16xi32>,
      tpu.vector_store %arg9[%swap3A_803], %broadcast_in_dim3A_3 {strides = array<i32>} : memref<2048xi32, #tpu.memory_space<vmem>>, vector<16xi32>,
      %swap3A_805 = arith.constant 1712 : index
      %swap3A_806 = tpu.vector_load %arg9[%swap3A_805] {strides = array<i32>} : memref<2048xi32, #tpu.memory_space<vmem>>, vector<16xi32>,
      tpu.vector_store %arg9[%swap3A_805], %broadcast_in_dim3A_3 {strides = array<i32>} : memref<2048xi32, #tpu.memory_space<vmem>>, vector<16xi32>,
      %swap3A_807 = arith.constant 1728 : index
      %swap3A_808 = tpu.vector_load %arg9[%swap3A_807] {strides = array<i32>} : memref<2048xi32, #tpu.memory_space<vmem>>, vector<16xi32>,
      tpu.vector_store %arg9[%swap3A_807], %broadcast_in_dim3A_3 {strides = array<i32>} : memref<2048xi32, #tpu.memory_space<vmem>>, vector<16xi32>,
      %swap3A_809 = arith.constant 1744 : index
      %swap3A_810 = tpu.vector_load %arg9[%swap3A_809] {strides = array<i32>} : memref<2048xi32, #tpu.memory_space<vmem>>, vector<16xi32>,
      tpu.vector_store %arg9[%swap3A_809], %broadcast_in_dim3A_3 {strides = array<i32>} : memref<2048xi32, #tpu.memory_space<vmem>>, vector<16xi32>,
      %swap3A_811 = arith.constant 1760 : index
      %swap3A_812 = tpu.vector_load %arg9[%swap3A_811] {strides = array<i32>} : memref<2048xi32, #tpu.memory_space<vmem>>, vector<16xi32>,
      tpu.vector_store %arg9[%swap3A_811], %broadcast_in_dim3A_3 {strides = array<i32>} : memref<2048xi32, #tpu.memory_space<vmem>>, vector<16xi32>,
      %swap3A_813 = arith.constant 1776 : index
      %swap3A_814 = tpu.vector_load %arg9[%swap3A_813] {strides = array<i32>} : memref<2048xi32, #tpu.memory_space<vmem>>, vector<16xi32>,
      tpu.vector_store %arg9[%swap3A_813], %broadcast_in_dim3A_3 {strides = array<i32>} : memref<2048xi32, #tpu.memory_space<vmem>>, vector<16xi32>,
      %swap3A_815 = arith.constant 1792 : index
      %swap3A_816 = tpu.vector_load %arg9[%swap3A_815] {strides = array<i32>} : memref<2048xi32, #tpu.memory_space<vmem>>, vector<16xi32>,
      tpu.vector_store %arg9[%swap3A_815], %broadcast_in_dim3A_3 {strides = array<i32>} : memref<2048xi32, #tpu.memory_space<vmem>>, vector<16xi32>,
      %swap3A_817 = arith.constant 1808 : index
      %swap3A_818 = tpu.vector_load %arg9[%swap3A_817] {strides = array<i32>} : memref<2048xi32, #tpu.memory_space<vmem>>, vector<16xi32>,
      tpu.vector_store %arg9[%swap3A_817], %broadcast_in_dim3A_3 {strides = array<i32>} : memref<2048xi32, #tpu.memory_space<vmem>>, vector<16xi32>,
      %swap3A_819 = arith.constant 1824 : index
      %swap3A_820 = tpu.vector_load %arg9[%swap3A_819] {strides = array<i32>} : memref<2048xi32, #tpu.memory_space<vmem>>, vector<16xi32>,
      tpu.vector_store %arg9[%swap3A_819], %broadcast_in_dim3A_3 {strides = array<i32>} : memref<2048xi32, #tpu.memory_space<vmem>>, vector<16xi32>,
      %swap3A_821 = arith.constant 1840 : index
      %swap3A_822 = tpu.vector_load %arg9[%swap3A_821] {strides = array<i32>} : memref<2048xi32, #tpu.memory_space<vmem>>, vector<16xi32>,
      tpu.vector_store %arg9[%swap3A_821], %broadcast_in_dim3A_3 {strides = array<i32>} : memref<2048xi32, #tpu.memory_space<vmem>>, vector<16xi32>,
      %swap3A_823 = arith.constant 1856 : index
      %swap3A_824 = tpu.vector_load %arg9[%swap3A_823] {strides = array<i32>} : memref<2048xi32, #tpu.memory_space<vmem>>, vector<16xi32>,
      tpu.vector_store %arg9[%swap3A_823], %broadcast_in_dim3A_3 {strides = array<i32>} : memref<2048xi32, #tpu.memory_space<vmem>>, vector<16xi32>,
      %swap3A_825 = arith.constant 1872 : index
      %swap3A_826 = tpu.vector_load %arg9[%swap3A_825] {strides = array<i32>} : memref<2048xi32, #tpu.memory_space<vmem>>, vector<16xi32>,
      tpu.vector_store %arg9[%swap3A_825], %broadcast_in_dim3A_3 {strides = array<i32>} : memref<2048xi32, #tpu.memory_space<vmem>>, vector<16xi32>,
      %swap3A_827 = arith.constant 1888 : index
      %swap3A_828 = tpu.vector_load %arg9[%swap3A_827] {strides = array<i32>} : memref<2048xi32, #tpu.memory_space<vmem>>, vector<16xi32>,
      tpu.vector_store %arg9[%swap3A_827], %broadcast_in_dim3A_3 {strides = array<i32>} : memref<2048xi32, #tpu.memory_space<vmem>>, vector<16xi32>,
      %swap3A_829 = arith.constant 1904 : index
      %swap3A_830 = tpu.vector_load %arg9[%swap3A_829] {strides = array<i32>} : memref<2048xi32, #tpu.memory_space<vmem>>, vector<16xi32>,
      tpu.vector_store %arg9[%swap3A_829], %broadcast_in_dim3A_3 {strides = array<i32>} : memref<2048xi32, #tpu.memory_space<vmem>>, vector<16xi32>,
      %swap3A_831 = arith.constant 1920 : index
      %swap3A_832 = tpu.vector_load %arg9[%swap3A_831] {strides = array<i32>} : memref<2048xi32, #tpu.memory_space<vmem>>, vector<16xi32>,
      tpu.vector_store %arg9[%swap3A_831], %broadcast_in_dim3A_3 {strides = array<i32>} : memref<2048xi32, #tpu.memory_space<vmem>>, vector<16xi32>,
      %swap3A_833 = arith.constant 1936 : index
      %swap3A_834 = tpu.vector_load %arg9[%swap3A_833] {strides = array<i32>} : memref<2048xi32, #tpu.memory_space<vmem>>, vector<16xi32>,
      tpu.vector_store %arg9[%swap3A_833], %broadcast_in_dim3A_3 {strides = array<i32>} : memref<2048xi32, #tpu.memory_space<vmem>>, vector<16xi32>,
      %swap3A_835 = arith.constant 1952 : index
      %swap3A_836 = tpu.vector_load %arg9[%swap3A_835] {strides = array<i32>} : memref<2048xi32, #tpu.memory_space<vmem>>, vector<16xi32>,
      tpu.vector_store %arg9[%swap3A_835], %broadcast_in_dim3A_3 {strides = array<i32>} : memref<2048xi32, #tpu.memory_space<vmem>>, vector<16xi32>,
      %swap3A_837 = arith.constant 1968 : index
      %swap3A_838 = tpu.vector_load %arg9[%swap3A_837] {strides = array<i32>} : memref<2048xi32, #tpu.memory_space<vmem>>, vector<16xi32>,
      tpu.vector_store %arg9[%swap3A_837], %broadcast_in_dim3A_3 {strides = array<i32>} : memref<2048xi32, #tpu.memory_space<vmem>>, vector<16xi32>,
      %swap3A_839 = arith.constant 1984 : index
      %swap3A_840 = tpu.vector_load %arg9[%swap3A_839] {strides = array<i32>} : memref<2048xi32, #tpu.memory_space<vmem>>, vector<16xi32>,
      tpu.vector_store %arg9[%swap3A_839], %broadcast_in_dim3A_3 {strides = array<i32>} : memref<2048xi32, #tpu.memory_space<vmem>>, vector<16xi32>,
      %swap3A_841 = arith.constant 2000 : index
      %swap3A_842 = tpu.vector_load %arg9[%swap3A_841] {strides = array<i32>} : memref<2048xi32, #tpu.memory_space<vmem>>, vector<16xi32>,
      tpu.vector_store %arg9[%swap3A_841], %broadcast_in_dim3A_3 {strides = array<i32>} : memref<2048xi32, #tpu.memory_space<vmem>>, vector<16xi32>,
      %swap3A_843 = arith.constant 2016 : index
      %swap3A_844 = tpu.vector_load %arg9[%swap3A_843] {strides = array<i32>} : memref<2048xi32, #tpu.memory_space<vmem>>, vector<16xi32>,
      tpu.vector_store %arg9[%swap3A_843], %broadcast_in_dim3A_3 {strides = array<i32>} : memref<2048xi32, #tpu.memory_space<vmem>>, vector<16xi32>,
      %swap3A_845 = arith.constant 2032 : index
      %swap3A_846 = tpu.vector_load %arg9[%swap3A_845] {strides = array<i32>} : memref<2048xi32, #tpu.memory_space<vmem>>, vector<16xi32>,
      tpu.vector_store %arg9[%swap3A_845], %broadcast_in_dim3A_3 {strides = array<i32>} : memref<2048xi32, #tpu.memory_space<vmem>>, vector<16xi32>,
      %swap3A_847 = arith.constant 0 : i32
      %swap3A_848 = arith.index_cast %swap3A_847 : i32 to index
      %swap3A_849 = arith.constant 0 : index
      %swap3A_850 = tpu.vector_load %arg15[%swap3A_848, %swap3A_849] {strides = array<i32>} : memref<16x16xi32, #tpu.memory_space<vmem>>, vector<16xi32>,
      tpu.vector_store %arg15[%swap3A_848, %swap3A_849], %broadcast_in_dim3A_3 {strides = array<i32>} : memref<16x16xi32, #tpu.memory_space<vmem>>, vector<16xi32>,
      %swap3A_851 = arith.constant 1 : i32
      %swap3A_852 = arith.index_cast %swap3A_851 : i32 to index
      %swap3A_853 = arith.constant 0 : index
      %swap3A_854 = tpu.vector_load %arg15[%swap3A_852, %swap3A_853] {strides = array<i32>} : memref<16x16xi32, #tpu.memory_space<vmem>>, vector<16xi32>,
      tpu.vector_store %arg15[%swap3A_852, %swap3A_853], %broadcast_in_dim3A_3 {strides = array<i32>} : memref<16x16xi32, #tpu.memory_space<vmem>>, vector<16xi32>,
      %swap3A_855 = arith.constant 2 : i32
      %swap3A_856 = arith.index_cast %swap3A_855 : i32 to index
      %swap3A_857 = arith.constant 0 : index
      %swap3A_858 = tpu.vector_load %arg15[%swap3A_856, %swap3A_857] {strides = array<i32>} : memref<16x16xi32, #tpu.memory_space<vmem>>, vector<16xi32>,
      tpu.vector_store %arg15[%swap3A_856, %swap3A_857], %broadcast_in_dim3A_3 {strides = array<i32>} : memref<16x16xi32, #tpu.memory_space<vmem>>, vector<16xi32>,
      %swap3A_859 = arith.constant 3 : i32
      %swap3A_860 = arith.index_cast %swap3A_859 : i32 to index
      %swap3A_861 = arith.constant 0 : index
      %swap3A_862 = tpu.vector_load %arg15[%swap3A_860, %swap3A_861] {strides = array<i32>} : memref<16x16xi32, #tpu.memory_space<vmem>>, vector<16xi32>,
      tpu.vector_store %arg15[%swap3A_860, %swap3A_861], %broadcast_in_dim3A_3 {strides = array<i32>} : memref<16x16xi32, #tpu.memory_space<vmem>>, vector<16xi32>,
      %swap3A_863 = arith.constant 4 : i32
      %swap3A_864 = arith.index_cast %swap3A_863 : i32 to index
      %swap3A_865 = arith.constant 0 : index
      %swap3A_866 = tpu.vector_load %arg15[%swap3A_864, %swap3A_865] {strides = array<i32>} : memref<16x16xi32, #tpu.memory_space<vmem>>, vector<16xi32>,
      tpu.vector_store %arg15[%swap3A_864, %swap3A_865], %broadcast_in_dim3A_3 {strides = array<i32>} : memref<16x16xi32, #tpu.memory_space<vmem>>, vector<16xi32>,
      %swap3A_867 = arith.constant 5 : i32
      %swap3A_868 = arith.index_cast %swap3A_867 : i32 to index
      %swap3A_869 = arith.constant 0 : index
      %swap3A_870 = tpu.vector_load %arg15[%swap3A_868, %swap3A_869] {strides = array<i32>} : memref<16x16xi32, #tpu.memory_space<vmem>>, vector<16xi32>,
      tpu.vector_store %arg15[%swap3A_868, %swap3A_869], %broadcast_in_dim3A_3 {strides = array<i32>} : memref<16x16xi32, #tpu.memory_space<vmem>>, vector<16xi32>,
      %swap3A_871 = arith.constant 6 : i32
      %swap3A_872 = arith.index_cast %swap3A_871 : i32 to index
      %swap3A_873 = arith.constant 0 : index
      %swap3A_874 = tpu.vector_load %arg15[%swap3A_872, %swap3A_873] {strides = array<i32>} : memref<16x16xi32, #tpu.memory_space<vmem>>, vector<16xi32>,
      tpu.vector_store %arg15[%swap3A_872, %swap3A_873], %broadcast_in_dim3A_3 {strides = array<i32>} : memref<16x16xi32, #tpu.memory_space<vmem>>, vector<16xi32>,
      %swap3A_875 = arith.constant 7 : i32
      %swap3A_876 = arith.index_cast %swap3A_875 : i32 to index
      %swap3A_877 = arith.constant 0 : index
      %swap3A_878 = tpu.vector_load %arg15[%swap3A_876, %swap3A_877] {strides = array<i32>} : memref<16x16xi32, #tpu.memory_space<vmem>>, vector<16xi32>,
      tpu.vector_store %arg15[%swap3A_876, %swap3A_877], %broadcast_in_dim3A_3 {strides = array<i32>} : memref<16x16xi32, #tpu.memory_space<vmem>>, vector<16xi32>,
      %swap3A_879 = arith.constant 8 : i32
      %swap3A_880 = arith.index_cast %swap3A_879 : i32 to index
      %swap3A_881 = arith.constant 0 : index
      %swap3A_882 = tpu.vector_load %arg15[%swap3A_880, %swap3A_881] {strides = array<i32>} : memref<16x16xi32, #tpu.memory_space<vmem>>, vector<16xi32>,
      tpu.vector_store %arg15[%swap3A_880, %swap3A_881], %broadcast_in_dim3A_3 {strides = array<i32>} : memref<16x16xi32, #tpu.memory_space<vmem>>, vector<16xi32>,
      %swap3A_883 = arith.constant 9 : i32
      %swap3A_884 = arith.index_cast %swap3A_883 : i32 to index
      %swap3A_885 = arith.constant 0 : index
      %swap3A_886 = tpu.vector_load %arg15[%swap3A_884, %swap3A_885] {strides = array<i32>} : memref<16x16xi32, #tpu.memory_space<vmem>>, vector<16xi32>,
      tpu.vector_store %arg15[%swap3A_884, %swap3A_885], %broadcast_in_dim3A_3 {strides = array<i32>} : memref<16x16xi32, #tpu.memory_space<vmem>>, vector<16xi32>,
      %swap3A_887 = arith.constant 10 : i32
      %swap3A_888 = arith.index_cast %swap3A_887 : i32 to index
      %swap3A_889 = arith.constant 0 : index
      %swap3A_890 = tpu.vector_load %arg15[%swap3A_888, %swap3A_889] {strides = array<i32>} : memref<16x16xi32, #tpu.memory_space<vmem>>, vector<16xi32>,
      tpu.vector_store %arg15[%swap3A_888, %swap3A_889], %broadcast_in_dim3A_3 {strides = array<i32>} : memref<16x16xi32, #tpu.memory_space<vmem>>, vector<16xi32>,
      %swap3A_891 = arith.constant 11 : i32
      %swap3A_892 = arith.index_cast %swap3A_891 : i32 to index
      %swap3A_893 = arith.constant 0 : index
      %swap3A_894 = tpu.vector_load %arg15[%swap3A_892, %swap3A_893] {strides = array<i32>} : memref<16x16xi32, #tpu.memory_space<vmem>>, vector<16xi32>,
      tpu.vector_store %arg15[%swap3A_892, %swap3A_893], %broadcast_in_dim3A_3 {strides = array<i32>} : memref<16x16xi32, #tpu.memory_space<vmem>>, vector<16xi32>,
      %swap3A_895 = arith.constant 12 : i32
      %swap3A_896 = arith.index_cast %swap3A_895 : i32 to index
      %swap3A_897 = arith.constant 0 : index
      %swap3A_898 = tpu.vector_load %arg15[%swap3A_896, %swap3A_897] {strides = array<i32>} : memref<16x16xi32, #tpu.memory_space<vmem>>, vector<16xi32>,
      tpu.vector_store %arg15[%swap3A_896, %swap3A_897], %broadcast_in_dim3A_3 {strides = array<i32>} : memref<16x16xi32, #tpu.memory_space<vmem>>, vector<16xi32>,
      %swap3A_899 = arith.constant 13 : i32
      %swap3A_900 = arith.index_cast %swap3A_899 : i32 to index
      %swap3A_901 = arith.constant 0 : index
      %swap3A_902 = tpu.vector_load %arg15[%swap3A_900, %swap3A_901] {strides = array<i32>} : memref<16x16xi32, #tpu.memory_space<vmem>>, vector<16xi32>,
      tpu.vector_store %arg15[%swap3A_900, %swap3A_901], %broadcast_in_dim3A_3 {strides = array<i32>} : memref<16x16xi32, #tpu.memory_space<vmem>>, vector<16xi32>,
      %swap3A_903 = arith.constant 14 : i32
      %swap3A_904 = arith.index_cast %swap3A_903 : i32 to index
      %swap3A_905 = arith.constant 0 : index
      %swap3A_906 = tpu.vector_load %arg15[%swap3A_904, %swap3A_905] {strides = array<i32>} : memref<16x16xi32, #tpu.memory_space<vmem>>, vector<16xi32>,
      tpu.vector_store %arg15[%swap3A_904, %swap3A_905], %broadcast_in_dim3A_3 {strides = array<i32>} : memref<16x16xi32, #tpu.memory_space<vmem>>, vector<16xi32>,
      %swap3A_907 = arith.constant 15 : i32
      %swap3A_908 = arith.index_cast %swap3A_907 : i32 to index
      %swap3A_909 = arith.constant 0 : index
      %swap3A_910 = tpu.vector_load %arg15[%swap3A_908, %swap3A_909] {strides = array<i32>} : memref<16x16xi32, #tpu.memory_space<vmem>>, vector<16xi32>,
      tpu.vector_store %arg15[%swap3A_908, %swap3A_909], %broadcast_in_dim3A_3 {strides = array<i32>} : memref<16x16xi32, #tpu.memory_space<vmem>>, vector<16xi32>,
      %parallel_loop3A = arith.constant 0 : i32
      %parallel_loop3A_911 = arith.constant 1024 : i32
      %parallel_loop3A_912 = arith.constant 1 : i32
      %parallel_loop3A_913:2 = scf.for %parallel_loop3A_2505 = %parallel_loop3A to %parallel_loop3A_911 step %parallel_loop3A_912 iter_args(%parallel_loop3A_2506 = %broadcast_in_dim3A_3, %parallel_loop3A_2507 = %broadcast_in_dim3A_3) -> (vector<16xi32>, vector<16xi32>)  : i32 {
        %parallel_loop3A_2508 = arith.constant 16 : i32
        %parallel_loop3A_2509 = arith.muli %parallel_loop3A_2505, %parallel_loop3A_2508 : i32
        %parallel_loop3A_2510 = arith.index_cast %parallel_loop3A_2509 : i32 to index
        %parallel_loop3A_2511 = tpu.vector_load %arg6[%parallel_loop3A_2510] {strides = array<i32>} : memref<16384xi32, #tpu.memory_space<vmem>>, vector<16xi32>,
        %parallel_loop3A_2512 = arith.index_cast %parallel_loop3A_2509 : i32 to index
        %parallel_loop3A_2513 = tpu.vector_load %arg7[%parallel_loop3A_2512] {strides = array<i32>} : memref<16384xf32, #tpu.memory_space<vmem>>, vector<16xf32>,
        %parallel_loop3A_2514 = arith.index_cast %parallel_loop3A_2509 : i32 to index
        %parallel_loop3A_2515 = tpu.vector_load %arg8[%parallel_loop3A_2514] {strides = array<i32>} : memref<16384xf32, #tpu.memory_space<vmem>>, vector<16xf32>,
        %parallel_loop3A_2516 = arith.constant 5.000000e-01 : f32
        %parallel_loop3A_2517 = vector.broadcast %parallel_loop3A_2516 : f32 to vector<16xf32>
        %parallel_loop3A_2518 = arith.cmpf ole, %parallel_loop3A_2513, %parallel_loop3A_2517 : vector<16xf32>
        %parallel_loop3A_2519 = arith.constant 0 : i32
        %parallel_loop3A_2520 = vector.broadcast %parallel_loop3A_2519 : i32 to vector<16xi32>
        %parallel_loop3A_2521 = arith.cmpi sge, %parallel_loop3A_2511, %parallel_loop3A_2520 : vector<16xi32>
        %parallel_loop3A_2522 = arith.constant 2147483647 : i32
        %parallel_loop3A_2523 = vector.broadcast %parallel_loop3A_2522 : i32 to vector<16xi32>
        %parallel_loop3A_2524 = arith.xori %parallel_loop3A_2511, %parallel_loop3A_2523 : vector<16xi32>
        %parallel_loop3A_2525 = arith.select %parallel_loop3A_2521, %parallel_loop3A_2511, %parallel_loop3A_2524 : vector<16xi1>, vector<16xi32>
        %parallel_loop3A_2526 = arith.constant -2147483648 : i32
        %parallel_loop3A_2527 = vector.broadcast %parallel_loop3A_2526 : i32 to vector<16xi32>
        %parallel_loop3A_2528 = arith.select %parallel_loop3A_2518, %parallel_loop3A_2525, %parallel_loop3A_2527 : vector<16xi1>, vector<16xi32>
        %parallel_loop3A_2529 = arith.index_cast %parallel_loop3A_2509 : i32 to index
        %parallel_loop3A_2530 = tpu.vector_load %arg6[%parallel_loop3A_2529] {strides = array<i32>} : memref<16384xi32, #tpu.memory_space<vmem>>, vector<16xi32>,
        tpu.vector_store %arg6[%parallel_loop3A_2529], %parallel_loop3A_2528 {strides = array<i32>} : memref<16384xi32, #tpu.memory_space<vmem>>, vector<16xi32>,
        %parallel_loop3A_2531 = arith.constant 21 : i32
        %parallel_loop3A_2532 = vector.broadcast %parallel_loop3A_2531 : i32 to vector<16xi32>
        %parallel_loop3A_2533 = arith.shrsi %parallel_loop3A_2528, %parallel_loop3A_2532 : vector<16xi32>
        %parallel_loop3A_2534 = arith.constant 1024 : i32
        %parallel_loop3A_2535 = vector.broadcast %parallel_loop3A_2534 : i32 to vector<16xi32>
        %parallel_loop3A_2536 = arith.addi %parallel_loop3A_2533, %parallel_loop3A_2535 : vector<16xi32>
        tpu.vector_store_idx %arg9[%parallel_loop3A_2536], %broadcast_in_dim3A_1 masked %parallel_loop3A_2518 {add = true} : memref<2048xi32, #tpu.memory_space<vmem>>[vector<16xi32>], vector<16xi32>, vector<16xi1>
        %parallel_loop3A_2537 = arith.constant 5.000000e-01 : f32
        %parallel_loop3A_2538 = vector.broadcast %parallel_loop3A_2537 : f32 to vector<16xf32>
        %parallel_loop3A_2539 = arith.cmpf ogt, %parallel_loop3A_2513, %parallel_loop3A_2538 : vector<16xf32>
        %parallel_loop3A_2540 = arith.constant 5.000000e-01 : f32
        %parallel_loop3A_2541 = vector.broadcast %parallel_loop3A_2540 : f32 to vector<16xf32>
        %parallel_loop3A_2542 = arith.cmpf ogt, %parallel_loop3A_2515, %parallel_loop3A_2541 : vector<16xf32>
        %parallel_loop3A_2543 = arith.andi %parallel_loop3A_2539, %parallel_loop3A_2542 : vector<16xi1>
        %parallel_loop3A_2544 = arith.constant 1 : i32
        %parallel_loop3A_2545 = arith.constant 0 : i32
        %parallel_loop3A_2546 = vector.broadcast %parallel_loop3A_2544 : i32 to vector<16xi32>
        %parallel_loop3A_2547 = vector.broadcast %parallel_loop3A_2545 : i32 to vector<16xi32>
        %parallel_loop3A_2548 = arith.select %parallel_loop3A_2543, %parallel_loop3A_2546, %parallel_loop3A_2547 : vector<16xi1>, vector<16xi32>
        %parallel_loop3A_2549 = arith.addi %parallel_loop3A_2506, %parallel_loop3A_2548 : vector<16xi32>
        %parallel_loop3A_2550 = arith.constant 1 : i32
        %parallel_loop3A_2551 = arith.constant 0 : i32
        %parallel_loop3A_2552 = vector.broadcast %parallel_loop3A_2550 : i32 to vector<16xi32>
        %parallel_loop3A_2553 = vector.broadcast %parallel_loop3A_2551 : i32 to vector<16xi32>
        %parallel_loop3A_2554 = arith.select %parallel_loop3A_2518, %parallel_loop3A_2552, %parallel_loop3A_2553 : vector<16xi1>, vector<16xi32>
        %parallel_loop3A_2555 = arith.addi %parallel_loop3A_2507, %parallel_loop3A_2554 : vector<16xi32>
        scf.yield %parallel_loop3A_2549, %parallel_loop3A_2555 : vector<16xi32>, vector<16xi32>
      } {sc.loop_unroll_factor = 8 : i64, sc.parallel_access}
      %swap3A_914 = arith.constant 0 : i32
      %swap3A_915 = arith.index_cast %swap3A_914 : i32 to index
      %swap3A_916 = arith.constant 0 : index
      %swap3A_917 = tpu.vector_load %arg15[%swap3A_915, %swap3A_916] {strides = array<i32>} : memref<16x16xi32, #tpu.memory_space<vmem>>, vector<16xi32>,
      tpu.vector_store %arg15[%swap3A_915, %swap3A_916], %parallel_loop3A_913#0 {strides = array<i32>} : memref<16x16xi32, #tpu.memory_space<vmem>>, vector<16xi32>,
      %swap3A_918 = arith.constant 1 : i32
      %swap3A_919 = arith.index_cast %swap3A_918 : i32 to index
      %swap3A_920 = arith.constant 0 : index
      %swap3A_921 = tpu.vector_load %arg15[%swap3A_919, %swap3A_920] {strides = array<i32>} : memref<16x16xi32, #tpu.memory_space<vmem>>, vector<16xi32>,
      tpu.vector_store %arg15[%swap3A_919, %swap3A_920], %parallel_loop3A_913#1 {strides = array<i32>} : memref<16x16xi32, #tpu.memory_space<vmem>>, vector<16xi32>,
      %barrier3A = arith.constant 0 : index
      tpu.barrier barrier_id(%barrier3A)
      %eq3A = arith.constant 0 : i32
      %eq3A_922 = arith.cmpi eq, %arg1, %eq3A : i32
      %convert_element_type3A = arith.extui %eq3A_922 : i1 to i32
      %cond3A = arith.constant 0 : i32
      %cond3A_923 = arith.cmpi ne, %convert_element_type3A, %cond3A : i32
      scf.if %cond3A_923 {
        "tpu.region"() ({
          %run_scoped3A = tpu.sem_alloc : memref<!tpu.dma_semaphore, #tpu.memory_space<semaphore_mem>>
          tpu.enqueue_dma source(%arg13 : memref<16x128xi32, #tpu.memory_space<vmem>>) target(%arg19 : memref<16x128xi32, #tpu.memory_space<vmem_shared>>) target_semaphore(%run_scoped3A : memref<!tpu.dma_semaphore, #tpu.memory_space<semaphore_mem>>)
          tpu.wait_dma2 semaphore(%run_scoped3A : memref<!tpu.dma_semaphore, #tpu.memory_space<semaphore_mem>>) src(%arg13 : memref<16x128xi32, #tpu.memory_space<vmem>>) dst(%arg19 : memref<16x128xi32, #tpu.memory_space<vmem_shared>>)
          tpu.yield
        }) : () -> ()
        "tpu.region"() ({
          %run_scoped3A = tpu.sem_alloc : memref<!tpu.dma_semaphore, #tpu.memory_space<semaphore_mem>>
          tpu.enqueue_dma source(%arg14 : memref<16x16xi32, #tpu.memory_space<vmem>>) target(%arg20 : memref<16x16xi32, #tpu.memory_space<vmem_shared>>) target_semaphore(%run_scoped3A : memref<!tpu.dma_semaphore, #tpu.memory_space<semaphore_mem>>)
          tpu.wait_dma2 semaphore(%run_scoped3A : memref<!tpu.dma_semaphore, #tpu.memory_space<semaphore_mem>>) src(%arg14 : memref<16x16xi32, #tpu.memory_space<vmem>>) dst(%arg20 : memref<16x16xi32, #tpu.memory_space<vmem_shared>>)
          tpu.yield
        }) : () -> ()
      } else {
      }
      %barrier3A_924 = arith.constant 0 : index
      tpu.barrier barrier_id(%barrier3A_924)
      %get3A = arith.constant 0 : index
      %get3A_925 = tpu.vector_load %arg9[%get3A] {strides = array<i32>} : memref<2048xi32, #tpu.memory_space<vmem>>, vector<16xi32>,
      %swap3A_926 = arith.constant 0 : i32
      %swap3A_927 = arith.index_cast %swap3A_926 : i32 to index
      %swap3A_928 = arith.constant 0 : index
      %swap3A_929 = tpu.vector_load %arg10[%swap3A_927, %swap3A_928] {strides = array<i32>} : memref<16x128xi32, #tpu.memory_space<vmem>>, vector<16xi32>,
      tpu.vector_store %arg10[%swap3A_927, %swap3A_928], %get3A_925 {strides = array<i32>} : memref<16x128xi32, #tpu.memory_space<vmem>>, vector<16xi32>,
      %get3A_930 = arith.constant 16 : index
      %get3A_931 = tpu.vector_load %arg9[%get3A_930] {strides = array<i32>} : memref<2048xi32, #tpu.memory_space<vmem>>, vector<16xi32>,
      %swap3A_932 = arith.constant 0 : i32
      %swap3A_933 = arith.index_cast %swap3A_932 : i32 to index
      %swap3A_934 = arith.constant 16 : index
      %swap3A_935 = tpu.vector_load %arg10[%swap3A_933, %swap3A_934] {strides = array<i32>} : memref<16x128xi32, #tpu.memory_space<vmem>>, vector<16xi32>,
      tpu.vector_store %arg10[%swap3A_933, %swap3A_934], %get3A_931 {strides = array<i32>} : memref<16x128xi32, #tpu.memory_space<vmem>>, vector<16xi32>,
      %get3A_936 = arith.constant 32 : index
      %get3A_937 = tpu.vector_load %arg9[%get3A_936] {strides = array<i32>} : memref<2048xi32, #tpu.memory_space<vmem>>, vector<16xi32>,
      %swap3A_938 = arith.constant 0 : i32
      %swap3A_939 = arith.index_cast %swap3A_938 : i32 to index
      %swap3A_940 = arith.constant 32 : index
      %swap3A_941 = tpu.vector_load %arg10[%swap3A_939, %swap3A_940] {strides = array<i32>} : memref<16x128xi32, #tpu.memory_space<vmem>>, vector<16xi32>,
      tpu.vector_store %arg10[%swap3A_939, %swap3A_940], %get3A_937 {strides = array<i32>} : memref<16x128xi32, #tpu.memory_space<vmem>>, vector<16xi32>,
      %get3A_942 = arith.constant 48 : index
      %get3A_943 = tpu.vector_load %arg9[%get3A_942] {strides = array<i32>} : memref<2048xi32, #tpu.memory_space<vmem>>, vector<16xi32>,
      %swap3A_944 = arith.constant 0 : i32
      %swap3A_945 = arith.index_cast %swap3A_944 : i32 to index
      %swap3A_946 = arith.constant 48 : index
      %swap3A_947 = tpu.vector_load %arg10[%swap3A_945, %swap3A_946] {strides = array<i32>} : memref<16x128xi32, #tpu.memory_space<vmem>>, vector<16xi32>,
      tpu.vector_store %arg10[%swap3A_945, %swap3A_946], %get3A_943 {strides = array<i32>} : memref<16x128xi32, #tpu.memory_space<vmem>>, vector<16xi32>,
      %get3A_948 = arith.constant 64 : index
      %get3A_949 = tpu.vector_load %arg9[%get3A_948] {strides = array<i32>} : memref<2048xi32, #tpu.memory_space<vmem>>, vector<16xi32>,
      %swap3A_950 = arith.constant 0 : i32
      %swap3A_951 = arith.index_cast %swap3A_950 : i32 to index
      %swap3A_952 = arith.constant 64 : index
      %swap3A_953 = tpu.vector_load %arg10[%swap3A_951, %swap3A_952] {strides = array<i32>} : memref<16x128xi32, #tpu.memory_space<vmem>>, vector<16xi32>,
      tpu.vector_store %arg10[%swap3A_951, %swap3A_952], %get3A_949 {strides = array<i32>} : memref<16x128xi32, #tpu.memory_space<vmem>>, vector<16xi32>,
      %get3A_954 = arith.constant 80 : index
      %get3A_955 = tpu.vector_load %arg9[%get3A_954] {strides = array<i32>} : memref<2048xi32, #tpu.memory_space<vmem>>, vector<16xi32>,
      %swap3A_956 = arith.constant 0 : i32
      %swap3A_957 = arith.index_cast %swap3A_956 : i32 to index
      %swap3A_958 = arith.constant 80 : index
      %swap3A_959 = tpu.vector_load %arg10[%swap3A_957, %swap3A_958] {strides = array<i32>} : memref<16x128xi32, #tpu.memory_space<vmem>>, vector<16xi32>,
      tpu.vector_store %arg10[%swap3A_957, %swap3A_958], %get3A_955 {strides = array<i32>} : memref<16x128xi32, #tpu.memory_space<vmem>>, vector<16xi32>,
      %get3A_960 = arith.constant 96 : index
      %get3A_961 = tpu.vector_load %arg9[%get3A_960] {strides = array<i32>} : memref<2048xi32, #tpu.memory_space<vmem>>, vector<16xi32>,
      %swap3A_962 = arith.constant 0 : i32
      %swap3A_963 = arith.index_cast %swap3A_962 : i32 to index
      %swap3A_964 = arith.constant 96 : index
      %swap3A_965 = tpu.vector_load %arg10[%swap3A_963, %swap3A_964] {strides = array<i32>} : memref<16x128xi32, #tpu.memory_space<vmem>>, vector<16xi32>,
      tpu.vector_store %arg10[%swap3A_963, %swap3A_964], %get3A_961 {strides = array<i32>} : memref<16x128xi32, #tpu.memory_space<vmem>>, vector<16xi32>,
      %get3A_966 = arith.constant 112 : index
      %get3A_967 = tpu.vector_load %arg9[%get3A_966] {strides = array<i32>} : memref<2048xi32, #tpu.memory_space<vmem>>, vector<16xi32>,
      %swap3A_968 = arith.constant 0 : i32
      %swap3A_969 = arith.index_cast %swap3A_968 : i32 to index
      %swap3A_970 = arith.constant 112 : index
      %swap3A_971 = tpu.vector_load %arg10[%swap3A_969, %swap3A_970] {strides = array<i32>} : memref<16x128xi32, #tpu.memory_space<vmem>>, vector<16xi32>,
      tpu.vector_store %arg10[%swap3A_969, %swap3A_970], %get3A_967 {strides = array<i32>} : memref<16x128xi32, #tpu.memory_space<vmem>>, vector<16xi32>,
      %get3A_972 = arith.constant 128 : index
      %get3A_973 = tpu.vector_load %arg9[%get3A_972] {strides = array<i32>} : memref<2048xi32, #tpu.memory_space<vmem>>, vector<16xi32>,
      %swap3A_974 = arith.constant 1 : i32
      %swap3A_975 = arith.index_cast %swap3A_974 : i32 to index
      %swap3A_976 = arith.constant 0 : index
      %swap3A_977 = tpu.vector_load %arg10[%swap3A_975, %swap3A_976] {strides = array<i32>} : memref<16x128xi32, #tpu.memory_space<vmem>>, vector<16xi32>,
      tpu.vector_store %arg10[%swap3A_975, %swap3A_976], %get3A_973 {strides = array<i32>} : memref<16x128xi32, #tpu.memory_space<vmem>>, vector<16xi32>,
      %get3A_978 = arith.constant 144 : index
      %get3A_979 = tpu.vector_load %arg9[%get3A_978] {strides = array<i32>} : memref<2048xi32, #tpu.memory_space<vmem>>, vector<16xi32>,
      %swap3A_980 = arith.constant 1 : i32
      %swap3A_981 = arith.index_cast %swap3A_980 : i32 to index
      %swap3A_982 = arith.constant 16 : index
      %swap3A_983 = tpu.vector_load %arg10[%swap3A_981, %swap3A_982] {strides = array<i32>} : memref<16x128xi32, #tpu.memory_space<vmem>>, vector<16xi32>,
      tpu.vector_store %arg10[%swap3A_981, %swap3A_982], %get3A_979 {strides = array<i32>} : memref<16x128xi32, #tpu.memory_space<vmem>>, vector<16xi32>,
      %get3A_984 = arith.constant 160 : index
      %get3A_985 = tpu.vector_load %arg9[%get3A_984] {strides = array<i32>} : memref<2048xi32, #tpu.memory_space<vmem>>, vector<16xi32>,
      %swap3A_986 = arith.constant 1 : i32
      %swap3A_987 = arith.index_cast %swap3A_986 : i32 to index
      %swap3A_988 = arith.constant 32 : index
      %swap3A_989 = tpu.vector_load %arg10[%swap3A_987, %swap3A_988] {strides = array<i32>} : memref<16x128xi32, #tpu.memory_space<vmem>>, vector<16xi32>,
      tpu.vector_store %arg10[%swap3A_987, %swap3A_988], %get3A_985 {strides = array<i32>} : memref<16x128xi32, #tpu.memory_space<vmem>>, vector<16xi32>,
      %get3A_990 = arith.constant 176 : index
      %get3A_991 = tpu.vector_load %arg9[%get3A_990] {strides = array<i32>} : memref<2048xi32, #tpu.memory_space<vmem>>, vector<16xi32>,
      %swap3A_992 = arith.constant 1 : i32
      %swap3A_993 = arith.index_cast %swap3A_992 : i32 to index
      %swap3A_994 = arith.constant 48 : index
      %swap3A_995 = tpu.vector_load %arg10[%swap3A_993, %swap3A_994] {strides = array<i32>} : memref<16x128xi32, #tpu.memory_space<vmem>>, vector<16xi32>,
      tpu.vector_store %arg10[%swap3A_993, %swap3A_994], %get3A_991 {strides = array<i32>} : memref<16x128xi32, #tpu.memory_space<vmem>>, vector<16xi32>,
      %get3A_996 = arith.constant 192 : index
      %get3A_997 = tpu.vector_load %arg9[%get3A_996] {strides = array<i32>} : memref<2048xi32, #tpu.memory_space<vmem>>, vector<16xi32>,
      %swap3A_998 = arith.constant 1 : i32
      %swap3A_999 = arith.index_cast %swap3A_998 : i32 to index
      %swap3A_1000 = arith.constant 64 : index
      %swap3A_1001 = tpu.vector_load %arg10[%swap3A_999, %swap3A_1000] {strides = array<i32>} : memref<16x128xi32, #tpu.memory_space<vmem>>, vector<16xi32>,
      tpu.vector_store %arg10[%swap3A_999, %swap3A_1000], %get3A_997 {strides = array<i32>} : memref<16x128xi32, #tpu.memory_space<vmem>>, vector<16xi32>,
      %get3A_1002 = arith.constant 208 : index
      %get3A_1003 = tpu.vector_load %arg9[%get3A_1002] {strides = array<i32>} : memref<2048xi32, #tpu.memory_space<vmem>>, vector<16xi32>,
      %swap3A_1004 = arith.constant 1 : i32
      %swap3A_1005 = arith.index_cast %swap3A_1004 : i32 to index
      %swap3A_1006 = arith.constant 80 : index
      %swap3A_1007 = tpu.vector_load %arg10[%swap3A_1005, %swap3A_1006] {strides = array<i32>} : memref<16x128xi32, #tpu.memory_space<vmem>>, vector<16xi32>,
      tpu.vector_store %arg10[%swap3A_1005, %swap3A_1006], %get3A_1003 {strides = array<i32>} : memref<16x128xi32, #tpu.memory_space<vmem>>, vector<16xi32>,
      %get3A_1008 = arith.constant 224 : index
      %get3A_1009 = tpu.vector_load %arg9[%get3A_1008] {strides = array<i32>} : memref<2048xi32, #tpu.memory_space<vmem>>, vector<16xi32>,
      %swap3A_1010 = arith.constant 1 : i32
      %swap3A_1011 = arith.index_cast %swap3A_1010 : i32 to index
      %swap3A_1012 = arith.constant 96 : index
      %swap3A_1013 = tpu.vector_load %arg10[%swap3A_1011, %swap3A_1012] {strides = array<i32>} : memref<16x128xi32, #tpu.memory_space<vmem>>, vector<16xi32>,
      tpu.vector_store %arg10[%swap3A_1011, %swap3A_1012], %get3A_1009 {strides = array<i32>} : memref<16x128xi32, #tpu.memory_space<vmem>>, vector<16xi32>,
      %get3A_1014 = arith.constant 240 : index
      %get3A_1015 = tpu.vector_load %arg9[%get3A_1014] {strides = array<i32>} : memref<2048xi32, #tpu.memory_space<vmem>>, vector<16xi32>,
      %swap3A_1016 = arith.constant 1 : i32
      %swap3A_1017 = arith.index_cast %swap3A_1016 : i32 to index
      %swap3A_1018 = arith.constant 112 : index
      %swap3A_1019 = tpu.vector_load %arg10[%swap3A_1017, %swap3A_1018] {strides = array<i32>} : memref<16x128xi32, #tpu.memory_space<vmem>>, vector<16xi32>,
      tpu.vector_store %arg10[%swap3A_1017, %swap3A_1018], %get3A_1015 {strides = array<i32>} : memref<16x128xi32, #tpu.memory_space<vmem>>, vector<16xi32>,
      %get3A_1020 = arith.constant 256 : index
      %get3A_1021 = tpu.vector_load %arg9[%get3A_1020] {strides = array<i32>} : memref<2048xi32, #tpu.memory_space<vmem>>, vector<16xi32>,
      %swap3A_1022 = arith.constant 2 : i32
      %swap3A_1023 = arith.index_cast %swap3A_1022 : i32 to index
      %swap3A_1024 = arith.constant 0 : index
      %swap3A_1025 = tpu.vector_load %arg10[%swap3A_1023, %swap3A_1024] {strides = array<i32>} : memref<16x128xi32, #tpu.memory_space<vmem>>, vector<16xi32>,
      tpu.vector_store %arg10[%swap3A_1023, %swap3A_1024], %get3A_1021 {strides = array<i32>} : memref<16x128xi32, #tpu.memory_space<vmem>>, vector<16xi32>,
      %get3A_1026 = arith.constant 272 : index
      %get3A_1027 = tpu.vector_load %arg9[%get3A_1026] {strides = array<i32>} : memref<2048xi32, #tpu.memory_space<vmem>>, vector<16xi32>,
      %swap3A_1028 = arith.constant 2 : i32
      %swap3A_1029 = arith.index_cast %swap3A_1028 : i32 to index
      %swap3A_1030 = arith.constant 16 : index
      %swap3A_1031 = tpu.vector_load %arg10[%swap3A_1029, %swap3A_1030] {strides = array<i32>} : memref<16x128xi32, #tpu.memory_space<vmem>>, vector<16xi32>,
      tpu.vector_store %arg10[%swap3A_1029, %swap3A_1030], %get3A_1027 {strides = array<i32>} : memref<16x128xi32, #tpu.memory_space<vmem>>, vector<16xi32>,
      %get3A_1032 = arith.constant 288 : index
      %get3A_1033 = tpu.vector_load %arg9[%get3A_1032] {strides = array<i32>} : memref<2048xi32, #tpu.memory_space<vmem>>, vector<16xi32>,
      %swap3A_1034 = arith.constant 2 : i32
      %swap3A_1035 = arith.index_cast %swap3A_1034 : i32 to index
      %swap3A_1036 = arith.constant 32 : index
      %swap3A_1037 = tpu.vector_load %arg10[%swap3A_1035, %swap3A_1036] {strides = array<i32>} : memref<16x128xi32, #tpu.memory_space<vmem>>, vector<16xi32>,
      tpu.vector_store %arg10[%swap3A_1035, %swap3A_1036], %get3A_1033 {strides = array<i32>} : memref<16x128xi32, #tpu.memory_space<vmem>>, vector<16xi32>,
      %get3A_1038 = arith.constant 304 : index
      %get3A_1039 = tpu.vector_load %arg9[%get3A_1038] {strides = array<i32>} : memref<2048xi32, #tpu.memory_space<vmem>>, vector<16xi32>,
      %swap3A_1040 = arith.constant 2 : i32
      %swap3A_1041 = arith.index_cast %swap3A_1040 : i32 to index
      %swap3A_1042 = arith.constant 48 : index
      %swap3A_1043 = tpu.vector_load %arg10[%swap3A_1041, %swap3A_1042] {strides = array<i32>} : memref<16x128xi32, #tpu.memory_space<vmem>>, vector<16xi32>,
      tpu.vector_store %arg10[%swap3A_1041, %swap3A_1042], %get3A_1039 {strides = array<i32>} : memref<16x128xi32, #tpu.memory_space<vmem>>, vector<16xi32>,
      %get3A_1044 = arith.constant 320 : index
      %get3A_1045 = tpu.vector_load %arg9[%get3A_1044] {strides = array<i32>} : memref<2048xi32, #tpu.memory_space<vmem>>, vector<16xi32>,
      %swap3A_1046 = arith.constant 2 : i32
      %swap3A_1047 = arith.index_cast %swap3A_1046 : i32 to index
      %swap3A_1048 = arith.constant 64 : index
      %swap3A_1049 = tpu.vector_load %arg10[%swap3A_1047, %swap3A_1048] {strides = array<i32>} : memref<16x128xi32, #tpu.memory_space<vmem>>, vector<16xi32>,
      tpu.vector_store %arg10[%swap3A_1047, %swap3A_1048], %get3A_1045 {strides = array<i32>} : memref<16x128xi32, #tpu.memory_space<vmem>>, vector<16xi32>,
      %get3A_1050 = arith.constant 336 : index
      %get3A_1051 = tpu.vector_load %arg9[%get3A_1050] {strides = array<i32>} : memref<2048xi32, #tpu.memory_space<vmem>>, vector<16xi32>,
      %swap3A_1052 = arith.constant 2 : i32
      %swap3A_1053 = arith.index_cast %swap3A_1052 : i32 to index
      %swap3A_1054 = arith.constant 80 : index
      %swap3A_1055 = tpu.vector_load %arg10[%swap3A_1053, %swap3A_1054] {strides = array<i32>} : memref<16x128xi32, #tpu.memory_space<vmem>>, vector<16xi32>,
      tpu.vector_store %arg10[%swap3A_1053, %swap3A_1054], %get3A_1051 {strides = array<i32>} : memref<16x128xi32, #tpu.memory_space<vmem>>, vector<16xi32>,
      %get3A_1056 = arith.constant 352 : index
      %get3A_1057 = tpu.vector_load %arg9[%get3A_1056] {strides = array<i32>} : memref<2048xi32, #tpu.memory_space<vmem>>, vector<16xi32>,
      %swap3A_1058 = arith.constant 2 : i32
      %swap3A_1059 = arith.index_cast %swap3A_1058 : i32 to index
      %swap3A_1060 = arith.constant 96 : index
      %swap3A_1061 = tpu.vector_load %arg10[%swap3A_1059, %swap3A_1060] {strides = array<i32>} : memref<16x128xi32, #tpu.memory_space<vmem>>, vector<16xi32>,
      tpu.vector_store %arg10[%swap3A_1059, %swap3A_1060], %get3A_1057 {strides = array<i32>} : memref<16x128xi32, #tpu.memory_space<vmem>>, vector<16xi32>,
      %get3A_1062 = arith.constant 368 : index
      %get3A_1063 = tpu.vector_load %arg9[%get3A_1062] {strides = array<i32>} : memref<2048xi32, #tpu.memory_space<vmem>>, vector<16xi32>,
      %swap3A_1064 = arith.constant 2 : i32
      %swap3A_1065 = arith.index_cast %swap3A_1064 : i32 to index
      %swap3A_1066 = arith.constant 112 : index
      %swap3A_1067 = tpu.vector_load %arg10[%swap3A_1065, %swap3A_1066] {strides = array<i32>} : memref<16x128xi32, #tpu.memory_space<vmem>>, vector<16xi32>,
      tpu.vector_store %arg10[%swap3A_1065, %swap3A_1066], %get3A_1063 {strides = array<i32>} : memref<16x128xi32, #tpu.memory_space<vmem>>, vector<16xi32>,
      %get3A_1068 = arith.constant 384 : index
      %get3A_1069 = tpu.vector_load %arg9[%get3A_1068] {strides = array<i32>} : memref<2048xi32, #tpu.memory_space<vmem>>, vector<16xi32>,
      %swap3A_1070 = arith.constant 3 : i32
      %swap3A_1071 = arith.index_cast %swap3A_1070 : i32 to index
      %swap3A_1072 = arith.constant 0 : index
      %swap3A_1073 = tpu.vector_load %arg10[%swap3A_1071, %swap3A_1072] {strides = array<i32>} : memref<16x128xi32, #tpu.memory_space<vmem>>, vector<16xi32>,
      tpu.vector_store %arg10[%swap3A_1071, %swap3A_1072], %get3A_1069 {strides = array<i32>} : memref<16x128xi32, #tpu.memory_space<vmem>>, vector<16xi32>,
      %get3A_1074 = arith.constant 400 : index
      %get3A_1075 = tpu.vector_load %arg9[%get3A_1074] {strides = array<i32>} : memref<2048xi32, #tpu.memory_space<vmem>>, vector<16xi32>,
      %swap3A_1076 = arith.constant 3 : i32
      %swap3A_1077 = arith.index_cast %swap3A_1076 : i32 to index
      %swap3A_1078 = arith.constant 16 : index
      %swap3A_1079 = tpu.vector_load %arg10[%swap3A_1077, %swap3A_1078] {strides = array<i32>} : memref<16x128xi32, #tpu.memory_space<vmem>>, vector<16xi32>,
      tpu.vector_store %arg10[%swap3A_1077, %swap3A_1078], %get3A_1075 {strides = array<i32>} : memref<16x128xi32, #tpu.memory_space<vmem>>, vector<16xi32>,
      %get3A_1080 = arith.constant 416 : index
      %get3A_1081 = tpu.vector_load %arg9[%get3A_1080] {strides = array<i32>} : memref<2048xi32, #tpu.memory_space<vmem>>, vector<16xi32>,
      %swap3A_1082 = arith.constant 3 : i32
      %swap3A_1083 = arith.index_cast %swap3A_1082 : i32 to index
      %swap3A_1084 = arith.constant 32 : index
      %swap3A_1085 = tpu.vector_load %arg10[%swap3A_1083, %swap3A_1084] {strides = array<i32>} : memref<16x128xi32, #tpu.memory_space<vmem>>, vector<16xi32>,
      tpu.vector_store %arg10[%swap3A_1083, %swap3A_1084], %get3A_1081 {strides = array<i32>} : memref<16x128xi32, #tpu.memory_space<vmem>>, vector<16xi32>,
      %get3A_1086 = arith.constant 432 : index
      %get3A_1087 = tpu.vector_load %arg9[%get3A_1086] {strides = array<i32>} : memref<2048xi32, #tpu.memory_space<vmem>>, vector<16xi32>,
      %swap3A_1088 = arith.constant 3 : i32
      %swap3A_1089 = arith.index_cast %swap3A_1088 : i32 to index
      %swap3A_1090 = arith.constant 48 : index
      %swap3A_1091 = tpu.vector_load %arg10[%swap3A_1089, %swap3A_1090] {strides = array<i32>} : memref<16x128xi32, #tpu.memory_space<vmem>>, vector<16xi32>,
      tpu.vector_store %arg10[%swap3A_1089, %swap3A_1090], %get3A_1087 {strides = array<i32>} : memref<16x128xi32, #tpu.memory_space<vmem>>, vector<16xi32>,
      %get3A_1092 = arith.constant 448 : index
      %get3A_1093 = tpu.vector_load %arg9[%get3A_1092] {strides = array<i32>} : memref<2048xi32, #tpu.memory_space<vmem>>, vector<16xi32>,
      %swap3A_1094 = arith.constant 3 : i32
      %swap3A_1095 = arith.index_cast %swap3A_1094 : i32 to index
      %swap3A_1096 = arith.constant 64 : index
      %swap3A_1097 = tpu.vector_load %arg10[%swap3A_1095, %swap3A_1096] {strides = array<i32>} : memref<16x128xi32, #tpu.memory_space<vmem>>, vector<16xi32>,
      tpu.vector_store %arg10[%swap3A_1095, %swap3A_1096], %get3A_1093 {strides = array<i32>} : memref<16x128xi32, #tpu.memory_space<vmem>>, vector<16xi32>,
      %get3A_1098 = arith.constant 464 : index
      %get3A_1099 = tpu.vector_load %arg9[%get3A_1098] {strides = array<i32>} : memref<2048xi32, #tpu.memory_space<vmem>>, vector<16xi32>,
      %swap3A_1100 = arith.constant 3 : i32
      %swap3A_1101 = arith.index_cast %swap3A_1100 : i32 to index
      %swap3A_1102 = arith.constant 80 : index
      %swap3A_1103 = tpu.vector_load %arg10[%swap3A_1101, %swap3A_1102] {strides = array<i32>} : memref<16x128xi32, #tpu.memory_space<vmem>>, vector<16xi32>,
      tpu.vector_store %arg10[%swap3A_1101, %swap3A_1102], %get3A_1099 {strides = array<i32>} : memref<16x128xi32, #tpu.memory_space<vmem>>, vector<16xi32>,
      %get3A_1104 = arith.constant 480 : index
      %get3A_1105 = tpu.vector_load %arg9[%get3A_1104] {strides = array<i32>} : memref<2048xi32, #tpu.memory_space<vmem>>, vector<16xi32>,
      %swap3A_1106 = arith.constant 3 : i32
      %swap3A_1107 = arith.index_cast %swap3A_1106 : i32 to index
      %swap3A_1108 = arith.constant 96 : index
      %swap3A_1109 = tpu.vector_load %arg10[%swap3A_1107, %swap3A_1108] {strides = array<i32>} : memref<16x128xi32, #tpu.memory_space<vmem>>, vector<16xi32>,
      tpu.vector_store %arg10[%swap3A_1107, %swap3A_1108], %get3A_1105 {strides = array<i32>} : memref<16x128xi32, #tpu.memory_space<vmem>>, vector<16xi32>,
      %get3A_1110 = arith.constant 496 : index
      %get3A_1111 = tpu.vector_load %arg9[%get3A_1110] {strides = array<i32>} : memref<2048xi32, #tpu.memory_space<vmem>>, vector<16xi32>,
      %swap3A_1112 = arith.constant 3 : i32
      %swap3A_1113 = arith.index_cast %swap3A_1112 : i32 to index
      %swap3A_1114 = arith.constant 112 : index
      %swap3A_1115 = tpu.vector_load %arg10[%swap3A_1113, %swap3A_1114] {strides = array<i32>} : memref<16x128xi32, #tpu.memory_space<vmem>>, vector<16xi32>,
      tpu.vector_store %arg10[%swap3A_1113, %swap3A_1114], %get3A_1111 {strides = array<i32>} : memref<16x128xi32, #tpu.memory_space<vmem>>, vector<16xi32>,
      %get3A_1116 = arith.constant 512 : index
      %get3A_1117 = tpu.vector_load %arg9[%get3A_1116] {strides = array<i32>} : memref<2048xi32, #tpu.memory_space<vmem>>, vector<16xi32>,
      %swap3A_1118 = arith.constant 4 : i32
      %swap3A_1119 = arith.index_cast %swap3A_1118 : i32 to index
      %swap3A_1120 = arith.constant 0 : index
      %swap3A_1121 = tpu.vector_load %arg10[%swap3A_1119, %swap3A_1120] {strides = array<i32>} : memref<16x128xi32, #tpu.memory_space<vmem>>, vector<16xi32>,
      tpu.vector_store %arg10[%swap3A_1119, %swap3A_1120], %get3A_1117 {strides = array<i32>} : memref<16x128xi32, #tpu.memory_space<vmem>>, vector<16xi32>,
      %get3A_1122 = arith.constant 528 : index
      %get3A_1123 = tpu.vector_load %arg9[%get3A_1122] {strides = array<i32>} : memref<2048xi32, #tpu.memory_space<vmem>>, vector<16xi32>,
      %swap3A_1124 = arith.constant 4 : i32
      %swap3A_1125 = arith.index_cast %swap3A_1124 : i32 to index
      %swap3A_1126 = arith.constant 16 : index
      %swap3A_1127 = tpu.vector_load %arg10[%swap3A_1125, %swap3A_1126] {strides = array<i32>} : memref<16x128xi32, #tpu.memory_space<vmem>>, vector<16xi32>,
      tpu.vector_store %arg10[%swap3A_1125, %swap3A_1126], %get3A_1123 {strides = array<i32>} : memref<16x128xi32, #tpu.memory_space<vmem>>, vector<16xi32>,
      %get3A_1128 = arith.constant 544 : index
      %get3A_1129 = tpu.vector_load %arg9[%get3A_1128] {strides = array<i32>} : memref<2048xi32, #tpu.memory_space<vmem>>, vector<16xi32>,
      %swap3A_1130 = arith.constant 4 : i32
      %swap3A_1131 = arith.index_cast %swap3A_1130 : i32 to index
      %swap3A_1132 = arith.constant 32 : index
      %swap3A_1133 = tpu.vector_load %arg10[%swap3A_1131, %swap3A_1132] {strides = array<i32>} : memref<16x128xi32, #tpu.memory_space<vmem>>, vector<16xi32>,
      tpu.vector_store %arg10[%swap3A_1131, %swap3A_1132], %get3A_1129 {strides = array<i32>} : memref<16x128xi32, #tpu.memory_space<vmem>>, vector<16xi32>,
      %get3A_1134 = arith.constant 560 : index
      %get3A_1135 = tpu.vector_load %arg9[%get3A_1134] {strides = array<i32>} : memref<2048xi32, #tpu.memory_space<vmem>>, vector<16xi32>,
      %swap3A_1136 = arith.constant 4 : i32
      %swap3A_1137 = arith.index_cast %swap3A_1136 : i32 to index
      %swap3A_1138 = arith.constant 48 : index
      %swap3A_1139 = tpu.vector_load %arg10[%swap3A_1137, %swap3A_1138] {strides = array<i32>} : memref<16x128xi32, #tpu.memory_space<vmem>>, vector<16xi32>,
      tpu.vector_store %arg10[%swap3A_1137, %swap3A_1138], %get3A_1135 {strides = array<i32>} : memref<16x128xi32, #tpu.memory_space<vmem>>, vector<16xi32>,
      %get3A_1140 = arith.constant 576 : index
      %get3A_1141 = tpu.vector_load %arg9[%get3A_1140] {strides = array<i32>} : memref<2048xi32, #tpu.memory_space<vmem>>, vector<16xi32>,
      %swap3A_1142 = arith.constant 4 : i32
      %swap3A_1143 = arith.index_cast %swap3A_1142 : i32 to index
      %swap3A_1144 = arith.constant 64 : index
      %swap3A_1145 = tpu.vector_load %arg10[%swap3A_1143, %swap3A_1144] {strides = array<i32>} : memref<16x128xi32, #tpu.memory_space<vmem>>, vector<16xi32>,
      tpu.vector_store %arg10[%swap3A_1143, %swap3A_1144], %get3A_1141 {strides = array<i32>} : memref<16x128xi32, #tpu.memory_space<vmem>>, vector<16xi32>,
      %get3A_1146 = arith.constant 592 : index
      %get3A_1147 = tpu.vector_load %arg9[%get3A_1146] {strides = array<i32>} : memref<2048xi32, #tpu.memory_space<vmem>>, vector<16xi32>,
      %swap3A_1148 = arith.constant 4 : i32
      %swap3A_1149 = arith.index_cast %swap3A_1148 : i32 to index
      %swap3A_1150 = arith.constant 80 : index
      %swap3A_1151 = tpu.vector_load %arg10[%swap3A_1149, %swap3A_1150] {strides = array<i32>} : memref<16x128xi32, #tpu.memory_space<vmem>>, vector<16xi32>,
      tpu.vector_store %arg10[%swap3A_1149, %swap3A_1150], %get3A_1147 {strides = array<i32>} : memref<16x128xi32, #tpu.memory_space<vmem>>, vector<16xi32>,
      %get3A_1152 = arith.constant 608 : index
      %get3A_1153 = tpu.vector_load %arg9[%get3A_1152] {strides = array<i32>} : memref<2048xi32, #tpu.memory_space<vmem>>, vector<16xi32>,
      %swap3A_1154 = arith.constant 4 : i32
      %swap3A_1155 = arith.index_cast %swap3A_1154 : i32 to index
      %swap3A_1156 = arith.constant 96 : index
      %swap3A_1157 = tpu.vector_load %arg10[%swap3A_1155, %swap3A_1156] {strides = array<i32>} : memref<16x128xi32, #tpu.memory_space<vmem>>, vector<16xi32>,
      tpu.vector_store %arg10[%swap3A_1155, %swap3A_1156], %get3A_1153 {strides = array<i32>} : memref<16x128xi32, #tpu.memory_space<vmem>>, vector<16xi32>,
      %get3A_1158 = arith.constant 624 : index
      %get3A_1159 = tpu.vector_load %arg9[%get3A_1158] {strides = array<i32>} : memref<2048xi32, #tpu.memory_space<vmem>>, vector<16xi32>,
      %swap3A_1160 = arith.constant 4 : i32
      %swap3A_1161 = arith.index_cast %swap3A_1160 : i32 to index
      %swap3A_1162 = arith.constant 112 : index
      %swap3A_1163 = tpu.vector_load %arg10[%swap3A_1161, %swap3A_1162] {strides = array<i32>} : memref<16x128xi32, #tpu.memory_space<vmem>>, vector<16xi32>,
      tpu.vector_store %arg10[%swap3A_1161, %swap3A_1162], %get3A_1159 {strides = array<i32>} : memref<16x128xi32, #tpu.memory_space<vmem>>, vector<16xi32>,
      %get3A_1164 = arith.constant 640 : index
      %get3A_1165 = tpu.vector_load %arg9[%get3A_1164] {strides = array<i32>} : memref<2048xi32, #tpu.memory_space<vmem>>, vector<16xi32>,
      %swap3A_1166 = arith.constant 5 : i32
      %swap3A_1167 = arith.index_cast %swap3A_1166 : i32 to index
      %swap3A_1168 = arith.constant 0 : index
      %swap3A_1169 = tpu.vector_load %arg10[%swap3A_1167, %swap3A_1168] {strides = array<i32>} : memref<16x128xi32, #tpu.memory_space<vmem>>, vector<16xi32>,
      tpu.vector_store %arg10[%swap3A_1167, %swap3A_1168], %get3A_1165 {strides = array<i32>} : memref<16x128xi32, #tpu.memory_space<vmem>>, vector<16xi32>,
      %get3A_1170 = arith.constant 656 : index
      %get3A_1171 = tpu.vector_load %arg9[%get3A_1170] {strides = array<i32>} : memref<2048xi32, #tpu.memory_space<vmem>>, vector<16xi32>,
      %swap3A_1172 = arith.constant 5 : i32
      %swap3A_1173 = arith.index_cast %swap3A_1172 : i32 to index
      %swap3A_1174 = arith.constant 16 : index
      %swap3A_1175 = tpu.vector_load %arg10[%swap3A_1173, %swap3A_1174] {strides = array<i32>} : memref<16x128xi32, #tpu.memory_space<vmem>>, vector<16xi32>,
      tpu.vector_store %arg10[%swap3A_1173, %swap3A_1174], %get3A_1171 {strides = array<i32>} : memref<16x128xi32, #tpu.memory_space<vmem>>, vector<16xi32>,
      %get3A_1176 = arith.constant 672 : index
      %get3A_1177 = tpu.vector_load %arg9[%get3A_1176] {strides = array<i32>} : memref<2048xi32, #tpu.memory_space<vmem>>, vector<16xi32>,
      %swap3A_1178 = arith.constant 5 : i32
      %swap3A_1179 = arith.index_cast %swap3A_1178 : i32 to index
      %swap3A_1180 = arith.constant 32 : index
      %swap3A_1181 = tpu.vector_load %arg10[%swap3A_1179, %swap3A_1180] {strides = array<i32>} : memref<16x128xi32, #tpu.memory_space<vmem>>, vector<16xi32>,
      tpu.vector_store %arg10[%swap3A_1179, %swap3A_1180], %get3A_1177 {strides = array<i32>} : memref<16x128xi32, #tpu.memory_space<vmem>>, vector<16xi32>,
      %get3A_1182 = arith.constant 688 : index
      %get3A_1183 = tpu.vector_load %arg9[%get3A_1182] {strides = array<i32>} : memref<2048xi32, #tpu.memory_space<vmem>>, vector<16xi32>,
      %swap3A_1184 = arith.constant 5 : i32
      %swap3A_1185 = arith.index_cast %swap3A_1184 : i32 to index
      %swap3A_1186 = arith.constant 48 : index
      %swap3A_1187 = tpu.vector_load %arg10[%swap3A_1185, %swap3A_1186] {strides = array<i32>} : memref<16x128xi32, #tpu.memory_space<vmem>>, vector<16xi32>,
      tpu.vector_store %arg10[%swap3A_1185, %swap3A_1186], %get3A_1183 {strides = array<i32>} : memref<16x128xi32, #tpu.memory_space<vmem>>, vector<16xi32>,
      %get3A_1188 = arith.constant 704 : index
      %get3A_1189 = tpu.vector_load %arg9[%get3A_1188] {strides = array<i32>} : memref<2048xi32, #tpu.memory_space<vmem>>, vector<16xi32>,
      %swap3A_1190 = arith.constant 5 : i32
      %swap3A_1191 = arith.index_cast %swap3A_1190 : i32 to index
      %swap3A_1192 = arith.constant 64 : index
      %swap3A_1193 = tpu.vector_load %arg10[%swap3A_1191, %swap3A_1192] {strides = array<i32>} : memref<16x128xi32, #tpu.memory_space<vmem>>, vector<16xi32>,
      tpu.vector_store %arg10[%swap3A_1191, %swap3A_1192], %get3A_1189 {strides = array<i32>} : memref<16x128xi32, #tpu.memory_space<vmem>>, vector<16xi32>,
      %get3A_1194 = arith.constant 720 : index
      %get3A_1195 = tpu.vector_load %arg9[%get3A_1194] {strides = array<i32>} : memref<2048xi32, #tpu.memory_space<vmem>>, vector<16xi32>,
      %swap3A_1196 = arith.constant 5 : i32
      %swap3A_1197 = arith.index_cast %swap3A_1196 : i32 to index
      %swap3A_1198 = arith.constant 80 : index
      %swap3A_1199 = tpu.vector_load %arg10[%swap3A_1197, %swap3A_1198] {strides = array<i32>} : memref<16x128xi32, #tpu.memory_space<vmem>>, vector<16xi32>,
      tpu.vector_store %arg10[%swap3A_1197, %swap3A_1198], %get3A_1195 {strides = array<i32>} : memref<16x128xi32, #tpu.memory_space<vmem>>, vector<16xi32>,
      %get3A_1200 = arith.constant 736 : index
      %get3A_1201 = tpu.vector_load %arg9[%get3A_1200] {strides = array<i32>} : memref<2048xi32, #tpu.memory_space<vmem>>, vector<16xi32>,
      %swap3A_1202 = arith.constant 5 : i32
      %swap3A_1203 = arith.index_cast %swap3A_1202 : i32 to index
      %swap3A_1204 = arith.constant 96 : index
      %swap3A_1205 = tpu.vector_load %arg10[%swap3A_1203, %swap3A_1204] {strides = array<i32>} : memref<16x128xi32, #tpu.memory_space<vmem>>, vector<16xi32>,
      tpu.vector_store %arg10[%swap3A_1203, %swap3A_1204], %get3A_1201 {strides = array<i32>} : memref<16x128xi32, #tpu.memory_space<vmem>>, vector<16xi32>,
      %get3A_1206 = arith.constant 752 : index
      %get3A_1207 = tpu.vector_load %arg9[%get3A_1206] {strides = array<i32>} : memref<2048xi32, #tpu.memory_space<vmem>>, vector<16xi32>,
      %swap3A_1208 = arith.constant 5 : i32
      %swap3A_1209 = arith.index_cast %swap3A_1208 : i32 to index
      %swap3A_1210 = arith.constant 112 : index
      %swap3A_1211 = tpu.vector_load %arg10[%swap3A_1209, %swap3A_1210] {strides = array<i32>} : memref<16x128xi32, #tpu.memory_space<vmem>>, vector<16xi32>,
      tpu.vector_store %arg10[%swap3A_1209, %swap3A_1210], %get3A_1207 {strides = array<i32>} : memref<16x128xi32, #tpu.memory_space<vmem>>, vector<16xi32>,
      %get3A_1212 = arith.constant 768 : index
      %get3A_1213 = tpu.vector_load %arg9[%get3A_1212] {strides = array<i32>} : memref<2048xi32, #tpu.memory_space<vmem>>, vector<16xi32>,
      %swap3A_1214 = arith.constant 6 : i32
      %swap3A_1215 = arith.index_cast %swap3A_1214 : i32 to index
      %swap3A_1216 = arith.constant 0 : index
      %swap3A_1217 = tpu.vector_load %arg10[%swap3A_1215, %swap3A_1216] {strides = array<i32>} : memref<16x128xi32, #tpu.memory_space<vmem>>, vector<16xi32>,
      tpu.vector_store %arg10[%swap3A_1215, %swap3A_1216], %get3A_1213 {strides = array<i32>} : memref<16x128xi32, #tpu.memory_space<vmem>>, vector<16xi32>,
      %get3A_1218 = arith.constant 784 : index
      %get3A_1219 = tpu.vector_load %arg9[%get3A_1218] {strides = array<i32>} : memref<2048xi32, #tpu.memory_space<vmem>>, vector<16xi32>,
      %swap3A_1220 = arith.constant 6 : i32
      %swap3A_1221 = arith.index_cast %swap3A_1220 : i32 to index
      %swap3A_1222 = arith.constant 16 : index
      %swap3A_1223 = tpu.vector_load %arg10[%swap3A_1221, %swap3A_1222] {strides = array<i32>} : memref<16x128xi32, #tpu.memory_space<vmem>>, vector<16xi32>,
      tpu.vector_store %arg10[%swap3A_1221, %swap3A_1222], %get3A_1219 {strides = array<i32>} : memref<16x128xi32, #tpu.memory_space<vmem>>, vector<16xi32>,
      %get3A_1224 = arith.constant 800 : index
      %get3A_1225 = tpu.vector_load %arg9[%get3A_1224] {strides = array<i32>} : memref<2048xi32, #tpu.memory_space<vmem>>, vector<16xi32>,
      %swap3A_1226 = arith.constant 6 : i32
      %swap3A_1227 = arith.index_cast %swap3A_1226 : i32 to index
      %swap3A_1228 = arith.constant 32 : index
      %swap3A_1229 = tpu.vector_load %arg10[%swap3A_1227, %swap3A_1228] {strides = array<i32>} : memref<16x128xi32, #tpu.memory_space<vmem>>, vector<16xi32>,
      tpu.vector_store %arg10[%swap3A_1227, %swap3A_1228], %get3A_1225 {strides = array<i32>} : memref<16x128xi32, #tpu.memory_space<vmem>>, vector<16xi32>,
      %get3A_1230 = arith.constant 816 : index
      %get3A_1231 = tpu.vector_load %arg9[%get3A_1230] {strides = array<i32>} : memref<2048xi32, #tpu.memory_space<vmem>>, vector<16xi32>,
      %swap3A_1232 = arith.constant 6 : i32
      %swap3A_1233 = arith.index_cast %swap3A_1232 : i32 to index
      %swap3A_1234 = arith.constant 48 : index
      %swap3A_1235 = tpu.vector_load %arg10[%swap3A_1233, %swap3A_1234] {strides = array<i32>} : memref<16x128xi32, #tpu.memory_space<vmem>>, vector<16xi32>,
      tpu.vector_store %arg10[%swap3A_1233, %swap3A_1234], %get3A_1231 {strides = array<i32>} : memref<16x128xi32, #tpu.memory_space<vmem>>, vector<16xi32>,
      %get3A_1236 = arith.constant 832 : index
      %get3A_1237 = tpu.vector_load %arg9[%get3A_1236] {strides = array<i32>} : memref<2048xi32, #tpu.memory_space<vmem>>, vector<16xi32>,
      %swap3A_1238 = arith.constant 6 : i32
      %swap3A_1239 = arith.index_cast %swap3A_1238 : i32 to index
      %swap3A_1240 = arith.constant 64 : index
      %swap3A_1241 = tpu.vector_load %arg10[%swap3A_1239, %swap3A_1240] {strides = array<i32>} : memref<16x128xi32, #tpu.memory_space<vmem>>, vector<16xi32>,
      tpu.vector_store %arg10[%swap3A_1239, %swap3A_1240], %get3A_1237 {strides = array<i32>} : memref<16x128xi32, #tpu.memory_space<vmem>>, vector<16xi32>,
      %get3A_1242 = arith.constant 848 : index
      %get3A_1243 = tpu.vector_load %arg9[%get3A_1242] {strides = array<i32>} : memref<2048xi32, #tpu.memory_space<vmem>>, vector<16xi32>,
      %swap3A_1244 = arith.constant 6 : i32
      %swap3A_1245 = arith.index_cast %swap3A_1244 : i32 to index
      %swap3A_1246 = arith.constant 80 : index
      %swap3A_1247 = tpu.vector_load %arg10[%swap3A_1245, %swap3A_1246] {strides = array<i32>} : memref<16x128xi32, #tpu.memory_space<vmem>>, vector<16xi32>,
      tpu.vector_store %arg10[%swap3A_1245, %swap3A_1246], %get3A_1243 {strides = array<i32>} : memref<16x128xi32, #tpu.memory_space<vmem>>, vector<16xi32>,
      %get3A_1248 = arith.constant 864 : index
      %get3A_1249 = tpu.vector_load %arg9[%get3A_1248] {strides = array<i32>} : memref<2048xi32, #tpu.memory_space<vmem>>, vector<16xi32>,
      %swap3A_1250 = arith.constant 6 : i32
      %swap3A_1251 = arith.index_cast %swap3A_1250 : i32 to index
      %swap3A_1252 = arith.constant 96 : index
      %swap3A_1253 = tpu.vector_load %arg10[%swap3A_1251, %swap3A_1252] {strides = array<i32>} : memref<16x128xi32, #tpu.memory_space<vmem>>, vector<16xi32>,
      tpu.vector_store %arg10[%swap3A_1251, %swap3A_1252], %get3A_1249 {strides = array<i32>} : memref<16x128xi32, #tpu.memory_space<vmem>>, vector<16xi32>,
      %get3A_1254 = arith.constant 880 : index
      %get3A_1255 = tpu.vector_load %arg9[%get3A_1254] {strides = array<i32>} : memref<2048xi32, #tpu.memory_space<vmem>>, vector<16xi32>,
      %swap3A_1256 = arith.constant 6 : i32
      %swap3A_1257 = arith.index_cast %swap3A_1256 : i32 to index
      %swap3A_1258 = arith.constant 112 : index
      %swap3A_1259 = tpu.vector_load %arg10[%swap3A_1257, %swap3A_1258] {strides = array<i32>} : memref<16x128xi32, #tpu.memory_space<vmem>>, vector<16xi32>,
      tpu.vector_store %arg10[%swap3A_1257, %swap3A_1258], %get3A_1255 {strides = array<i32>} : memref<16x128xi32, #tpu.memory_space<vmem>>, vector<16xi32>,
      %get3A_1260 = arith.constant 896 : index
      %get3A_1261 = tpu.vector_load %arg9[%get3A_1260] {strides = array<i32>} : memref<2048xi32, #tpu.memory_space<vmem>>, vector<16xi32>,
      %swap3A_1262 = arith.constant 7 : i32
      %swap3A_1263 = arith.index_cast %swap3A_1262 : i32 to index
      %swap3A_1264 = arith.constant 0 : index
      %swap3A_1265 = tpu.vector_load %arg10[%swap3A_1263, %swap3A_1264] {strides = array<i32>} : memref<16x128xi32, #tpu.memory_space<vmem>>, vector<16xi32>,
      tpu.vector_store %arg10[%swap3A_1263, %swap3A_1264], %get3A_1261 {strides = array<i32>} : memref<16x128xi32, #tpu.memory_space<vmem>>, vector<16xi32>,
      %get3A_1266 = arith.constant 912 : index
      %get3A_1267 = tpu.vector_load %arg9[%get3A_1266] {strides = array<i32>} : memref<2048xi32, #tpu.memory_space<vmem>>, vector<16xi32>,
      %swap3A_1268 = arith.constant 7 : i32
      %swap3A_1269 = arith.index_cast %swap3A_1268 : i32 to index
      %swap3A_1270 = arith.constant 16 : index
      %swap3A_1271 = tpu.vector_load %arg10[%swap3A_1269, %swap3A_1270] {strides = array<i32>} : memref<16x128xi32, #tpu.memory_space<vmem>>, vector<16xi32>,
      tpu.vector_store %arg10[%swap3A_1269, %swap3A_1270], %get3A_1267 {strides = array<i32>} : memref<16x128xi32, #tpu.memory_space<vmem>>, vector<16xi32>,
      %get3A_1272 = arith.constant 928 : index
      %get3A_1273 = tpu.vector_load %arg9[%get3A_1272] {strides = array<i32>} : memref<2048xi32, #tpu.memory_space<vmem>>, vector<16xi32>,
      %swap3A_1274 = arith.constant 7 : i32
      %swap3A_1275 = arith.index_cast %swap3A_1274 : i32 to index
      %swap3A_1276 = arith.constant 32 : index
      %swap3A_1277 = tpu.vector_load %arg10[%swap3A_1275, %swap3A_1276] {strides = array<i32>} : memref<16x128xi32, #tpu.memory_space<vmem>>, vector<16xi32>,
      tpu.vector_store %arg10[%swap3A_1275, %swap3A_1276], %get3A_1273 {strides = array<i32>} : memref<16x128xi32, #tpu.memory_space<vmem>>, vector<16xi32>,
      %get3A_1278 = arith.constant 944 : index
      %get3A_1279 = tpu.vector_load %arg9[%get3A_1278] {strides = array<i32>} : memref<2048xi32, #tpu.memory_space<vmem>>, vector<16xi32>,
      %swap3A_1280 = arith.constant 7 : i32
      %swap3A_1281 = arith.index_cast %swap3A_1280 : i32 to index
      %swap3A_1282 = arith.constant 48 : index
      %swap3A_1283 = tpu.vector_load %arg10[%swap3A_1281, %swap3A_1282] {strides = array<i32>} : memref<16x128xi32, #tpu.memory_space<vmem>>, vector<16xi32>,
      tpu.vector_store %arg10[%swap3A_1281, %swap3A_1282], %get3A_1279 {strides = array<i32>} : memref<16x128xi32, #tpu.memory_space<vmem>>, vector<16xi32>,
      %get3A_1284 = arith.constant 960 : index
      %get3A_1285 = tpu.vector_load %arg9[%get3A_1284] {strides = array<i32>} : memref<2048xi32, #tpu.memory_space<vmem>>, vector<16xi32>,
      %swap3A_1286 = arith.constant 7 : i32
      %swap3A_1287 = arith.index_cast %swap3A_1286 : i32 to index
      %swap3A_1288 = arith.constant 64 : index
      %swap3A_1289 = tpu.vector_load %arg10[%swap3A_1287, %swap3A_1288] {strides = array<i32>} : memref<16x128xi32, #tpu.memory_space<vmem>>, vector<16xi32>,
      tpu.vector_store %arg10[%swap3A_1287, %swap3A_1288], %get3A_1285 {strides = array<i32>} : memref<16x128xi32, #tpu.memory_space<vmem>>, vector<16xi32>,
      %get3A_1290 = arith.constant 976 : index
      %get3A_1291 = tpu.vector_load %arg9[%get3A_1290] {strides = array<i32>} : memref<2048xi32, #tpu.memory_space<vmem>>, vector<16xi32>,
      %swap3A_1292 = arith.constant 7 : i32
      %swap3A_1293 = arith.index_cast %swap3A_1292 : i32 to index
      %swap3A_1294 = arith.constant 80 : index
      %swap3A_1295 = tpu.vector_load %arg10[%swap3A_1293, %swap3A_1294] {strides = array<i32>} : memref<16x128xi32, #tpu.memory_space<vmem>>, vector<16xi32>,
      tpu.vector_store %arg10[%swap3A_1293, %swap3A_1294], %get3A_1291 {strides = array<i32>} : memref<16x128xi32, #tpu.memory_space<vmem>>, vector<16xi32>,
      %get3A_1296 = arith.constant 992 : index
      %get3A_1297 = tpu.vector_load %arg9[%get3A_1296] {strides = array<i32>} : memref<2048xi32, #tpu.memory_space<vmem>>, vector<16xi32>,
      %swap3A_1298 = arith.constant 7 : i32
      %swap3A_1299 = arith.index_cast %swap3A_1298 : i32 to index
      %swap3A_1300 = arith.constant 96 : index
      %swap3A_1301 = tpu.vector_load %arg10[%swap3A_1299, %swap3A_1300] {strides = array<i32>} : memref<16x128xi32, #tpu.memory_space<vmem>>, vector<16xi32>,
      tpu.vector_store %arg10[%swap3A_1299, %swap3A_1300], %get3A_1297 {strides = array<i32>} : memref<16x128xi32, #tpu.memory_space<vmem>>, vector<16xi32>,
      %get3A_1302 = arith.constant 1008 : index
      %get3A_1303 = tpu.vector_load %arg9[%get3A_1302] {strides = array<i32>} : memref<2048xi32, #tpu.memory_space<vmem>>, vector<16xi32>,
      %swap3A_1304 = arith.constant 7 : i32
      %swap3A_1305 = arith.index_cast %swap3A_1304 : i32 to index
      %swap3A_1306 = arith.constant 112 : index
      %swap3A_1307 = tpu.vector_load %arg10[%swap3A_1305, %swap3A_1306] {strides = array<i32>} : memref<16x128xi32, #tpu.memory_space<vmem>>, vector<16xi32>,
      tpu.vector_store %arg10[%swap3A_1305, %swap3A_1306], %get3A_1303 {strides = array<i32>} : memref<16x128xi32, #tpu.memory_space<vmem>>, vector<16xi32>,
      %get3A_1308 = arith.constant 1024 : index
      %get3A_1309 = tpu.vector_load %arg9[%get3A_1308] {strides = array<i32>} : memref<2048xi32, #tpu.memory_space<vmem>>, vector<16xi32>,
      %swap3A_1310 = arith.constant 8 : i32
      %swap3A_1311 = arith.index_cast %swap3A_1310 : i32 to index
      %swap3A_1312 = arith.constant 0 : index
      %swap3A_1313 = tpu.vector_load %arg10[%swap3A_1311, %swap3A_1312] {strides = array<i32>} : memref<16x128xi32, #tpu.memory_space<vmem>>, vector<16xi32>,
      tpu.vector_store %arg10[%swap3A_1311, %swap3A_1312], %get3A_1309 {strides = array<i32>} : memref<16x128xi32, #tpu.memory_space<vmem>>, vector<16xi32>,
      %get3A_1314 = arith.constant 1040 : index
      %get3A_1315 = tpu.vector_load %arg9[%get3A_1314] {strides = array<i32>} : memref<2048xi32, #tpu.memory_space<vmem>>, vector<16xi32>,
      %swap3A_1316 = arith.constant 8 : i32
      %swap3A_1317 = arith.index_cast %swap3A_1316 : i32 to index
      %swap3A_1318 = arith.constant 16 : index
      %swap3A_1319 = tpu.vector_load %arg10[%swap3A_1317, %swap3A_1318] {strides = array<i32>} : memref<16x128xi32, #tpu.memory_space<vmem>>, vector<16xi32>,
      tpu.vector_store %arg10[%swap3A_1317, %swap3A_1318], %get3A_1315 {strides = array<i32>} : memref<16x128xi32, #tpu.memory_space<vmem>>, vector<16xi32>,
      %get3A_1320 = arith.constant 1056 : index
      %get3A_1321 = tpu.vector_load %arg9[%get3A_1320] {strides = array<i32>} : memref<2048xi32, #tpu.memory_space<vmem>>, vector<16xi32>,
      %swap3A_1322 = arith.constant 8 : i32
      %swap3A_1323 = arith.index_cast %swap3A_1322 : i32 to index
      %swap3A_1324 = arith.constant 32 : index
      %swap3A_1325 = tpu.vector_load %arg10[%swap3A_1323, %swap3A_1324] {strides = array<i32>} : memref<16x128xi32, #tpu.memory_space<vmem>>, vector<16xi32>,
      tpu.vector_store %arg10[%swap3A_1323, %swap3A_1324], %get3A_1321 {strides = array<i32>} : memref<16x128xi32, #tpu.memory_space<vmem>>, vector<16xi32>,
      %get3A_1326 = arith.constant 1072 : index
      %get3A_1327 = tpu.vector_load %arg9[%get3A_1326] {strides = array<i32>} : memref<2048xi32, #tpu.memory_space<vmem>>, vector<16xi32>,
      %swap3A_1328 = arith.constant 8 : i32
      %swap3A_1329 = arith.index_cast %swap3A_1328 : i32 to index
      %swap3A_1330 = arith.constant 48 : index
      %swap3A_1331 = tpu.vector_load %arg10[%swap3A_1329, %swap3A_1330] {strides = array<i32>} : memref<16x128xi32, #tpu.memory_space<vmem>>, vector<16xi32>,
      tpu.vector_store %arg10[%swap3A_1329, %swap3A_1330], %get3A_1327 {strides = array<i32>} : memref<16x128xi32, #tpu.memory_space<vmem>>, vector<16xi32>,
      %get3A_1332 = arith.constant 1088 : index
      %get3A_1333 = tpu.vector_load %arg9[%get3A_1332] {strides = array<i32>} : memref<2048xi32, #tpu.memory_space<vmem>>, vector<16xi32>,
      %swap3A_1334 = arith.constant 8 : i32
      %swap3A_1335 = arith.index_cast %swap3A_1334 : i32 to index
      %swap3A_1336 = arith.constant 64 : index
      %swap3A_1337 = tpu.vector_load %arg10[%swap3A_1335, %swap3A_1336] {strides = array<i32>} : memref<16x128xi32, #tpu.memory_space<vmem>>, vector<16xi32>,
      tpu.vector_store %arg10[%swap3A_1335, %swap3A_1336], %get3A_1333 {strides = array<i32>} : memref<16x128xi32, #tpu.memory_space<vmem>>, vector<16xi32>,
      %get3A_1338 = arith.constant 1104 : index
      %get3A_1339 = tpu.vector_load %arg9[%get3A_1338] {strides = array<i32>} : memref<2048xi32, #tpu.memory_space<vmem>>, vector<16xi32>,
      %swap3A_1340 = arith.constant 8 : i32
      %swap3A_1341 = arith.index_cast %swap3A_1340 : i32 to index
      %swap3A_1342 = arith.constant 80 : index
      %swap3A_1343 = tpu.vector_load %arg10[%swap3A_1341, %swap3A_1342] {strides = array<i32>} : memref<16x128xi32, #tpu.memory_space<vmem>>, vector<16xi32>,
      tpu.vector_store %arg10[%swap3A_1341, %swap3A_1342], %get3A_1339 {strides = array<i32>} : memref<16x128xi32, #tpu.memory_space<vmem>>, vector<16xi32>,
      %get3A_1344 = arith.constant 1120 : index
      %get3A_1345 = tpu.vector_load %arg9[%get3A_1344] {strides = array<i32>} : memref<2048xi32, #tpu.memory_space<vmem>>, vector<16xi32>,
      %swap3A_1346 = arith.constant 8 : i32
      %swap3A_1347 = arith.index_cast %swap3A_1346 : i32 to index
      %swap3A_1348 = arith.constant 96 : index
      %swap3A_1349 = tpu.vector_load %arg10[%swap3A_1347, %swap3A_1348] {strides = array<i32>} : memref<16x128xi32, #tpu.memory_space<vmem>>, vector<16xi32>,
      tpu.vector_store %arg10[%swap3A_1347, %swap3A_1348], %get3A_1345 {strides = array<i32>} : memref<16x128xi32, #tpu.memory_space<vmem>>, vector<16xi32>,
      %get3A_1350 = arith.constant 1136 : index
      %get3A_1351 = tpu.vector_load %arg9[%get3A_1350] {strides = array<i32>} : memref<2048xi32, #tpu.memory_space<vmem>>, vector<16xi32>,
      %swap3A_1352 = arith.constant 8 : i32
      %swap3A_1353 = arith.index_cast %swap3A_1352 : i32 to index
      %swap3A_1354 = arith.constant 112 : index
      %swap3A_1355 = tpu.vector_load %arg10[%swap3A_1353, %swap3A_1354] {strides = array<i32>} : memref<16x128xi32, #tpu.memory_space<vmem>>, vector<16xi32>,
      tpu.vector_store %arg10[%swap3A_1353, %swap3A_1354], %get3A_1351 {strides = array<i32>} : memref<16x128xi32, #tpu.memory_space<vmem>>, vector<16xi32>,
      %get3A_1356 = arith.constant 1152 : index
      %get3A_1357 = tpu.vector_load %arg9[%get3A_1356] {strides = array<i32>} : memref<2048xi32, #tpu.memory_space<vmem>>, vector<16xi32>,
      %swap3A_1358 = arith.constant 9 : i32
      %swap3A_1359 = arith.index_cast %swap3A_1358 : i32 to index
      %swap3A_1360 = arith.constant 0 : index
      %swap3A_1361 = tpu.vector_load %arg10[%swap3A_1359, %swap3A_1360] {strides = array<i32>} : memref<16x128xi32, #tpu.memory_space<vmem>>, vector<16xi32>,
      tpu.vector_store %arg10[%swap3A_1359, %swap3A_1360], %get3A_1357 {strides = array<i32>} : memref<16x128xi32, #tpu.memory_space<vmem>>, vector<16xi32>,
      %get3A_1362 = arith.constant 1168 : index
      %get3A_1363 = tpu.vector_load %arg9[%get3A_1362] {strides = array<i32>} : memref<2048xi32, #tpu.memory_space<vmem>>, vector<16xi32>,
      %swap3A_1364 = arith.constant 9 : i32
      %swap3A_1365 = arith.index_cast %swap3A_1364 : i32 to index
      %swap3A_1366 = arith.constant 16 : index
      %swap3A_1367 = tpu.vector_load %arg10[%swap3A_1365, %swap3A_1366] {strides = array<i32>} : memref<16x128xi32, #tpu.memory_space<vmem>>, vector<16xi32>,
      tpu.vector_store %arg10[%swap3A_1365, %swap3A_1366], %get3A_1363 {strides = array<i32>} : memref<16x128xi32, #tpu.memory_space<vmem>>, vector<16xi32>,
      %get3A_1368 = arith.constant 1184 : index
      %get3A_1369 = tpu.vector_load %arg9[%get3A_1368] {strides = array<i32>} : memref<2048xi32, #tpu.memory_space<vmem>>, vector<16xi32>,
      %swap3A_1370 = arith.constant 9 : i32
      %swap3A_1371 = arith.index_cast %swap3A_1370 : i32 to index
      %swap3A_1372 = arith.constant 32 : index
      %swap3A_1373 = tpu.vector_load %arg10[%swap3A_1371, %swap3A_1372] {strides = array<i32>} : memref<16x128xi32, #tpu.memory_space<vmem>>, vector<16xi32>,
      tpu.vector_store %arg10[%swap3A_1371, %swap3A_1372], %get3A_1369 {strides = array<i32>} : memref<16x128xi32, #tpu.memory_space<vmem>>, vector<16xi32>,
      %get3A_1374 = arith.constant 1200 : index
      %get3A_1375 = tpu.vector_load %arg9[%get3A_1374] {strides = array<i32>} : memref<2048xi32, #tpu.memory_space<vmem>>, vector<16xi32>,
      %swap3A_1376 = arith.constant 9 : i32
      %swap3A_1377 = arith.index_cast %swap3A_1376 : i32 to index
      %swap3A_1378 = arith.constant 48 : index
      %swap3A_1379 = tpu.vector_load %arg10[%swap3A_1377, %swap3A_1378] {strides = array<i32>} : memref<16x128xi32, #tpu.memory_space<vmem>>, vector<16xi32>,
      tpu.vector_store %arg10[%swap3A_1377, %swap3A_1378], %get3A_1375 {strides = array<i32>} : memref<16x128xi32, #tpu.memory_space<vmem>>, vector<16xi32>,
      %get3A_1380 = arith.constant 1216 : index
      %get3A_1381 = tpu.vector_load %arg9[%get3A_1380] {strides = array<i32>} : memref<2048xi32, #tpu.memory_space<vmem>>, vector<16xi32>,
      %swap3A_1382 = arith.constant 9 : i32
      %swap3A_1383 = arith.index_cast %swap3A_1382 : i32 to index
      %swap3A_1384 = arith.constant 64 : index
      %swap3A_1385 = tpu.vector_load %arg10[%swap3A_1383, %swap3A_1384] {strides = array<i32>} : memref<16x128xi32, #tpu.memory_space<vmem>>, vector<16xi32>,
      tpu.vector_store %arg10[%swap3A_1383, %swap3A_1384], %get3A_1381 {strides = array<i32>} : memref<16x128xi32, #tpu.memory_space<vmem>>, vector<16xi32>,
      %get3A_1386 = arith.constant 1232 : index
      %get3A_1387 = tpu.vector_load %arg9[%get3A_1386] {strides = array<i32>} : memref<2048xi32, #tpu.memory_space<vmem>>, vector<16xi32>,
      %swap3A_1388 = arith.constant 9 : i32
      %swap3A_1389 = arith.index_cast %swap3A_1388 : i32 to index
      %swap3A_1390 = arith.constant 80 : index
      %swap3A_1391 = tpu.vector_load %arg10[%swap3A_1389, %swap3A_1390] {strides = array<i32>} : memref<16x128xi32, #tpu.memory_space<vmem>>, vector<16xi32>,
      tpu.vector_store %arg10[%swap3A_1389, %swap3A_1390], %get3A_1387 {strides = array<i32>} : memref<16x128xi32, #tpu.memory_space<vmem>>, vector<16xi32>,
      %get3A_1392 = arith.constant 1248 : index
      %get3A_1393 = tpu.vector_load %arg9[%get3A_1392] {strides = array<i32>} : memref<2048xi32, #tpu.memory_space<vmem>>, vector<16xi32>,
      %swap3A_1394 = arith.constant 9 : i32
      %swap3A_1395 = arith.index_cast %swap3A_1394 : i32 to index
      %swap3A_1396 = arith.constant 96 : index
      %swap3A_1397 = tpu.vector_load %arg10[%swap3A_1395, %swap3A_1396] {strides = array<i32>} : memref<16x128xi32, #tpu.memory_space<vmem>>, vector<16xi32>,
      tpu.vector_store %arg10[%swap3A_1395, %swap3A_1396], %get3A_1393 {strides = array<i32>} : memref<16x128xi32, #tpu.memory_space<vmem>>, vector<16xi32>,
      %get3A_1398 = arith.constant 1264 : index
      %get3A_1399 = tpu.vector_load %arg9[%get3A_1398] {strides = array<i32>} : memref<2048xi32, #tpu.memory_space<vmem>>, vector<16xi32>,
      %swap3A_1400 = arith.constant 9 : i32
      %swap3A_1401 = arith.index_cast %swap3A_1400 : i32 to index
      %swap3A_1402 = arith.constant 112 : index
      %swap3A_1403 = tpu.vector_load %arg10[%swap3A_1401, %swap3A_1402] {strides = array<i32>} : memref<16x128xi32, #tpu.memory_space<vmem>>, vector<16xi32>,
      tpu.vector_store %arg10[%swap3A_1401, %swap3A_1402], %get3A_1399 {strides = array<i32>} : memref<16x128xi32, #tpu.memory_space<vmem>>, vector<16xi32>,
      %get3A_1404 = arith.constant 1280 : index
      %get3A_1405 = tpu.vector_load %arg9[%get3A_1404] {strides = array<i32>} : memref<2048xi32, #tpu.memory_space<vmem>>, vector<16xi32>,
      %swap3A_1406 = arith.constant 10 : i32
      %swap3A_1407 = arith.index_cast %swap3A_1406 : i32 to index
      %swap3A_1408 = arith.constant 0 : index
      %swap3A_1409 = tpu.vector_load %arg10[%swap3A_1407, %swap3A_1408] {strides = array<i32>} : memref<16x128xi32, #tpu.memory_space<vmem>>, vector<16xi32>,
      tpu.vector_store %arg10[%swap3A_1407, %swap3A_1408], %get3A_1405 {strides = array<i32>} : memref<16x128xi32, #tpu.memory_space<vmem>>, vector<16xi32>,
      %get3A_1410 = arith.constant 1296 : index
      %get3A_1411 = tpu.vector_load %arg9[%get3A_1410] {strides = array<i32>} : memref<2048xi32, #tpu.memory_space<vmem>>, vector<16xi32>,
      %swap3A_1412 = arith.constant 10 : i32
      %swap3A_1413 = arith.index_cast %swap3A_1412 : i32 to index
      %swap3A_1414 = arith.constant 16 : index
      %swap3A_1415 = tpu.vector_load %arg10[%swap3A_1413, %swap3A_1414] {strides = array<i32>} : memref<16x128xi32, #tpu.memory_space<vmem>>, vector<16xi32>,
      tpu.vector_store %arg10[%swap3A_1413, %swap3A_1414], %get3A_1411 {strides = array<i32>} : memref<16x128xi32, #tpu.memory_space<vmem>>, vector<16xi32>,
      %get3A_1416 = arith.constant 1312 : index
      %get3A_1417 = tpu.vector_load %arg9[%get3A_1416] {strides = array<i32>} : memref<2048xi32, #tpu.memory_space<vmem>>, vector<16xi32>,
      %swap3A_1418 = arith.constant 10 : i32
      %swap3A_1419 = arith.index_cast %swap3A_1418 : i32 to index
      %swap3A_1420 = arith.constant 32 : index
      %swap3A_1421 = tpu.vector_load %arg10[%swap3A_1419, %swap3A_1420] {strides = array<i32>} : memref<16x128xi32, #tpu.memory_space<vmem>>, vector<16xi32>,
      tpu.vector_store %arg10[%swap3A_1419, %swap3A_1420], %get3A_1417 {strides = array<i32>} : memref<16x128xi32, #tpu.memory_space<vmem>>, vector<16xi32>,
      %get3A_1422 = arith.constant 1328 : index
      %get3A_1423 = tpu.vector_load %arg9[%get3A_1422] {strides = array<i32>} : memref<2048xi32, #tpu.memory_space<vmem>>, vector<16xi32>,
      %swap3A_1424 = arith.constant 10 : i32
      %swap3A_1425 = arith.index_cast %swap3A_1424 : i32 to index
      %swap3A_1426 = arith.constant 48 : index
      %swap3A_1427 = tpu.vector_load %arg10[%swap3A_1425, %swap3A_1426] {strides = array<i32>} : memref<16x128xi32, #tpu.memory_space<vmem>>, vector<16xi32>,
      tpu.vector_store %arg10[%swap3A_1425, %swap3A_1426], %get3A_1423 {strides = array<i32>} : memref<16x128xi32, #tpu.memory_space<vmem>>, vector<16xi32>,
      %get3A_1428 = arith.constant 1344 : index
      %get3A_1429 = tpu.vector_load %arg9[%get3A_1428] {strides = array<i32>} : memref<2048xi32, #tpu.memory_space<vmem>>, vector<16xi32>,
      %swap3A_1430 = arith.constant 10 : i32
      %swap3A_1431 = arith.index_cast %swap3A_1430 : i32 to index
      %swap3A_1432 = arith.constant 64 : index
      %swap3A_1433 = tpu.vector_load %arg10[%swap3A_1431, %swap3A_1432] {strides = array<i32>} : memref<16x128xi32, #tpu.memory_space<vmem>>, vector<16xi32>,
      tpu.vector_store %arg10[%swap3A_1431, %swap3A_1432], %get3A_1429 {strides = array<i32>} : memref<16x128xi32, #tpu.memory_space<vmem>>, vector<16xi32>,
      %get3A_1434 = arith.constant 1360 : index
      %get3A_1435 = tpu.vector_load %arg9[%get3A_1434] {strides = array<i32>} : memref<2048xi32, #tpu.memory_space<vmem>>, vector<16xi32>,
      %swap3A_1436 = arith.constant 10 : i32
      %swap3A_1437 = arith.index_cast %swap3A_1436 : i32 to index
      %swap3A_1438 = arith.constant 80 : index
      %swap3A_1439 = tpu.vector_load %arg10[%swap3A_1437, %swap3A_1438] {strides = array<i32>} : memref<16x128xi32, #tpu.memory_space<vmem>>, vector<16xi32>,
      tpu.vector_store %arg10[%swap3A_1437, %swap3A_1438], %get3A_1435 {strides = array<i32>} : memref<16x128xi32, #tpu.memory_space<vmem>>, vector<16xi32>,
      %get3A_1440 = arith.constant 1376 : index
      %get3A_1441 = tpu.vector_load %arg9[%get3A_1440] {strides = array<i32>} : memref<2048xi32, #tpu.memory_space<vmem>>, vector<16xi32>,
      %swap3A_1442 = arith.constant 10 : i32
      %swap3A_1443 = arith.index_cast %swap3A_1442 : i32 to index
      %swap3A_1444 = arith.constant 96 : index
      %swap3A_1445 = tpu.vector_load %arg10[%swap3A_1443, %swap3A_1444] {strides = array<i32>} : memref<16x128xi32, #tpu.memory_space<vmem>>, vector<16xi32>,
      tpu.vector_store %arg10[%swap3A_1443, %swap3A_1444], %get3A_1441 {strides = array<i32>} : memref<16x128xi32, #tpu.memory_space<vmem>>, vector<16xi32>,
      %get3A_1446 = arith.constant 1392 : index
      %get3A_1447 = tpu.vector_load %arg9[%get3A_1446] {strides = array<i32>} : memref<2048xi32, #tpu.memory_space<vmem>>, vector<16xi32>,
      %swap3A_1448 = arith.constant 10 : i32
      %swap3A_1449 = arith.index_cast %swap3A_1448 : i32 to index
      %swap3A_1450 = arith.constant 112 : index
      %swap3A_1451 = tpu.vector_load %arg10[%swap3A_1449, %swap3A_1450] {strides = array<i32>} : memref<16x128xi32, #tpu.memory_space<vmem>>, vector<16xi32>,
      tpu.vector_store %arg10[%swap3A_1449, %swap3A_1450], %get3A_1447 {strides = array<i32>} : memref<16x128xi32, #tpu.memory_space<vmem>>, vector<16xi32>,
      %get3A_1452 = arith.constant 1408 : index
      %get3A_1453 = tpu.vector_load %arg9[%get3A_1452] {strides = array<i32>} : memref<2048xi32, #tpu.memory_space<vmem>>, vector<16xi32>,
      %swap3A_1454 = arith.constant 11 : i32
      %swap3A_1455 = arith.index_cast %swap3A_1454 : i32 to index
      %swap3A_1456 = arith.constant 0 : index
      %swap3A_1457 = tpu.vector_load %arg10[%swap3A_1455, %swap3A_1456] {strides = array<i32>} : memref<16x128xi32, #tpu.memory_space<vmem>>, vector<16xi32>,
      tpu.vector_store %arg10[%swap3A_1455, %swap3A_1456], %get3A_1453 {strides = array<i32>} : memref<16x128xi32, #tpu.memory_space<vmem>>, vector<16xi32>,
      %get3A_1458 = arith.constant 1424 : index
      %get3A_1459 = tpu.vector_load %arg9[%get3A_1458] {strides = array<i32>} : memref<2048xi32, #tpu.memory_space<vmem>>, vector<16xi32>,
      %swap3A_1460 = arith.constant 11 : i32
      %swap3A_1461 = arith.index_cast %swap3A_1460 : i32 to index
      %swap3A_1462 = arith.constant 16 : index
      %swap3A_1463 = tpu.vector_load %arg10[%swap3A_1461, %swap3A_1462] {strides = array<i32>} : memref<16x128xi32, #tpu.memory_space<vmem>>, vector<16xi32>,
      tpu.vector_store %arg10[%swap3A_1461, %swap3A_1462], %get3A_1459 {strides = array<i32>} : memref<16x128xi32, #tpu.memory_space<vmem>>, vector<16xi32>,
      %get3A_1464 = arith.constant 1440 : index
      %get3A_1465 = tpu.vector_load %arg9[%get3A_1464] {strides = array<i32>} : memref<2048xi32, #tpu.memory_space<vmem>>, vector<16xi32>,
      %swap3A_1466 = arith.constant 11 : i32
      %swap3A_1467 = arith.index_cast %swap3A_1466 : i32 to index
      %swap3A_1468 = arith.constant 32 : index
      %swap3A_1469 = tpu.vector_load %arg10[%swap3A_1467, %swap3A_1468] {strides = array<i32>} : memref<16x128xi32, #tpu.memory_space<vmem>>, vector<16xi32>,
      tpu.vector_store %arg10[%swap3A_1467, %swap3A_1468], %get3A_1465 {strides = array<i32>} : memref<16x128xi32, #tpu.memory_space<vmem>>, vector<16xi32>,
      %get3A_1470 = arith.constant 1456 : index
      %get3A_1471 = tpu.vector_load %arg9[%get3A_1470] {strides = array<i32>} : memref<2048xi32, #tpu.memory_space<vmem>>, vector<16xi32>,
      %swap3A_1472 = arith.constant 11 : i32
      %swap3A_1473 = arith.index_cast %swap3A_1472 : i32 to index
      %swap3A_1474 = arith.constant 48 : index
      %swap3A_1475 = tpu.vector_load %arg10[%swap3A_1473, %swap3A_1474] {strides = array<i32>} : memref<16x128xi32, #tpu.memory_space<vmem>>, vector<16xi32>,
      tpu.vector_store %arg10[%swap3A_1473, %swap3A_1474], %get3A_1471 {strides = array<i32>} : memref<16x128xi32, #tpu.memory_space<vmem>>, vector<16xi32>,
      %get3A_1476 = arith.constant 1472 : index
      %get3A_1477 = tpu.vector_load %arg9[%get3A_1476] {strides = array<i32>} : memref<2048xi32, #tpu.memory_space<vmem>>, vector<16xi32>,
      %swap3A_1478 = arith.constant 11 : i32
      %swap3A_1479 = arith.index_cast %swap3A_1478 : i32 to index
      %swap3A_1480 = arith.constant 64 : index
      %swap3A_1481 = tpu.vector_load %arg10[%swap3A_1479, %swap3A_1480] {strides = array<i32>} : memref<16x128xi32, #tpu.memory_space<vmem>>, vector<16xi32>,
      tpu.vector_store %arg10[%swap3A_1479, %swap3A_1480], %get3A_1477 {strides = array<i32>} : memref<16x128xi32, #tpu.memory_space<vmem>>, vector<16xi32>,
      %get3A_1482 = arith.constant 1488 : index
      %get3A_1483 = tpu.vector_load %arg9[%get3A_1482] {strides = array<i32>} : memref<2048xi32, #tpu.memory_space<vmem>>, vector<16xi32>,
      %swap3A_1484 = arith.constant 11 : i32
      %swap3A_1485 = arith.index_cast %swap3A_1484 : i32 to index
      %swap3A_1486 = arith.constant 80 : index
      %swap3A_1487 = tpu.vector_load %arg10[%swap3A_1485, %swap3A_1486] {strides = array<i32>} : memref<16x128xi32, #tpu.memory_space<vmem>>, vector<16xi32>,
      tpu.vector_store %arg10[%swap3A_1485, %swap3A_1486], %get3A_1483 {strides = array<i32>} : memref<16x128xi32, #tpu.memory_space<vmem>>, vector<16xi32>,
      %get3A_1488 = arith.constant 1504 : index
      %get3A_1489 = tpu.vector_load %arg9[%get3A_1488] {strides = array<i32>} : memref<2048xi32, #tpu.memory_space<vmem>>, vector<16xi32>,
      %swap3A_1490 = arith.constant 11 : i32
      %swap3A_1491 = arith.index_cast %swap3A_1490 : i32 to index
      %swap3A_1492 = arith.constant 96 : index
      %swap3A_1493 = tpu.vector_load %arg10[%swap3A_1491, %swap3A_1492] {strides = array<i32>} : memref<16x128xi32, #tpu.memory_space<vmem>>, vector<16xi32>,
      tpu.vector_store %arg10[%swap3A_1491, %swap3A_1492], %get3A_1489 {strides = array<i32>} : memref<16x128xi32, #tpu.memory_space<vmem>>, vector<16xi32>,
      %get3A_1494 = arith.constant 1520 : index
      %get3A_1495 = tpu.vector_load %arg9[%get3A_1494] {strides = array<i32>} : memref<2048xi32, #tpu.memory_space<vmem>>, vector<16xi32>,
      %swap3A_1496 = arith.constant 11 : i32
      %swap3A_1497 = arith.index_cast %swap3A_1496 : i32 to index
      %swap3A_1498 = arith.constant 112 : index
      %swap3A_1499 = tpu.vector_load %arg10[%swap3A_1497, %swap3A_1498] {strides = array<i32>} : memref<16x128xi32, #tpu.memory_space<vmem>>, vector<16xi32>,
      tpu.vector_store %arg10[%swap3A_1497, %swap3A_1498], %get3A_1495 {strides = array<i32>} : memref<16x128xi32, #tpu.memory_space<vmem>>, vector<16xi32>,
      %get3A_1500 = arith.constant 1536 : index
      %get3A_1501 = tpu.vector_load %arg9[%get3A_1500] {strides = array<i32>} : memref<2048xi32, #tpu.memory_space<vmem>>, vector<16xi32>,
      %swap3A_1502 = arith.constant 12 : i32
      %swap3A_1503 = arith.index_cast %swap3A_1502 : i32 to index
      %swap3A_1504 = arith.constant 0 : index
      %swap3A_1505 = tpu.vector_load %arg10[%swap3A_1503, %swap3A_1504] {strides = array<i32>} : memref<16x128xi32, #tpu.memory_space<vmem>>, vector<16xi32>,
      tpu.vector_store %arg10[%swap3A_1503, %swap3A_1504], %get3A_1501 {strides = array<i32>} : memref<16x128xi32, #tpu.memory_space<vmem>>, vector<16xi32>,
      %get3A_1506 = arith.constant 1552 : index
      %get3A_1507 = tpu.vector_load %arg9[%get3A_1506] {strides = array<i32>} : memref<2048xi32, #tpu.memory_space<vmem>>, vector<16xi32>,
      %swap3A_1508 = arith.constant 12 : i32
      %swap3A_1509 = arith.index_cast %swap3A_1508 : i32 to index
      %swap3A_1510 = arith.constant 16 : index
      %swap3A_1511 = tpu.vector_load %arg10[%swap3A_1509, %swap3A_1510] {strides = array<i32>} : memref<16x128xi32, #tpu.memory_space<vmem>>, vector<16xi32>,
      tpu.vector_store %arg10[%swap3A_1509, %swap3A_1510], %get3A_1507 {strides = array<i32>} : memref<16x128xi32, #tpu.memory_space<vmem>>, vector<16xi32>,
      %get3A_1512 = arith.constant 1568 : index
      %get3A_1513 = tpu.vector_load %arg9[%get3A_1512] {strides = array<i32>} : memref<2048xi32, #tpu.memory_space<vmem>>, vector<16xi32>,
      %swap3A_1514 = arith.constant 12 : i32
      %swap3A_1515 = arith.index_cast %swap3A_1514 : i32 to index
      %swap3A_1516 = arith.constant 32 : index
      %swap3A_1517 = tpu.vector_load %arg10[%swap3A_1515, %swap3A_1516] {strides = array<i32>} : memref<16x128xi32, #tpu.memory_space<vmem>>, vector<16xi32>,
      tpu.vector_store %arg10[%swap3A_1515, %swap3A_1516], %get3A_1513 {strides = array<i32>} : memref<16x128xi32, #tpu.memory_space<vmem>>, vector<16xi32>,
      %get3A_1518 = arith.constant 1584 : index
      %get3A_1519 = tpu.vector_load %arg9[%get3A_1518] {strides = array<i32>} : memref<2048xi32, #tpu.memory_space<vmem>>, vector<16xi32>,
      %swap3A_1520 = arith.constant 12 : i32
      %swap3A_1521 = arith.index_cast %swap3A_1520 : i32 to index
      %swap3A_1522 = arith.constant 48 : index
      %swap3A_1523 = tpu.vector_load %arg10[%swap3A_1521, %swap3A_1522] {strides = array<i32>} : memref<16x128xi32, #tpu.memory_space<vmem>>, vector<16xi32>,
      tpu.vector_store %arg10[%swap3A_1521, %swap3A_1522], %get3A_1519 {strides = array<i32>} : memref<16x128xi32, #tpu.memory_space<vmem>>, vector<16xi32>,
      %get3A_1524 = arith.constant 1600 : index
      %get3A_1525 = tpu.vector_load %arg9[%get3A_1524] {strides = array<i32>} : memref<2048xi32, #tpu.memory_space<vmem>>, vector<16xi32>,
      %swap3A_1526 = arith.constant 12 : i32
      %swap3A_1527 = arith.index_cast %swap3A_1526 : i32 to index
      %swap3A_1528 = arith.constant 64 : index
      %swap3A_1529 = tpu.vector_load %arg10[%swap3A_1527, %swap3A_1528] {strides = array<i32>} : memref<16x128xi32, #tpu.memory_space<vmem>>, vector<16xi32>,
      tpu.vector_store %arg10[%swap3A_1527, %swap3A_1528], %get3A_1525 {strides = array<i32>} : memref<16x128xi32, #tpu.memory_space<vmem>>, vector<16xi32>,
      %get3A_1530 = arith.constant 1616 : index
      %get3A_1531 = tpu.vector_load %arg9[%get3A_1530] {strides = array<i32>} : memref<2048xi32, #tpu.memory_space<vmem>>, vector<16xi32>,
      %swap3A_1532 = arith.constant 12 : i32
      %swap3A_1533 = arith.index_cast %swap3A_1532 : i32 to index
      %swap3A_1534 = arith.constant 80 : index
      %swap3A_1535 = tpu.vector_load %arg10[%swap3A_1533, %swap3A_1534] {strides = array<i32>} : memref<16x128xi32, #tpu.memory_space<vmem>>, vector<16xi32>,
      tpu.vector_store %arg10[%swap3A_1533, %swap3A_1534], %get3A_1531 {strides = array<i32>} : memref<16x128xi32, #tpu.memory_space<vmem>>, vector<16xi32>,
      %get3A_1536 = arith.constant 1632 : index
      %get3A_1537 = tpu.vector_load %arg9[%get3A_1536] {strides = array<i32>} : memref<2048xi32, #tpu.memory_space<vmem>>, vector<16xi32>,
      %swap3A_1538 = arith.constant 12 : i32
      %swap3A_1539 = arith.index_cast %swap3A_1538 : i32 to index
      %swap3A_1540 = arith.constant 96 : index
      %swap3A_1541 = tpu.vector_load %arg10[%swap3A_1539, %swap3A_1540] {strides = array<i32>} : memref<16x128xi32, #tpu.memory_space<vmem>>, vector<16xi32>,
      tpu.vector_store %arg10[%swap3A_1539, %swap3A_1540], %get3A_1537 {strides = array<i32>} : memref<16x128xi32, #tpu.memory_space<vmem>>, vector<16xi32>,
      %get3A_1542 = arith.constant 1648 : index
      %get3A_1543 = tpu.vector_load %arg9[%get3A_1542] {strides = array<i32>} : memref<2048xi32, #tpu.memory_space<vmem>>, vector<16xi32>,
      %swap3A_1544 = arith.constant 12 : i32
      %swap3A_1545 = arith.index_cast %swap3A_1544 : i32 to index
      %swap3A_1546 = arith.constant 112 : index
      %swap3A_1547 = tpu.vector_load %arg10[%swap3A_1545, %swap3A_1546] {strides = array<i32>} : memref<16x128xi32, #tpu.memory_space<vmem>>, vector<16xi32>,
      tpu.vector_store %arg10[%swap3A_1545, %swap3A_1546], %get3A_1543 {strides = array<i32>} : memref<16x128xi32, #tpu.memory_space<vmem>>, vector<16xi32>,
      %get3A_1548 = arith.constant 1664 : index
      %get3A_1549 = tpu.vector_load %arg9[%get3A_1548] {strides = array<i32>} : memref<2048xi32, #tpu.memory_space<vmem>>, vector<16xi32>,
      %swap3A_1550 = arith.constant 13 : i32
      %swap3A_1551 = arith.index_cast %swap3A_1550 : i32 to index
      %swap3A_1552 = arith.constant 0 : index
      %swap3A_1553 = tpu.vector_load %arg10[%swap3A_1551, %swap3A_1552] {strides = array<i32>} : memref<16x128xi32, #tpu.memory_space<vmem>>, vector<16xi32>,
      tpu.vector_store %arg10[%swap3A_1551, %swap3A_1552], %get3A_1549 {strides = array<i32>} : memref<16x128xi32, #tpu.memory_space<vmem>>, vector<16xi32>,
      %get3A_1554 = arith.constant 1680 : index
      %get3A_1555 = tpu.vector_load %arg9[%get3A_1554] {strides = array<i32>} : memref<2048xi32, #tpu.memory_space<vmem>>, vector<16xi32>,
      %swap3A_1556 = arith.constant 13 : i32
      %swap3A_1557 = arith.index_cast %swap3A_1556 : i32 to index
      %swap3A_1558 = arith.constant 16 : index
      %swap3A_1559 = tpu.vector_load %arg10[%swap3A_1557, %swap3A_1558] {strides = array<i32>} : memref<16x128xi32, #tpu.memory_space<vmem>>, vector<16xi32>,
      tpu.vector_store %arg10[%swap3A_1557, %swap3A_1558], %get3A_1555 {strides = array<i32>} : memref<16x128xi32, #tpu.memory_space<vmem>>, vector<16xi32>,
      %get3A_1560 = arith.constant 1696 : index
      %get3A_1561 = tpu.vector_load %arg9[%get3A_1560] {strides = array<i32>} : memref<2048xi32, #tpu.memory_space<vmem>>, vector<16xi32>,
      %swap3A_1562 = arith.constant 13 : i32
      %swap3A_1563 = arith.index_cast %swap3A_1562 : i32 to index
      %swap3A_1564 = arith.constant 32 : index
      %swap3A_1565 = tpu.vector_load %arg10[%swap3A_1563, %swap3A_1564] {strides = array<i32>} : memref<16x128xi32, #tpu.memory_space<vmem>>, vector<16xi32>,
      tpu.vector_store %arg10[%swap3A_1563, %swap3A_1564], %get3A_1561 {strides = array<i32>} : memref<16x128xi32, #tpu.memory_space<vmem>>, vector<16xi32>,
      %get3A_1566 = arith.constant 1712 : index
      %get3A_1567 = tpu.vector_load %arg9[%get3A_1566] {strides = array<i32>} : memref<2048xi32, #tpu.memory_space<vmem>>, vector<16xi32>,
      %swap3A_1568 = arith.constant 13 : i32
      %swap3A_1569 = arith.index_cast %swap3A_1568 : i32 to index
      %swap3A_1570 = arith.constant 48 : index
      %swap3A_1571 = tpu.vector_load %arg10[%swap3A_1569, %swap3A_1570] {strides = array<i32>} : memref<16x128xi32, #tpu.memory_space<vmem>>, vector<16xi32>,
      tpu.vector_store %arg10[%swap3A_1569, %swap3A_1570], %get3A_1567 {strides = array<i32>} : memref<16x128xi32, #tpu.memory_space<vmem>>, vector<16xi32>,
      %get3A_1572 = arith.constant 1728 : index
      %get3A_1573 = tpu.vector_load %arg9[%get3A_1572] {strides = array<i32>} : memref<2048xi32, #tpu.memory_space<vmem>>, vector<16xi32>,
      %swap3A_1574 = arith.constant 13 : i32
      %swap3A_1575 = arith.index_cast %swap3A_1574 : i32 to index
      %swap3A_1576 = arith.constant 64 : index
      %swap3A_1577 = tpu.vector_load %arg10[%swap3A_1575, %swap3A_1576] {strides = array<i32>} : memref<16x128xi32, #tpu.memory_space<vmem>>, vector<16xi32>,
      tpu.vector_store %arg10[%swap3A_1575, %swap3A_1576], %get3A_1573 {strides = array<i32>} : memref<16x128xi32, #tpu.memory_space<vmem>>, vector<16xi32>,
      %get3A_1578 = arith.constant 1744 : index
      %get3A_1579 = tpu.vector_load %arg9[%get3A_1578] {strides = array<i32>} : memref<2048xi32, #tpu.memory_space<vmem>>, vector<16xi32>,
      %swap3A_1580 = arith.constant 13 : i32
      %swap3A_1581 = arith.index_cast %swap3A_1580 : i32 to index
      %swap3A_1582 = arith.constant 80 : index
      %swap3A_1583 = tpu.vector_load %arg10[%swap3A_1581, %swap3A_1582] {strides = array<i32>} : memref<16x128xi32, #tpu.memory_space<vmem>>, vector<16xi32>,
      tpu.vector_store %arg10[%swap3A_1581, %swap3A_1582], %get3A_1579 {strides = array<i32>} : memref<16x128xi32, #tpu.memory_space<vmem>>, vector<16xi32>,
      %get3A_1584 = arith.constant 1760 : index
      %get3A_1585 = tpu.vector_load %arg9[%get3A_1584] {strides = array<i32>} : memref<2048xi32, #tpu.memory_space<vmem>>, vector<16xi32>,
      %swap3A_1586 = arith.constant 13 : i32
      %swap3A_1587 = arith.index_cast %swap3A_1586 : i32 to index
      %swap3A_1588 = arith.constant 96 : index
      %swap3A_1589 = tpu.vector_load %arg10[%swap3A_1587, %swap3A_1588] {strides = array<i32>} : memref<16x128xi32, #tpu.memory_space<vmem>>, vector<16xi32>,
      tpu.vector_store %arg10[%swap3A_1587, %swap3A_1588], %get3A_1585 {strides = array<i32>} : memref<16x128xi32, #tpu.memory_space<vmem>>, vector<16xi32>,
      %get3A_1590 = arith.constant 1776 : index
      %get3A_1591 = tpu.vector_load %arg9[%get3A_1590] {strides = array<i32>} : memref<2048xi32, #tpu.memory_space<vmem>>, vector<16xi32>,
      %swap3A_1592 = arith.constant 13 : i32
      %swap3A_1593 = arith.index_cast %swap3A_1592 : i32 to index
      %swap3A_1594 = arith.constant 112 : index
      %swap3A_1595 = tpu.vector_load %arg10[%swap3A_1593, %swap3A_1594] {strides = array<i32>} : memref<16x128xi32, #tpu.memory_space<vmem>>, vector<16xi32>,
      tpu.vector_store %arg10[%swap3A_1593, %swap3A_1594], %get3A_1591 {strides = array<i32>} : memref<16x128xi32, #tpu.memory_space<vmem>>, vector<16xi32>,
      %get3A_1596 = arith.constant 1792 : index
      %get3A_1597 = tpu.vector_load %arg9[%get3A_1596] {strides = array<i32>} : memref<2048xi32, #tpu.memory_space<vmem>>, vector<16xi32>,
      %swap3A_1598 = arith.constant 14 : i32
      %swap3A_1599 = arith.index_cast %swap3A_1598 : i32 to index
      %swap3A_1600 = arith.constant 0 : index
      %swap3A_1601 = tpu.vector_load %arg10[%swap3A_1599, %swap3A_1600] {strides = array<i32>} : memref<16x128xi32, #tpu.memory_space<vmem>>, vector<16xi32>,
      tpu.vector_store %arg10[%swap3A_1599, %swap3A_1600], %get3A_1597 {strides = array<i32>} : memref<16x128xi32, #tpu.memory_space<vmem>>, vector<16xi32>,
      %get3A_1602 = arith.constant 1808 : index
      %get3A_1603 = tpu.vector_load %arg9[%get3A_1602] {strides = array<i32>} : memref<2048xi32, #tpu.memory_space<vmem>>, vector<16xi32>,
      %swap3A_1604 = arith.constant 14 : i32
      %swap3A_1605 = arith.index_cast %swap3A_1604 : i32 to index
      %swap3A_1606 = arith.constant 16 : index
      %swap3A_1607 = tpu.vector_load %arg10[%swap3A_1605, %swap3A_1606] {strides = array<i32>} : memref<16x128xi32, #tpu.memory_space<vmem>>, vector<16xi32>,
      tpu.vector_store %arg10[%swap3A_1605, %swap3A_1606], %get3A_1603 {strides = array<i32>} : memref<16x128xi32, #tpu.memory_space<vmem>>, vector<16xi32>,
      %get3A_1608 = arith.constant 1824 : index
      %get3A_1609 = tpu.vector_load %arg9[%get3A_1608] {strides = array<i32>} : memref<2048xi32, #tpu.memory_space<vmem>>, vector<16xi32>,
      %swap3A_1610 = arith.constant 14 : i32
      %swap3A_1611 = arith.index_cast %swap3A_1610 : i32 to index
      %swap3A_1612 = arith.constant 32 : index
      %swap3A_1613 = tpu.vector_load %arg10[%swap3A_1611, %swap3A_1612] {strides = array<i32>} : memref<16x128xi32, #tpu.memory_space<vmem>>, vector<16xi32>,
      tpu.vector_store %arg10[%swap3A_1611, %swap3A_1612], %get3A_1609 {strides = array<i32>} : memref<16x128xi32, #tpu.memory_space<vmem>>, vector<16xi32>,
      %get3A_1614 = arith.constant 1840 : index
      %get3A_1615 = tpu.vector_load %arg9[%get3A_1614] {strides = array<i32>} : memref<2048xi32, #tpu.memory_space<vmem>>, vector<16xi32>,
      %swap3A_1616 = arith.constant 14 : i32
      %swap3A_1617 = arith.index_cast %swap3A_1616 : i32 to index
      %swap3A_1618 = arith.constant 48 : index
      %swap3A_1619 = tpu.vector_load %arg10[%swap3A_1617, %swap3A_1618] {strides = array<i32>} : memref<16x128xi32, #tpu.memory_space<vmem>>, vector<16xi32>,
      tpu.vector_store %arg10[%swap3A_1617, %swap3A_1618], %get3A_1615 {strides = array<i32>} : memref<16x128xi32, #tpu.memory_space<vmem>>, vector<16xi32>,
      %get3A_1620 = arith.constant 1856 : index
      %get3A_1621 = tpu.vector_load %arg9[%get3A_1620] {strides = array<i32>} : memref<2048xi32, #tpu.memory_space<vmem>>, vector<16xi32>,
      %swap3A_1622 = arith.constant 14 : i32
      %swap3A_1623 = arith.index_cast %swap3A_1622 : i32 to index
      %swap3A_1624 = arith.constant 64 : index
      %swap3A_1625 = tpu.vector_load %arg10[%swap3A_1623, %swap3A_1624] {strides = array<i32>} : memref<16x128xi32, #tpu.memory_space<vmem>>, vector<16xi32>,
      tpu.vector_store %arg10[%swap3A_1623, %swap3A_1624], %get3A_1621 {strides = array<i32>} : memref<16x128xi32, #tpu.memory_space<vmem>>, vector<16xi32>,
      %get3A_1626 = arith.constant 1872 : index
      %get3A_1627 = tpu.vector_load %arg9[%get3A_1626] {strides = array<i32>} : memref<2048xi32, #tpu.memory_space<vmem>>, vector<16xi32>,
      %swap3A_1628 = arith.constant 14 : i32
      %swap3A_1629 = arith.index_cast %swap3A_1628 : i32 to index
      %swap3A_1630 = arith.constant 80 : index
      %swap3A_1631 = tpu.vector_load %arg10[%swap3A_1629, %swap3A_1630] {strides = array<i32>} : memref<16x128xi32, #tpu.memory_space<vmem>>, vector<16xi32>,
      tpu.vector_store %arg10[%swap3A_1629, %swap3A_1630], %get3A_1627 {strides = array<i32>} : memref<16x128xi32, #tpu.memory_space<vmem>>, vector<16xi32>,
      %get3A_1632 = arith.constant 1888 : index
      %get3A_1633 = tpu.vector_load %arg9[%get3A_1632] {strides = array<i32>} : memref<2048xi32, #tpu.memory_space<vmem>>, vector<16xi32>,
      %swap3A_1634 = arith.constant 14 : i32
      %swap3A_1635 = arith.index_cast %swap3A_1634 : i32 to index
      %swap3A_1636 = arith.constant 96 : index
      %swap3A_1637 = tpu.vector_load %arg10[%swap3A_1635, %swap3A_1636] {strides = array<i32>} : memref<16x128xi32, #tpu.memory_space<vmem>>, vector<16xi32>,
      tpu.vector_store %arg10[%swap3A_1635, %swap3A_1636], %get3A_1633 {strides = array<i32>} : memref<16x128xi32, #tpu.memory_space<vmem>>, vector<16xi32>,
      %get3A_1638 = arith.constant 1904 : index
      %get3A_1639 = tpu.vector_load %arg9[%get3A_1638] {strides = array<i32>} : memref<2048xi32, #tpu.memory_space<vmem>>, vector<16xi32>,
      %swap3A_1640 = arith.constant 14 : i32
      %swap3A_1641 = arith.index_cast %swap3A_1640 : i32 to index
      %swap3A_1642 = arith.constant 112 : index
      %swap3A_1643 = tpu.vector_load %arg10[%swap3A_1641, %swap3A_1642] {strides = array<i32>} : memref<16x128xi32, #tpu.memory_space<vmem>>, vector<16xi32>,
      tpu.vector_store %arg10[%swap3A_1641, %swap3A_1642], %get3A_1639 {strides = array<i32>} : memref<16x128xi32, #tpu.memory_space<vmem>>, vector<16xi32>,
      %get3A_1644 = arith.constant 1920 : index
      %get3A_1645 = tpu.vector_load %arg9[%get3A_1644] {strides = array<i32>} : memref<2048xi32, #tpu.memory_space<vmem>>, vector<16xi32>,
      %swap3A_1646 = arith.constant 15 : i32
      %swap3A_1647 = arith.index_cast %swap3A_1646 : i32 to index
      %swap3A_1648 = arith.constant 0 : index
      %swap3A_1649 = tpu.vector_load %arg10[%swap3A_1647, %swap3A_1648] {strides = array<i32>} : memref<16x128xi32, #tpu.memory_space<vmem>>, vector<16xi32>,
      tpu.vector_store %arg10[%swap3A_1647, %swap3A_1648], %get3A_1645 {strides = array<i32>} : memref<16x128xi32, #tpu.memory_space<vmem>>, vector<16xi32>,
      %get3A_1650 = arith.constant 1936 : index
      %get3A_1651 = tpu.vector_load %arg9[%get3A_1650] {strides = array<i32>} : memref<2048xi32, #tpu.memory_space<vmem>>, vector<16xi32>,
      %swap3A_1652 = arith.constant 15 : i32
      %swap3A_1653 = arith.index_cast %swap3A_1652 : i32 to index
      %swap3A_1654 = arith.constant 16 : index
      %swap3A_1655 = tpu.vector_load %arg10[%swap3A_1653, %swap3A_1654] {strides = array<i32>} : memref<16x128xi32, #tpu.memory_space<vmem>>, vector<16xi32>,
      tpu.vector_store %arg10[%swap3A_1653, %swap3A_1654], %get3A_1651 {strides = array<i32>} : memref<16x128xi32, #tpu.memory_space<vmem>>, vector<16xi32>,
      %get3A_1656 = arith.constant 1952 : index
      %get3A_1657 = tpu.vector_load %arg9[%get3A_1656] {strides = array<i32>} : memref<2048xi32, #tpu.memory_space<vmem>>, vector<16xi32>,
      %swap3A_1658 = arith.constant 15 : i32
      %swap3A_1659 = arith.index_cast %swap3A_1658 : i32 to index
      %swap3A_1660 = arith.constant 32 : index
      %swap3A_1661 = tpu.vector_load %arg10[%swap3A_1659, %swap3A_1660] {strides = array<i32>} : memref<16x128xi32, #tpu.memory_space<vmem>>, vector<16xi32>,
      tpu.vector_store %arg10[%swap3A_1659, %swap3A_1660], %get3A_1657 {strides = array<i32>} : memref<16x128xi32, #tpu.memory_space<vmem>>, vector<16xi32>,
      %get3A_1662 = arith.constant 1968 : index
      %get3A_1663 = tpu.vector_load %arg9[%get3A_1662] {strides = array<i32>} : memref<2048xi32, #tpu.memory_space<vmem>>, vector<16xi32>,
      %swap3A_1664 = arith.constant 15 : i32
      %swap3A_1665 = arith.index_cast %swap3A_1664 : i32 to index
      %swap3A_1666 = arith.constant 48 : index
      %swap3A_1667 = tpu.vector_load %arg10[%swap3A_1665, %swap3A_1666] {strides = array<i32>} : memref<16x128xi32, #tpu.memory_space<vmem>>, vector<16xi32>,
      tpu.vector_store %arg10[%swap3A_1665, %swap3A_1666], %get3A_1663 {strides = array<i32>} : memref<16x128xi32, #tpu.memory_space<vmem>>, vector<16xi32>,
      %get3A_1668 = arith.constant 1984 : index
      %get3A_1669 = tpu.vector_load %arg9[%get3A_1668] {strides = array<i32>} : memref<2048xi32, #tpu.memory_space<vmem>>, vector<16xi32>,
      %swap3A_1670 = arith.constant 15 : i32
      %swap3A_1671 = arith.index_cast %swap3A_1670 : i32 to index
      %swap3A_1672 = arith.constant 64 : index
      %swap3A_1673 = tpu.vector_load %arg10[%swap3A_1671, %swap3A_1672] {strides = array<i32>} : memref<16x128xi32, #tpu.memory_space<vmem>>, vector<16xi32>,
      tpu.vector_store %arg10[%swap3A_1671, %swap3A_1672], %get3A_1669 {strides = array<i32>} : memref<16x128xi32, #tpu.memory_space<vmem>>, vector<16xi32>,
      %get3A_1674 = arith.constant 2000 : index
      %get3A_1675 = tpu.vector_load %arg9[%get3A_1674] {strides = array<i32>} : memref<2048xi32, #tpu.memory_space<vmem>>, vector<16xi32>,
      %swap3A_1676 = arith.constant 15 : i32
      %swap3A_1677 = arith.index_cast %swap3A_1676 : i32 to index
      %swap3A_1678 = arith.constant 80 : index
      %swap3A_1679 = tpu.vector_load %arg10[%swap3A_1677, %swap3A_1678] {strides = array<i32>} : memref<16x128xi32, #tpu.memory_space<vmem>>, vector<16xi32>,
      tpu.vector_store %arg10[%swap3A_1677, %swap3A_1678], %get3A_1675 {strides = array<i32>} : memref<16x128xi32, #tpu.memory_space<vmem>>, vector<16xi32>,
      %get3A_1680 = arith.constant 2016 : index
      %get3A_1681 = tpu.vector_load %arg9[%get3A_1680] {strides = array<i32>} : memref<2048xi32, #tpu.memory_space<vmem>>, vector<16xi32>,
      %swap3A_1682 = arith.constant 15 : i32
      %swap3A_1683 = arith.index_cast %swap3A_1682 : i32 to index
      %swap3A_1684 = arith.constant 96 : index
      %swap3A_1685 = tpu.vector_load %arg10[%swap3A_1683, %swap3A_1684] {strides = array<i32>} : memref<16x128xi32, #tpu.memory_space<vmem>>, vector<16xi32>,
      tpu.vector_store %arg10[%swap3A_1683, %swap3A_1684], %get3A_1681 {strides = array<i32>} : memref<16x128xi32, #tpu.memory_space<vmem>>, vector<16xi32>,
      %get3A_1686 = arith.constant 2032 : index
      %get3A_1687 = tpu.vector_load %arg9[%get3A_1686] {strides = array<i32>} : memref<2048xi32, #tpu.memory_space<vmem>>, vector<16xi32>,
      %swap3A_1688 = arith.constant 15 : i32
      %swap3A_1689 = arith.index_cast %swap3A_1688 : i32 to index
      %swap3A_1690 = arith.constant 112 : index
      %swap3A_1691 = tpu.vector_load %arg10[%swap3A_1689, %swap3A_1690] {strides = array<i32>} : memref<16x128xi32, #tpu.memory_space<vmem>>, vector<16xi32>,
      tpu.vector_store %arg10[%swap3A_1689, %swap3A_1690], %get3A_1687 {strides = array<i32>} : memref<16x128xi32, #tpu.memory_space<vmem>>, vector<16xi32>,
      "tpu.region"() ({
        %run_scoped3A = tpu.sem_alloc : memref<!tpu.dma_semaphore, #tpu.memory_space<semaphore_mem>>
        %dma_start3A = arith.constant 0 : i32
        %dma_start3A_2505 = arith.constant 0 : i32
        %dma_start3A_2506 = tpu.memref_slice %arg19[%dma_start3A, %dma_start3A_2505] : memref<16x128xi32, #tpu.memory_space<vmem_shared>> -> memref<16x128xi32, #tpu.memory_space<vmem_shared>>
        tpu.enqueue_indirect_dma source(%arg10 : memref<16x128xi32, #tpu.memory_space<vmem>>) target(%dma_start3A_2506 : memref<16x128xi32, #tpu.memory_space<vmem_shared>>) offsets(%arg17 : memref<16xi32, #tpu.memory_space<vmem>>) semaphore(%run_scoped3A : memref<!tpu.dma_semaphore, #tpu.memory_space<semaphore_mem>>) {add = true}
        %dma_wait3A = arith.constant 0 : i32
        %dma_wait3A_2507 = arith.constant 0 : i32
        %dma_wait3A_2508 = tpu.memref_slice %arg19[%dma_wait3A, %dma_wait3A_2507] : memref<16x128xi32, #tpu.memory_space<vmem_shared>> -> memref<16x128xi32, #tpu.memory_space<vmem_shared>>
        tpu.wait_indirect_dma semaphore(%run_scoped3A : memref<!tpu.dma_semaphore, #tpu.memory_space<semaphore_mem>>) src(%arg10 : memref<16x128xi32, #tpu.memory_space<vmem>>) dst(%dma_wait3A_2508 : memref<16x128xi32, #tpu.memory_space<vmem_shared>>)
        tpu.yield
      }) : () -> ()
      "tpu.region"() ({
        %run_scoped3A = tpu.sem_alloc : memref<!tpu.dma_semaphore, #tpu.memory_space<semaphore_mem>>
        %dma_start3A = arith.constant 0 : i32
        %dma_start3A_2505 = arith.constant 0 : i32
        %dma_start3A_2506 = tpu.memref_slice %arg20[%dma_start3A, %dma_start3A_2505] : memref<16x16xi32, #tpu.memory_space<vmem_shared>> -> memref<16x16xi32, #tpu.memory_space<vmem_shared>>
        tpu.enqueue_indirect_dma source(%arg15 : memref<16x16xi32, #tpu.memory_space<vmem>>) target(%dma_start3A_2506 : memref<16x16xi32, #tpu.memory_space<vmem_shared>>) offsets(%arg17 : memref<16xi32, #tpu.memory_space<vmem>>) semaphore(%run_scoped3A : memref<!tpu.dma_semaphore, #tpu.memory_space<semaphore_mem>>) {add = true}
        %dma_wait3A = arith.constant 0 : i32
        %dma_wait3A_2507 = arith.constant 0 : i32
        %dma_wait3A_2508 = tpu.memref_slice %arg20[%dma_wait3A, %dma_wait3A_2507] : memref<16x16xi32, #tpu.memory_space<vmem_shared>> -> memref<16x16xi32, #tpu.memory_space<vmem_shared>>
        tpu.wait_indirect_dma semaphore(%run_scoped3A : memref<!tpu.dma_semaphore, #tpu.memory_space<semaphore_mem>>) src(%arg15 : memref<16x16xi32, #tpu.memory_space<vmem>>) dst(%dma_wait3A_2508 : memref<16x16xi32, #tpu.memory_space<vmem_shared>>)
        tpu.yield
      }) : () -> ()
      %barrier3A_1692 = arith.constant 0 : index
      tpu.barrier barrier_id(%barrier3A_1692)
      "tpu.region"() ({
        %run_scoped3A = tpu.sem_alloc : memref<!tpu.dma_semaphore, #tpu.memory_space<semaphore_mem>>
        tpu.enqueue_dma source(%arg19 : memref<16x128xi32, #tpu.memory_space<vmem_shared>>) target(%arg11 : memref<16x128xi32, #tpu.memory_space<vmem>>) target_semaphore(%run_scoped3A : memref<!tpu.dma_semaphore, #tpu.memory_space<semaphore_mem>>)
        tpu.wait_dma2 semaphore(%run_scoped3A : memref<!tpu.dma_semaphore, #tpu.memory_space<semaphore_mem>>) src(%arg19 : memref<16x128xi32, #tpu.memory_space<vmem_shared>>) dst(%arg11 : memref<16x128xi32, #tpu.memory_space<vmem>>)
        tpu.yield
      }) : () -> ()
      "tpu.region"() ({
        %run_scoped3A = tpu.sem_alloc : memref<!tpu.dma_semaphore, #tpu.memory_space<semaphore_mem>>
        tpu.enqueue_dma source(%arg20 : memref<16x16xi32, #tpu.memory_space<vmem_shared>>) target(%arg16 : memref<16x16xi32, #tpu.memory_space<vmem>>) target_semaphore(%run_scoped3A : memref<!tpu.dma_semaphore, #tpu.memory_space<semaphore_mem>>)
        tpu.wait_dma2 semaphore(%run_scoped3A : memref<!tpu.dma_semaphore, #tpu.memory_space<semaphore_mem>>) src(%arg20 : memref<16x16xi32, #tpu.memory_space<vmem_shared>>) dst(%arg16 : memref<16x16xi32, #tpu.memory_space<vmem>>)
        tpu.yield
      }) : () -> ()
      %get3A_1693 = arith.constant 0 : i32
      %get3A_1694 = arith.index_cast %get3A_1693 : i32 to index
      %get3A_1695 = arith.constant 0 : index
      %get3A_1696 = tpu.vector_load %arg11[%get3A_1694, %get3A_1695] {strides = array<i32>} : memref<16x128xi32, #tpu.memory_space<vmem>>, vector<16xi32>,
      %swap3A_1697 = arith.constant 0 : index
      %swap3A_1698 = tpu.vector_load %arg12[%swap3A_1697] {strides = array<i32>} : memref<2048xi32, #tpu.memory_space<vmem>>, vector<16xi32>,
      tpu.vector_store %arg12[%swap3A_1697], %get3A_1696 {strides = array<i32>} : memref<2048xi32, #tpu.memory_space<vmem>>, vector<16xi32>,
      %get3A_1699 = arith.constant 0 : i32
      %get3A_1700 = arith.index_cast %get3A_1699 : i32 to index
      %get3A_1701 = arith.constant 16 : index
      %get3A_1702 = tpu.vector_load %arg11[%get3A_1700, %get3A_1701] {strides = array<i32>} : memref<16x128xi32, #tpu.memory_space<vmem>>, vector<16xi32>,
      %swap3A_1703 = arith.constant 16 : index
      %swap3A_1704 = tpu.vector_load %arg12[%swap3A_1703] {strides = array<i32>} : memref<2048xi32, #tpu.memory_space<vmem>>, vector<16xi32>,
      tpu.vector_store %arg12[%swap3A_1703], %get3A_1702 {strides = array<i32>} : memref<2048xi32, #tpu.memory_space<vmem>>, vector<16xi32>,
      %get3A_1705 = arith.constant 0 : i32
      %get3A_1706 = arith.index_cast %get3A_1705 : i32 to index
      %get3A_1707 = arith.constant 32 : index
      %get3A_1708 = tpu.vector_load %arg11[%get3A_1706, %get3A_1707] {strides = array<i32>} : memref<16x128xi32, #tpu.memory_space<vmem>>, vector<16xi32>,
      %swap3A_1709 = arith.constant 32 : index
      %swap3A_1710 = tpu.vector_load %arg12[%swap3A_1709] {strides = array<i32>} : memref<2048xi32, #tpu.memory_space<vmem>>, vector<16xi32>,
      tpu.vector_store %arg12[%swap3A_1709], %get3A_1708 {strides = array<i32>} : memref<2048xi32, #tpu.memory_space<vmem>>, vector<16xi32>,
      %get3A_1711 = arith.constant 0 : i32
      %get3A_1712 = arith.index_cast %get3A_1711 : i32 to index
      %get3A_1713 = arith.constant 48 : index
      %get3A_1714 = tpu.vector_load %arg11[%get3A_1712, %get3A_1713] {strides = array<i32>} : memref<16x128xi32, #tpu.memory_space<vmem>>, vector<16xi32>,
      %swap3A_1715 = arith.constant 48 : index
      %swap3A_1716 = tpu.vector_load %arg12[%swap3A_1715] {strides = array<i32>} : memref<2048xi32, #tpu.memory_space<vmem>>, vector<16xi32>,
      tpu.vector_store %arg12[%swap3A_1715], %get3A_1714 {strides = array<i32>} : memref<2048xi32, #tpu.memory_space<vmem>>, vector<16xi32>,
      %get3A_1717 = arith.constant 0 : i32
      %get3A_1718 = arith.index_cast %get3A_1717 : i32 to index
      %get3A_1719 = arith.constant 64 : index
      %get3A_1720 = tpu.vector_load %arg11[%get3A_1718, %get3A_1719] {strides = array<i32>} : memref<16x128xi32, #tpu.memory_space<vmem>>, vector<16xi32>,
      %swap3A_1721 = arith.constant 64 : index
      %swap3A_1722 = tpu.vector_load %arg12[%swap3A_1721] {strides = array<i32>} : memref<2048xi32, #tpu.memory_space<vmem>>, vector<16xi32>,
      tpu.vector_store %arg12[%swap3A_1721], %get3A_1720 {strides = array<i32>} : memref<2048xi32, #tpu.memory_space<vmem>>, vector<16xi32>,
      %get3A_1723 = arith.constant 0 : i32
      %get3A_1724 = arith.index_cast %get3A_1723 : i32 to index
      %get3A_1725 = arith.constant 80 : index
      %get3A_1726 = tpu.vector_load %arg11[%get3A_1724, %get3A_1725] {strides = array<i32>} : memref<16x128xi32, #tpu.memory_space<vmem>>, vector<16xi32>,
      %swap3A_1727 = arith.constant 80 : index
      %swap3A_1728 = tpu.vector_load %arg12[%swap3A_1727] {strides = array<i32>} : memref<2048xi32, #tpu.memory_space<vmem>>, vector<16xi32>,
      tpu.vector_store %arg12[%swap3A_1727], %get3A_1726 {strides = array<i32>} : memref<2048xi32, #tpu.memory_space<vmem>>, vector<16xi32>,
      %get3A_1729 = arith.constant 0 : i32
      %get3A_1730 = arith.index_cast %get3A_1729 : i32 to index
      %get3A_1731 = arith.constant 96 : index
      %get3A_1732 = tpu.vector_load %arg11[%get3A_1730, %get3A_1731] {strides = array<i32>} : memref<16x128xi32, #tpu.memory_space<vmem>>, vector<16xi32>,
      %swap3A_1733 = arith.constant 96 : index
      %swap3A_1734 = tpu.vector_load %arg12[%swap3A_1733] {strides = array<i32>} : memref<2048xi32, #tpu.memory_space<vmem>>, vector<16xi32>,
      tpu.vector_store %arg12[%swap3A_1733], %get3A_1732 {strides = array<i32>} : memref<2048xi32, #tpu.memory_space<vmem>>, vector<16xi32>,
      %get3A_1735 = arith.constant 0 : i32
      %get3A_1736 = arith.index_cast %get3A_1735 : i32 to index
      %get3A_1737 = arith.constant 112 : index
      %get3A_1738 = tpu.vector_load %arg11[%get3A_1736, %get3A_1737] {strides = array<i32>} : memref<16x128xi32, #tpu.memory_space<vmem>>, vector<16xi32>,
      %swap3A_1739 = arith.constant 112 : index
      %swap3A_1740 = tpu.vector_load %arg12[%swap3A_1739] {strides = array<i32>} : memref<2048xi32, #tpu.memory_space<vmem>>, vector<16xi32>,
      tpu.vector_store %arg12[%swap3A_1739], %get3A_1738 {strides = array<i32>} : memref<2048xi32, #tpu.memory_space<vmem>>, vector<16xi32>,
      %get3A_1741 = arith.constant 1 : i32
      %get3A_1742 = arith.index_cast %get3A_1741 : i32 to index
      %get3A_1743 = arith.constant 0 : index
      %get3A_1744 = tpu.vector_load %arg11[%get3A_1742, %get3A_1743] {strides = array<i32>} : memref<16x128xi32, #tpu.memory_space<vmem>>, vector<16xi32>,
      %swap3A_1745 = arith.constant 128 : index
      %swap3A_1746 = tpu.vector_load %arg12[%swap3A_1745] {strides = array<i32>} : memref<2048xi32, #tpu.memory_space<vmem>>, vector<16xi32>,
      tpu.vector_store %arg12[%swap3A_1745], %get3A_1744 {strides = array<i32>} : memref<2048xi32, #tpu.memory_space<vmem>>, vector<16xi32>,
      %get3A_1747 = arith.constant 1 : i32
      %get3A_1748 = arith.index_cast %get3A_1747 : i32 to index
      %get3A_1749 = arith.constant 16 : index
      %get3A_1750 = tpu.vector_load %arg11[%get3A_1748, %get3A_1749] {strides = array<i32>} : memref<16x128xi32, #tpu.memory_space<vmem>>, vector<16xi32>,
      %swap3A_1751 = arith.constant 144 : index
      %swap3A_1752 = tpu.vector_load %arg12[%swap3A_1751] {strides = array<i32>} : memref<2048xi32, #tpu.memory_space<vmem>>, vector<16xi32>,
      tpu.vector_store %arg12[%swap3A_1751], %get3A_1750 {strides = array<i32>} : memref<2048xi32, #tpu.memory_space<vmem>>, vector<16xi32>,
      %get3A_1753 = arith.constant 1 : i32
      %get3A_1754 = arith.index_cast %get3A_1753 : i32 to index
      %get3A_1755 = arith.constant 32 : index
      %get3A_1756 = tpu.vector_load %arg11[%get3A_1754, %get3A_1755] {strides = array<i32>} : memref<16x128xi32, #tpu.memory_space<vmem>>, vector<16xi32>,
      %swap3A_1757 = arith.constant 160 : index
      %swap3A_1758 = tpu.vector_load %arg12[%swap3A_1757] {strides = array<i32>} : memref<2048xi32, #tpu.memory_space<vmem>>, vector<16xi32>,
      tpu.vector_store %arg12[%swap3A_1757], %get3A_1756 {strides = array<i32>} : memref<2048xi32, #tpu.memory_space<vmem>>, vector<16xi32>,
      %get3A_1759 = arith.constant 1 : i32
      %get3A_1760 = arith.index_cast %get3A_1759 : i32 to index
      %get3A_1761 = arith.constant 48 : index
      %get3A_1762 = tpu.vector_load %arg11[%get3A_1760, %get3A_1761] {strides = array<i32>} : memref<16x128xi32, #tpu.memory_space<vmem>>, vector<16xi32>,
      %swap3A_1763 = arith.constant 176 : index
      %swap3A_1764 = tpu.vector_load %arg12[%swap3A_1763] {strides = array<i32>} : memref<2048xi32, #tpu.memory_space<vmem>>, vector<16xi32>,
      tpu.vector_store %arg12[%swap3A_1763], %get3A_1762 {strides = array<i32>} : memref<2048xi32, #tpu.memory_space<vmem>>, vector<16xi32>,
      %get3A_1765 = arith.constant 1 : i32
      %get3A_1766 = arith.index_cast %get3A_1765 : i32 to index
      %get3A_1767 = arith.constant 64 : index
      %get3A_1768 = tpu.vector_load %arg11[%get3A_1766, %get3A_1767] {strides = array<i32>} : memref<16x128xi32, #tpu.memory_space<vmem>>, vector<16xi32>,
      %swap3A_1769 = arith.constant 192 : index
      %swap3A_1770 = tpu.vector_load %arg12[%swap3A_1769] {strides = array<i32>} : memref<2048xi32, #tpu.memory_space<vmem>>, vector<16xi32>,
      tpu.vector_store %arg12[%swap3A_1769], %get3A_1768 {strides = array<i32>} : memref<2048xi32, #tpu.memory_space<vmem>>, vector<16xi32>,
      %get3A_1771 = arith.constant 1 : i32
      %get3A_1772 = arith.index_cast %get3A_1771 : i32 to index
      %get3A_1773 = arith.constant 80 : index
      %get3A_1774 = tpu.vector_load %arg11[%get3A_1772, %get3A_1773] {strides = array<i32>} : memref<16x128xi32, #tpu.memory_space<vmem>>, vector<16xi32>,
      %swap3A_1775 = arith.constant 208 : index
      %swap3A_1776 = tpu.vector_load %arg12[%swap3A_1775] {strides = array<i32>} : memref<2048xi32, #tpu.memory_space<vmem>>, vector<16xi32>,
      tpu.vector_store %arg12[%swap3A_1775], %get3A_1774 {strides = array<i32>} : memref<2048xi32, #tpu.memory_space<vmem>>, vector<16xi32>,
      %get3A_1777 = arith.constant 1 : i32
      %get3A_1778 = arith.index_cast %get3A_1777 : i32 to index
      %get3A_1779 = arith.constant 96 : index
      %get3A_1780 = tpu.vector_load %arg11[%get3A_1778, %get3A_1779] {strides = array<i32>} : memref<16x128xi32, #tpu.memory_space<vmem>>, vector<16xi32>,
      %swap3A_1781 = arith.constant 224 : index
      %swap3A_1782 = tpu.vector_load %arg12[%swap3A_1781] {strides = array<i32>} : memref<2048xi32, #tpu.memory_space<vmem>>, vector<16xi32>,
      tpu.vector_store %arg12[%swap3A_1781], %get3A_1780 {strides = array<i32>} : memref<2048xi32, #tpu.memory_space<vmem>>, vector<16xi32>,
      %get3A_1783 = arith.constant 1 : i32
      %get3A_1784 = arith.index_cast %get3A_1783 : i32 to index
      %get3A_1785 = arith.constant 112 : index
      %get3A_1786 = tpu.vector_load %arg11[%get3A_1784, %get3A_1785] {strides = array<i32>} : memref<16x128xi32, #tpu.memory_space<vmem>>, vector<16xi32>,
      %swap3A_1787 = arith.constant 240 : index
      %swap3A_1788 = tpu.vector_load %arg12[%swap3A_1787] {strides = array<i32>} : memref<2048xi32, #tpu.memory_space<vmem>>, vector<16xi32>,
      tpu.vector_store %arg12[%swap3A_1787], %get3A_1786 {strides = array<i32>} : memref<2048xi32, #tpu.memory_space<vmem>>, vector<16xi32>,
      %get3A_1789 = arith.constant 2 : i32
      %get3A_1790 = arith.index_cast %get3A_1789 : i32 to index
      %get3A_1791 = arith.constant 0 : index
      %get3A_1792 = tpu.vector_load %arg11[%get3A_1790, %get3A_1791] {strides = array<i32>} : memref<16x128xi32, #tpu.memory_space<vmem>>, vector<16xi32>,
      %swap3A_1793 = arith.constant 256 : index
      %swap3A_1794 = tpu.vector_load %arg12[%swap3A_1793] {strides = array<i32>} : memref<2048xi32, #tpu.memory_space<vmem>>, vector<16xi32>,
      tpu.vector_store %arg12[%swap3A_1793], %get3A_1792 {strides = array<i32>} : memref<2048xi32, #tpu.memory_space<vmem>>, vector<16xi32>,
      %get3A_1795 = arith.constant 2 : i32
      %get3A_1796 = arith.index_cast %get3A_1795 : i32 to index
      %get3A_1797 = arith.constant 16 : index
      %get3A_1798 = tpu.vector_load %arg11[%get3A_1796, %get3A_1797] {strides = array<i32>} : memref<16x128xi32, #tpu.memory_space<vmem>>, vector<16xi32>,
      %swap3A_1799 = arith.constant 272 : index
      %swap3A_1800 = tpu.vector_load %arg12[%swap3A_1799] {strides = array<i32>} : memref<2048xi32, #tpu.memory_space<vmem>>, vector<16xi32>,
      tpu.vector_store %arg12[%swap3A_1799], %get3A_1798 {strides = array<i32>} : memref<2048xi32, #tpu.memory_space<vmem>>, vector<16xi32>,
      %get3A_1801 = arith.constant 2 : i32
      %get3A_1802 = arith.index_cast %get3A_1801 : i32 to index
      %get3A_1803 = arith.constant 32 : index
      %get3A_1804 = tpu.vector_load %arg11[%get3A_1802, %get3A_1803] {strides = array<i32>} : memref<16x128xi32, #tpu.memory_space<vmem>>, vector<16xi32>,
      %swap3A_1805 = arith.constant 288 : index
      %swap3A_1806 = tpu.vector_load %arg12[%swap3A_1805] {strides = array<i32>} : memref<2048xi32, #tpu.memory_space<vmem>>, vector<16xi32>,
      tpu.vector_store %arg12[%swap3A_1805], %get3A_1804 {strides = array<i32>} : memref<2048xi32, #tpu.memory_space<vmem>>, vector<16xi32>,
      %get3A_1807 = arith.constant 2 : i32
      %get3A_1808 = arith.index_cast %get3A_1807 : i32 to index
      %get3A_1809 = arith.constant 48 : index
      %get3A_1810 = tpu.vector_load %arg11[%get3A_1808, %get3A_1809] {strides = array<i32>} : memref<16x128xi32, #tpu.memory_space<vmem>>, vector<16xi32>,
      %swap3A_1811 = arith.constant 304 : index
      %swap3A_1812 = tpu.vector_load %arg12[%swap3A_1811] {strides = array<i32>} : memref<2048xi32, #tpu.memory_space<vmem>>, vector<16xi32>,
      tpu.vector_store %arg12[%swap3A_1811], %get3A_1810 {strides = array<i32>} : memref<2048xi32, #tpu.memory_space<vmem>>, vector<16xi32>,
      %get3A_1813 = arith.constant 2 : i32
      %get3A_1814 = arith.index_cast %get3A_1813 : i32 to index
      %get3A_1815 = arith.constant 64 : index
      %get3A_1816 = tpu.vector_load %arg11[%get3A_1814, %get3A_1815] {strides = array<i32>} : memref<16x128xi32, #tpu.memory_space<vmem>>, vector<16xi32>,
      %swap3A_1817 = arith.constant 320 : index
      %swap3A_1818 = tpu.vector_load %arg12[%swap3A_1817] {strides = array<i32>} : memref<2048xi32, #tpu.memory_space<vmem>>, vector<16xi32>,
      tpu.vector_store %arg12[%swap3A_1817], %get3A_1816 {strides = array<i32>} : memref<2048xi32, #tpu.memory_space<vmem>>, vector<16xi32>,
      %get3A_1819 = arith.constant 2 : i32
      %get3A_1820 = arith.index_cast %get3A_1819 : i32 to index
      %get3A_1821 = arith.constant 80 : index
      %get3A_1822 = tpu.vector_load %arg11[%get3A_1820, %get3A_1821] {strides = array<i32>} : memref<16x128xi32, #tpu.memory_space<vmem>>, vector<16xi32>,
      %swap3A_1823 = arith.constant 336 : index
      %swap3A_1824 = tpu.vector_load %arg12[%swap3A_1823] {strides = array<i32>} : memref<2048xi32, #tpu.memory_space<vmem>>, vector<16xi32>,
      tpu.vector_store %arg12[%swap3A_1823], %get3A_1822 {strides = array<i32>} : memref<2048xi32, #tpu.memory_space<vmem>>, vector<16xi32>,
      %get3A_1825 = arith.constant 2 : i32
      %get3A_1826 = arith.index_cast %get3A_1825 : i32 to index
      %get3A_1827 = arith.constant 96 : index
      %get3A_1828 = tpu.vector_load %arg11[%get3A_1826, %get3A_1827] {strides = array<i32>} : memref<16x128xi32, #tpu.memory_space<vmem>>, vector<16xi32>,
      %swap3A_1829 = arith.constant 352 : index
      %swap3A_1830 = tpu.vector_load %arg12[%swap3A_1829] {strides = array<i32>} : memref<2048xi32, #tpu.memory_space<vmem>>, vector<16xi32>,
      tpu.vector_store %arg12[%swap3A_1829], %get3A_1828 {strides = array<i32>} : memref<2048xi32, #tpu.memory_space<vmem>>, vector<16xi32>,
      %get3A_1831 = arith.constant 2 : i32
      %get3A_1832 = arith.index_cast %get3A_1831 : i32 to index
      %get3A_1833 = arith.constant 112 : index
      %get3A_1834 = tpu.vector_load %arg11[%get3A_1832, %get3A_1833] {strides = array<i32>} : memref<16x128xi32, #tpu.memory_space<vmem>>, vector<16xi32>,
      %swap3A_1835 = arith.constant 368 : index
      %swap3A_1836 = tpu.vector_load %arg12[%swap3A_1835] {strides = array<i32>} : memref<2048xi32, #tpu.memory_space<vmem>>, vector<16xi32>,
      tpu.vector_store %arg12[%swap3A_1835], %get3A_1834 {strides = array<i32>} : memref<2048xi32, #tpu.memory_space<vmem>>, vector<16xi32>,
      %get3A_1837 = arith.constant 3 : i32
      %get3A_1838 = arith.index_cast %get3A_1837 : i32 to index
      %get3A_1839 = arith.constant 0 : index
      %get3A_1840 = tpu.vector_load %arg11[%get3A_1838, %get3A_1839] {strides = array<i32>} : memref<16x128xi32, #tpu.memory_space<vmem>>, vector<16xi32>,
      %swap3A_1841 = arith.constant 384 : index
      %swap3A_1842 = tpu.vector_load %arg12[%swap3A_1841] {strides = array<i32>} : memref<2048xi32, #tpu.memory_space<vmem>>, vector<16xi32>,
      tpu.vector_store %arg12[%swap3A_1841], %get3A_1840 {strides = array<i32>} : memref<2048xi32, #tpu.memory_space<vmem>>, vector<16xi32>,
      %get3A_1843 = arith.constant 3 : i32
      %get3A_1844 = arith.index_cast %get3A_1843 : i32 to index
      %get3A_1845 = arith.constant 16 : index
      %get3A_1846 = tpu.vector_load %arg11[%get3A_1844, %get3A_1845] {strides = array<i32>} : memref<16x128xi32, #tpu.memory_space<vmem>>, vector<16xi32>,
      %swap3A_1847 = arith.constant 400 : index
      %swap3A_1848 = tpu.vector_load %arg12[%swap3A_1847] {strides = array<i32>} : memref<2048xi32, #tpu.memory_space<vmem>>, vector<16xi32>,
      tpu.vector_store %arg12[%swap3A_1847], %get3A_1846 {strides = array<i32>} : memref<2048xi32, #tpu.memory_space<vmem>>, vector<16xi32>,
      %get3A_1849 = arith.constant 3 : i32
      %get3A_1850 = arith.index_cast %get3A_1849 : i32 to index
      %get3A_1851 = arith.constant 32 : index
      %get3A_1852 = tpu.vector_load %arg11[%get3A_1850, %get3A_1851] {strides = array<i32>} : memref<16x128xi32, #tpu.memory_space<vmem>>, vector<16xi32>,
      %swap3A_1853 = arith.constant 416 : index
      %swap3A_1854 = tpu.vector_load %arg12[%swap3A_1853] {strides = array<i32>} : memref<2048xi32, #tpu.memory_space<vmem>>, vector<16xi32>,
      tpu.vector_store %arg12[%swap3A_1853], %get3A_1852 {strides = array<i32>} : memref<2048xi32, #tpu.memory_space<vmem>>, vector<16xi32>,
      %get3A_1855 = arith.constant 3 : i32
      %get3A_1856 = arith.index_cast %get3A_1855 : i32 to index
      %get3A_1857 = arith.constant 48 : index
      %get3A_1858 = tpu.vector_load %arg11[%get3A_1856, %get3A_1857] {strides = array<i32>} : memref<16x128xi32, #tpu.memory_space<vmem>>, vector<16xi32>,
      %swap3A_1859 = arith.constant 432 : index
      %swap3A_1860 = tpu.vector_load %arg12[%swap3A_1859] {strides = array<i32>} : memref<2048xi32, #tpu.memory_space<vmem>>, vector<16xi32>,
      tpu.vector_store %arg12[%swap3A_1859], %get3A_1858 {strides = array<i32>} : memref<2048xi32, #tpu.memory_space<vmem>>, vector<16xi32>,
      %get3A_1861 = arith.constant 3 : i32
      %get3A_1862 = arith.index_cast %get3A_1861 : i32 to index
      %get3A_1863 = arith.constant 64 : index
      %get3A_1864 = tpu.vector_load %arg11[%get3A_1862, %get3A_1863] {strides = array<i32>} : memref<16x128xi32, #tpu.memory_space<vmem>>, vector<16xi32>,
      %swap3A_1865 = arith.constant 448 : index
      %swap3A_1866 = tpu.vector_load %arg12[%swap3A_1865] {strides = array<i32>} : memref<2048xi32, #tpu.memory_space<vmem>>, vector<16xi32>,
      tpu.vector_store %arg12[%swap3A_1865], %get3A_1864 {strides = array<i32>} : memref<2048xi32, #tpu.memory_space<vmem>>, vector<16xi32>,
      %get3A_1867 = arith.constant 3 : i32
      %get3A_1868 = arith.index_cast %get3A_1867 : i32 to index
      %get3A_1869 = arith.constant 80 : index
      %get3A_1870 = tpu.vector_load %arg11[%get3A_1868, %get3A_1869] {strides = array<i32>} : memref<16x128xi32, #tpu.memory_space<vmem>>, vector<16xi32>,
      %swap3A_1871 = arith.constant 464 : index
      %swap3A_1872 = tpu.vector_load %arg12[%swap3A_1871] {strides = array<i32>} : memref<2048xi32, #tpu.memory_space<vmem>>, vector<16xi32>,
      tpu.vector_store %arg12[%swap3A_1871], %get3A_1870 {strides = array<i32>} : memref<2048xi32, #tpu.memory_space<vmem>>, vector<16xi32>,
      %get3A_1873 = arith.constant 3 : i32
      %get3A_1874 = arith.index_cast %get3A_1873 : i32 to index
      %get3A_1875 = arith.constant 96 : index
      %get3A_1876 = tpu.vector_load %arg11[%get3A_1874, %get3A_1875] {strides = array<i32>} : memref<16x128xi32, #tpu.memory_space<vmem>>, vector<16xi32>,
      %swap3A_1877 = arith.constant 480 : index
      %swap3A_1878 = tpu.vector_load %arg12[%swap3A_1877] {strides = array<i32>} : memref<2048xi32, #tpu.memory_space<vmem>>, vector<16xi32>,
      tpu.vector_store %arg12[%swap3A_1877], %get3A_1876 {strides = array<i32>} : memref<2048xi32, #tpu.memory_space<vmem>>, vector<16xi32>,
      %get3A_1879 = arith.constant 3 : i32
      %get3A_1880 = arith.index_cast %get3A_1879 : i32 to index
      %get3A_1881 = arith.constant 112 : index
      %get3A_1882 = tpu.vector_load %arg11[%get3A_1880, %get3A_1881] {strides = array<i32>} : memref<16x128xi32, #tpu.memory_space<vmem>>, vector<16xi32>,
      %swap3A_1883 = arith.constant 496 : index
      %swap3A_1884 = tpu.vector_load %arg12[%swap3A_1883] {strides = array<i32>} : memref<2048xi32, #tpu.memory_space<vmem>>, vector<16xi32>,
      tpu.vector_store %arg12[%swap3A_1883], %get3A_1882 {strides = array<i32>} : memref<2048xi32, #tpu.memory_space<vmem>>, vector<16xi32>,
      %get3A_1885 = arith.constant 4 : i32
      %get3A_1886 = arith.index_cast %get3A_1885 : i32 to index
      %get3A_1887 = arith.constant 0 : index
      %get3A_1888 = tpu.vector_load %arg11[%get3A_1886, %get3A_1887] {strides = array<i32>} : memref<16x128xi32, #tpu.memory_space<vmem>>, vector<16xi32>,
      %swap3A_1889 = arith.constant 512 : index
      %swap3A_1890 = tpu.vector_load %arg12[%swap3A_1889] {strides = array<i32>} : memref<2048xi32, #tpu.memory_space<vmem>>, vector<16xi32>,
      tpu.vector_store %arg12[%swap3A_1889], %get3A_1888 {strides = array<i32>} : memref<2048xi32, #tpu.memory_space<vmem>>, vector<16xi32>,
      %get3A_1891 = arith.constant 4 : i32
      %get3A_1892 = arith.index_cast %get3A_1891 : i32 to index
      %get3A_1893 = arith.constant 16 : index
      %get3A_1894 = tpu.vector_load %arg11[%get3A_1892, %get3A_1893] {strides = array<i32>} : memref<16x128xi32, #tpu.memory_space<vmem>>, vector<16xi32>,
      %swap3A_1895 = arith.constant 528 : index
      %swap3A_1896 = tpu.vector_load %arg12[%swap3A_1895] {strides = array<i32>} : memref<2048xi32, #tpu.memory_space<vmem>>, vector<16xi32>,
      tpu.vector_store %arg12[%swap3A_1895], %get3A_1894 {strides = array<i32>} : memref<2048xi32, #tpu.memory_space<vmem>>, vector<16xi32>,
      %get3A_1897 = arith.constant 4 : i32
      %get3A_1898 = arith.index_cast %get3A_1897 : i32 to index
      %get3A_1899 = arith.constant 32 : index
      %get3A_1900 = tpu.vector_load %arg11[%get3A_1898, %get3A_1899] {strides = array<i32>} : memref<16x128xi32, #tpu.memory_space<vmem>>, vector<16xi32>,
      %swap3A_1901 = arith.constant 544 : index
      %swap3A_1902 = tpu.vector_load %arg12[%swap3A_1901] {strides = array<i32>} : memref<2048xi32, #tpu.memory_space<vmem>>, vector<16xi32>,
      tpu.vector_store %arg12[%swap3A_1901], %get3A_1900 {strides = array<i32>} : memref<2048xi32, #tpu.memory_space<vmem>>, vector<16xi32>,
      %get3A_1903 = arith.constant 4 : i32
      %get3A_1904 = arith.index_cast %get3A_1903 : i32 to index
      %get3A_1905 = arith.constant 48 : index
      %get3A_1906 = tpu.vector_load %arg11[%get3A_1904, %get3A_1905] {strides = array<i32>} : memref<16x128xi32, #tpu.memory_space<vmem>>, vector<16xi32>,
      %swap3A_1907 = arith.constant 560 : index
      %swap3A_1908 = tpu.vector_load %arg12[%swap3A_1907] {strides = array<i32>} : memref<2048xi32, #tpu.memory_space<vmem>>, vector<16xi32>,
      tpu.vector_store %arg12[%swap3A_1907], %get3A_1906 {strides = array<i32>} : memref<2048xi32, #tpu.memory_space<vmem>>, vector<16xi32>,
      %get3A_1909 = arith.constant 4 : i32
      %get3A_1910 = arith.index_cast %get3A_1909 : i32 to index
      %get3A_1911 = arith.constant 64 : index
      %get3A_1912 = tpu.vector_load %arg11[%get3A_1910, %get3A_1911] {strides = array<i32>} : memref<16x128xi32, #tpu.memory_space<vmem>>, vector<16xi32>,
      %swap3A_1913 = arith.constant 576 : index
      %swap3A_1914 = tpu.vector_load %arg12[%swap3A_1913] {strides = array<i32>} : memref<2048xi32, #tpu.memory_space<vmem>>, vector<16xi32>,
      tpu.vector_store %arg12[%swap3A_1913], %get3A_1912 {strides = array<i32>} : memref<2048xi32, #tpu.memory_space<vmem>>, vector<16xi32>,
      %get3A_1915 = arith.constant 4 : i32
      %get3A_1916 = arith.index_cast %get3A_1915 : i32 to index
      %get3A_1917 = arith.constant 80 : index
      %get3A_1918 = tpu.vector_load %arg11[%get3A_1916, %get3A_1917] {strides = array<i32>} : memref<16x128xi32, #tpu.memory_space<vmem>>, vector<16xi32>,
      %swap3A_1919 = arith.constant 592 : index
      %swap3A_1920 = tpu.vector_load %arg12[%swap3A_1919] {strides = array<i32>} : memref<2048xi32, #tpu.memory_space<vmem>>, vector<16xi32>,
      tpu.vector_store %arg12[%swap3A_1919], %get3A_1918 {strides = array<i32>} : memref<2048xi32, #tpu.memory_space<vmem>>, vector<16xi32>,
      %get3A_1921 = arith.constant 4 : i32
      %get3A_1922 = arith.index_cast %get3A_1921 : i32 to index
      %get3A_1923 = arith.constant 96 : index
      %get3A_1924 = tpu.vector_load %arg11[%get3A_1922, %get3A_1923] {strides = array<i32>} : memref<16x128xi32, #tpu.memory_space<vmem>>, vector<16xi32>,
      %swap3A_1925 = arith.constant 608 : index
      %swap3A_1926 = tpu.vector_load %arg12[%swap3A_1925] {strides = array<i32>} : memref<2048xi32, #tpu.memory_space<vmem>>, vector<16xi32>,
      tpu.vector_store %arg12[%swap3A_1925], %get3A_1924 {strides = array<i32>} : memref<2048xi32, #tpu.memory_space<vmem>>, vector<16xi32>,
      %get3A_1927 = arith.constant 4 : i32
      %get3A_1928 = arith.index_cast %get3A_1927 : i32 to index
      %get3A_1929 = arith.constant 112 : index
      %get3A_1930 = tpu.vector_load %arg11[%get3A_1928, %get3A_1929] {strides = array<i32>} : memref<16x128xi32, #tpu.memory_space<vmem>>, vector<16xi32>,
      %swap3A_1931 = arith.constant 624 : index
      %swap3A_1932 = tpu.vector_load %arg12[%swap3A_1931] {strides = array<i32>} : memref<2048xi32, #tpu.memory_space<vmem>>, vector<16xi32>,
      tpu.vector_store %arg12[%swap3A_1931], %get3A_1930 {strides = array<i32>} : memref<2048xi32, #tpu.memory_space<vmem>>, vector<16xi32>,
      %get3A_1933 = arith.constant 5 : i32
      %get3A_1934 = arith.index_cast %get3A_1933 : i32 to index
      %get3A_1935 = arith.constant 0 : index
      %get3A_1936 = tpu.vector_load %arg11[%get3A_1934, %get3A_1935] {strides = array<i32>} : memref<16x128xi32, #tpu.memory_space<vmem>>, vector<16xi32>,
      %swap3A_1937 = arith.constant 640 : index
      %swap3A_1938 = tpu.vector_load %arg12[%swap3A_1937] {strides = array<i32>} : memref<2048xi32, #tpu.memory_space<vmem>>, vector<16xi32>,
      tpu.vector_store %arg12[%swap3A_1937], %get3A_1936 {strides = array<i32>} : memref<2048xi32, #tpu.memory_space<vmem>>, vector<16xi32>,
      %get3A_1939 = arith.constant 5 : i32
      %get3A_1940 = arith.index_cast %get3A_1939 : i32 to index
      %get3A_1941 = arith.constant 16 : index
      %get3A_1942 = tpu.vector_load %arg11[%get3A_1940, %get3A_1941] {strides = array<i32>} : memref<16x128xi32, #tpu.memory_space<vmem>>, vector<16xi32>,
      %swap3A_1943 = arith.constant 656 : index
      %swap3A_1944 = tpu.vector_load %arg12[%swap3A_1943] {strides = array<i32>} : memref<2048xi32, #tpu.memory_space<vmem>>, vector<16xi32>,
      tpu.vector_store %arg12[%swap3A_1943], %get3A_1942 {strides = array<i32>} : memref<2048xi32, #tpu.memory_space<vmem>>, vector<16xi32>,
      %get3A_1945 = arith.constant 5 : i32
      %get3A_1946 = arith.index_cast %get3A_1945 : i32 to index
      %get3A_1947 = arith.constant 32 : index
      %get3A_1948 = tpu.vector_load %arg11[%get3A_1946, %get3A_1947] {strides = array<i32>} : memref<16x128xi32, #tpu.memory_space<vmem>>, vector<16xi32>,
      %swap3A_1949 = arith.constant 672 : index
      %swap3A_1950 = tpu.vector_load %arg12[%swap3A_1949] {strides = array<i32>} : memref<2048xi32, #tpu.memory_space<vmem>>, vector<16xi32>,
      tpu.vector_store %arg12[%swap3A_1949], %get3A_1948 {strides = array<i32>} : memref<2048xi32, #tpu.memory_space<vmem>>, vector<16xi32>,
      %get3A_1951 = arith.constant 5 : i32
      %get3A_1952 = arith.index_cast %get3A_1951 : i32 to index
      %get3A_1953 = arith.constant 48 : index
      %get3A_1954 = tpu.vector_load %arg11[%get3A_1952, %get3A_1953] {strides = array<i32>} : memref<16x128xi32, #tpu.memory_space<vmem>>, vector<16xi32>,
      %swap3A_1955 = arith.constant 688 : index
      %swap3A_1956 = tpu.vector_load %arg12[%swap3A_1955] {strides = array<i32>} : memref<2048xi32, #tpu.memory_space<vmem>>, vector<16xi32>,
      tpu.vector_store %arg12[%swap3A_1955], %get3A_1954 {strides = array<i32>} : memref<2048xi32, #tpu.memory_space<vmem>>, vector<16xi32>,
      %get3A_1957 = arith.constant 5 : i32
      %get3A_1958 = arith.index_cast %get3A_1957 : i32 to index
      %get3A_1959 = arith.constant 64 : index
      %get3A_1960 = tpu.vector_load %arg11[%get3A_1958, %get3A_1959] {strides = array<i32>} : memref<16x128xi32, #tpu.memory_space<vmem>>, vector<16xi32>,
      %swap3A_1961 = arith.constant 704 : index
      %swap3A_1962 = tpu.vector_load %arg12[%swap3A_1961] {strides = array<i32>} : memref<2048xi32, #tpu.memory_space<vmem>>, vector<16xi32>,
      tpu.vector_store %arg12[%swap3A_1961], %get3A_1960 {strides = array<i32>} : memref<2048xi32, #tpu.memory_space<vmem>>, vector<16xi32>,
      %get3A_1963 = arith.constant 5 : i32
      %get3A_1964 = arith.index_cast %get3A_1963 : i32 to index
      %get3A_1965 = arith.constant 80 : index
      %get3A_1966 = tpu.vector_load %arg11[%get3A_1964, %get3A_1965] {strides = array<i32>} : memref<16x128xi32, #tpu.memory_space<vmem>>, vector<16xi32>,
      %swap3A_1967 = arith.constant 720 : index
      %swap3A_1968 = tpu.vector_load %arg12[%swap3A_1967] {strides = array<i32>} : memref<2048xi32, #tpu.memory_space<vmem>>, vector<16xi32>,
      tpu.vector_store %arg12[%swap3A_1967], %get3A_1966 {strides = array<i32>} : memref<2048xi32, #tpu.memory_space<vmem>>, vector<16xi32>,
      %get3A_1969 = arith.constant 5 : i32
      %get3A_1970 = arith.index_cast %get3A_1969 : i32 to index
      %get3A_1971 = arith.constant 96 : index
      %get3A_1972 = tpu.vector_load %arg11[%get3A_1970, %get3A_1971] {strides = array<i32>} : memref<16x128xi32, #tpu.memory_space<vmem>>, vector<16xi32>,
      %swap3A_1973 = arith.constant 736 : index
      %swap3A_1974 = tpu.vector_load %arg12[%swap3A_1973] {strides = array<i32>} : memref<2048xi32, #tpu.memory_space<vmem>>, vector<16xi32>,
      tpu.vector_store %arg12[%swap3A_1973], %get3A_1972 {strides = array<i32>} : memref<2048xi32, #tpu.memory_space<vmem>>, vector<16xi32>,
      %get3A_1975 = arith.constant 5 : i32
      %get3A_1976 = arith.index_cast %get3A_1975 : i32 to index
      %get3A_1977 = arith.constant 112 : index
      %get3A_1978 = tpu.vector_load %arg11[%get3A_1976, %get3A_1977] {strides = array<i32>} : memref<16x128xi32, #tpu.memory_space<vmem>>, vector<16xi32>,
      %swap3A_1979 = arith.constant 752 : index
      %swap3A_1980 = tpu.vector_load %arg12[%swap3A_1979] {strides = array<i32>} : memref<2048xi32, #tpu.memory_space<vmem>>, vector<16xi32>,
      tpu.vector_store %arg12[%swap3A_1979], %get3A_1978 {strides = array<i32>} : memref<2048xi32, #tpu.memory_space<vmem>>, vector<16xi32>,
      %get3A_1981 = arith.constant 6 : i32
      %get3A_1982 = arith.index_cast %get3A_1981 : i32 to index
      %get3A_1983 = arith.constant 0 : index
      %get3A_1984 = tpu.vector_load %arg11[%get3A_1982, %get3A_1983] {strides = array<i32>} : memref<16x128xi32, #tpu.memory_space<vmem>>, vector<16xi32>,
      %swap3A_1985 = arith.constant 768 : index
      %swap3A_1986 = tpu.vector_load %arg12[%swap3A_1985] {strides = array<i32>} : memref<2048xi32, #tpu.memory_space<vmem>>, vector<16xi32>,
      tpu.vector_store %arg12[%swap3A_1985], %get3A_1984 {strides = array<i32>} : memref<2048xi32, #tpu.memory_space<vmem>>, vector<16xi32>,
      %get3A_1987 = arith.constant 6 : i32
      %get3A_1988 = arith.index_cast %get3A_1987 : i32 to index
      %get3A_1989 = arith.constant 16 : index
      %get3A_1990 = tpu.vector_load %arg11[%get3A_1988, %get3A_1989] {strides = array<i32>} : memref<16x128xi32, #tpu.memory_space<vmem>>, vector<16xi32>,
      %swap3A_1991 = arith.constant 784 : index
      %swap3A_1992 = tpu.vector_load %arg12[%swap3A_1991] {strides = array<i32>} : memref<2048xi32, #tpu.memory_space<vmem>>, vector<16xi32>,
      tpu.vector_store %arg12[%swap3A_1991], %get3A_1990 {strides = array<i32>} : memref<2048xi32, #tpu.memory_space<vmem>>, vector<16xi32>,
      %get3A_1993 = arith.constant 6 : i32
      %get3A_1994 = arith.index_cast %get3A_1993 : i32 to index
      %get3A_1995 = arith.constant 32 : index
      %get3A_1996 = tpu.vector_load %arg11[%get3A_1994, %get3A_1995] {strides = array<i32>} : memref<16x128xi32, #tpu.memory_space<vmem>>, vector<16xi32>,
      %swap3A_1997 = arith.constant 800 : index
      %swap3A_1998 = tpu.vector_load %arg12[%swap3A_1997] {strides = array<i32>} : memref<2048xi32, #tpu.memory_space<vmem>>, vector<16xi32>,
      tpu.vector_store %arg12[%swap3A_1997], %get3A_1996 {strides = array<i32>} : memref<2048xi32, #tpu.memory_space<vmem>>, vector<16xi32>,
      %get3A_1999 = arith.constant 6 : i32
      %get3A_2000 = arith.index_cast %get3A_1999 : i32 to index
      %get3A_2001 = arith.constant 48 : index
      %get3A_2002 = tpu.vector_load %arg11[%get3A_2000, %get3A_2001] {strides = array<i32>} : memref<16x128xi32, #tpu.memory_space<vmem>>, vector<16xi32>,
      %swap3A_2003 = arith.constant 816 : index
      %swap3A_2004 = tpu.vector_load %arg12[%swap3A_2003] {strides = array<i32>} : memref<2048xi32, #tpu.memory_space<vmem>>, vector<16xi32>,
      tpu.vector_store %arg12[%swap3A_2003], %get3A_2002 {strides = array<i32>} : memref<2048xi32, #tpu.memory_space<vmem>>, vector<16xi32>,
      %get3A_2005 = arith.constant 6 : i32
      %get3A_2006 = arith.index_cast %get3A_2005 : i32 to index
      %get3A_2007 = arith.constant 64 : index
      %get3A_2008 = tpu.vector_load %arg11[%get3A_2006, %get3A_2007] {strides = array<i32>} : memref<16x128xi32, #tpu.memory_space<vmem>>, vector<16xi32>,
      %swap3A_2009 = arith.constant 832 : index
      %swap3A_2010 = tpu.vector_load %arg12[%swap3A_2009] {strides = array<i32>} : memref<2048xi32, #tpu.memory_space<vmem>>, vector<16xi32>,
      tpu.vector_store %arg12[%swap3A_2009], %get3A_2008 {strides = array<i32>} : memref<2048xi32, #tpu.memory_space<vmem>>, vector<16xi32>,
      %get3A_2011 = arith.constant 6 : i32
      %get3A_2012 = arith.index_cast %get3A_2011 : i32 to index
      %get3A_2013 = arith.constant 80 : index
      %get3A_2014 = tpu.vector_load %arg11[%get3A_2012, %get3A_2013] {strides = array<i32>} : memref<16x128xi32, #tpu.memory_space<vmem>>, vector<16xi32>,
      %swap3A_2015 = arith.constant 848 : index
      %swap3A_2016 = tpu.vector_load %arg12[%swap3A_2015] {strides = array<i32>} : memref<2048xi32, #tpu.memory_space<vmem>>, vector<16xi32>,
      tpu.vector_store %arg12[%swap3A_2015], %get3A_2014 {strides = array<i32>} : memref<2048xi32, #tpu.memory_space<vmem>>, vector<16xi32>,
      %get3A_2017 = arith.constant 6 : i32
      %get3A_2018 = arith.index_cast %get3A_2017 : i32 to index
      %get3A_2019 = arith.constant 96 : index
      %get3A_2020 = tpu.vector_load %arg11[%get3A_2018, %get3A_2019] {strides = array<i32>} : memref<16x128xi32, #tpu.memory_space<vmem>>, vector<16xi32>,
      %swap3A_2021 = arith.constant 864 : index
      %swap3A_2022 = tpu.vector_load %arg12[%swap3A_2021] {strides = array<i32>} : memref<2048xi32, #tpu.memory_space<vmem>>, vector<16xi32>,
      tpu.vector_store %arg12[%swap3A_2021], %get3A_2020 {strides = array<i32>} : memref<2048xi32, #tpu.memory_space<vmem>>, vector<16xi32>,
      %get3A_2023 = arith.constant 6 : i32
      %get3A_2024 = arith.index_cast %get3A_2023 : i32 to index
      %get3A_2025 = arith.constant 112 : index
      %get3A_2026 = tpu.vector_load %arg11[%get3A_2024, %get3A_2025] {strides = array<i32>} : memref<16x128xi32, #tpu.memory_space<vmem>>, vector<16xi32>,
      %swap3A_2027 = arith.constant 880 : index
      %swap3A_2028 = tpu.vector_load %arg12[%swap3A_2027] {strides = array<i32>} : memref<2048xi32, #tpu.memory_space<vmem>>, vector<16xi32>,
      tpu.vector_store %arg12[%swap3A_2027], %get3A_2026 {strides = array<i32>} : memref<2048xi32, #tpu.memory_space<vmem>>, vector<16xi32>,
      %get3A_2029 = arith.constant 7 : i32
      %get3A_2030 = arith.index_cast %get3A_2029 : i32 to index
      %get3A_2031 = arith.constant 0 : index
      %get3A_2032 = tpu.vector_load %arg11[%get3A_2030, %get3A_2031] {strides = array<i32>} : memref<16x128xi32, #tpu.memory_space<vmem>>, vector<16xi32>,
      %swap3A_2033 = arith.constant 896 : index
      %swap3A_2034 = tpu.vector_load %arg12[%swap3A_2033] {strides = array<i32>} : memref<2048xi32, #tpu.memory_space<vmem>>, vector<16xi32>,
      tpu.vector_store %arg12[%swap3A_2033], %get3A_2032 {strides = array<i32>} : memref<2048xi32, #tpu.memory_space<vmem>>, vector<16xi32>,
      %get3A_2035 = arith.constant 7 : i32
      %get3A_2036 = arith.index_cast %get3A_2035 : i32 to index
      %get3A_2037 = arith.constant 16 : index
      %get3A_2038 = tpu.vector_load %arg11[%get3A_2036, %get3A_2037] {strides = array<i32>} : memref<16x128xi32, #tpu.memory_space<vmem>>, vector<16xi32>,
      %swap3A_2039 = arith.constant 912 : index
      %swap3A_2040 = tpu.vector_load %arg12[%swap3A_2039] {strides = array<i32>} : memref<2048xi32, #tpu.memory_space<vmem>>, vector<16xi32>,
      tpu.vector_store %arg12[%swap3A_2039], %get3A_2038 {strides = array<i32>} : memref<2048xi32, #tpu.memory_space<vmem>>, vector<16xi32>,
      %get3A_2041 = arith.constant 7 : i32
      %get3A_2042 = arith.index_cast %get3A_2041 : i32 to index
      %get3A_2043 = arith.constant 32 : index
      %get3A_2044 = tpu.vector_load %arg11[%get3A_2042, %get3A_2043] {strides = array<i32>} : memref<16x128xi32, #tpu.memory_space<vmem>>, vector<16xi32>,
      %swap3A_2045 = arith.constant 928 : index
      %swap3A_2046 = tpu.vector_load %arg12[%swap3A_2045] {strides = array<i32>} : memref<2048xi32, #tpu.memory_space<vmem>>, vector<16xi32>,
      tpu.vector_store %arg12[%swap3A_2045], %get3A_2044 {strides = array<i32>} : memref<2048xi32, #tpu.memory_space<vmem>>, vector<16xi32>,
      %get3A_2047 = arith.constant 7 : i32
      %get3A_2048 = arith.index_cast %get3A_2047 : i32 to index
      %get3A_2049 = arith.constant 48 : index
      %get3A_2050 = tpu.vector_load %arg11[%get3A_2048, %get3A_2049] {strides = array<i32>} : memref<16x128xi32, #tpu.memory_space<vmem>>, vector<16xi32>,
      %swap3A_2051 = arith.constant 944 : index
      %swap3A_2052 = tpu.vector_load %arg12[%swap3A_2051] {strides = array<i32>} : memref<2048xi32, #tpu.memory_space<vmem>>, vector<16xi32>,
      tpu.vector_store %arg12[%swap3A_2051], %get3A_2050 {strides = array<i32>} : memref<2048xi32, #tpu.memory_space<vmem>>, vector<16xi32>,
      %get3A_2053 = arith.constant 7 : i32
      %get3A_2054 = arith.index_cast %get3A_2053 : i32 to index
      %get3A_2055 = arith.constant 64 : index
      %get3A_2056 = tpu.vector_load %arg11[%get3A_2054, %get3A_2055] {strides = array<i32>} : memref<16x128xi32, #tpu.memory_space<vmem>>, vector<16xi32>,
      %swap3A_2057 = arith.constant 960 : index
      %swap3A_2058 = tpu.vector_load %arg12[%swap3A_2057] {strides = array<i32>} : memref<2048xi32, #tpu.memory_space<vmem>>, vector<16xi32>,
      tpu.vector_store %arg12[%swap3A_2057], %get3A_2056 {strides = array<i32>} : memref<2048xi32, #tpu.memory_space<vmem>>, vector<16xi32>,
      %get3A_2059 = arith.constant 7 : i32
      %get3A_2060 = arith.index_cast %get3A_2059 : i32 to index
      %get3A_2061 = arith.constant 80 : index
      %get3A_2062 = tpu.vector_load %arg11[%get3A_2060, %get3A_2061] {strides = array<i32>} : memref<16x128xi32, #tpu.memory_space<vmem>>, vector<16xi32>,
      %swap3A_2063 = arith.constant 976 : index
      %swap3A_2064 = tpu.vector_load %arg12[%swap3A_2063] {strides = array<i32>} : memref<2048xi32, #tpu.memory_space<vmem>>, vector<16xi32>,
      tpu.vector_store %arg12[%swap3A_2063], %get3A_2062 {strides = array<i32>} : memref<2048xi32, #tpu.memory_space<vmem>>, vector<16xi32>,
      %get3A_2065 = arith.constant 7 : i32
      %get3A_2066 = arith.index_cast %get3A_2065 : i32 to index
      %get3A_2067 = arith.constant 96 : index
      %get3A_2068 = tpu.vector_load %arg11[%get3A_2066, %get3A_2067] {strides = array<i32>} : memref<16x128xi32, #tpu.memory_space<vmem>>, vector<16xi32>,
      %swap3A_2069 = arith.constant 992 : index
      %swap3A_2070 = tpu.vector_load %arg12[%swap3A_2069] {strides = array<i32>} : memref<2048xi32, #tpu.memory_space<vmem>>, vector<16xi32>,
      tpu.vector_store %arg12[%swap3A_2069], %get3A_2068 {strides = array<i32>} : memref<2048xi32, #tpu.memory_space<vmem>>, vector<16xi32>,
      %get3A_2071 = arith.constant 7 : i32
      %get3A_2072 = arith.index_cast %get3A_2071 : i32 to index
      %get3A_2073 = arith.constant 112 : index
      %get3A_2074 = tpu.vector_load %arg11[%get3A_2072, %get3A_2073] {strides = array<i32>} : memref<16x128xi32, #tpu.memory_space<vmem>>, vector<16xi32>,
      %swap3A_2075 = arith.constant 1008 : index
      %swap3A_2076 = tpu.vector_load %arg12[%swap3A_2075] {strides = array<i32>} : memref<2048xi32, #tpu.memory_space<vmem>>, vector<16xi32>,
      tpu.vector_store %arg12[%swap3A_2075], %get3A_2074 {strides = array<i32>} : memref<2048xi32, #tpu.memory_space<vmem>>, vector<16xi32>,
      %get3A_2077 = arith.constant 8 : i32
      %get3A_2078 = arith.index_cast %get3A_2077 : i32 to index
      %get3A_2079 = arith.constant 0 : index
      %get3A_2080 = tpu.vector_load %arg11[%get3A_2078, %get3A_2079] {strides = array<i32>} : memref<16x128xi32, #tpu.memory_space<vmem>>, vector<16xi32>,
      %swap3A_2081 = arith.constant 1024 : index
      %swap3A_2082 = tpu.vector_load %arg12[%swap3A_2081] {strides = array<i32>} : memref<2048xi32, #tpu.memory_space<vmem>>, vector<16xi32>,
      tpu.vector_store %arg12[%swap3A_2081], %get3A_2080 {strides = array<i32>} : memref<2048xi32, #tpu.memory_space<vmem>>, vector<16xi32>,
      %get3A_2083 = arith.constant 8 : i32
      %get3A_2084 = arith.index_cast %get3A_2083 : i32 to index
      %get3A_2085 = arith.constant 16 : index
      %get3A_2086 = tpu.vector_load %arg11[%get3A_2084, %get3A_2085] {strides = array<i32>} : memref<16x128xi32, #tpu.memory_space<vmem>>, vector<16xi32>,
      %swap3A_2087 = arith.constant 1040 : index
      %swap3A_2088 = tpu.vector_load %arg12[%swap3A_2087] {strides = array<i32>} : memref<2048xi32, #tpu.memory_space<vmem>>, vector<16xi32>,
      tpu.vector_store %arg12[%swap3A_2087], %get3A_2086 {strides = array<i32>} : memref<2048xi32, #tpu.memory_space<vmem>>, vector<16xi32>,
      %get3A_2089 = arith.constant 8 : i32
      %get3A_2090 = arith.index_cast %get3A_2089 : i32 to index
      %get3A_2091 = arith.constant 32 : index
      %get3A_2092 = tpu.vector_load %arg11[%get3A_2090, %get3A_2091] {strides = array<i32>} : memref<16x128xi32, #tpu.memory_space<vmem>>, vector<16xi32>,
      %swap3A_2093 = arith.constant 1056 : index
      %swap3A_2094 = tpu.vector_load %arg12[%swap3A_2093] {strides = array<i32>} : memref<2048xi32, #tpu.memory_space<vmem>>, vector<16xi32>,
      tpu.vector_store %arg12[%swap3A_2093], %get3A_2092 {strides = array<i32>} : memref<2048xi32, #tpu.memory_space<vmem>>, vector<16xi32>,
      %get3A_2095 = arith.constant 8 : i32
      %get3A_2096 = arith.index_cast %get3A_2095 : i32 to index
      %get3A_2097 = arith.constant 48 : index
      %get3A_2098 = tpu.vector_load %arg11[%get3A_2096, %get3A_2097] {strides = array<i32>} : memref<16x128xi32, #tpu.memory_space<vmem>>, vector<16xi32>,
      %swap3A_2099 = arith.constant 1072 : index
      %swap3A_2100 = tpu.vector_load %arg12[%swap3A_2099] {strides = array<i32>} : memref<2048xi32, #tpu.memory_space<vmem>>, vector<16xi32>,
      tpu.vector_store %arg12[%swap3A_2099], %get3A_2098 {strides = array<i32>} : memref<2048xi32, #tpu.memory_space<vmem>>, vector<16xi32>,
      %get3A_2101 = arith.constant 8 : i32
      %get3A_2102 = arith.index_cast %get3A_2101 : i32 to index
      %get3A_2103 = arith.constant 64 : index
      %get3A_2104 = tpu.vector_load %arg11[%get3A_2102, %get3A_2103] {strides = array<i32>} : memref<16x128xi32, #tpu.memory_space<vmem>>, vector<16xi32>,
      %swap3A_2105 = arith.constant 1088 : index
      %swap3A_2106 = tpu.vector_load %arg12[%swap3A_2105] {strides = array<i32>} : memref<2048xi32, #tpu.memory_space<vmem>>, vector<16xi32>,
      tpu.vector_store %arg12[%swap3A_2105], %get3A_2104 {strides = array<i32>} : memref<2048xi32, #tpu.memory_space<vmem>>, vector<16xi32>,
      %get3A_2107 = arith.constant 8 : i32
      %get3A_2108 = arith.index_cast %get3A_2107 : i32 to index
      %get3A_2109 = arith.constant 80 : index
      %get3A_2110 = tpu.vector_load %arg11[%get3A_2108, %get3A_2109] {strides = array<i32>} : memref<16x128xi32, #tpu.memory_space<vmem>>, vector<16xi32>,
      %swap3A_2111 = arith.constant 1104 : index
      %swap3A_2112 = tpu.vector_load %arg12[%swap3A_2111] {strides = array<i32>} : memref<2048xi32, #tpu.memory_space<vmem>>, vector<16xi32>,
      tpu.vector_store %arg12[%swap3A_2111], %get3A_2110 {strides = array<i32>} : memref<2048xi32, #tpu.memory_space<vmem>>, vector<16xi32>,
      %get3A_2113 = arith.constant 8 : i32
      %get3A_2114 = arith.index_cast %get3A_2113 : i32 to index
      %get3A_2115 = arith.constant 96 : index
      %get3A_2116 = tpu.vector_load %arg11[%get3A_2114, %get3A_2115] {strides = array<i32>} : memref<16x128xi32, #tpu.memory_space<vmem>>, vector<16xi32>,
      %swap3A_2117 = arith.constant 1120 : index
      %swap3A_2118 = tpu.vector_load %arg12[%swap3A_2117] {strides = array<i32>} : memref<2048xi32, #tpu.memory_space<vmem>>, vector<16xi32>,
      tpu.vector_store %arg12[%swap3A_2117], %get3A_2116 {strides = array<i32>} : memref<2048xi32, #tpu.memory_space<vmem>>, vector<16xi32>,
      %get3A_2119 = arith.constant 8 : i32
      %get3A_2120 = arith.index_cast %get3A_2119 : i32 to index
      %get3A_2121 = arith.constant 112 : index
      %get3A_2122 = tpu.vector_load %arg11[%get3A_2120, %get3A_2121] {strides = array<i32>} : memref<16x128xi32, #tpu.memory_space<vmem>>, vector<16xi32>,
      %swap3A_2123 = arith.constant 1136 : index
      %swap3A_2124 = tpu.vector_load %arg12[%swap3A_2123] {strides = array<i32>} : memref<2048xi32, #tpu.memory_space<vmem>>, vector<16xi32>,
      tpu.vector_store %arg12[%swap3A_2123], %get3A_2122 {strides = array<i32>} : memref<2048xi32, #tpu.memory_space<vmem>>, vector<16xi32>,
      %get3A_2125 = arith.constant 9 : i32
      %get3A_2126 = arith.index_cast %get3A_2125 : i32 to index
      %get3A_2127 = arith.constant 0 : index
      %get3A_2128 = tpu.vector_load %arg11[%get3A_2126, %get3A_2127] {strides = array<i32>} : memref<16x128xi32, #tpu.memory_space<vmem>>, vector<16xi32>,
      %swap3A_2129 = arith.constant 1152 : index
      %swap3A_2130 = tpu.vector_load %arg12[%swap3A_2129] {strides = array<i32>} : memref<2048xi32, #tpu.memory_space<vmem>>, vector<16xi32>,
      tpu.vector_store %arg12[%swap3A_2129], %get3A_2128 {strides = array<i32>} : memref<2048xi32, #tpu.memory_space<vmem>>, vector<16xi32>,
      %get3A_2131 = arith.constant 9 : i32
      %get3A_2132 = arith.index_cast %get3A_2131 : i32 to index
      %get3A_2133 = arith.constant 16 : index
      %get3A_2134 = tpu.vector_load %arg11[%get3A_2132, %get3A_2133] {strides = array<i32>} : memref<16x128xi32, #tpu.memory_space<vmem>>, vector<16xi32>,
      %swap3A_2135 = arith.constant 1168 : index
      %swap3A_2136 = tpu.vector_load %arg12[%swap3A_2135] {strides = array<i32>} : memref<2048xi32, #tpu.memory_space<vmem>>, vector<16xi32>,
      tpu.vector_store %arg12[%swap3A_2135], %get3A_2134 {strides = array<i32>} : memref<2048xi32, #tpu.memory_space<vmem>>, vector<16xi32>,
      %get3A_2137 = arith.constant 9 : i32
      %get3A_2138 = arith.index_cast %get3A_2137 : i32 to index
      %get3A_2139 = arith.constant 32 : index
      %get3A_2140 = tpu.vector_load %arg11[%get3A_2138, %get3A_2139] {strides = array<i32>} : memref<16x128xi32, #tpu.memory_space<vmem>>, vector<16xi32>,
      %swap3A_2141 = arith.constant 1184 : index
      %swap3A_2142 = tpu.vector_load %arg12[%swap3A_2141] {strides = array<i32>} : memref<2048xi32, #tpu.memory_space<vmem>>, vector<16xi32>,
      tpu.vector_store %arg12[%swap3A_2141], %get3A_2140 {strides = array<i32>} : memref<2048xi32, #tpu.memory_space<vmem>>, vector<16xi32>,
      %get3A_2143 = arith.constant 9 : i32
      %get3A_2144 = arith.index_cast %get3A_2143 : i32 to index
      %get3A_2145 = arith.constant 48 : index
      %get3A_2146 = tpu.vector_load %arg11[%get3A_2144, %get3A_2145] {strides = array<i32>} : memref<16x128xi32, #tpu.memory_space<vmem>>, vector<16xi32>,
      %swap3A_2147 = arith.constant 1200 : index
      %swap3A_2148 = tpu.vector_load %arg12[%swap3A_2147] {strides = array<i32>} : memref<2048xi32, #tpu.memory_space<vmem>>, vector<16xi32>,
      tpu.vector_store %arg12[%swap3A_2147], %get3A_2146 {strides = array<i32>} : memref<2048xi32, #tpu.memory_space<vmem>>, vector<16xi32>,
      %get3A_2149 = arith.constant 9 : i32
      %get3A_2150 = arith.index_cast %get3A_2149 : i32 to index
      %get3A_2151 = arith.constant 64 : index
      %get3A_2152 = tpu.vector_load %arg11[%get3A_2150, %get3A_2151] {strides = array<i32>} : memref<16x128xi32, #tpu.memory_space<vmem>>, vector<16xi32>,
      %swap3A_2153 = arith.constant 1216 : index
      %swap3A_2154 = tpu.vector_load %arg12[%swap3A_2153] {strides = array<i32>} : memref<2048xi32, #tpu.memory_space<vmem>>, vector<16xi32>,
      tpu.vector_store %arg12[%swap3A_2153], %get3A_2152 {strides = array<i32>} : memref<2048xi32, #tpu.memory_space<vmem>>, vector<16xi32>,
      %get3A_2155 = arith.constant 9 : i32
      %get3A_2156 = arith.index_cast %get3A_2155 : i32 to index
      %get3A_2157 = arith.constant 80 : index
      %get3A_2158 = tpu.vector_load %arg11[%get3A_2156, %get3A_2157] {strides = array<i32>} : memref<16x128xi32, #tpu.memory_space<vmem>>, vector<16xi32>,
      %swap3A_2159 = arith.constant 1232 : index
      %swap3A_2160 = tpu.vector_load %arg12[%swap3A_2159] {strides = array<i32>} : memref<2048xi32, #tpu.memory_space<vmem>>, vector<16xi32>,
      tpu.vector_store %arg12[%swap3A_2159], %get3A_2158 {strides = array<i32>} : memref<2048xi32, #tpu.memory_space<vmem>>, vector<16xi32>,
      %get3A_2161 = arith.constant 9 : i32
      %get3A_2162 = arith.index_cast %get3A_2161 : i32 to index
      %get3A_2163 = arith.constant 96 : index
      %get3A_2164 = tpu.vector_load %arg11[%get3A_2162, %get3A_2163] {strides = array<i32>} : memref<16x128xi32, #tpu.memory_space<vmem>>, vector<16xi32>,
      %swap3A_2165 = arith.constant 1248 : index
      %swap3A_2166 = tpu.vector_load %arg12[%swap3A_2165] {strides = array<i32>} : memref<2048xi32, #tpu.memory_space<vmem>>, vector<16xi32>,
      tpu.vector_store %arg12[%swap3A_2165], %get3A_2164 {strides = array<i32>} : memref<2048xi32, #tpu.memory_space<vmem>>, vector<16xi32>,
      %get3A_2167 = arith.constant 9 : i32
      %get3A_2168 = arith.index_cast %get3A_2167 : i32 to index
      %get3A_2169 = arith.constant 112 : index
      %get3A_2170 = tpu.vector_load %arg11[%get3A_2168, %get3A_2169] {strides = array<i32>} : memref<16x128xi32, #tpu.memory_space<vmem>>, vector<16xi32>,
      %swap3A_2171 = arith.constant 1264 : index
      %swap3A_2172 = tpu.vector_load %arg12[%swap3A_2171] {strides = array<i32>} : memref<2048xi32, #tpu.memory_space<vmem>>, vector<16xi32>,
      tpu.vector_store %arg12[%swap3A_2171], %get3A_2170 {strides = array<i32>} : memref<2048xi32, #tpu.memory_space<vmem>>, vector<16xi32>,
      %get3A_2173 = arith.constant 10 : i32
      %get3A_2174 = arith.index_cast %get3A_2173 : i32 to index
      %get3A_2175 = arith.constant 0 : index
      %get3A_2176 = tpu.vector_load %arg11[%get3A_2174, %get3A_2175] {strides = array<i32>} : memref<16x128xi32, #tpu.memory_space<vmem>>, vector<16xi32>,
      %swap3A_2177 = arith.constant 1280 : index
      %swap3A_2178 = tpu.vector_load %arg12[%swap3A_2177] {strides = array<i32>} : memref<2048xi32, #tpu.memory_space<vmem>>, vector<16xi32>,
      tpu.vector_store %arg12[%swap3A_2177], %get3A_2176 {strides = array<i32>} : memref<2048xi32, #tpu.memory_space<vmem>>, vector<16xi32>,
      %get3A_2179 = arith.constant 10 : i32
      %get3A_2180 = arith.index_cast %get3A_2179 : i32 to index
      %get3A_2181 = arith.constant 16 : index
      %get3A_2182 = tpu.vector_load %arg11[%get3A_2180, %get3A_2181] {strides = array<i32>} : memref<16x128xi32, #tpu.memory_space<vmem>>, vector<16xi32>,
      %swap3A_2183 = arith.constant 1296 : index
      %swap3A_2184 = tpu.vector_load %arg12[%swap3A_2183] {strides = array<i32>} : memref<2048xi32, #tpu.memory_space<vmem>>, vector<16xi32>,
      tpu.vector_store %arg12[%swap3A_2183], %get3A_2182 {strides = array<i32>} : memref<2048xi32, #tpu.memory_space<vmem>>, vector<16xi32>,
      %get3A_2185 = arith.constant 10 : i32
      %get3A_2186 = arith.index_cast %get3A_2185 : i32 to index
      %get3A_2187 = arith.constant 32 : index
      %get3A_2188 = tpu.vector_load %arg11[%get3A_2186, %get3A_2187] {strides = array<i32>} : memref<16x128xi32, #tpu.memory_space<vmem>>, vector<16xi32>,
      %swap3A_2189 = arith.constant 1312 : index
      %swap3A_2190 = tpu.vector_load %arg12[%swap3A_2189] {strides = array<i32>} : memref<2048xi32, #tpu.memory_space<vmem>>, vector<16xi32>,
      tpu.vector_store %arg12[%swap3A_2189], %get3A_2188 {strides = array<i32>} : memref<2048xi32, #tpu.memory_space<vmem>>, vector<16xi32>,
      %get3A_2191 = arith.constant 10 : i32
      %get3A_2192 = arith.index_cast %get3A_2191 : i32 to index
      %get3A_2193 = arith.constant 48 : index
      %get3A_2194 = tpu.vector_load %arg11[%get3A_2192, %get3A_2193] {strides = array<i32>} : memref<16x128xi32, #tpu.memory_space<vmem>>, vector<16xi32>,
      %swap3A_2195 = arith.constant 1328 : index
      %swap3A_2196 = tpu.vector_load %arg12[%swap3A_2195] {strides = array<i32>} : memref<2048xi32, #tpu.memory_space<vmem>>, vector<16xi32>,
      tpu.vector_store %arg12[%swap3A_2195], %get3A_2194 {strides = array<i32>} : memref<2048xi32, #tpu.memory_space<vmem>>, vector<16xi32>,
      %get3A_2197 = arith.constant 10 : i32
      %get3A_2198 = arith.index_cast %get3A_2197 : i32 to index
      %get3A_2199 = arith.constant 64 : index
      %get3A_2200 = tpu.vector_load %arg11[%get3A_2198, %get3A_2199] {strides = array<i32>} : memref<16x128xi32, #tpu.memory_space<vmem>>, vector<16xi32>,
      %swap3A_2201 = arith.constant 1344 : index
      %swap3A_2202 = tpu.vector_load %arg12[%swap3A_2201] {strides = array<i32>} : memref<2048xi32, #tpu.memory_space<vmem>>, vector<16xi32>,
      tpu.vector_store %arg12[%swap3A_2201], %get3A_2200 {strides = array<i32>} : memref<2048xi32, #tpu.memory_space<vmem>>, vector<16xi32>,
      %get3A_2203 = arith.constant 10 : i32
      %get3A_2204 = arith.index_cast %get3A_2203 : i32 to index
      %get3A_2205 = arith.constant 80 : index
      %get3A_2206 = tpu.vector_load %arg11[%get3A_2204, %get3A_2205] {strides = array<i32>} : memref<16x128xi32, #tpu.memory_space<vmem>>, vector<16xi32>,
      %swap3A_2207 = arith.constant 1360 : index
      %swap3A_2208 = tpu.vector_load %arg12[%swap3A_2207] {strides = array<i32>} : memref<2048xi32, #tpu.memory_space<vmem>>, vector<16xi32>,
      tpu.vector_store %arg12[%swap3A_2207], %get3A_2206 {strides = array<i32>} : memref<2048xi32, #tpu.memory_space<vmem>>, vector<16xi32>,
      %get3A_2209 = arith.constant 10 : i32
      %get3A_2210 = arith.index_cast %get3A_2209 : i32 to index
      %get3A_2211 = arith.constant 96 : index
      %get3A_2212 = tpu.vector_load %arg11[%get3A_2210, %get3A_2211] {strides = array<i32>} : memref<16x128xi32, #tpu.memory_space<vmem>>, vector<16xi32>,
      %swap3A_2213 = arith.constant 1376 : index
      %swap3A_2214 = tpu.vector_load %arg12[%swap3A_2213] {strides = array<i32>} : memref<2048xi32, #tpu.memory_space<vmem>>, vector<16xi32>,
      tpu.vector_store %arg12[%swap3A_2213], %get3A_2212 {strides = array<i32>} : memref<2048xi32, #tpu.memory_space<vmem>>, vector<16xi32>,
      %get3A_2215 = arith.constant 10 : i32
      %get3A_2216 = arith.index_cast %get3A_2215 : i32 to index
      %get3A_2217 = arith.constant 112 : index
      %get3A_2218 = tpu.vector_load %arg11[%get3A_2216, %get3A_2217] {strides = array<i32>} : memref<16x128xi32, #tpu.memory_space<vmem>>, vector<16xi32>,
      %swap3A_2219 = arith.constant 1392 : index
      %swap3A_2220 = tpu.vector_load %arg12[%swap3A_2219] {strides = array<i32>} : memref<2048xi32, #tpu.memory_space<vmem>>, vector<16xi32>,
      tpu.vector_store %arg12[%swap3A_2219], %get3A_2218 {strides = array<i32>} : memref<2048xi32, #tpu.memory_space<vmem>>, vector<16xi32>,
      %get3A_2221 = arith.constant 11 : i32
      %get3A_2222 = arith.index_cast %get3A_2221 : i32 to index
      %get3A_2223 = arith.constant 0 : index
      %get3A_2224 = tpu.vector_load %arg11[%get3A_2222, %get3A_2223] {strides = array<i32>} : memref<16x128xi32, #tpu.memory_space<vmem>>, vector<16xi32>,
      %swap3A_2225 = arith.constant 1408 : index
      %swap3A_2226 = tpu.vector_load %arg12[%swap3A_2225] {strides = array<i32>} : memref<2048xi32, #tpu.memory_space<vmem>>, vector<16xi32>,
      tpu.vector_store %arg12[%swap3A_2225], %get3A_2224 {strides = array<i32>} : memref<2048xi32, #tpu.memory_space<vmem>>, vector<16xi32>,
      %get3A_2227 = arith.constant 11 : i32
      %get3A_2228 = arith.index_cast %get3A_2227 : i32 to index
      %get3A_2229 = arith.constant 16 : index
      %get3A_2230 = tpu.vector_load %arg11[%get3A_2228, %get3A_2229] {strides = array<i32>} : memref<16x128xi32, #tpu.memory_space<vmem>>, vector<16xi32>,
      %swap3A_2231 = arith.constant 1424 : index
      %swap3A_2232 = tpu.vector_load %arg12[%swap3A_2231] {strides = array<i32>} : memref<2048xi32, #tpu.memory_space<vmem>>, vector<16xi32>,
      tpu.vector_store %arg12[%swap3A_2231], %get3A_2230 {strides = array<i32>} : memref<2048xi32, #tpu.memory_space<vmem>>, vector<16xi32>,
      %get3A_2233 = arith.constant 11 : i32
      %get3A_2234 = arith.index_cast %get3A_2233 : i32 to index
      %get3A_2235 = arith.constant 32 : index
      %get3A_2236 = tpu.vector_load %arg11[%get3A_2234, %get3A_2235] {strides = array<i32>} : memref<16x128xi32, #tpu.memory_space<vmem>>, vector<16xi32>,
      %swap3A_2237 = arith.constant 1440 : index
      %swap3A_2238 = tpu.vector_load %arg12[%swap3A_2237] {strides = array<i32>} : memref<2048xi32, #tpu.memory_space<vmem>>, vector<16xi32>,
      tpu.vector_store %arg12[%swap3A_2237], %get3A_2236 {strides = array<i32>} : memref<2048xi32, #tpu.memory_space<vmem>>, vector<16xi32>,
      %get3A_2239 = arith.constant 11 : i32
      %get3A_2240 = arith.index_cast %get3A_2239 : i32 to index
      %get3A_2241 = arith.constant 48 : index
      %get3A_2242 = tpu.vector_load %arg11[%get3A_2240, %get3A_2241] {strides = array<i32>} : memref<16x128xi32, #tpu.memory_space<vmem>>, vector<16xi32>,
      %swap3A_2243 = arith.constant 1456 : index
      %swap3A_2244 = tpu.vector_load %arg12[%swap3A_2243] {strides = array<i32>} : memref<2048xi32, #tpu.memory_space<vmem>>, vector<16xi32>,
      tpu.vector_store %arg12[%swap3A_2243], %get3A_2242 {strides = array<i32>} : memref<2048xi32, #tpu.memory_space<vmem>>, vector<16xi32>,
      %get3A_2245 = arith.constant 11 : i32
      %get3A_2246 = arith.index_cast %get3A_2245 : i32 to index
      %get3A_2247 = arith.constant 64 : index
      %get3A_2248 = tpu.vector_load %arg11[%get3A_2246, %get3A_2247] {strides = array<i32>} : memref<16x128xi32, #tpu.memory_space<vmem>>, vector<16xi32>,
      %swap3A_2249 = arith.constant 1472 : index
      %swap3A_2250 = tpu.vector_load %arg12[%swap3A_2249] {strides = array<i32>} : memref<2048xi32, #tpu.memory_space<vmem>>, vector<16xi32>,
      tpu.vector_store %arg12[%swap3A_2249], %get3A_2248 {strides = array<i32>} : memref<2048xi32, #tpu.memory_space<vmem>>, vector<16xi32>,
      %get3A_2251 = arith.constant 11 : i32
      %get3A_2252 = arith.index_cast %get3A_2251 : i32 to index
      %get3A_2253 = arith.constant 80 : index
      %get3A_2254 = tpu.vector_load %arg11[%get3A_2252, %get3A_2253] {strides = array<i32>} : memref<16x128xi32, #tpu.memory_space<vmem>>, vector<16xi32>,
      %swap3A_2255 = arith.constant 1488 : index
      %swap3A_2256 = tpu.vector_load %arg12[%swap3A_2255] {strides = array<i32>} : memref<2048xi32, #tpu.memory_space<vmem>>, vector<16xi32>,
      tpu.vector_store %arg12[%swap3A_2255], %get3A_2254 {strides = array<i32>} : memref<2048xi32, #tpu.memory_space<vmem>>, vector<16xi32>,
      %get3A_2257 = arith.constant 11 : i32
      %get3A_2258 = arith.index_cast %get3A_2257 : i32 to index
      %get3A_2259 = arith.constant 96 : index
      %get3A_2260 = tpu.vector_load %arg11[%get3A_2258, %get3A_2259] {strides = array<i32>} : memref<16x128xi32, #tpu.memory_space<vmem>>, vector<16xi32>,
      %swap3A_2261 = arith.constant 1504 : index
      %swap3A_2262 = tpu.vector_load %arg12[%swap3A_2261] {strides = array<i32>} : memref<2048xi32, #tpu.memory_space<vmem>>, vector<16xi32>,
      tpu.vector_store %arg12[%swap3A_2261], %get3A_2260 {strides = array<i32>} : memref<2048xi32, #tpu.memory_space<vmem>>, vector<16xi32>,
      %get3A_2263 = arith.constant 11 : i32
      %get3A_2264 = arith.index_cast %get3A_2263 : i32 to index
      %get3A_2265 = arith.constant 112 : index
      %get3A_2266 = tpu.vector_load %arg11[%get3A_2264, %get3A_2265] {strides = array<i32>} : memref<16x128xi32, #tpu.memory_space<vmem>>, vector<16xi32>,
      %swap3A_2267 = arith.constant 1520 : index
      %swap3A_2268 = tpu.vector_load %arg12[%swap3A_2267] {strides = array<i32>} : memref<2048xi32, #tpu.memory_space<vmem>>, vector<16xi32>,
      tpu.vector_store %arg12[%swap3A_2267], %get3A_2266 {strides = array<i32>} : memref<2048xi32, #tpu.memory_space<vmem>>, vector<16xi32>,
      %get3A_2269 = arith.constant 12 : i32
      %get3A_2270 = arith.index_cast %get3A_2269 : i32 to index
      %get3A_2271 = arith.constant 0 : index
      %get3A_2272 = tpu.vector_load %arg11[%get3A_2270, %get3A_2271] {strides = array<i32>} : memref<16x128xi32, #tpu.memory_space<vmem>>, vector<16xi32>,
      %swap3A_2273 = arith.constant 1536 : index
      %swap3A_2274 = tpu.vector_load %arg12[%swap3A_2273] {strides = array<i32>} : memref<2048xi32, #tpu.memory_space<vmem>>, vector<16xi32>,
      tpu.vector_store %arg12[%swap3A_2273], %get3A_2272 {strides = array<i32>} : memref<2048xi32, #tpu.memory_space<vmem>>, vector<16xi32>,
      %get3A_2275 = arith.constant 12 : i32
      %get3A_2276 = arith.index_cast %get3A_2275 : i32 to index
      %get3A_2277 = arith.constant 16 : index
      %get3A_2278 = tpu.vector_load %arg11[%get3A_2276, %get3A_2277] {strides = array<i32>} : memref<16x128xi32, #tpu.memory_space<vmem>>, vector<16xi32>,
      %swap3A_2279 = arith.constant 1552 : index
      %swap3A_2280 = tpu.vector_load %arg12[%swap3A_2279] {strides = array<i32>} : memref<2048xi32, #tpu.memory_space<vmem>>, vector<16xi32>,
      tpu.vector_store %arg12[%swap3A_2279], %get3A_2278 {strides = array<i32>} : memref<2048xi32, #tpu.memory_space<vmem>>, vector<16xi32>,
      %get3A_2281 = arith.constant 12 : i32
      %get3A_2282 = arith.index_cast %get3A_2281 : i32 to index
      %get3A_2283 = arith.constant 32 : index
      %get3A_2284 = tpu.vector_load %arg11[%get3A_2282, %get3A_2283] {strides = array<i32>} : memref<16x128xi32, #tpu.memory_space<vmem>>, vector<16xi32>,
      %swap3A_2285 = arith.constant 1568 : index
      %swap3A_2286 = tpu.vector_load %arg12[%swap3A_2285] {strides = array<i32>} : memref<2048xi32, #tpu.memory_space<vmem>>, vector<16xi32>,
      tpu.vector_store %arg12[%swap3A_2285], %get3A_2284 {strides = array<i32>} : memref<2048xi32, #tpu.memory_space<vmem>>, vector<16xi32>,
      %get3A_2287 = arith.constant 12 : i32
      %get3A_2288 = arith.index_cast %get3A_2287 : i32 to index
      %get3A_2289 = arith.constant 48 : index
      %get3A_2290 = tpu.vector_load %arg11[%get3A_2288, %get3A_2289] {strides = array<i32>} : memref<16x128xi32, #tpu.memory_space<vmem>>, vector<16xi32>,
      %swap3A_2291 = arith.constant 1584 : index
      %swap3A_2292 = tpu.vector_load %arg12[%swap3A_2291] {strides = array<i32>} : memref<2048xi32, #tpu.memory_space<vmem>>, vector<16xi32>,
      tpu.vector_store %arg12[%swap3A_2291], %get3A_2290 {strides = array<i32>} : memref<2048xi32, #tpu.memory_space<vmem>>, vector<16xi32>,
      %get3A_2293 = arith.constant 12 : i32
      %get3A_2294 = arith.index_cast %get3A_2293 : i32 to index
      %get3A_2295 = arith.constant 64 : index
      %get3A_2296 = tpu.vector_load %arg11[%get3A_2294, %get3A_2295] {strides = array<i32>} : memref<16x128xi32, #tpu.memory_space<vmem>>, vector<16xi32>,
      %swap3A_2297 = arith.constant 1600 : index
      %swap3A_2298 = tpu.vector_load %arg12[%swap3A_2297] {strides = array<i32>} : memref<2048xi32, #tpu.memory_space<vmem>>, vector<16xi32>,
      tpu.vector_store %arg12[%swap3A_2297], %get3A_2296 {strides = array<i32>} : memref<2048xi32, #tpu.memory_space<vmem>>, vector<16xi32>,
      %get3A_2299 = arith.constant 12 : i32
      %get3A_2300 = arith.index_cast %get3A_2299 : i32 to index
      %get3A_2301 = arith.constant 80 : index
      %get3A_2302 = tpu.vector_load %arg11[%get3A_2300, %get3A_2301] {strides = array<i32>} : memref<16x128xi32, #tpu.memory_space<vmem>>, vector<16xi32>,
      %swap3A_2303 = arith.constant 1616 : index
      %swap3A_2304 = tpu.vector_load %arg12[%swap3A_2303] {strides = array<i32>} : memref<2048xi32, #tpu.memory_space<vmem>>, vector<16xi32>,
      tpu.vector_store %arg12[%swap3A_2303], %get3A_2302 {strides = array<i32>} : memref<2048xi32, #tpu.memory_space<vmem>>, vector<16xi32>,
      %get3A_2305 = arith.constant 12 : i32
      %get3A_2306 = arith.index_cast %get3A_2305 : i32 to index
      %get3A_2307 = arith.constant 96 : index
      %get3A_2308 = tpu.vector_load %arg11[%get3A_2306, %get3A_2307] {strides = array<i32>} : memref<16x128xi32, #tpu.memory_space<vmem>>, vector<16xi32>,
      %swap3A_2309 = arith.constant 1632 : index
      %swap3A_2310 = tpu.vector_load %arg12[%swap3A_2309] {strides = array<i32>} : memref<2048xi32, #tpu.memory_space<vmem>>, vector<16xi32>,
      tpu.vector_store %arg12[%swap3A_2309], %get3A_2308 {strides = array<i32>} : memref<2048xi32, #tpu.memory_space<vmem>>, vector<16xi32>,
      %get3A_2311 = arith.constant 12 : i32
      %get3A_2312 = arith.index_cast %get3A_2311 : i32 to index
      %get3A_2313 = arith.constant 112 : index
      %get3A_2314 = tpu.vector_load %arg11[%get3A_2312, %get3A_2313] {strides = array<i32>} : memref<16x128xi32, #tpu.memory_space<vmem>>, vector<16xi32>,
      %swap3A_2315 = arith.constant 1648 : index
      %swap3A_2316 = tpu.vector_load %arg12[%swap3A_2315] {strides = array<i32>} : memref<2048xi32, #tpu.memory_space<vmem>>, vector<16xi32>,
      tpu.vector_store %arg12[%swap3A_2315], %get3A_2314 {strides = array<i32>} : memref<2048xi32, #tpu.memory_space<vmem>>, vector<16xi32>,
      %get3A_2317 = arith.constant 13 : i32
      %get3A_2318 = arith.index_cast %get3A_2317 : i32 to index
      %get3A_2319 = arith.constant 0 : index
      %get3A_2320 = tpu.vector_load %arg11[%get3A_2318, %get3A_2319] {strides = array<i32>} : memref<16x128xi32, #tpu.memory_space<vmem>>, vector<16xi32>,
      %swap3A_2321 = arith.constant 1664 : index
      %swap3A_2322 = tpu.vector_load %arg12[%swap3A_2321] {strides = array<i32>} : memref<2048xi32, #tpu.memory_space<vmem>>, vector<16xi32>,
      tpu.vector_store %arg12[%swap3A_2321], %get3A_2320 {strides = array<i32>} : memref<2048xi32, #tpu.memory_space<vmem>>, vector<16xi32>,
      %get3A_2323 = arith.constant 13 : i32
      %get3A_2324 = arith.index_cast %get3A_2323 : i32 to index
      %get3A_2325 = arith.constant 16 : index
      %get3A_2326 = tpu.vector_load %arg11[%get3A_2324, %get3A_2325] {strides = array<i32>} : memref<16x128xi32, #tpu.memory_space<vmem>>, vector<16xi32>,
      %swap3A_2327 = arith.constant 1680 : index
      %swap3A_2328 = tpu.vector_load %arg12[%swap3A_2327] {strides = array<i32>} : memref<2048xi32, #tpu.memory_space<vmem>>, vector<16xi32>,
      tpu.vector_store %arg12[%swap3A_2327], %get3A_2326 {strides = array<i32>} : memref<2048xi32, #tpu.memory_space<vmem>>, vector<16xi32>,
      %get3A_2329 = arith.constant 13 : i32
      %get3A_2330 = arith.index_cast %get3A_2329 : i32 to index
      %get3A_2331 = arith.constant 32 : index
      %get3A_2332 = tpu.vector_load %arg11[%get3A_2330, %get3A_2331] {strides = array<i32>} : memref<16x128xi32, #tpu.memory_space<vmem>>, vector<16xi32>,
      %swap3A_2333 = arith.constant 1696 : index
      %swap3A_2334 = tpu.vector_load %arg12[%swap3A_2333] {strides = array<i32>} : memref<2048xi32, #tpu.memory_space<vmem>>, vector<16xi32>,
      tpu.vector_store %arg12[%swap3A_2333], %get3A_2332 {strides = array<i32>} : memref<2048xi32, #tpu.memory_space<vmem>>, vector<16xi32>,
      %get3A_2335 = arith.constant 13 : i32
      %get3A_2336 = arith.index_cast %get3A_2335 : i32 to index
      %get3A_2337 = arith.constant 48 : index
      %get3A_2338 = tpu.vector_load %arg11[%get3A_2336, %get3A_2337] {strides = array<i32>} : memref<16x128xi32, #tpu.memory_space<vmem>>, vector<16xi32>,
      %swap3A_2339 = arith.constant 1712 : index
      %swap3A_2340 = tpu.vector_load %arg12[%swap3A_2339] {strides = array<i32>} : memref<2048xi32, #tpu.memory_space<vmem>>, vector<16xi32>,
      tpu.vector_store %arg12[%swap3A_2339], %get3A_2338 {strides = array<i32>} : memref<2048xi32, #tpu.memory_space<vmem>>, vector<16xi32>,
      %get3A_2341 = arith.constant 13 : i32
      %get3A_2342 = arith.index_cast %get3A_2341 : i32 to index
      %get3A_2343 = arith.constant 64 : index
      %get3A_2344 = tpu.vector_load %arg11[%get3A_2342, %get3A_2343] {strides = array<i32>} : memref<16x128xi32, #tpu.memory_space<vmem>>, vector<16xi32>,
      %swap3A_2345 = arith.constant 1728 : index
      %swap3A_2346 = tpu.vector_load %arg12[%swap3A_2345] {strides = array<i32>} : memref<2048xi32, #tpu.memory_space<vmem>>, vector<16xi32>,
      tpu.vector_store %arg12[%swap3A_2345], %get3A_2344 {strides = array<i32>} : memref<2048xi32, #tpu.memory_space<vmem>>, vector<16xi32>,
      %get3A_2347 = arith.constant 13 : i32
      %get3A_2348 = arith.index_cast %get3A_2347 : i32 to index
      %get3A_2349 = arith.constant 80 : index
      %get3A_2350 = tpu.vector_load %arg11[%get3A_2348, %get3A_2349] {strides = array<i32>} : memref<16x128xi32, #tpu.memory_space<vmem>>, vector<16xi32>,
      %swap3A_2351 = arith.constant 1744 : index
      %swap3A_2352 = tpu.vector_load %arg12[%swap3A_2351] {strides = array<i32>} : memref<2048xi32, #tpu.memory_space<vmem>>, vector<16xi32>,
      tpu.vector_store %arg12[%swap3A_2351], %get3A_2350 {strides = array<i32>} : memref<2048xi32, #tpu.memory_space<vmem>>, vector<16xi32>,
      %get3A_2353 = arith.constant 13 : i32
      %get3A_2354 = arith.index_cast %get3A_2353 : i32 to index
      %get3A_2355 = arith.constant 96 : index
      %get3A_2356 = tpu.vector_load %arg11[%get3A_2354, %get3A_2355] {strides = array<i32>} : memref<16x128xi32, #tpu.memory_space<vmem>>, vector<16xi32>,
      %swap3A_2357 = arith.constant 1760 : index
      %swap3A_2358 = tpu.vector_load %arg12[%swap3A_2357] {strides = array<i32>} : memref<2048xi32, #tpu.memory_space<vmem>>, vector<16xi32>,
      tpu.vector_store %arg12[%swap3A_2357], %get3A_2356 {strides = array<i32>} : memref<2048xi32, #tpu.memory_space<vmem>>, vector<16xi32>,
      %get3A_2359 = arith.constant 13 : i32
      %get3A_2360 = arith.index_cast %get3A_2359 : i32 to index
      %get3A_2361 = arith.constant 112 : index
      %get3A_2362 = tpu.vector_load %arg11[%get3A_2360, %get3A_2361] {strides = array<i32>} : memref<16x128xi32, #tpu.memory_space<vmem>>, vector<16xi32>,
      %swap3A_2363 = arith.constant 1776 : index
      %swap3A_2364 = tpu.vector_load %arg12[%swap3A_2363] {strides = array<i32>} : memref<2048xi32, #tpu.memory_space<vmem>>, vector<16xi32>,
      tpu.vector_store %arg12[%swap3A_2363], %get3A_2362 {strides = array<i32>} : memref<2048xi32, #tpu.memory_space<vmem>>, vector<16xi32>,
      %get3A_2365 = arith.constant 14 : i32
      %get3A_2366 = arith.index_cast %get3A_2365 : i32 to index
      %get3A_2367 = arith.constant 0 : index
      %get3A_2368 = tpu.vector_load %arg11[%get3A_2366, %get3A_2367] {strides = array<i32>} : memref<16x128xi32, #tpu.memory_space<vmem>>, vector<16xi32>,
      %swap3A_2369 = arith.constant 1792 : index
      %swap3A_2370 = tpu.vector_load %arg12[%swap3A_2369] {strides = array<i32>} : memref<2048xi32, #tpu.memory_space<vmem>>, vector<16xi32>,
      tpu.vector_store %arg12[%swap3A_2369], %get3A_2368 {strides = array<i32>} : memref<2048xi32, #tpu.memory_space<vmem>>, vector<16xi32>,
      %get3A_2371 = arith.constant 14 : i32
      %get3A_2372 = arith.index_cast %get3A_2371 : i32 to index
      %get3A_2373 = arith.constant 16 : index
      %get3A_2374 = tpu.vector_load %arg11[%get3A_2372, %get3A_2373] {strides = array<i32>} : memref<16x128xi32, #tpu.memory_space<vmem>>, vector<16xi32>,
      %swap3A_2375 = arith.constant 1808 : index
      %swap3A_2376 = tpu.vector_load %arg12[%swap3A_2375] {strides = array<i32>} : memref<2048xi32, #tpu.memory_space<vmem>>, vector<16xi32>,
      tpu.vector_store %arg12[%swap3A_2375], %get3A_2374 {strides = array<i32>} : memref<2048xi32, #tpu.memory_space<vmem>>, vector<16xi32>,
      %get3A_2377 = arith.constant 14 : i32
      %get3A_2378 = arith.index_cast %get3A_2377 : i32 to index
      %get3A_2379 = arith.constant 32 : index
      %get3A_2380 = tpu.vector_load %arg11[%get3A_2378, %get3A_2379] {strides = array<i32>} : memref<16x128xi32, #tpu.memory_space<vmem>>, vector<16xi32>,
      %swap3A_2381 = arith.constant 1824 : index
      %swap3A_2382 = tpu.vector_load %arg12[%swap3A_2381] {strides = array<i32>} : memref<2048xi32, #tpu.memory_space<vmem>>, vector<16xi32>,
      tpu.vector_store %arg12[%swap3A_2381], %get3A_2380 {strides = array<i32>} : memref<2048xi32, #tpu.memory_space<vmem>>, vector<16xi32>,
      %get3A_2383 = arith.constant 14 : i32
      %get3A_2384 = arith.index_cast %get3A_2383 : i32 to index
      %get3A_2385 = arith.constant 48 : index
      %get3A_2386 = tpu.vector_load %arg11[%get3A_2384, %get3A_2385] {strides = array<i32>} : memref<16x128xi32, #tpu.memory_space<vmem>>, vector<16xi32>,
      %swap3A_2387 = arith.constant 1840 : index
      %swap3A_2388 = tpu.vector_load %arg12[%swap3A_2387] {strides = array<i32>} : memref<2048xi32, #tpu.memory_space<vmem>>, vector<16xi32>,
      tpu.vector_store %arg12[%swap3A_2387], %get3A_2386 {strides = array<i32>} : memref<2048xi32, #tpu.memory_space<vmem>>, vector<16xi32>,
      %get3A_2389 = arith.constant 14 : i32
      %get3A_2390 = arith.index_cast %get3A_2389 : i32 to index
      %get3A_2391 = arith.constant 64 : index
      %get3A_2392 = tpu.vector_load %arg11[%get3A_2390, %get3A_2391] {strides = array<i32>} : memref<16x128xi32, #tpu.memory_space<vmem>>, vector<16xi32>,
      %swap3A_2393 = arith.constant 1856 : index
      %swap3A_2394 = tpu.vector_load %arg12[%swap3A_2393] {strides = array<i32>} : memref<2048xi32, #tpu.memory_space<vmem>>, vector<16xi32>,
      tpu.vector_store %arg12[%swap3A_2393], %get3A_2392 {strides = array<i32>} : memref<2048xi32, #tpu.memory_space<vmem>>, vector<16xi32>,
      %get3A_2395 = arith.constant 14 : i32
      %get3A_2396 = arith.index_cast %get3A_2395 : i32 to index
      %get3A_2397 = arith.constant 80 : index
      %get3A_2398 = tpu.vector_load %arg11[%get3A_2396, %get3A_2397] {strides = array<i32>} : memref<16x128xi32, #tpu.memory_space<vmem>>, vector<16xi32>,
      %swap3A_2399 = arith.constant 1872 : index
      %swap3A_2400 = tpu.vector_load %arg12[%swap3A_2399] {strides = array<i32>} : memref<2048xi32, #tpu.memory_space<vmem>>, vector<16xi32>,
      tpu.vector_store %arg12[%swap3A_2399], %get3A_2398 {strides = array<i32>} : memref<2048xi32, #tpu.memory_space<vmem>>, vector<16xi32>,
      %get3A_2401 = arith.constant 14 : i32
      %get3A_2402 = arith.index_cast %get3A_2401 : i32 to index
      %get3A_2403 = arith.constant 96 : index
      %get3A_2404 = tpu.vector_load %arg11[%get3A_2402, %get3A_2403] {strides = array<i32>} : memref<16x128xi32, #tpu.memory_space<vmem>>, vector<16xi32>,
      %swap3A_2405 = arith.constant 1888 : index
      %swap3A_2406 = tpu.vector_load %arg12[%swap3A_2405] {strides = array<i32>} : memref<2048xi32, #tpu.memory_space<vmem>>, vector<16xi32>,
      tpu.vector_store %arg12[%swap3A_2405], %get3A_2404 {strides = array<i32>} : memref<2048xi32, #tpu.memory_space<vmem>>, vector<16xi32>,
      %get3A_2407 = arith.constant 14 : i32
      %get3A_2408 = arith.index_cast %get3A_2407 : i32 to index
      %get3A_2409 = arith.constant 112 : index
      %get3A_2410 = tpu.vector_load %arg11[%get3A_2408, %get3A_2409] {strides = array<i32>} : memref<16x128xi32, #tpu.memory_space<vmem>>, vector<16xi32>,
      %swap3A_2411 = arith.constant 1904 : index
      %swap3A_2412 = tpu.vector_load %arg12[%swap3A_2411] {strides = array<i32>} : memref<2048xi32, #tpu.memory_space<vmem>>, vector<16xi32>,
      tpu.vector_store %arg12[%swap3A_2411], %get3A_2410 {strides = array<i32>} : memref<2048xi32, #tpu.memory_space<vmem>>, vector<16xi32>,
      %get3A_2413 = arith.constant 15 : i32
      %get3A_2414 = arith.index_cast %get3A_2413 : i32 to index
      %get3A_2415 = arith.constant 0 : index
      %get3A_2416 = tpu.vector_load %arg11[%get3A_2414, %get3A_2415] {strides = array<i32>} : memref<16x128xi32, #tpu.memory_space<vmem>>, vector<16xi32>,
      %swap3A_2417 = arith.constant 1920 : index
      %swap3A_2418 = tpu.vector_load %arg12[%swap3A_2417] {strides = array<i32>} : memref<2048xi32, #tpu.memory_space<vmem>>, vector<16xi32>,
      tpu.vector_store %arg12[%swap3A_2417], %get3A_2416 {strides = array<i32>} : memref<2048xi32, #tpu.memory_space<vmem>>, vector<16xi32>,
      %get3A_2419 = arith.constant 15 : i32
      %get3A_2420 = arith.index_cast %get3A_2419 : i32 to index
      %get3A_2421 = arith.constant 16 : index
      %get3A_2422 = tpu.vector_load %arg11[%get3A_2420, %get3A_2421] {strides = array<i32>} : memref<16x128xi32, #tpu.memory_space<vmem>>, vector<16xi32>,
      %swap3A_2423 = arith.constant 1936 : index
      %swap3A_2424 = tpu.vector_load %arg12[%swap3A_2423] {strides = array<i32>} : memref<2048xi32, #tpu.memory_space<vmem>>, vector<16xi32>,
      tpu.vector_store %arg12[%swap3A_2423], %get3A_2422 {strides = array<i32>} : memref<2048xi32, #tpu.memory_space<vmem>>, vector<16xi32>,
      %get3A_2425 = arith.constant 15 : i32
      %get3A_2426 = arith.index_cast %get3A_2425 : i32 to index
      %get3A_2427 = arith.constant 32 : index
      %get3A_2428 = tpu.vector_load %arg11[%get3A_2426, %get3A_2427] {strides = array<i32>} : memref<16x128xi32, #tpu.memory_space<vmem>>, vector<16xi32>,
      %swap3A_2429 = arith.constant 1952 : index
      %swap3A_2430 = tpu.vector_load %arg12[%swap3A_2429] {strides = array<i32>} : memref<2048xi32, #tpu.memory_space<vmem>>, vector<16xi32>,
      tpu.vector_store %arg12[%swap3A_2429], %get3A_2428 {strides = array<i32>} : memref<2048xi32, #tpu.memory_space<vmem>>, vector<16xi32>,
      %get3A_2431 = arith.constant 15 : i32
      %get3A_2432 = arith.index_cast %get3A_2431 : i32 to index
      %get3A_2433 = arith.constant 48 : index
      %get3A_2434 = tpu.vector_load %arg11[%get3A_2432, %get3A_2433] {strides = array<i32>} : memref<16x128xi32, #tpu.memory_space<vmem>>, vector<16xi32>,
      %swap3A_2435 = arith.constant 1968 : index
      %swap3A_2436 = tpu.vector_load %arg12[%swap3A_2435] {strides = array<i32>} : memref<2048xi32, #tpu.memory_space<vmem>>, vector<16xi32>,
      tpu.vector_store %arg12[%swap3A_2435], %get3A_2434 {strides = array<i32>} : memref<2048xi32, #tpu.memory_space<vmem>>, vector<16xi32>,
      %get3A_2437 = arith.constant 15 : i32
      %get3A_2438 = arith.index_cast %get3A_2437 : i32 to index
      %get3A_2439 = arith.constant 64 : index
      %get3A_2440 = tpu.vector_load %arg11[%get3A_2438, %get3A_2439] {strides = array<i32>} : memref<16x128xi32, #tpu.memory_space<vmem>>, vector<16xi32>,
      %swap3A_2441 = arith.constant 1984 : index
      %swap3A_2442 = tpu.vector_load %arg12[%swap3A_2441] {strides = array<i32>} : memref<2048xi32, #tpu.memory_space<vmem>>, vector<16xi32>,
      tpu.vector_store %arg12[%swap3A_2441], %get3A_2440 {strides = array<i32>} : memref<2048xi32, #tpu.memory_space<vmem>>, vector<16xi32>,
      %get3A_2443 = arith.constant 15 : i32
      %get3A_2444 = arith.index_cast %get3A_2443 : i32 to index
      %get3A_2445 = arith.constant 80 : index
      %get3A_2446 = tpu.vector_load %arg11[%get3A_2444, %get3A_2445] {strides = array<i32>} : memref<16x128xi32, #tpu.memory_space<vmem>>, vector<16xi32>,
      %swap3A_2447 = arith.constant 2000 : index
      %swap3A_2448 = tpu.vector_load %arg12[%swap3A_2447] {strides = array<i32>} : memref<2048xi32, #tpu.memory_space<vmem>>, vector<16xi32>,
      tpu.vector_store %arg12[%swap3A_2447], %get3A_2446 {strides = array<i32>} : memref<2048xi32, #tpu.memory_space<vmem>>, vector<16xi32>,
      %get3A_2449 = arith.constant 15 : i32
      %get3A_2450 = arith.index_cast %get3A_2449 : i32 to index
      %get3A_2451 = arith.constant 96 : index
      %get3A_2452 = tpu.vector_load %arg11[%get3A_2450, %get3A_2451] {strides = array<i32>} : memref<16x128xi32, #tpu.memory_space<vmem>>, vector<16xi32>,
      %swap3A_2453 = arith.constant 2016 : index
      %swap3A_2454 = tpu.vector_load %arg12[%swap3A_2453] {strides = array<i32>} : memref<2048xi32, #tpu.memory_space<vmem>>, vector<16xi32>,
      tpu.vector_store %arg12[%swap3A_2453], %get3A_2452 {strides = array<i32>} : memref<2048xi32, #tpu.memory_space<vmem>>, vector<16xi32>,
      %get3A_2455 = arith.constant 15 : i32
      %get3A_2456 = arith.index_cast %get3A_2455 : i32 to index
      %get3A_2457 = arith.constant 112 : index
      %get3A_2458 = tpu.vector_load %arg11[%get3A_2456, %get3A_2457] {strides = array<i32>} : memref<16x128xi32, #tpu.memory_space<vmem>>, vector<16xi32>,
      %swap3A_2459 = arith.constant 2032 : index
      %swap3A_2460 = tpu.vector_load %arg12[%swap3A_2459] {strides = array<i32>} : memref<2048xi32, #tpu.memory_space<vmem>>, vector<16xi32>,
      tpu.vector_store %arg12[%swap3A_2459], %get3A_2458 {strides = array<i32>} : memref<2048xi32, #tpu.memory_space<vmem>>, vector<16xi32>,
      %get3A_2461 = arith.constant 0 : i32
      %get3A_2462 = arith.index_cast %get3A_2461 : i32 to index
      %get3A_2463 = arith.constant 0 : index
      %get3A_2464 = tpu.vector_load %arg16[%get3A_2462, %get3A_2463] {strides = array<i32>} : memref<16x16xi32, #tpu.memory_space<vmem>>, vector<16xi32>,
      %reduce_sum3A = arith.constant true
      %reduce_sum3A_2465 = vector.broadcast %reduce_sum3A : i1 to vector<16xi1>
      %reduce_sum3A_2466 = tpu.scan <sum>, %get3A_2464 masked %reduce_sum3A_2465 : vector<16xi32>, vector<16xi1> -> vector<16xi32>
      %reduce_sum3A_2467 = vector.extract %reduce_sum3A_2466[15] : i32 from vector<16xi32>
      %get3A_2468 = arith.constant 1 : i32
      %get3A_2469 = arith.index_cast %get3A_2468 : i32 to index
      %get3A_2470 = arith.constant 0 : index
      %get3A_2471 = tpu.vector_load %arg16[%get3A_2469, %get3A_2470] {strides = array<i32>} : memref<16x16xi32, #tpu.memory_space<vmem>>, vector<16xi32>,
      %reduce_sum3A_2472 = arith.constant true
      %reduce_sum3A_2473 = vector.broadcast %reduce_sum3A_2472 : i1 to vector<16xi1>
      %reduce_sum3A_2474 = tpu.scan <sum>, %get3A_2471 masked %reduce_sum3A_2473 : vector<16xi32>, vector<16xi1> -> vector<16xi32>
      %reduce_sum3A_2475 = vector.extract %reduce_sum3A_2474[15] : i32 from vector<16xi32>
      %mul3A_2476 = arith.constant 3 : i32
      %mul3A_2477 = arith.muli %mul3A_2476, %reduce_sum3A_2467 : i32
      %min3A = arith.minsi %mul3A_2477, %reduce_sum3A_2475 : i32
      %broadcast_in_dim3A_2478 = arith.constant -1 : i32
      %broadcast_in_dim3A_2479 = vector.broadcast %broadcast_in_dim3A_2478 : i32 to vector<16xi32>
      %parallel_loop3A_2480 = arith.constant 0 : i32
      %parallel_loop3A_2481 = arith.constant 128 : i32
      %parallel_loop3A_2482 = arith.constant 1 : i32
      %parallel_loop3A_2483 = arith.constant 0 : i32
      %parallel_loop3A_2484:2 = scf.for %parallel_loop3A_2505 = %parallel_loop3A_2480 to %parallel_loop3A_2481 step %parallel_loop3A_2482 iter_args(%parallel_loop3A_2506 = %broadcast_in_dim3A_2479, %parallel_loop3A_2507 = %parallel_loop3A_2483) -> (vector<16xi32>, i32)  : i32 {
        %parallel_loop3A_2508 = arith.constant 127 : i32
        %parallel_loop3A_2509 = arith.subi %parallel_loop3A_2508, %parallel_loop3A_2505 : i32
        %parallel_loop3A_2510 = arith.constant 16 : i32
        %parallel_loop3A_2511 = arith.muli %parallel_loop3A_2509, %parallel_loop3A_2510 : i32
        %parallel_loop3A_2512 = arith.index_cast %parallel_loop3A_2511 : i32 to index
        %parallel_loop3A_2513 = tpu.vector_load %arg12[%parallel_loop3A_2512] {strides = array<i32>} : memref<2048xi32, #tpu.memory_space<vmem>>, vector<16xi32>,
        %parallel_loop3A_2514 = arith.constant true
        %parallel_loop3A_2515 = vector.broadcast %parallel_loop3A_2514 : i1 to vector<16xi1>
        %parallel_loop3A_2516 = tpu.scan <sum>, %parallel_loop3A_2513 masked %parallel_loop3A_2515 : vector<16xi32>, vector<16xi1> -> vector<16xi32>
        %parallel_loop3A_2517 = vector.extract %parallel_loop3A_2516[15] : i32 from vector<16xi32>
        %parallel_loop3A_2518 = arith.constant true
        %parallel_loop3A_2519 = vector.broadcast %parallel_loop3A_2518 : i1 to vector<16xi1>
        %parallel_loop3A_2520 = tpu.scan <sum>, %parallel_loop3A_2513 masked %parallel_loop3A_2519 : vector<16xi32>, vector<16xi1> -> vector<16xi32>
        %parallel_loop3A_2521 = vector.broadcast %parallel_loop3A_2517 : i32 to vector<16xi32>
        %parallel_loop3A_2522 = arith.subi %parallel_loop3A_2521, %parallel_loop3A_2520 : vector<16xi32>
        %parallel_loop3A_2523 = arith.addi %parallel_loop3A_2522, %parallel_loop3A_2513 : vector<16xi32>
        %parallel_loop3A_2524 = vector.broadcast %parallel_loop3A_2507 : i32 to vector<16xi32>
        %parallel_loop3A_2525 = arith.addi %parallel_loop3A_2524, %parallel_loop3A_2523 : vector<16xi32>
        %parallel_loop3A_2526 = arith.subi %parallel_loop3A_2525, %parallel_loop3A_2513 : vector<16xi32>
        %parallel_loop3A_2527 = arith.constant 16 : i32
        %parallel_loop3A_2528 = arith.muli %parallel_loop3A_2509, %parallel_loop3A_2527 : i32
        %parallel_loop3A_2529 = tpu.iota {dimensions = array<i32: 0>} : vector<16xi32>
        %parallel_loop3A_2530 = vector.broadcast %parallel_loop3A_2528 : i32 to vector<16xi32>
        %parallel_loop3A_2531 = arith.addi %parallel_loop3A_2530, %parallel_loop3A_2529 : vector<16xi32>
        %parallel_loop3A_2532 = vector.broadcast %min3A : i32 to vector<16xi32>
        %parallel_loop3A_2533 = arith.cmpi sge, %parallel_loop3A_2525, %parallel_loop3A_2532 : vector<16xi32>
        %parallel_loop3A_2534 = arith.constant 19 : i32
        %parallel_loop3A_2535 = vector.broadcast %parallel_loop3A_2534 : i32 to vector<16xi32>
        %parallel_loop3A_2536 = arith.shli %parallel_loop3A_2531, %parallel_loop3A_2535 : vector<16xi32>
        %parallel_loop3A_2537 = arith.addi %parallel_loop3A_2536, %parallel_loop3A_2526 : vector<16xi32>
        %parallel_loop3A_2538 = arith.constant -1 : i32
        %parallel_loop3A_2539 = vector.broadcast %parallel_loop3A_2538 : i32 to vector<16xi32>
        %parallel_loop3A_2540 = arith.select %parallel_loop3A_2533, %parallel_loop3A_2537, %parallel_loop3A_2539 : vector<16xi1>, vector<16xi32>
        %parallel_loop3A_2541 = arith.maxsi %parallel_loop3A_2506, %parallel_loop3A_2540 : vector<16xi32>
        %parallel_loop3A_2542 = arith.addi %parallel_loop3A_2507, %parallel_loop3A_2517 : i32
        scf.yield %parallel_loop3A_2541, %parallel_loop3A_2542 : vector<16xi32>, i32
      } {sc.loop_unroll_factor = 4 : i64, sc.parallel_access}
      %reduce_max3A = arith.constant true
      %reduce_max3A_2485 = vector.broadcast %reduce_max3A : i1 to vector<16xi1>
      %reduce_max3A_2486 = arith.constant -2147483648 : i32
      %reduce_max3A_2487 = vector.broadcast %reduce_max3A_2486 : i32 to vector<16xi32>
      %reduce_max3A_2488 = arith.xori %parallel_loop3A_2484#0, %reduce_max3A_2487 : vector<16xi32>
      %reduce_max3A_2489 = tpu.scan <max>, %reduce_max3A_2488 masked %reduce_max3A_2485 : vector<16xi32>, vector<16xi1> -> vector<16xi32>
      %reduce_max3A_2490 = arith.xori %reduce_max3A_2489, %reduce_max3A_2487 : vector<16xi32>
      %reduce_max3A_2491 = vector.extract %reduce_max3A_2490[15] : i32 from vector<16xi32>
      %shift_right_arithmetic3A = arith.constant 19 : i32
      %shift_right_arithmetic3A_2492 = arith.shrsi %reduce_max3A_2491, %shift_right_arithmetic3A : i32
      %and3A = arith.constant 524287 : i32
      %and3A_2493 = arith.andi %reduce_max3A_2491, %and3A : i32
      %sub3A = arith.subi %min3A, %and3A_2493 : i32
      %shift_left3A = arith.constant 10 : i32
      %shift_left3A_2494 = arith.shli %shift_right_arithmetic3A_2492, %shift_left3A : i32
      %add3A_2495 = arith.addi %shift_left3A_2494, %sub3A : i32
      %ge3A = arith.constant 0 : i32
      %ge3A_2496 = arith.cmpi sge, %add3A_2495, %ge3A : i32
      %xor3A = arith.constant 2147483647 : i32
      %xor3A_2497 = arith.xori %add3A_2495, %xor3A : i32
      %select_n3A = arith.select %ge3A_2496, %add3A_2495, %xor3A_2497 : i32
      %eq3A_2498 = arith.constant 0 : i32
      %eq3A_2499 = arith.cmpi eq, %arg1, %eq3A_2498 : i32
      %convert_element_type3A_2500 = arith.extui %eq3A_2499 : i1 to i32
      %cond3A_2501 = arith.constant 0 : i32
      %cond3A_2502 = arith.cmpi ne, %convert_element_type3A_2500, %cond3A_2501 : i32
      scf.if %cond3A_2502 {
        %eq3A_2505 = arith.constant 0 : i32
        %eq3A_2506 = vector.broadcast %eq3A_2505 : i32 to vector<16xi32>
        %eq3A_2507 = arith.cmpi eq, %iota3A, %eq3A_2506 : vector<16xi32>
        %eq3A_2508 = arith.constant 1 : i32
        %eq3A_2509 = vector.broadcast %eq3A_2508 : i32 to vector<16xi32>
        %eq3A_2510 = arith.cmpi eq, %iota3A, %eq3A_2509 : vector<16xi32>
        %eq3A_2511 = arith.constant 2 : i32
        %eq3A_2512 = vector.broadcast %eq3A_2511 : i32 to vector<16xi32>
        %eq3A_2513 = arith.cmpi eq, %iota3A, %eq3A_2512 : vector<16xi32>
        %jit3A = arith.constant 0 : i32
        %broadcast_in_dim3A_2514 = vector.broadcast %min3A : i32 to vector<16xi32>
        %broadcast_in_dim3A_2515 = vector.broadcast %jit3A : i32 to vector<16xi32>
        %select_n3A_2516 = arith.select %eq3A_2513, %broadcast_in_dim3A_2514, %broadcast_in_dim3A_2515 : vector<16xi1>, vector<16xi32>
        %broadcast_in_dim3A_2517 = vector.broadcast %reduce_sum3A_2467 : i32 to vector<16xi32>
        %select_n3A_2518 = arith.select %eq3A_2510, %broadcast_in_dim3A_2517, %select_n3A_2516 : vector<16xi1>, vector<16xi32>
        %broadcast_in_dim3A_2519 = vector.broadcast %select_n3A : i32 to vector<16xi32>
        %select_n3A_2520 = arith.select %eq3A_2507, %broadcast_in_dim3A_2519, %select_n3A_2518 : vector<16xi1>, vector<16xi32>
        %swap3A_2521 = arith.constant 0 : index
        %swap3A_2522 = tpu.vector_load %arg18[%swap3A_2521] {strides = array<i32>} : memref<16xi32, #tpu.memory_space<vmem>>, vector<16xi32>,
        tpu.vector_store %arg18[%swap3A_2521], %select_n3A_2520 {strides = array<i32>} : memref<16xi32, #tpu.memory_space<vmem>>, vector<16xi32>,
        "tpu.region"() ({
          %run_scoped3A = tpu.sem_alloc : memref<!tpu.dma_semaphore, #tpu.memory_space<semaphore_mem>>
          %dma_start3A = arith.constant 0 : i32
          %dma_start3A_2523 = tpu.memref_slice %arg5[%add3A, %dma_start3A] : memref<8x16xi32, #tpu.memory_space<hbm>> -> memref<1x16xi32, #tpu.memory_space<hbm>>
          %dma_start3A_2524 = tpu.memref_squeeze %dma_start3A_2523 : memref<1x16xi32, #tpu.memory_space<hbm>> -> memref<16xi32, #tpu.memory_space<hbm>>
          %dma_start3A_2525 = arith.constant 0 : i32
          %dma_start3A_2526 = tpu.memref_slice %arg5[%add3A, %dma_start3A_2525] : memref<8x16xi32, #tpu.memory_space<hbm>> -> memref<1x16xi32, #tpu.memory_space<hbm>>
          %dma_start3A_2527 = tpu.memref_squeeze %dma_start3A_2526 : memref<1x16xi32, #tpu.memory_space<hbm>> -> memref<16xi32, #tpu.memory_space<hbm>>
          tpu.enqueue_dma source(%arg18 : memref<16xi32, #tpu.memory_space<vmem>>) target(%dma_start3A_2527 : memref<16xi32, #tpu.memory_space<hbm>>) target_semaphore(%run_scoped3A : memref<!tpu.dma_semaphore, #tpu.memory_space<semaphore_mem>>)
          %dma_wait3A = arith.constant 0 : i32
          %dma_wait3A_2528 = tpu.memref_slice %arg5[%add3A, %dma_wait3A] : memref<8x16xi32, #tpu.memory_space<hbm>> -> memref<1x16xi32, #tpu.memory_space<hbm>>
          %dma_wait3A_2529 = tpu.memref_squeeze %dma_wait3A_2528 : memref<1x16xi32, #tpu.memory_space<hbm>> -> memref<16xi32, #tpu.memory_space<hbm>>
          %dma_wait3A_2530 = arith.constant 0 : i32
          %dma_wait3A_2531 = tpu.memref_slice %arg5[%add3A, %dma_wait3A_2530] : memref<8x16xi32, #tpu.memory_space<hbm>> -> memref<1x16xi32, #tpu.memory_space<hbm>>
          %dma_wait3A_2532 = tpu.memref_squeeze %dma_wait3A_2531 : memref<1x16xi32, #tpu.memory_space<hbm>> -> memref<16xi32, #tpu.memory_space<hbm>>
          tpu.wait_dma2 semaphore(%run_scoped3A : memref<!tpu.dma_semaphore, #tpu.memory_space<semaphore_mem>>) src(%arg18 : memref<16xi32, #tpu.memory_space<vmem>>) dst(%dma_wait3A_2532 : memref<16xi32, #tpu.memory_space<hbm>>)
          tpu.yield
        }) : () -> ()
      } else {
      }
      %barrier3A_2503 = arith.constant 0 : index
      tpu.barrier barrier_id(%barrier3A_2503)
      %scan3A_2504 = arith.constant 0 : i32
      scf.yield %scan3A_2504 : i32
    }
    %scan3A_586 = arith.constant 4 : i32
    return
  }
}

module attributes {stable_mosaic.version = 14 : i64} {
  func.func @_loss_body(%arg0: i32, %arg1: memref<1x1x512x512xf32, #tpu.memory_space<vmem>>, %arg2: memref<1x1x512x512xf32, #tpu.memory_space<vmem>>, %arg3: memref<1x1x512x512xf32, #tpu.memory_space<vmem>>, %arg4: memref<1x1x512x512xf32, #tpu.memory_space<vmem>>, %arg5: memref<1x512x512xf32, #tpu.memory_space<vmem>>, %arg6: memref<1x1x16xi32, #tpu.memory_space<smem>>, %arg7: memref<1x1x128xf32, #tpu.memory_space<vmem>>, %arg8: memref<1x1x128xf32, #tpu.memory_space<vmem>>) attributes {dimension_semantics = [#tpu.dimension_semantics<arbitrary>], iteration_bounds = array<i64: 8>, scalar_prefetch = 0 : i64, scratch_operands = 0 : i64, tpu.core_type = #tpu.core_type<tc>, window_params = [{transform_indices = @transform_0, window_bounds = array<i64: 1, 1, 512, 512>}, {transform_indices = @transform_1, window_bounds = array<i64: 1, 1, 512, 512>}, {transform_indices = @transform_2, window_bounds = array<i64: 1, 1, 512, 512>}, {transform_indices = @transform_3, window_bounds = array<i64: 1, 1, 512, 512>}, {transform_indices = @transform_4, window_bounds = array<i64: 1, 512, 512>}, {transform_indices = @transform_5, window_bounds = array<i64: 1, 1, 16>}, {transform_indices = @transform_6, window_bounds = array<i64: 1, 1, 128>}, {transform_indices = @transform_7, window_bounds = array<i64: 1, 1, 128>}]} {
    %get3A = arith.constant 0 : index
    %get3A_0 = arith.constant 0 : index
    %get3A_1 = arith.constant 0 : index
    %get3A_2 = arith.constant 0 : index
    %get3A_3 = vector.load %arg1[%get3A, %get3A_0, %get3A_1, %get3A_2] : memref<1x1x512x512xf32, #tpu.memory_space<vmem>>, vector<1x1x512x512xf32>
    %get3A_4 = vector.shape_cast %get3A_3 : vector<1x1x512x512xf32> to vector<512x512xf32>
    %get3A_5 = arith.constant 0 : index
    %get3A_6 = arith.constant 0 : index
    %get3A_7 = arith.constant 0 : index
    %get3A_8 = arith.constant 0 : index
    %get3A_9 = vector.load %arg2[%get3A_5, %get3A_6, %get3A_7, %get3A_8] : memref<1x1x512x512xf32, #tpu.memory_space<vmem>>, vector<1x1x512x512xf32>
    %get3A_10 = vector.shape_cast %get3A_9 : vector<1x1x512x512xf32> to vector<512x512xf32>
    %get3A_11 = arith.constant 0 : index
    %get3A_12 = arith.constant 0 : index
    %get3A_13 = arith.constant 0 : index
    %get3A_14 = vector.load %arg5[%get3A_11, %get3A_12, %get3A_13] : memref<1x512x512xf32, #tpu.memory_space<vmem>>, vector<1x512x512xf32>
    %get3A_15 = vector.shape_cast %get3A_14 : vector<1x512x512xf32> to vector<512x512xf32>
    %logistic3A = arith.negf %get3A_4 : vector<512x512xf32>
    %logistic3A_16 = math.exp %logistic3A : vector<512x512xf32>
    %logistic3A_17 = arith.constant 1.000000e+00 : f32
    %logistic3A_18 = vector.broadcast %logistic3A_17 : f32 to vector<512x512xf32>
    %logistic3A_19 = arith.addf %logistic3A_18, %logistic3A_16 : vector<512x512xf32>
    %logistic3A_20 = arith.divf %logistic3A_18, %logistic3A_19 : vector<512x512xf32>
    %gt3A = arith.constant 5.000000e-01 : f32
    %gt3A_21 = vector.broadcast %gt3A : f32 to vector<512x512xf32>
    %gt3A_22 = arith.cmpf ogt, %get3A_10, %gt3A_21 : vector<512x512xf32>
    %gt3A_23 = arith.constant 5.000000e-01 : f32
    %gt3A_24 = vector.broadcast %gt3A_23 : f32 to vector<512x512xf32>
    %gt3A_25 = arith.cmpf ogt, %get3A_15, %gt3A_24 : vector<512x512xf32>
    %get3A_26 = arith.constant 0 : index
    %get3A_27 = arith.constant 0 : index
    %get3A_28 = arith.constant 0 : index
    %get3A_29 = memref.load %arg6[%get3A_26, %get3A_27, %get3A_28] : memref<1x1x16xi32, #tpu.memory_space<smem>>
    %get3A_30 = arith.constant 0 : index
    %get3A_31 = arith.constant 0 : index
    %get3A_32 = arith.constant 1 : index
    %get3A_33 = memref.load %arg6[%get3A_30, %get3A_31, %get3A_32] : memref<1x1x16xi32, #tpu.memory_space<smem>>
    %get3A_34 = arith.constant 0 : index
    %get3A_35 = arith.constant 0 : index
    %get3A_36 = arith.constant 2 : index
    %get3A_37 = memref.load %arg6[%get3A_34, %get3A_35, %get3A_36] : memref<1x1x16xi32, #tpu.memory_space<smem>>
    %broadcast_in_dim3A = vector.broadcast %get3A_29 : i32 to vector<1x1xi32>
    %bitcast_convert_type3A = tpu.bitcast %broadcast_in_dim3A : vector<1x1xi32> -> vector<1x1xf32>
    %logistic3A_38 = arith.negf %bitcast_convert_type3A : vector<1x1xf32>
    %logistic3A_39 = math.exp %logistic3A_38 : vector<1x1xf32>
    %logistic3A_40 = arith.constant 1.000000e+00 : f32
    %logistic3A_41 = vector.broadcast %logistic3A_40 : f32 to vector<1x1xf32>
    %logistic3A_42 = arith.addf %logistic3A_41, %logistic3A_39 : vector<1x1xf32>
    %logistic3A_43 = arith.divf %logistic3A_41, %logistic3A_42 : vector<1x1xf32>
    %ge3A = vector.broadcast %logistic3A_43 : vector<1x1xf32> to vector<512x512xf32>
    %ge3A_44 = arith.cmpf oge, %logistic3A_20, %ge3A : vector<512x512xf32>
    %or3A = arith.ori %ge3A_44, %gt3A_22 : vector<512x512xi1>
    %and3A = arith.andi %or3A, %gt3A_25 : vector<512x512xi1>
    %eq3A = arith.constant 0 : i32
    %eq3A_45 = arith.cmpi eq, %get3A_33, %eq3A : i32
    %eq3A_46 = arith.constant 0 : i32
    %eq3A_47 = arith.cmpi eq, %get3A_37, %eq3A_46 : i32
    %or3A_48 = arith.ori %eq3A_45, %eq3A_47 : i1
    %ne3A = arith.constant 0.000000e+00 : f32
    %ne3A_49 = vector.broadcast %ne3A : f32 to vector<512x512xf32>
    %ne3A_50 = arith.cmpf one, %get3A_15, %ne3A_49 : vector<512x512xf32>
    %convert_element_type3A = arith.extui %ne3A_50 : vector<512x512xi1> to vector<512x512xi32>
    %convert_element_type3A_51 = arith.sitofp %convert_element_type3A : vector<512x512xi32> to vector<512x512xf32>
    %convert_element_type3A_52 = arith.extui %and3A : vector<512x512xi1> to vector<512x512xi32>
    %convert_element_type3A_53 = arith.sitofp %convert_element_type3A_52 : vector<512x512xi32> to vector<512x512xf32>
    %select_n3A = arith.select %or3A_48, %convert_element_type3A_51, %convert_element_type3A_53 : vector<512x512xf32>
    %convert_element_type3A_54 = arith.extui %gt3A_22 : vector<512x512xi1> to vector<512x512xi32>
    %convert_element_type3A_55 = arith.sitofp %convert_element_type3A_54 : vector<512x512xi32> to vector<512x512xf32>
    %mul3A = arith.mulf %convert_element_type3A_55, %select_n3A : vector<512x512xf32>
    %mul3A_56 = arith.mulf %logistic3A_20, %select_n3A : vector<512x512xf32>
    %mul3A_57 = arith.mulf %mul3A_56, %mul3A : vector<512x512xf32>
    %reduce_sum3A = vector.shape_cast %mul3A_57 : vector<512x512xf32> to vector<1x512x512xf32>
    %reduce_sum3A_58 = arith.constant dense<0.000000e+00> : vector<1xf32>
    %reduce_sum3A_59 = vector.multi_reduction <add>, %reduce_sum3A, %reduce_sum3A_58 [1, 2] : vector<1x512x512xf32> to vector<1xf32>
    %reduce_sum3A_60 = vector.shape_cast %reduce_sum3A_59 : vector<1xf32> to vector<1x1x1xf32>
    %reduce_sum3A_61 = vector.extract %reduce_sum3A_60[0, 0, 0] : f32 from vector<1x1x1xf32>
    %mul3A_62 = arith.mulf %mul3A_56, %mul3A_56 : vector<512x512xf32>
    %reduce_sum3A_63 = vector.shape_cast %mul3A_62 : vector<512x512xf32> to vector<1x512x512xf32>
    %reduce_sum3A_64 = arith.constant dense<0.000000e+00> : vector<1xf32>
    %reduce_sum3A_65 = vector.multi_reduction <add>, %reduce_sum3A_63, %reduce_sum3A_64 [1, 2] : vector<1x512x512xf32> to vector<1xf32>
    %reduce_sum3A_66 = vector.shape_cast %reduce_sum3A_65 : vector<1xf32> to vector<1x1x1xf32>
    %reduce_sum3A_67 = vector.extract %reduce_sum3A_66[0, 0, 0] : f32 from vector<1x1x1xf32>
    %mul3A_68 = arith.mulf %mul3A, %mul3A : vector<512x512xf32>
    %reduce_sum3A_69 = vector.shape_cast %mul3A_68 : vector<512x512xf32> to vector<1x512x512xf32>
    %reduce_sum3A_70 = arith.constant dense<0.000000e+00> : vector<1xf32>
    %reduce_sum3A_71 = vector.multi_reduction <add>, %reduce_sum3A_69, %reduce_sum3A_70 [1, 2] : vector<1x512x512xf32> to vector<1xf32>
    %reduce_sum3A_72 = vector.shape_cast %reduce_sum3A_71 : vector<1xf32> to vector<1x1x1xf32>
    %reduce_sum3A_73 = vector.extract %reduce_sum3A_72[0, 0, 0] : f32 from vector<1x1x1xf32>
    %mul3A_74 = arith.constant 2.000000e+00 : f32
    %mul3A_75 = arith.mulf %mul3A_74, %reduce_sum3A_61 : f32
    %add3A = arith.constant 9.99999997E-7 : f32
    %add3A_76 = arith.addf %mul3A_75, %add3A : f32
    %add3A_77 = arith.addf %reduce_sum3A_67, %reduce_sum3A_73 : f32
    %add3A_78 = arith.constant 9.99999997E-7 : f32
    %add3A_79 = arith.addf %add3A_77, %add3A_78 : f32
    %div3A = arith.divf %add3A_76, %add3A_79 : f32
    %sub3A = arith.constant 1.000000e+00 : f32
    %sub3A_80 = arith.subf %sub3A, %div3A : f32
    %get3A_81 = arith.constant 0 : index
    %get3A_82 = arith.constant 0 : index
    %get3A_83 = arith.constant 0 : index
    %get3A_84 = arith.constant 0 : index
    %get3A_85 = vector.load %arg3[%get3A_81, %get3A_82, %get3A_83, %get3A_84] : memref<1x1x512x512xf32, #tpu.memory_space<vmem>>, vector<1x1x512x512xf32>
    %get3A_86 = vector.shape_cast %get3A_85 : vector<1x1x512x512xf32> to vector<512x512xf32>
    %logistic3A_87 = arith.negf %get3A_86 : vector<512x512xf32>
    %logistic3A_88 = math.exp %logistic3A_87 : vector<512x512xf32>
    %logistic3A_89 = arith.constant 1.000000e+00 : f32
    %logistic3A_90 = vector.broadcast %logistic3A_89 : f32 to vector<512x512xf32>
    %logistic3A_91 = arith.addf %logistic3A_90, %logistic3A_88 : vector<512x512xf32>
    %logistic3A_92 = arith.divf %logistic3A_90, %logistic3A_91 : vector<512x512xf32>
    %gt3A_93 = arith.constant 5.000000e-01 : f32
    %gt3A_94 = vector.broadcast %gt3A_93 : f32 to vector<512x512xf32>
    %gt3A_95 = arith.cmpf ogt, %logistic3A_20, %gt3A_94 : vector<512x512xf32>
    %and3A_96 = arith.andi %gt3A_95, %gt3A_25 : vector<512x512xi1>
    %convert_element_type3A_97 = arith.extui %and3A_96 : vector<512x512xi1> to vector<512x512xi32>
    %convert_element_type3A_98 = arith.sitofp %convert_element_type3A_97 : vector<512x512xi32> to vector<512x512xf32>
    %get3A_99 = arith.constant 0 : index
    %get3A_100 = arith.constant 0 : index
    %get3A_101 = arith.constant 0 : index
    %get3A_102 = arith.constant 0 : index
    %get3A_103 = vector.load %arg4[%get3A_99, %get3A_100, %get3A_101, %get3A_102] : memref<1x1x512x512xf32, #tpu.memory_space<vmem>>, vector<1x1x512x512xf32>
    %get3A_104 = vector.shape_cast %get3A_103 : vector<1x1x512x512xf32> to vector<512x512xf32>
    %gt3A_105 = arith.constant 5.000000e-01 : f32
    %gt3A_106 = vector.broadcast %gt3A_105 : f32 to vector<512x512xf32>
    %gt3A_107 = arith.cmpf ogt, %get3A_104, %gt3A_106 : vector<512x512xf32>
    %convert_element_type3A_108 = arith.extui %gt3A_107 : vector<512x512xi1> to vector<512x512xi32>
    %convert_element_type3A_109 = arith.sitofp %convert_element_type3A_108 : vector<512x512xi32> to vector<512x512xf32>
    %mul3A_110 = arith.mulf %convert_element_type3A_109, %convert_element_type3A_98 : vector<512x512xf32>
    %mul3A_111 = arith.mulf %logistic3A_92, %convert_element_type3A_98 : vector<512x512xf32>
    %mul3A_112 = arith.mulf %mul3A_111, %mul3A_110 : vector<512x512xf32>
    %reduce_sum3A_113 = vector.shape_cast %mul3A_112 : vector<512x512xf32> to vector<1x512x512xf32>
    %reduce_sum3A_114 = arith.constant dense<0.000000e+00> : vector<1xf32>
    %reduce_sum3A_115 = vector.multi_reduction <add>, %reduce_sum3A_113, %reduce_sum3A_114 [1, 2] : vector<1x512x512xf32> to vector<1xf32>
    %reduce_sum3A_116 = vector.shape_cast %reduce_sum3A_115 : vector<1xf32> to vector<1x1x1xf32>
    %reduce_sum3A_117 = vector.extract %reduce_sum3A_116[0, 0, 0] : f32 from vector<1x1x1xf32>
    %mul3A_118 = arith.mulf %mul3A_111, %mul3A_111 : vector<512x512xf32>
    %reduce_sum3A_119 = vector.shape_cast %mul3A_118 : vector<512x512xf32> to vector<1x512x512xf32>
    %reduce_sum3A_120 = arith.constant dense<0.000000e+00> : vector<1xf32>
    %reduce_sum3A_121 = vector.multi_reduction <add>, %reduce_sum3A_119, %reduce_sum3A_120 [1, 2] : vector<1x512x512xf32> to vector<1xf32>
    %reduce_sum3A_122 = vector.shape_cast %reduce_sum3A_121 : vector<1xf32> to vector<1x1x1xf32>
    %reduce_sum3A_123 = vector.extract %reduce_sum3A_122[0, 0, 0] : f32 from vector<1x1x1xf32>
    %mul3A_124 = arith.mulf %mul3A_110, %mul3A_110 : vector<512x512xf32>
    %reduce_sum3A_125 = vector.shape_cast %mul3A_124 : vector<512x512xf32> to vector<1x512x512xf32>
    %reduce_sum3A_126 = arith.constant dense<0.000000e+00> : vector<1xf32>
    %reduce_sum3A_127 = vector.multi_reduction <add>, %reduce_sum3A_125, %reduce_sum3A_126 [1, 2] : vector<1x512x512xf32> to vector<1xf32>
    %reduce_sum3A_128 = vector.shape_cast %reduce_sum3A_127 : vector<1xf32> to vector<1x1x1xf32>
    %reduce_sum3A_129 = vector.extract %reduce_sum3A_128[0, 0, 0] : f32 from vector<1x1x1xf32>
    %mul3A_130 = arith.constant 2.000000e+00 : f32
    %mul3A_131 = arith.mulf %mul3A_130, %reduce_sum3A_117 : f32
    %add3A_132 = arith.constant 9.99999997E-7 : f32
    %add3A_133 = arith.addf %mul3A_131, %add3A_132 : f32
    %add3A_134 = arith.addf %reduce_sum3A_123, %reduce_sum3A_129 : f32
    %add3A_135 = arith.constant 9.99999997E-7 : f32
    %add3A_136 = arith.addf %add3A_134, %add3A_135 : f32
    %div3A_137 = arith.divf %add3A_133, %add3A_136 : f32
    %sub3A_138 = arith.constant 1.000000e+00 : f32
    %sub3A_139 = arith.subf %sub3A_138, %div3A_137 : f32
    %broadcast_in_dim3A_140 = vector.broadcast %sub3A_80 : f32 to vector<128xf32>
    %swap3A = arith.constant 0 : index
    %swap3A_141 = arith.constant 0 : index
    %swap3A_142 = arith.constant 0 : index
    %swap3A_143 = vector.load %arg7[%swap3A, %swap3A_141, %swap3A_142] : memref<1x1x128xf32, #tpu.memory_space<vmem>>, vector<1x1x128xf32>
    %swap3A_144 = vector.shape_cast %swap3A_143 : vector<1x1x128xf32> to vector<128xf32>
    %swap3A_145 = vector.shape_cast %broadcast_in_dim3A_140 : vector<128xf32> to vector<1x1x128xf32>
    tpu.vector_store %arg7[%swap3A, %swap3A_141, %swap3A_142], %swap3A_145 {strides = array<i32>} : memref<1x1x128xf32, #tpu.memory_space<vmem>>, vector<1x1x128xf32>,
    %broadcast_in_dim3A_146 = vector.broadcast %sub3A_139 : f32 to vector<128xf32>
    %swap3A_147 = arith.constant 0 : index
    %swap3A_148 = arith.constant 0 : index
    %swap3A_149 = arith.constant 0 : index
    %swap3A_150 = vector.load %arg8[%swap3A_147, %swap3A_148, %swap3A_149] : memref<1x1x128xf32, #tpu.memory_space<vmem>>, vector<1x1x128xf32>
    %swap3A_151 = vector.shape_cast %swap3A_150 : vector<1x1x128xf32> to vector<128xf32>
    %swap3A_152 = vector.shape_cast %broadcast_in_dim3A_146 : vector<128xf32> to vector<1x1x128xf32>
    tpu.vector_store %arg8[%swap3A_147, %swap3A_148, %swap3A_149], %swap3A_152 {strides = array<i32>} : memref<1x1x128xf32, #tpu.memory_space<vmem>>, vector<1x1x128xf32>,
    return
  }
  func.func @transform_0(%arg0: i32) -> (i32, i32, i32, i32) {
    %c0_i32 = arith.constant 0 : i32
    %c0_i32_0 = arith.constant 0 : i32
    %c0_i32_1 = arith.constant 0 : i32
    %c0_i32_2 = arith.constant 0 : i32
    return %arg0, %c0_i32, %c0_i32_0, %c0_i32_1 : i32, i32, i32, i32
  }
  func.func @transform_1(%arg0: i32) -> (i32, i32, i32, i32) {
    %c0_i32 = arith.constant 0 : i32
    %c0_i32_0 = arith.constant 0 : i32
    %c0_i32_1 = arith.constant 0 : i32
    %c0_i32_2 = arith.constant 0 : i32
    return %arg0, %c0_i32, %c0_i32_0, %c0_i32_1 : i32, i32, i32, i32
  }
  func.func @transform_2(%arg0: i32) -> (i32, i32, i32, i32) {
    %c1_i32 = arith.constant 1 : i32
    %c0_i32 = arith.constant 0 : i32
    %c0_i32_0 = arith.constant 0 : i32
    %c0_i32_1 = arith.constant 0 : i32
    return %arg0, %c1_i32, %c0_i32, %c0_i32_0 : i32, i32, i32, i32
  }
  func.func @transform_3(%arg0: i32) -> (i32, i32, i32, i32) {
    %c1_i32 = arith.constant 1 : i32
    %c0_i32 = arith.constant 0 : i32
    %c0_i32_0 = arith.constant 0 : i32
    %c0_i32_1 = arith.constant 0 : i32
    return %arg0, %c1_i32, %c0_i32, %c0_i32_0 : i32, i32, i32, i32
  }
  func.func @transform_4(%arg0: i32) -> (i32, i32, i32) {
    %c0_i32 = arith.constant 0 : i32
    %c0_i32_0 = arith.constant 0 : i32
    %c0_i32_1 = arith.constant 0 : i32
    return %arg0, %c0_i32, %c0_i32_0 : i32, i32, i32
  }
  func.func @transform_5(%arg0: i32) -> (i32, i32, i32) {
    %c0_i32 = arith.constant 0 : i32
    %c0_i32_0 = arith.constant 0 : i32
    %c0_i32_1 = arith.constant 0 : i32
    return %arg0, %c0_i32, %c0_i32_0 : i32, i32, i32
  }
  func.func @transform_6(%arg0: i32) -> (i32, i32, i32) {
    %c0_i32 = arith.constant 0 : i32
    %c0_i32_0 = arith.constant 0 : i32
    %c0_i32_1 = arith.constant 0 : i32
    return %arg0, %c0_i32, %c0_i32_0 : i32, i32, i32
  }
  func.func @transform_7(%arg0: i32) -> (i32, i32, i32) {
    %c0_i32 = arith.constant 0 : i32
    %c0_i32_0 = arith.constant 0 : i32
    %c0_i32_1 = arith.constant 0 : i32
    return %arg0, %c0_i32, %c0_i32_0 : i32, i32, i32
  }
}

</mosaic_0001>

<sc_bundles>
// kernel: kernel.4.cloned.1.call-start
scs
__scs_entry_jumppad:
0x0: {  	(pc) =	sbr.rel $0x88, $3  }
0x1: {  	(tag) =	ssettag $0x0;
	lr =	simm.s32 $0x1  }
0x2: {  	[smem:$0x3F9E] =	sst lr;
	_ =	strace $0xD0000000  }
0x3: {  	_ = 	snop  }
0x4: {  	_ = 	snop  }
0x5: {  	_ = 	snop  }
0x6: {  	_ = 	snop  }
0x7: {  	_ = 	snop  }
__scs_overlays_trampoline_lowered:
0x8: {  	[smem:$0x3FAD] =	sst s0  }
0x9: {  	[smem:$0x3FAE] =	sst s1  }
0xa: {  	[smem:$0x3FAF] =	sst s2  }
0xb: {  	[smem:$0x3FB0] =	sst s3  }
0xc: {  	[smem:$0x3FB1] =	sst s4  }
0xd: {  	[smem:$0x3FB2] =	sst s5  }
0xe: {  	[smem:$0x3FB3] =	sst s6  }
0xf: {  	[smem:$0x3FB4] =	sst s7  }
0x10: {  	[smem:$0x3FB5] =	sst s8  }
0x11: {  	[smem:$0x3FB6] =	sst s9;
	s0 =	simm.s32 @!p0 $0x0  }
0x12: {  	s1 =	sld [smem:$0x3F9C];
	s0 =	simm.s32 @p0 $0x1  }
0x13: {  	[smem:$0x3FB7] =	sst s0;
	s0 =	simm.s32 @!p1 $0x0  }
0x14: {  	s2 =	sld [smem:$0x3F9B];
	s0 =	simm.s32 @p1 $0x1  }
0x15: {  	[smem:$0x3FB8] =	sst s0;
	s0 =	simm.s32 @!p2 $0x0  }
0x16: {  	s3 =	sld [smem:$0x3FDB];
	s0 =	simm.s32 @p2 $0x1  }
0x17: {  	s4 =	simm.s32 $0x1BF5;
	[smem:$0x3FBA] =	sst s0  }
0x18: {  	s0 =	sld [smem:$0x3F9D];
	_ =	swait.ge [sflag:s4], $0x0  }
0x19: {  	s7 =	sld [smem:$0x3F9E]  }
0x1a: {  	s8 =	sadd.s32 $0xFFFFE003, lr  }
0x1b: {  	s9 =	sadd.s32 $0xFFFFFEF7, lr;
	s5 =	simm.s32 $0xFFFFFFFF;
	p2 =	slt.u32 s8, $0xFFFFF086  }
0x1c: {  	p1 =	slt.u32 s9, $0xF7A;
	s5 =	simm.s32 @!p2 $0x0  }
0x1d: {  	s5 =	simm.s32 @p1 $0x1;
	p0 =	seq.s32 s7, s2  }
0x1e: {  	s7 =	smul.u32 @!p0 $0xF7A, s2;
	p2 =	seq.s32 @!p0 s5, $0x0  }
0x1f: {  	s9 =	smul.u32 $0xF7A, s1;
	s8 =	simm.s32 @!p0 $0x1BF5;
	p2 =	por !p2, p0  }
0x20: {  	[sflag:s8] =	ssyncset.s32 @!p0 $0xFFFFF086;
	s6 =	sadd.s32 @!p0 s3, s7;
	s7 =	simm.s32 @!p0 $0x108  }
0x21: {  	s3 =	sadd.s32 s3, s9;
	s6 =	sadd.s32 @!p0 $0x88, s6;
	s7 =	simm.s32 @p2 $0x1082  }
0x22: {  	[simem:s7], [sflag:s8] =	dma.local @!p0 [hbm:s6], $0xF7A  }
0x23: {  	s9 =	sor.u32 $0xD0000000, s2;
	s6 =	simm.s32 $0x108;
	_ =	swait.ge @!p0 [sflag:s8], $0x0  }
0x24: {  	s3 =	sadd.s32 $0x88, s3;
	s6 =	simm.s32 @!p1 $0x1082;
	[sflag:s4] =	ssyncset.s32 $0xFFFFF086  }
0x25: {  	[simem:s6], [sflag:s4] =	dma.local [hbm:s3], $0xF7A  }
0x26: {  	[smem:$0x3F9E] =	sst s1;
	(tag) =	ssettag s2;
	_ =	strace s9  }
0x27: {  	s1 =	sld [smem:$0x3FAE]  }
0x28: {  	s2 =	sld [smem:$0x3FAF]  }
0x29: {  	s4 =	sld [smem:$0x3FB1]  }
0x2a: {  	p0 =	seq.s32 s5, $0x0;
	s5 =	sld [smem:$0x3FB2]  }
0x2b: {  	s6 =	sld [smem:$0x3FB3]  }
0x2c: {  	s7 =	sld [smem:$0x3FB4]  }
0x2d: {  	s3 =	simm.s32 $0x108;
	s8 =	sld [smem:$0x3FB5]  }
0x2e: {  	s3 =	simm.s32 @!p0 $0x1082;
	s9 =	sld [smem:$0x3FB6]  }
0x2f: {  	lr =	sadd.s32 s0, s3;
	s0 =	sld [smem:$0x3FAD]  }
0x30: {  	s3 =	sld [smem:$0x3FB0]  }
0x31: {  	[smem:$0x3FB9] =	sst s10  }
0x32: {  	s10 =	sld [smem:$0x3FB7];
	_ =	sdelay $0x3  }
0x33: {  	p0 =	seq.s32 s10, $0x1;
	s10 =	sld [smem:$0x3FB9];
	_ =	sdelay $0x3  }
0x34: {  	[smem:$0x3FB9] =	sst s10  }
0x35: {  	s10 =	sld [smem:$0x3FB8];
	_ =	sdelay $0x3  }
0x36: {  	p1 =	seq.s32 s10, $0x1;
	s10 =	sld [smem:$0x3FB9];
	_ =	sdelay $0x3  }
0x37: {  	[smem:$0x3FB9] =	sst s10  }
0x38: {  	s10 =	sld [smem:$0x3FBA]  }
0x39: {  	_ = 	snop;
	(pc) =	sbr.ind lr, $3  }
0x3a: {  	_ = 	snop  }
0x3b: {  	_ = 	snop  }
0x3c: {  	p2 =	seq.s32 s10, $0x1;
	s10 =	sld [smem:$0x3FB9]  }
0x3d: {  	_ =	shalt  }
0x3e: {  	_ =	shalt  }
0x3f: {  	_ =	shalt  }
0x40: {  	_ =	shalt  }
0x41: {  	_ =	shalt  }
0x42: {  	_ =	shalt  }
0x43: {  	_ =	shalt  }
0x44: {  	_ =	shalt  }
0x45: {  	_ =	shalt  }
0x46: {  	_ =	shalt  }
0x47: {  	_ =	shalt  }
0x48: {  	_ =	shalt  }
0x49: {  	_ =	shalt  }
0x4a: {  	_ =	shalt  }
0x4b: {  	_ =	shalt  }
0x4c: {  	_ =	shalt  }
0x4d: {  	_ =	shalt  }
0x4e: {  	_ =	shalt  }
0x4f: {  	_ =	shalt  }
0x50: {  	_ =	shalt  }
0x51: {  	_ =	shalt  }
0x52: {  	_ =	shalt  }
0x53: {  	_ =	shalt  }
0x54: {  	_ =	shalt  }
0x55: {  	_ =	shalt  }
0x56: {  	_ =	shalt  }
0x57: {  	_ =	shalt  }
0x58: {  	_ =	shalt  }
0x59: {  	_ =	shalt  }
0x5a: {  	_ =	shalt  }
0x5b: {  	_ =	shalt  }
0x5c: {  	_ =	shalt  }
0x5d: {  	_ =	shalt  }
0x5e: {  	_ =	shalt  }
0x5f: {  	_ =	shalt  }
0x60: {  	_ =	shalt  }
0x61: {  	_ =	shalt  }
0x62: {  	_ =	shalt  }
0x63: {  	_ =	shalt  }
0x64: {  	_ =	shalt  }
0x65: {  	_ =	shalt  }
0x66: {  	_ =	shalt  }
0x67: {  	_ =	shalt  }
0x68: {  	_ =	shalt  }
0x69: {  	_ =	shalt  }
0x6a: {  	_ =	shalt  }
0x6b: {  	_ =	shalt  }
0x6c: {  	_ =	shalt  }
0x6d: {  	_ =	shalt  }
0x6e: {  	_ =	shalt  }
0x6f: {  	_ =	shalt  }
0x70: {  	_ =	shalt  }
0x71: {  	_ =	shalt  }
0x72: {  	_ =	shalt  }
0x73: {  	_ =	shalt  }
0x74: {  	_ =	shalt  }
0x75: {  	_ =	shalt  }
0x76: {  	_ =	shalt  }
0x77: {  	_ =	shalt  }
0x78: {  	_ =	shalt  }
0x79: {  	_ =	shalt  }
0x7a: {  	_ =	shalt  }
0x7b: {  	_ =	shalt  }
0x7c: {  	_ =	shalt  }
0x7d: {  	_ =	shalt  }
0x7e: {  	_ =	shalt  }
0x7f: {  	_ =	shalt  }
0x80: {  	_ =	shalt  }
0x81: {  	_ =	shalt  }
0x82: {  	_ =	shalt  }
0x83: {  	_ =	shalt  }
0x84: {  	_ =	shalt  }
0x85: {  	_ =	shalt  }
0x86: {  	_ =	shalt  }
0x87: {  	_ =	shalt  }
.Lfunc_end0:
.L_simem_size_0:
called_computation_lowered:
.L_overlay_start_0:
0x88: {  	s2 =	sld [smem:$0x3FD9]  }
0x89: {  	s3 =	sld [smem:$0x3FFE];
	_ =	sdelay $0x1  }
0x8a: {  	s1 =	srdreg.scid  }
0x8b: {  	s0 =	sand.u32 $0x1, s1  }
0x8c: {  	s16 =	sshll.u32 s0, $0xA;
	s2 =	sadd.s32 s3, s2  }
0x8d: {  	s2 =	sadd.s32 s2, s16  }
0x8e: {  	[smem:$0x3FC5] =	sst s2  }
0x8f: {  	_ = 	snop  }
0x90: {  	(tm) =	ssettm $0x1  }
0x91: {  	s17 =	sld [smem:$0x3FFB];
	_ =	sdelay $0x3  }
0x92: {  	_ =	strace s17  }
0x93: {  	s2 =	sld [smem:$0x3FFC];
	_ =	sdelay $0x3  }
0x94: {  	_ =	strace s2  }
0x95: {  	s2 =	sld [smem:$0x3FFD];
	_ =	sdelay $0x3  }
0x96: {  	_ =	strace s2  }
0x97: {  	_ =	strace $0x8FFFFFFF  }
0x98: {  	s18 =	sld [smem:$0x3FDB];
	_ =	sdelay $0x1  }
0x99: {  	s19 =	simm.s32 $_scs_section_size  }
0x9a: {  	s4 =	simm.s32 $_size__tile_overlayer_lowered;
	s5 =	simm.s32 $_tile_overlayer_lowered  }
0x9b: {  	s22 =	simm.s32 $0x1BFF;
	s21 =	sshll.u32 s5, $0x1;
	s2 =	sadd.s32 s19, s18  }
0x9c: {  	s6 =	simm.s32 $0x0;
	s20 =	sshll.u32 s4, $0x1;
	s4 =	sadd.s32 s21, s2  }
0x9d: {  	[timem:s6], [sflag:s22] =	dma.local [hbm:s4], s20  }
0x9e: {  	_ =	swait.ge [sflag:s22], s20  }
0x9f: {  	s3 =	ssub.s32 $0x0, s20;
	[sflag:s22] =	ssyncset.done $0x0  }
0xa0: {  	[sflag:s22] =	ssyncadd.s32 s3;
	_ =	sdelay $0x1  }
0xa1: {  	s23 =	simm.s32 $0x1B8B  }
0xa2: {  	_ =	swait.ge [sflag:s23], $0x1  }
0xa3: {  	[sflag:s23] =	ssyncset.done $0x0  }
0xa4: {  	s25 =	simm.s32 $0x1B8E;
	s24 =	sld [smem:$0x3FFE];
	[sflag:s23] =	ssyncadd.s32 $0xFFFFFFFF  }
0xa5: {  	s26 =	simm.s32 $execute0_lowered;
	[smem:$0x3FD2] =	sst s25  }
0xa6: {  	s4 =	sshll.u32 s26, $0x1;
	_ =	strace $0x80000046;
	[dreg:$0x1] =	wrdreg $0xFFFFFFFF  }
0xa7: {  	s28 =	simm.s32 $_size_execute0_lowered;
	s2 =	sadd.s32 s2, s4;
	[dreg:$0x0] =	wrdreg $0x0  }
0xa8: {  	s4 =	sshll.u32 s28, $0x1;
	[dreg:$0x2] =	wrdreg s2  }
0xa9: {  	[dreg:$0x3] =	wrdreg s4  }
0xaa: {  	[dreg:$0x4] =	wrdreg $0xC0  }
0xab: {  	_ =	task [dreg:s6], $0x5FFFF  }
0xac: {  	[dreg:$0x1] =	wrdreg $0xFFFFFFFF  }
0xad: {  	[dreg:$0x0] =	wrdreg $0x60  }
0xae: {  	[dreg:$0x2] =	wrdreg s24  }
0xaf: {  	[dreg:$0x3] =	wrdreg $0x101000  }
0xb0: {  	[dreg:$0x4] =	wrdreg $0x101800  }
0xb1: {  	[dreg:$0x5] =	wrdreg $0x9  }
0xb2: {  	_ =	task.clear_ibuf [dreg:s6], $0x6FFFF;
	_ =	strace $0x90000046  }
0xb3: {  	s29 =	simm.s32 $0x9;
	_ =	strace $0x80000048  }
0xb4: {  	_ =	swait.ge [sflag:s29], $0x1  }
0xb5: {  	[sflag:s29] =	ssyncadd.s32 $0xFFFFFFFF  }
0xb6: {  	_ =	strace $0x90000048  }
0xb7: {  	_ =	sfence  }
0xb8: {  	s30 =	sld [smem:$0x0];
	_ =	sdelay $0x2  }
0xb9: {  	s31 =	sshll.u32 s1, $0xD;
	s1 =	sshrl.u32 s1, $0x2  }
0xba: {  	s3 =	sand.u32 $0x4000, s31;
	s1 =	sadd.s32 s1, s30  }
0xbb: {  	s0 =	sor.u32 s3, s0;
	s1 =	sshll.u32 s1, $0x11  }
0xbc: {  	s0 =	sor.u32 s1, s0  }
0xbd: {  	s0 =	sadd.s32 $0x8F2B, s0  }
0xbe: {  	[sflag:s0] =	ssyncadd.remote.s32 $0x1  }
0xbf: {  	_ =	sfence.sel $0xFFFF  }
0xc0: {  	[dreg:$0x0] =	wrdreg $0xFFFFFFFF;
	(pc) =	sbr.abs _section_cstart, $3  }
0xc1: {  	[dreg:$0x1] =	wrdreg $0xFFFFFFFF  }
0xc2: {  	_ =	task.clear_ibuf [dreg:s6], $0x2FFFF;
	_ =	strace $0x9FFFFFFF  }
0xc3: {  	(tm) =	ssettm $0x7FFFFFFF  }
tec
execute0_lowered:
.L_overlay_start_1:
0x0: {  	(tag) =	ssettag $0x1  }
0x1: {  	s0 =	rddreg [dreg:$0x0]  }
0x2: {  	s1 =	rddreg [dreg:$0x1]  }
0x3: {  	s2 =	rddreg [dreg:$0x2];
	s3 =	simm.s32 $0x0  }
0x4: {  	s5 =	srdreg.scid;
	s31 =	stileid.u32;
	s11 =	simm.s32 $0x80  }
0x5: {  	s12 =	simm.s32 $0x400;
	s13 =	simm.s32 $0x1;
	s14 =	simm.s32 $0x4000  }
0x6: {  	s15 =	simm.s32 $0x8000;
	s16 =	simm.s32 $0xC000;
	s17 =	simm.s32 $0x10  }
0x7: {  	s18 =	simm.s32 $0x10000;
	s19 =	simm.s32 $0xC800;
	s20 =	simm.s32 $0xF000  }
0x8: {  	s21 =	simm.s32 $0xD000;
	s22 =	simm.s32 $0xF800;
	s8 =	sand.u32 $0x1, s5  }
0x9: {  	[smem:$0x7FF] =	sst s3;
	s4 =	sadd.s32 $0x1800, s0;
	s9 =	ssub.s32 $0x2, s8  }
0xa: {  	s5 =	sadd.s32 $0x41800, s0;
	s6 =	sadd.s32 $0x81800, s0;
	s10 =	sshrl.u32 s9, $0x1  }
0xb: {  	s7 =	sadd.s32 $0xC1800, s0;
	p0 =	sne.s32 s31, $0x0;
	s10 =	ssub.s32 s9, s10  }
0xc: {  	v1 =	vlaneseq.u32;
	_ =	strace $0x80000047;
	s8 =	sshll.u32 s8, $0x7;
	s10 =	smax.u32 s10, $0x1  }
0xd: {  	v0 =	vimm.s32 $0x0;
	v2 =	vimm.s32 $0x1;
	v3 =	vmul.u32 $0x80000, v1;
	s9 =	sshll.u32 s31, $0x11;
	[dreg:$0x4] =	wrdreg s10;
	s10 =	simm.s32 $0x0  }
.LBB2_1:
0xe: {  	[tilespmem:$0xE000] =	vst v0  }
0xf: {  	[tilespmem:$0xE010] =	vst v0  }
0x10: {  	[tilespmem:$0xE020] =	vst v0  }
0x11: {  	[tilespmem:$0xE030] =	vst v0  }
0x12: {  	[tilespmem:$0xE040] =	vst v0  }
0x13: {  	[tilespmem:$0xE050] =	vst v0  }
0x14: {  	[tilespmem:$0xE060] =	vst v0  }
0x15: {  	[tilespmem:$0xE070] =	vst v0  }
0x16: {  	[tilespmem:$0xE800] =	vst v0  }
0x17: {  	[tilespmem:$0xE080] =	vst v0  }
0x18: {  	[tilespmem:$0xE090] =	vst v0  }
0x19: {  	[tilespmem:$0xE0A0] =	vst v0  }
0x1a: {  	[tilespmem:$0xE0B0] =	vst v0  }
0x1b: {  	[tilespmem:$0xE0C0] =	vst v0  }
0x1c: {  	[tilespmem:$0xE0D0] =	vst v0  }
0x1d: {  	[tilespmem:$0xE0E0] =	vst v0  }
0x1e: {  	[tilespmem:$0xE0F0] =	vst v0  }
0x1f: {  	[tilespmem:$0xE880] =	vst v0  }
0x20: {  	[tilespmem:$0xE100] =	vst v0  }
0x21: {  	[tilespmem:$0xE110] =	vst v0  }
0x22: {  	[tilespmem:$0xE120] =	vst v0  }
0x23: {  	[tilespmem:$0xE130] =	vst v0  }
0x24: {  	[tilespmem:$0xE140] =	vst v0  }
0x25: {  	[tilespmem:$0xE150] =	vst v0  }
0x26: {  	[tilespmem:$0xE160] =	vst v0  }
0x27: {  	[tilespmem:$0xE170] =	vst v0  }
0x28: {  	[tilespmem:$0xE900] =	vst v0  }
0x29: {  	[tilespmem:$0xE180] =	vst v0  }
0x2a: {  	[tilespmem:$0xE190] =	vst v0  }
0x2b: {  	[tilespmem:$0xE1A0] =	vst v0  }
0x2c: {  	[tilespmem:$0xE1B0] =	vst v0  }
0x2d: {  	[tilespmem:$0xE1C0] =	vst v0  }
0x2e: {  	[tilespmem:$0xE1D0] =	vst v0  }
0x2f: {  	[tilespmem:$0xE1E0] =	vst v0  }
0x30: {  	[tilespmem:$0xE1F0] =	vst v0  }
0x31: {  	[tilespmem:$0xE980] =	vst v0  }
0x32: {  	[tilespmem:$0xE200] =	vst v0  }
0x33: {  	[tilespmem:$0xE210] =	vst v0  }
0x34: {  	[tilespmem:$0xE220] =	vst v0  }
0x35: {  	[tilespmem:$0xE230] =	vst v0  }
0x36: {  	[tilespmem:$0xE240] =	vst v0  }
0x37: {  	[tilespmem:$0xE250] =	vst v0  }
0x38: {  	[tilespmem:$0xE260] =	vst v0  }
0x39: {  	[tilespmem:$0xE270] =	vst v0  }
0x3a: {  	[tilespmem:$0xEA00] =	vst v0  }
0x3b: {  	[tilespmem:$0xE280] =	vst v0  }
0x3c: {  	[tilespmem:$0xE290] =	vst v0  }
0x3d: {  	[tilespmem:$0xE2A0] =	vst v0  }
0x3e: {  	[tilespmem:$0xE2B0] =	vst v0  }
0x3f: {  	[tilespmem:$0xE2C0] =	vst v0  }
0x40: {  	[tilespmem:$0xE2D0] =	vst v0  }
0x41: {  	[tilespmem:$0xE2E0] =	vst v0  }
0x42: {  	[tilespmem:$0xE2F0] =	vst v0  }
0x43: {  	[tilespmem:$0xEA80] =	vst v0  }
0x44: {  	[tilespmem:$0xE300] =	vst v0  }
0x45: {  	[tilespmem:$0xE310] =	vst v0  }
0x46: {  	[tilespmem:$0xE320] =	vst v0  }
0x47: {  	[tilespmem:$0xE330] =	vst v0  }
0x48: {  	[tilespmem:$0xE340] =	vst v0  }
0x49: {  	[tilespmem:$0xE350] =	vst v0  }
0x4a: {  	[tilespmem:$0xE360] =	vst v0  }
0x4b: {  	[tilespmem:$0xE370] =	vst v0  }
0x4c: {  	[tilespmem:$0xEB00] =	vst v0  }
0x4d: {  	[tilespmem:$0xE380] =	vst v0  }
0x4e: {  	[tilespmem:$0xE390] =	vst v0  }
0x4f: {  	[tilespmem:$0xE3A0] =	vst v0  }
0x50: {  	[tilespmem:$0xE3B0] =	vst v0  }
0x51: {  	[tilespmem:$0xE3C0] =	vst v0  }
0x52: {  	[tilespmem:$0xE3D0] =	vst v0  }
0x53: {  	[tilespmem:$0xE3E0] =	vst v0  }
0x54: {  	[tilespmem:$0xE3F0] =	vst v0  }
0x55: {  	[tilespmem:$0xEB80] =	vst v0  }
0x56: {  	[tilespmem:$0xE400] =	vst v0  }
0x57: {  	[tilespmem:$0xE410] =	vst v0  }
0x58: {  	[tilespmem:$0xE420] =	vst v0  }
0x59: {  	[tilespmem:$0xE430] =	vst v0  }
0x5a: {  	[tilespmem:$0xE440] =	vst v0  }
0x5b: {  	[tilespmem:$0xE450] =	vst v0  }
0x5c: {  	[tilespmem:$0xE460] =	vst v0  }
0x5d: {  	[tilespmem:$0xE470] =	vst v0  }
0x5e: {  	[tilespmem:$0xEC00] =	vst v0  }
0x5f: {  	[tilespmem:$0xE480] =	vst v0  }
0x60: {  	[tilespmem:$0xE490] =	vst v0  }
0x61: {  	[tilespmem:$0xE4A0] =	vst v0  }
0x62: {  	[tilespmem:$0xE4B0] =	vst v0  }
0x63: {  	[tilespmem:$0xE4C0] =	vst v0  }
0x64: {  	[tilespmem:$0xE4D0] =	vst v0  }
0x65: {  	[tilespmem:$0xE4E0] =	vst v0  }
0x66: {  	[tilespmem:$0xE4F0] =	vst v0  }
0x67: {  	[tilespmem:$0xEC80] =	vst v0  }
0x68: {  	[tilespmem:$0xE500] =	vst v0  }
0x69: {  	[tilespmem:$0xE510] =	vst v0  }
0x6a: {  	[tilespmem:$0xE520] =	vst v0  }
0x6b: {  	[tilespmem:$0xE530] =	vst v0  }
0x6c: {  	[tilespmem:$0xE540] =	vst v0  }
0x6d: {  	[tilespmem:$0xE550] =	vst v0  }
0x6e: {  	[tilespmem:$0xE560] =	vst v0  }
0x6f: {  	[tilespmem:$0xE570] =	vst v0  }
0x70: {  	[tilespmem:$0xED00] =	vst v0  }
0x71: {  	[tilespmem:$0xE580] =	vst v0  }
0x72: {  	[tilespmem:$0xE590] =	vst v0  }
0x73: {  	[tilespmem:$0xE5A0] =	vst v0  }
0x74: {  	[tilespmem:$0xE5B0] =	vst v0  }
0x75: {  	[tilespmem:$0xE5C0] =	vst v0  }
0x76: {  	[tilespmem:$0xE5D0] =	vst v0  }
0x77: {  	[tilespmem:$0xE5E0] =	vst v0  }
0x78: {  	[tilespmem:$0xE5F0] =	vst v0  }
0x79: {  	[tilespmem:$0xED80] =	vst v0  }
0x7a: {  	[tilespmem:$0xE600] =	vst v0  }
0x7b: {  	[tilespmem:$0xE610] =	vst v0  }
0x7c: {  	[tilespmem:$0xE620] =	vst v0  }
0x7d: {  	[tilespmem:$0xE630] =	vst v0  }
0x7e: {  	[tilespmem:$0xE640] =	vst v0  }
0x7f: {  	[tilespmem:$0xE650] =	vst v0  }
0x80: {  	[tilespmem:$0xE660] =	vst v0  }
0x81: {  	[tilespmem:$0xE670] =	vst v0  }
0x82: {  	[tilespmem:$0xEE00] =	vst v0  }
0x83: {  	[tilespmem:$0xE680] =	vst v0  }
0x84: {  	[tilespmem:$0xE690] =	vst v0  }
0x85: {  	[tilespmem:$0xE6A0] =	vst v0  }
0x86: {  	[tilespmem:$0xE6B0] =	vst v0  }
0x87: {  	[tilespmem:$0xE6C0] =	vst v0  }
0x88: {  	[tilespmem:$0xE6D0] =	vst v0  }
0x89: {  	[tilespmem:$0xE6E0] =	vst v0  }
0x8a: {  	[tilespmem:$0xE6F0] =	vst v0  }
0x8b: {  	[tilespmem:$0xEE80] =	vst v0  }
0x8c: {  	[tilespmem:$0xE700] =	vst v0  }
0x8d: {  	[tilespmem:$0xE710] =	vst v0  }
0x8e: {  	[tilespmem:$0xE720] =	vst v0  }
0x8f: {  	[tilespmem:$0xE730] =	vst v0  }
0x90: {  	[tilespmem:$0xE740] =	vst v0  }
0x91: {  	[tilespmem:$0xE750] =	vst v0  }
0x92: {  	[tilespmem:$0xE760] =	vst v0  }
0x93: {  	[tilespmem:$0xE770] =	vst v0  }
0x94: {  	[tilespmem:$0xEF00] =	vst v0  }
0x95: {  	[tilespmem:$0xE780] =	vst v0  }
0x96: {  	[tilespmem:$0xE790] =	vst v0  }
0x97: {  	[tilespmem:$0xE7A0] =	vst v0  }
0x98: {  	[tilespmem:$0xE7B0] =	vst v0  }
0x99: {  	[tilespmem:$0xE7C0] =	vst v0  }
0x9a: {  	[tilespmem:$0xE7D0] =	vst v0  }
0x9b: {  	[tilespmem:$0xE7E0] =	vst v0  }
0x9c: {  	[tilespmem:$0xE7F0] =	vst v0  }
0x9d: {  	[tilespmem:$0xEF80] =	vst v0  }
0x9e: {  	[dreg:$0x5] =	wrdreg s10;
	[tilespmem:$0x10000] =	vst v1;
	s24 =	simm.s32 $0x0  }
.LBB2_2:
0x9f: {  	s0 =	sshll.u32 s24, $0x8  }
0xa0: {  	s25 =	sor.u32 s8, s0  }
0xa1: {  	s0 =	sadd.s32 s9, s25  }
0xa2: {  	s0 =	sshrl.u32 s0, $0x3  }
0xa3: {  	s26 =	sadd.s32 s4, s0  }
0xa4: {  	[tilespmem:s3], [sflag:$0x1] =	stream.strided.gather [hbm4b:s26+s11], $0x4000, s12, s11, $0x38;
	[tilespmem:$0x10190] =	vst v63  }
0xa5: {  	_ =	swait.ge [sflag:s13], $0x4000  }
0xa6: {  	[sflag:s13] =	ssyncset.done $0x0  }
0xa7: {  	s23 =	sadd.s32 s5, s0;
	[sflag:s13] =	ssyncadd.s32 $0xFFFFC000  }
0xa8: {  	[tilespmem:s14], [sflag:$0x1] =	stream.strided.gather [hbm4b:s23+s11], $0x4000, s12, s11, $0x38;
	[tilespmem:$0x10190] =	vst v63  }
0xa9: {  	_ =	swait.ge [sflag:s13], $0x4000  }
0xaa: {  	[sflag:s13] =	ssyncset.done $0x0  }
0xab: {  	s0 =	sadd.s32 s6, s0;
	[sflag:s13] =	ssyncadd.s32 $0xFFFFC000  }
0xac: {  	[tilespmem:s15], [sflag:$0x1] =	stream.strided.gather [hbm4b:s0+s11], $0x4000, s12, s11, $0x38;
	[tilespmem:$0x10190] =	vst v63  }
0xad: {  	_ =	swait.ge [sflag:s13], $0x4000  }
0xae: {  	[sflag:s13] =	ssyncset.done $0x0  }
0xaf: {  	v4 =	vimm.s32 $0x0;
	[sflag:s13] =	ssyncadd.s32 $0xFFFFC000  }
0xb0: {  	[tilespmem:$0xC000] =	vst v4  }
0xb1: {  	[tilespmem:$0xC010] =	vst v4  }
0xb2: {  	[tilespmem:$0xC020] =	vst v4  }
0xb3: {  	[tilespmem:$0xC030] =	vst v4  }
0xb4: {  	[tilespmem:$0xC040] =	vst v4  }
0xb5: {  	[tilespmem:$0xC050] =	vst v4  }
0xb6: {  	[tilespmem:$0xC060] =	vst v4  }
0xb7: {  	[tilespmem:$0xC070] =	vst v4  }
0xb8: {  	[tilespmem:$0xC080] =	vst v4  }
0xb9: {  	[tilespmem:$0xC090] =	vst v4  }
0xba: {  	[tilespmem:$0xC0A0] =	vst v4  }
0xbb: {  	[tilespmem:$0xC0B0] =	vst v4  }
0xbc: {  	[tilespmem:$0xC0C0] =	vst v4  }
0xbd: {  	[tilespmem:$0xC0D0] =	vst v4  }
0xbe: {  	[tilespmem:$0xC0E0] =	vst v4  }
0xbf: {  	[tilespmem:$0xC0F0] =	vst v4  }
0xc0: {  	[tilespmem:$0xC100] =	vst v4  }
0xc1: {  	[tilespmem:$0xC110] =	vst v4  }
0xc2: {  	[tilespmem:$0xC120] =	vst v4  }
0xc3: {  	[tilespmem:$0xC130] =	vst v4  }
0xc4: {  	[tilespmem:$0xC140] =	vst v4  }
0xc5: {  	[tilespmem:$0xC150] =	vst v4  }
0xc6: {  	[tilespmem:$0xC160] =	vst v4  }
0xc7: {  	[tilespmem:$0xC170] =	vst v4  }
0xc8: {  	[tilespmem:$0xC180] =	vst v4  }
0xc9: {  	[tilespmem:$0xC190] =	vst v4  }
0xca: {  	[tilespmem:$0xC1A0] =	vst v4  }
0xcb: {  	[tilespmem:$0xC1B0] =	vst v4  }
0xcc: {  	[tilespmem:$0xC1C0] =	vst v4  }
0xcd: {  	[tilespmem:$0xC1D0] =	vst v4  }
0xce: {  	[tilespmem:$0xC1E0] =	vst v4  }
0xcf: {  	[tilespmem:$0xC1F0] =	vst v4  }
0xd0: {  	[tilespmem:$0xC200] =	vst v4  }
0xd1: {  	[tilespmem:$0xC210] =	vst v4  }
0xd2: {  	[tilespmem:$0xC220] =	vst v4  }
0xd3: {  	[tilespmem:$0xC230] =	vst v4  }
0xd4: {  	[tilespmem:$0xC240] =	vst v4  }
0xd5: {  	[tilespmem:$0xC250] =	vst v4  }
0xd6: {  	[tilespmem:$0xC260] =	vst v4  }
0xd7: {  	[tilespmem:$0xC270] =	vst v4  }
0xd8: {  	[tilespmem:$0xC280] =	vst v4  }
0xd9: {  	[tilespmem:$0xC290] =	vst v4  }
0xda: {  	[tilespmem:$0xC2A0] =	vst v4  }
0xdb: {  	[tilespmem:$0xC2B0] =	vst v4  }
0xdc: {  	[tilespmem:$0xC2C0] =	vst v4  }
0xdd: {  	[tilespmem:$0xC2D0] =	vst v4  }
0xde: {  	[tilespmem:$0xC2E0] =	vst v4  }
0xdf: {  	[tilespmem:$0xC2F0] =	vst v4  }
0xe0: {  	[tilespmem:$0xC300] =	vst v4  }
0xe1: {  	[tilespmem:$0xC310] =	vst v4  }
0xe2: {  	[tilespmem:$0xC320] =	vst v4  }
0xe3: {  	[tilespmem:$0xC330] =	vst v4  }
0xe4: {  	[tilespmem:$0xC340] =	vst v4  }
0xe5: {  	[tilespmem:$0xC350] =	vst v4  }
0xe6: {  	[tilespmem:$0xC360] =	vst v4  }
0xe7: {  	[tilespmem:$0xC370] =	vst v4  }
0xe8: {  	[tilespmem:$0xC380] =	vst v4  }
0xe9: {  	[tilespmem:$0xC390] =	vst v4  }
0xea: {  	[tilespmem:$0xC3A0] =	vst v4  }
0xeb: {  	[tilespmem:$0xC3B0] =	vst v4  }
0xec: {  	[tilespmem:$0xC3C0] =	vst v4  }
0xed: {  	[tilespmem:$0xC3D0] =	vst v4  }
0xee: {  	[tilespmem:$0xC3E0] =	vst v4  }
0xef: {  	[tilespmem:$0xC3F0] =	vst v4  }
0xf0: {  	[tilespmem:$0xC400] =	vst v4  }
0xf1: {  	[tilespmem:$0xC410] =	vst v4  }
0xf2: {  	[tilespmem:$0xC420] =	vst v4  }
0xf3: {  	[tilespmem:$0xC430] =	vst v4  }
0xf4: {  	[tilespmem:$0xC440] =	vst v4  }
0xf5: {  	[tilespmem:$0xC450] =	vst v4  }
0xf6: {  	[tilespmem:$0xC460] =	vst v4  }
0xf7: {  	[tilespmem:$0xC470] =	vst v4  }
0xf8: {  	[tilespmem:$0xC480] =	vst v4  }
0xf9: {  	[tilespmem:$0xC490] =	vst v4  }
0xfa: {  	[tilespmem:$0xC4A0] =	vst v4  }
0xfb: {  	[tilespmem:$0xC4B0] =	vst v4  }
0xfc: {  	[tilespmem:$0xC4C0] =	vst v4  }
0xfd: {  	[tilespmem:$0xC4D0] =	vst v4  }
0xfe: {  	[tilespmem:$0xC4E0] =	vst v4  }
0xff: {  	[tilespmem:$0xC4F0] =	vst v4  }
0x100: {  	[tilespmem:$0xC500] =	vst v4  }
0x101: {  	[tilespmem:$0xC510] =	vst v4  }
0x102: {  	[tilespmem:$0xC520] =	vst v4  }
0x103: {  	[tilespmem:$0xC530] =	vst v4  }
0x104: {  	[tilespmem:$0xC540] =	vst v4  }
0x105: {  	[tilespmem:$0xC550] =	vst v4  }
0x106: {  	[tilespmem:$0xC560] =	vst v4  }
0x107: {  	[tilespmem:$0xC570] =	vst v4  }
0x108: {  	[tilespmem:$0xC580] =	vst v4  }
0x109: {  	[tilespmem:$0xC590] =	vst v4  }
0x10a: {  	[tilespmem:$0xC5A0] =	vst v4  }
0x10b: {  	[tilespmem:$0xC5B0] =	vst v4  }
0x10c: {  	[tilespmem:$0xC5C0] =	vst v4  }
0x10d: {  	[tilespmem:$0xC5D0] =	vst v4  }
0x10e: {  	[tilespmem:$0xC5E0] =	vst v4  }
0x10f: {  	[tilespmem:$0xC5F0] =	vst v4  }
0x110: {  	[tilespmem:$0xC600] =	vst v4  }
0x111: {  	[tilespmem:$0xC610] =	vst v4  }
0x112: {  	[tilespmem:$0xC620] =	vst v4  }
0x113: {  	[tilespmem:$0xC630] =	vst v4  }
0x114: {  	[tilespmem:$0xC640] =	vst v4  }
0x115: {  	[tilespmem:$0xC650] =	vst v4  }
0x116: {  	[tilespmem:$0xC660] =	vst v4  }
0x117: {  	[tilespmem:$0xC670] =	vst v4  }
0x118: {  	[tilespmem:$0xC680] =	vst v4  }
0x119: {  	[tilespmem:$0xC690] =	vst v4  }
0x11a: {  	[tilespmem:$0xC6A0] =	vst v4  }
0x11b: {  	[tilespmem:$0xC6B0] =	vst v4  }
0x11c: {  	[tilespmem:$0xC6C0] =	vst v4  }
0x11d: {  	[tilespmem:$0xC6D0] =	vst v4  }
0x11e: {  	[tilespmem:$0xC6E0] =	vst v4  }
0x11f: {  	[tilespmem:$0xC6F0] =	vst v4  }
0x120: {  	[tilespmem:$0xC700] =	vst v4  }
0x121: {  	[tilespmem:$0xC710] =	vst v4  }
0x122: {  	[tilespmem:$0xC720] =	vst v4  }
0x123: {  	[tilespmem:$0xC730] =	vst v4  }
0x124: {  	[tilespmem:$0xC740] =	vst v4  }
0x125: {  	[tilespmem:$0xC750] =	vst v4  }
0x126: {  	[tilespmem:$0xC760] =	vst v4  }
0x127: {  	[tilespmem:$0xC770] =	vst v4  }
0x128: {  	[tilespmem:$0xC780] =	vst v4  }
0x129: {  	[tilespmem:$0xC790] =	vst v4  }
0x12a: {  	[tilespmem:$0xC7A0] =	vst v4  }
0x12b: {  	[tilespmem:$0xC7B0] =	vst v4  }
0x12c: {  	[tilespmem:$0xC7C0] =	vst v4  }
0x12d: {  	[tilespmem:$0xC7D0] =	vst v4  }
0x12e: {  	[tilespmem:$0xC7E0] =	vst v4  }
0x12f: {  	[tilespmem:$0xC7F0] =	vst v4  }
0x130: {  	[tilespmem:$0xF000] =	vst v4  }
0x131: {  	[tilespmem:$0xF080] =	vst v4  }
0x132: {  	[tilespmem:$0xF100] =	vst v4  }
0x133: {  	[tilespmem:$0xF180] =	vst v4  }
0x134: {  	[tilespmem:$0xF200] =	vst v4  }
0x135: {  	[tilespmem:$0xF280] =	vst v4  }
0x136: {  	[tilespmem:$0xF300] =	vst v4  }
0x137: {  	[tilespmem:$0xF380] =	vst v4  }
0x138: {  	[tilespmem:$0xF400] =	vst v4  }
0x139: {  	[tilespmem:$0xF480] =	vst v4  }
0x13a: {  	[tilespmem:$0xF500] =	vst v4  }
0x13b: {  	[tilespmem:$0xF580] =	vst v4  }
0x13c: {  	[tilespmem:$0xF600] =	vst v4  }
0x13d: {  	[tilespmem:$0xF680] =	vst v4  }
0x13e: {  	[tilespmem:$0xF700] =	vst v4  }
0x13f: {  	s26 =	simm.s32 $0x40;
	[tilespmem:$0xF780] =	vst v4  }
0x140: {  	v5 =	vld [tilespmem:s26+$0xFFFFFFC0]  }
0x141: {  	v6 =	vld [tilespmem:s26+$0xFFFFFFD0]  }
0x142: {  	v7 =	vld [tilespmem:s26+$0xFFFFFFE0]  }
0x143: {  	v8 =	vld [tilespmem:s26+$0xFFFFFFF0]  }
0x144: {  	v13 =	vld [tilespmem:s26+$0x0]  }
0x145: {  	v14 =	vld [tilespmem:s26+$0x10]  }
0x146: {  	v15 =	vld [tilespmem:s26+$0x20]  }
0x147: {  	s28 =	simm.s32 $0x8040;
	v16 =	vld [tilespmem:s26+$0x30]  }
0x148: {  	v19 =	vld [tilespmem:s28+$0x10]  }
0x149: {  	s29 =	simm.s32 $0x4040;
	v21 =	vld [tilespmem:s28+$0xFFFFFFF0]  }
0x14a: {  	v22 =	vld [tilespmem:s29+$0xFFFFFFE0]  }
0x14b: {  	v32 =	vld [tilespmem:s29+$0xFFFFFFD0];
	v9 =	vxor.u32 $0x7FFFFFFF, v5  }
0x14c: {  	v23 =	vld [tilespmem:s29+$0xFFFFFFF0];
	vm0 =	vlt.s32 v5, $0x0;
	v11 =	vxor.u32 $0x7FFFFFFF, v6;
	vm1 =	vlt.s32 v6, $0x0  }
0x14d: {  	v31 =	vld [tilespmem:s29+$0x0];
	v12 =	vxor.u32 $0x7FFFFFFF, v7;
	vm2 =	vlt.s32 v7, $0x0;
	v24 =	vxor.u32 $0x7FFFFFFF, v8  }
0x14e: {  	v17 =	vld [tilespmem:s28+$0x30];
	vm3 =	vlt.s32 v8, $0x0;
	v26 =	vxor.u32 $0x7FFFFFFF, v13;
	vm4 =	vlt.s32 v13, $0x0  }
0x14f: {  	v18 =	vld [tilespmem:s28+$0x20];
	v27 =	vxor.u32 $0x7FFFFFFF, v14;
	vm5 =	vlt.s32 v14, $0x0;
	v30 =	vxor.u32 $0x7FFFFFFF, v15  }
0x150: {  	v25 =	vld [tilespmem:s29+$0x10];
	vm6 =	vlt.s32 v15, $0x0;
	vm7 =	vgt.f32 v19, $5.000000000e-01;
	vm11 =	vle.f32 v32, $5.000000000e-01  }
0x151: {  	v29 =	vld [tilespmem:s29+$0x20];
	vm8 =	vgt.f32 v23, $5.000000000e-01;
	vm9 =	vgt.f32 v21, $5.000000000e-01;
	vm10 =	vle.f32 v22, $5.000000000e-01  }
0x152: {  	v20 =	vld [tilespmem:s28+$0x0];
	vm13 =	vle.f32 v23, $5.000000000e-01;
	vm15 =	vle.f32 v31, $5.000000000e-01;
	v10 =	vsel vm0, v9, v5  }
0x153: {  	v5 =	vxor.u32 $0x7FFFFFFF, v16;
	vm0 =	vlt.s32 v16, $0x0;
	v11 =	vsel vm1, v11, v6  }
0x154: {  	v28 =	vld [tilespmem:s29+$0x30];
	v9 =	vsel vm2, v12, v7;
	v12 =	vsel vm3, v24, v8;
	v8 =	vsel vm4, v26, v13  }
0x155: {  	v7 =	vsel vm5, v27, v14;
	v6 =	vsel vm6, v30, v15;
	vm1 =	vgt.f32 v17, $5.000000000e-01  }
0x156: {  	v60 =	vld [tilespmem:s28+$0xFFFFFFE0];
	vm2 =	vgt.f32 v25, $5.000000000e-01;
	vm3 =	vgt.f32 v29, $5.000000000e-01;
	vm4 =	vgt.f32 v18, $5.000000000e-01  }
0x157: {  	v14 =	vld [tilespmem:s29+$0xFFFFFFC0];
	vm5 =	vgt.f32 v31, $5.000000000e-01;
	vm6 =	vgt.f32 v20, $5.000000000e-01;
	v18 =	vsel vm13, $0x1, v0  }
0x158: {  	v13 =	vld [tilespmem:s28+$0xFFFFFFC0];
	v62 =	vsel vm11, $0x1, v0;
	v63 =	vsel vm10, $0x1, v0;
	v5 =	vsel vm0, v5, v16  }
0x159: {  	v15 =	vld [tilespmem:s28+$0xFFFFFFD0];
	vm0 =	vgt.f32 v28, $5.000000000e-01;
	vm14 =	vmand vm3, vm4;
	vm3 =	vgt.f32 v22, $5.000000000e-01  }
0x15a: {  	vm7 =	vmand vm2, vm7;
	vm4 =	vmand vm8, vm9;
	vm6 =	vmand vm5, vm6  }
0x15b: {  	vm9 =	vle.f32 v25, $5.000000000e-01;
	vm12 =	vmand vm0, vm1;
	vm0 =	vgt.f32 v60, $5.000000000e-01  }
0x15c: {  	vm5 =	vgt.f32 v32, $5.000000000e-01;
	v16 =	vsel vm9, $0x1, v0;
	vm0 =	vmand vm3, vm0  }
0x15d: {  	v20 =	vsel vm0, $0x1, v0;
	vm2 =	vgt.f32 v14, $5.000000000e-01;
	vm8 =	vgt.f32 v13, $5.000000000e-01  }
0x15e: {  	vm3 =	vgt.f32 v15, $5.000000000e-01;
	v13 =	vsel vm4, $0x1, v0;
	vm0 =	vle.f32 v14, $5.000000000e-01  }
0x15f: {  	vm2 =	vmand vm2, vm8;
	v61 =	vsel vm0, $0x1, v0;
	vm8 =	vmmov vm11  }
0x160: {  	v17 =	vsel vm2, $0x1, v0;
	vm2 =	vmand vm5, vm3;
	vm3 =	vle.f32 v29, $5.000000000e-01  }
0x161: {  	v19 =	vsel vm2, $0x1, v0;
	vm2 =	vle.f32 v28, $5.000000000e-01;
	vm5 =	vmmov vm3  }
0x162: {  	v15 =	vsel vm3, $0x1, v0;
	v17 =	vadd.s32 v17, v4;
	v4 =	vadd.s32 v61, v4  }
0x163: {  	v14 =	vsel vm2, $0x1, v0;
	v19 =	vadd.s32 v19, v17;
	v4 =	vadd.s32 v62, v4  }
0x164: {  	s30 =	simm.s32 $0x0;
	s31 =	simm.s32 $0xC0;
	v17 =	vsel vm15, $0x1, v0;
	v19 =	vadd.s32 v20, v19;
	v4 =	vadd.s32 v63, v4  }
.LBB2_3:
0x165: {  	v13 =	vadd.s32 v13, v19;
	v4 =	vadd.s32 v18, v4;
	v18 =	vsel vm6, $0x1, v0  }
0x166: {  	vm6 =	vmmov vm15;
	vm4 =	vmmov vm9;
	v19 =	vimm.s32 $0x0  }
0x167: {  	vm3 =	vmmov vm0;
	v11 =	vnsel vm8, $0x80000000, v11;
	v9 =	vnsel vm10, $0x80000000, v9  }
0x168: {  	v12 =	vnsel vm13, $0x80000000, v12;
	v6 =	vnsel vm5, $0x80000000, v6;
	v5 =	vnsel vm2, $0x80000000, v5  }
0x169: {  	vm0 =	vmmov vm5;
	v19 =	vsel vm4, $0xFFFFFFFF, v19;
	v13 =	vadd.s32 v18, v13  }
0x16a: {  	v21 =	vld [tilespmem:s31+$0x30];
	v4 =	vadd.s32 v17, v4;
	v17 =	vsel vm7, $0x1, v0;
	v10 =	vnsel vm3, $0x80000000, v10  }
0x16b: {  	s28 =	sadd.s32 $0x80, s28;
	v18 =	vld [tilespmem:s31+$0xFFFFFFE0];
	v8 =	vnsel vm6, $0x80000000, v8;
	vm11 =	vmmov vm6;
	v7 =	vnsel vm4, $0x80000000, v7;
	[tilespmem:s26+$0xFFFFFFE0] =	vst v9  }
0x16c: {  	v22 =	vld [tilespmem:s28+$0x30];
	v9 =	vshra.s32 v9, $0x15;
	v25 =	vshra.s32 v6, $0x15;
	v26 =	vshra.s32 v5, $0x15;
	[tilespmem:s26+$0x30] =	vst v5  }
0x16d: {  	v5 =	vimm.s32 $0x0;
	[tilespmem:$0x1FF20] =	vst v19;
	v19 =	vimm.s32 $0x0;
	v13 =	vadd.s32 v17, v13  }
0x16e: {  	v20 =	vld [tilespmem:s31+$0xFFFFFFC0];
	v4 =	vadd.s32 v16, v4;
	v16 =	vsel vm14, $0x1, v0;
	[tilespmem:s26+$0xFFFFFFC0] =	vst v10;
	v10 =	vshra.s32 v10, $0x15  }
0x16f: {  	v17 =	vld [tilespmem:s31+$0xFFFFFFF0];
	[tilespmem:s26+$0xFFFFFFF0] =	vst v12;
	v12 =	vshra.s32 v12, $0x15;
	v23 =	vshra.s32 v8, $0x15;
	v30 =	vadd.s32 $0x400, v9  }
0x170: {  	v24 =	vld [tilespmem:s28+$0x20];
	v5 =	vsel vm0, $0xFFFFFFFF, v5;
	v19 =	vsel vm3, $0xFFFFFFFF, v19;
	v13 =	vadd.s32 v16, v13  }
0x171: {  	s29 =	sadd.s32 $0x80, s29;
	v15 =	vadd.s32 v15, v4;
	v4 =	vsel vm12, $0x1, v0;
	v16 =	vld [tilespmem:s31+$0x0];
	[tilespmem:s26+$0x0] =	vst v8;
	v8 =	vshra.s32 v7, $0x15  }
0x172: {  	v40 =	vld [tilespmem:s29+$0x30];
	v28 =	vadd.s32 $0x400, v10;
	v32 =	vadd.s32 $0x400, v12;
	vm3 =	vmmov vm2;
	[tilespmem:$0x1FF30] =	vst v19  }
0x173: {  	v19 =	vld [tilespmem:s31+$0xFFFFFFD0];
	v4 =	vadd.s32 v4, v13;
	v13 =	vadd.s32 v14, v15;
	[tilespmem:s26+$0xFFFFFFD0] =	vst v11;
	v11 =	vshra.s32 v11, $0x15  }
0x174: {  	v15 =	vld [tilespmem:s31+$0x20];
	v33 =	vadd.s32 $0x400, v8;
	[tilespmem:s26+$0x20] =	vst v6;
	v6 =	vimm.s32 $0x0;
	v29 =	vadd.s32 $0x400, v11  }
0x175: {  	v27 =	vld [tilespmem:s28+$0x10];
	[tilespmem:$0x1FF90] =	vst v5;
	v5 =	vxor.u32 $0x7FFFFFFF, v20;
	vm0 =	vlt.s32 v20, $0x0;
	v6 =	vsel vm3, $0xFFFFFFFF, v6  }
0x176: {  	v14 =	vld [tilespmem:s31+$0x10];
	[tilespmem:s26+$0x10] =	vst v7;
	v7 =	vxor.u32 $0x7FFFFFFF, v18;
	vm2 =	vlt.s32 v18, $0x0;
	v10 =	vsel vm0, v5, v20  }
0x177: {  	v5 =	vxor.u32 $0x7FFFFFFF, v21;
	vm0 =	vlt.s32 v21, $0x0;
	v8 =	vxor.u32 $0x7FFFFFFF, v17  }
0x178: {  	vm3 =	vlt.s32 v17, $0x0;
	v9 =	vsel vm2, v7, v18;
	v5 =	vsel vm0, v5, v21  }
0x179: {  	vm0 =	vgt.f32 v40, $5.000000000e-01;
	v38 =	vxor.u32 $0x7FFFFFFF, v16;
	vm4 =	vlt.s32 v16, $0x0  }
0x17a: {  	v37 =	vld [tilespmem:s29+$0x10];
	[tilespmem:$0x1FF60] =	vst v6;
	v12 =	vsel vm3, v8, v17;
	v6 =	vxor.u32 $0x7FFFFFFF, v19;
	vm1 =	vlt.s32 v19, $0x0  }
0x17b: {  	v31 =	vld [tilespmem:s28+$0x0];
	v39 =	vxor.u32 $0x7FFFFFFF, v14;
	vm5 =	vlt.s32 v14, $0x0;
	v42 =	vxor.u32 $0x7FFFFFFF, v15  }
0x17c: {  	vm6 =	vlt.s32 v15, $0x0;
	v7 =	vsel vm5, v39, v14;
	v14 =	vimm.s32 $0x0  }
0x17d: {  	v8 =	vsel vm4, v38, v16;
	v11 =	vsel vm1, v6, v19;
	v14 =	vsel vm0, $0xFFFFFFFF, v14  }
0x17e: {  	v43 =	vld [tilespmem:s29+$0xFFFFFFD0];
	v6 =	vsel vm6, v42, v15;
	vm0 =	vgt.f32 v22, $5.000000000e-01;
	[tilespmem:$0x1FF40] =	vst v14;
	v14 =	vimm.s32 $0x0  }
0x17f: {  	v35 =	vld [tilespmem:s29+$0xFFFFFFE0];
	v15 =	vimm.s32 $0x0;
	v14 =	vsel vm0, $0xFFFFFFFF, v14;
	vm0 =	vgt.f32 v37, $5.000000000e-01  }
0x180: {  	v16 =	vimm.s32 $0x0;
	[tilespmem:$0x1FF50] =	vst v14;
	v14 =	vld [tilespmem:s29+$0xFFFFFFC0];
	v15 =	vsel vm0, $0xFFFFFFFF, v15;
	vm0 =	vgt.f32 v31, $5.000000000e-01  }
0x181: {  	v17 =	vld [tilespmem:s28+$0xFFFFFFE0];
	v16 =	vsel vm0, $0xFFFFFFFF, v16  }
0x182: {  	vm0 =	vgt.f32 v27, $5.000000000e-01;
	[tilespmem:$0x1FFA0] =	vst v16;
	v16 =	vimm.s32 $0x0  }
0x183: {  	v18 =	vimm.s32 $0x0;
	[tilespmem:v29+s16+$0x0] =	vst.idx.add.s32.msk vm8, v2;
	v16 =	vsel vm0, $0xFFFFFFFF, v16;
	vm0 =	vle.f32 v43, $5.000000000e-01  }
0x184: {  	vm1 =	vgt.f32 v43, $5.000000000e-01;
	[tilespmem:$0x1FF70] =	vst v15;
	v15 =	vld [tilespmem:s28+$0xFFFFFFD0];
	v18 =	vsel vm0, $0xFFFFFFFF, v18  }
0x185: {  	vm0 =	vgt.f32 v35, $5.000000000e-01;
	[tilespmem:$0x1FFB0] =	vst v18;
	v18 =	vimm.s32 $0x0;
	vm2 =	vgt.f32 v14, $5.000000000e-01  }
0x186: {  	v18 =	vsel vm0, $0xFFFFFFFF, v18;
	vm0 =	vgt.f32 v17, $5.000000000e-01;
	v17 =	vimm.s32 $0x0  }
0x187: {  	v17 =	vsel vm0, $0xFFFFFFFF, v17;
	vm0 =	vle.f32 v14, $5.000000000e-01;
	v14 =	vimm.s32 $0x0  }
0x188: {  	v14 =	vsel vm1, $0xFFFFFFFF, v14  }
0x189: {  	vm1 =	vgt.f32 v15, $5.000000000e-01;
	[tilespmem:$0x1FFE0] =	vst v14;
	v14 =	vimm.s32 $0x0  }
0x18a: {  	v14 =	vsel vm1, $0xFFFFFFFF, v14  }
0x18b: {  	[tilespmem:$0x1FFF0] =	vst v14;
	v14 =	vld [tilespmem:$0x1FF20];
	_ =	sdelay $0x4  }
0x18c: {  	vm1 =	vnez.u8 v14;
	_ =	sdelay $0x1  }
0x18d: {  	[tilespmem:$0x1FF80] =	vst v16;
	v16 =	vld [tilespmem:s28+$0xFFFFFFC0];
	_ =	sdelay $0x3  }
0x18e: {  	[tilespmem:v33+s16+$0x0] =	vst.idx.add.s32.msk vm1, v2  }
0x18f: {  	vm1 =	vgt.f32 v16, $5.000000000e-01;
	v16 =	vld [tilespmem:$0x1FF30];
	_ =	sdelay $0x4  }
0x190: {  	vm4 =	vnez.u8 v16;
	_ =	sdelay $0x1  }
0x191: {  	[tilespmem:$0x1FFD0] =	vst v17;
	v17 =	vld [tilespmem:$0x1FF40];
	_ =	sdelay $0x2  }
0x192: {  	v41 =	vld [tilespmem:s29+$0x20]  }
0x193: {  	v23 =	vadd.s32 $0x400, v23;
	[tilespmem:v28+s16+$0x0] =	vst.idx.add.s32.msk vm4, v2  }
0x194: {  	vm4 =	vnez.u8 v17;
	v17 =	vld [tilespmem:$0x1FF50];
	_ =	sdelay $0x2  }
0x195: {  	v20 =	vld [tilespmem:s29+$0x0]  }
0x196: {  	vm12 =	vgt.f32 v24, $5.000000000e-01;
	[tilespmem:v23+s16+$0x0] =	vst.idx.add.s32.msk vm11, v2;
	vm7 =	vgt.f32 v41, $5.000000000e-01  }
0x197: {  	vm11 =	vmand vm7, vm12;
	vm7 =	vnez.u8 v17;
	v17 =	vld [tilespmem:$0x1FF60];
	_ =	sdelay $0x4  }
0x198: {  	vm12 =	vmand vm4, vm7;
	vm4 =	vnez.u8 v17  }
0x199: {  	v26 =	vadd.s32 $0x400, v26  }
0x19a: {  	v19 =	vld [tilespmem:$0x1FF70];
	_ =	sdelay $0x3  }
0x19b: {  	[tilespmem:v26+s16+$0x0] =	vst.idx.add.s32.msk vm4, v2  }
0x19c: {  	vm4 =	vnez.u8 v19;
	v19 =	vld [tilespmem:$0x1FF80];
	_ =	sdelay $0x4  }
0x19d: {  	vm7 =	vnez.u8 v19;
	v19 =	vld [tilespmem:$0x1FF90];
	_ =	sdelay $0x2  }
0x19e: {  	v34 =	vld [tilespmem:s28+$0xFFFFFFF0]  }
0x19f: {  	v36 =	vld [tilespmem:s29+$0xFFFFFFF0]  }
0x1a0: {  	[tilespmem:v30+s16+$0x0] =	vst.idx.add.s32.msk vm10, v2;
	vm7 =	vmand vm4, vm7;
	vm4 =	vnez.u8 v19  }
0x1a1: {  	v25 =	vadd.s32 $0x400, v25;
	[tilespmem:v32+s16+$0x0] =	vst.idx.add.s32.msk vm13, v2  }
0x1a2: {  	v19 =	vld [tilespmem:$0x1FFA0]  }
0x1a3: {  	[tilespmem:$0x1FFC0] =	vst v18  }
0x1a4: {  	v57 =	vld [tilespmem:$0x1FFC0]  }
0x1a5: {  	vm14 =	vle.f32 v40, $5.000000000e-01;
	vm3 =	vgt.f32 v34, $5.000000000e-01;
	v62 =	vld [tilespmem:$0x1FFF0]  }
0x1a6: {  	vm10 =	vle.f32 v35, $5.000000000e-01;
	vm13 =	vle.f32 v36, $5.000000000e-01;
	vm8 =	vgt.f32 v36, $5.000000000e-01;
	[tilespmem:v25+s16+$0x0] =	vst.idx.add.s32.msk vm4, v2  }
0x1a7: {  	vm9 =	vle.f32 v37, $5.000000000e-01;
	vm4 =	vmand vm8, vm3;
	vm3 =	vnez.u8 v19;
	v19 =	vld [tilespmem:$0x1FFB0]  }
0x1a8: {  	vm5 =	vle.f32 v41, $5.000000000e-01;
	vm6 =	vgt.f32 v20, $5.000000000e-01;
	vm15 =	vle.f32 v20, $5.000000000e-01;
	v58 =	vld [tilespmem:$0x1FFD0]  }
0x1a9: {  	v20 =	vsel vm10, $0x1, v0;
	v18 =	vsel vm13, $0x1, v0;
	v60 =	vsel vm0, $0x1, v0;
	v61 =	vld [tilespmem:$0x1FFE0]  }
0x1aa: {  	v15 =	vsel vm5, $0x1, v0;
	v13 =	vadd.s32 v60, v13;
	vm2 =	vmand vm2, vm1  }
0x1ab: {  	v14 =	vsel vm14, $0x1, v0;
	v59 =	vsel vm2, $0x1, v0;
	vm2 =	vnez.u8 v62  }
0x1ac: {  	s30 =	sadd.s32 $0x8, s30;
	vm6 =	vmand vm6, vm3;
	vm3 =	vnez.u8 v57;
	vm1 =	vnez.u8 v19  }
0x1ad: {  	p1 =	slt.u32 s30, $0x3F8;
	vm8 =	vmmov vm1;
	v19 =	vsel vm1, $0x1, v0;
	vm1 =	vnez.u8 v58  }
.Ltmp0:
0x1ae: {  	v4 =	vadd.s32 v59, v4;
	vm3 =	vmand vm3, vm1;
	vm1 =	vnez.u8 v61;
	(pc) =	sbr.rel @p1 .LBB2_3-.Ltmp0, $4  }
0x1af: {  	v16 =	vsel vm9, $0x1, v0;
	v17 =	vsel vm15, $0x1, v0;
	vm2 =	vmand vm1, vm2  }
0x1b0: {  	v13 =	vadd.s32 v19, v13;
	v19 =	vsel vm3, $0x1, v0;
	v63 =	vsel vm2, $0x1, v0  }
0x1b1: {  	vm2 =	vmmov vm14;
	vm14 =	vmmov vm11;
	v4 =	vadd.s32 v63, v4  }
0x1b2: {  	s26 =	smov.u32 s31;
	s31 =	sadd.s32 $0x80, s31;
	v19 =	vadd.s32 v19, v4;
	v4 =	vadd.s32 v20, v13;
	v13 =	vsel vm4, $0x1, v0  }
0x1b3: {  	v12 =	vnsel vm13, $0x80000000, v12  }
0x1b4: {  	vm0 =	vmmov vm0;
	v11 =	vnsel vm8, $0x80000000, v11;
	[tilespmem:s26+$0xFFFFFFF0] =	vst v12  }
0x1b5: {  	vm4 =	vmmov vm15;
	vm3 =	vmmov vm9;
	v9 =	vnsel vm10, $0x80000000, v9;
	[tilespmem:s26+$0xFFFFFFD0] =	vst v11  }
0x1b6: {  	v6 =	vnsel vm5, $0x80000000, v6;
	v5 =	vnsel vm2, $0x80000000, v5;
	v11 =	vshra.s32 v11, $0x15;
	[tilespmem:s26+$0xFFFFFFE0] =	vst v9  }
0x1b7: {  	vm11 =	vmmov vm2;
	v9 =	vshra.s32 v9, $0x15;
	[tilespmem:s26+$0x20] =	vst v6;
	v11 =	vadd.s32 $0x400, v11  }
0x1b8: {  	v10 =	vnsel vm0, $0x80000000, v10;
	v12 =	vshra.s32 v12, $0x15;
	[tilespmem:s26+$0x30] =	vst v5;
	v9 =	vadd.s32 $0x400, v9  }
0x1b9: {  	v8 =	vnsel vm4, $0x80000000, v8;
	v5 =	vshra.s32 v5, $0x15;
	[tilespmem:s26+$0xFFFFFFC0] =	vst v10;
	v12 =	vadd.s32 $0x400, v12  }
0x1ba: {  	v7 =	vnsel vm3, $0x80000000, v7;
	v6 =	vshra.s32 v6, $0x15;
	[tilespmem:s26+$0x0] =	vst v8;
	v5 =	vadd.s32 $0x400, v5  }
0x1bb: {  	v8 =	vshra.s32 v8, $0x15;
	[tilespmem:s26+$0x10] =	vst v7;
	v6 =	vadd.s32 $0x400, v6  }
0x1bc: {  	v7 =	vshra.s32 v7, $0x15;
	v8 =	vadd.s32 $0x400, v8;
	[tilespmem:v11+s16+$0x0] =	vst.idx.add.s32.msk vm8, v2  }
0x1bd: {  	v10 =	vshra.s32 v10, $0x15;
	v7 =	vadd.s32 $0x400, v7;
	[tilespmem:v9+s16+$0x0] =	vst.idx.add.s32.msk vm10, v2  }
0x1be: {  	v10 =	vadd.s32 $0x400, v10;
	[tilespmem:v12+s16+$0x0] =	vst.idx.add.s32.msk vm13, v2  }
0x1bf: {  	v4 =	vadd.s32 v18, v4;
	[tilespmem:v5+s16+$0x0] =	vst.idx.add.s32.msk vm11, v2  }
0x1c0: {  	v4 =	vadd.s32 v17, v4;
	v9 =	vadd.s32 v13, v19;
	v11 =	vsel vm6, $0x1, v0;
	[tilespmem:v6+s16+$0x0] =	vst.idx.add.s32.msk vm5, v2  }
0x1c1: {  	v4 =	vadd.s32 v16, v4;
	[tilespmem:v8+s16+$0x0] =	vst.idx.add.s32.msk vm15, v2;
	v8 =	vadd.s32 v11, v9;
	v9 =	vsel vm7, $0x1, v0  }
0x1c2: {  	v4 =	vadd.s32 v15, v4;
	[tilespmem:v7+s16+$0x0] =	vst.idx.add.s32.msk vm9, v2;
	v7 =	vadd.s32 v9, v8;
	v8 =	vsel vm14, $0x1, v0  }
0x1c3: {  	v4 =	vadd.s32 v14, v4;
	[tilespmem:v10+s16+$0x0] =	vst.idx.add.s32.msk vm0, v2;
	v7 =	vadd.s32 v8, v7;
	v8 =	vsel vm12, $0x1, v0  }
0x1c4: {  	[tilespmem:$0xF080] =	vst v4;
	v5 =	vadd.s32 v8, v7  }
0x1c5: {  	[tilespmem:$0xF000] =	vst v5  }
0x1c6: {  	s0 =	simm.s32 @!p0 $0xE000;
	[bflag:$0x0] =	sbarrier.arrive $0xFFFF  }
0x1c7: {  	[spmem:s1] =	stream.linear.scatter @!p0 [tilespmem:s0], [sflag:$0x1], $0x800, $0x38;
	[tilespmem:$0x10190] =	vst v63  }
0x1c8: {  	s0 =	simm.s32 @!p0 $0x1  }
0x1c9: {  	_ =	swait.ge @!p0 [sflag:s0], $0x800  }
0x1ca: {  	[sflag:s0] =	ssyncset.done @!p0 $0x0  }
0x1cb: {  	s26 =	simm.s32 @!p0 $0xE800;
	[sflag:s0] =	ssyncadd.s32 @!p0 $0xFFFFF800  }
0x1cc: {  	[spmem:s2] =	stream.linear.scatter @!p0 [tilespmem:s26], [sflag:$0x1], $0x800, $0x38;
	[tilespmem:$0x10190] =	vst v63  }
0x1cd: {  	_ =	swait.ge @!p0 [sflag:s0], $0x800  }
0x1ce: {  	[sflag:s0] =	ssyncset.done @!p0 $0x0  }
0x1cf: {  	[sflag:s0] =	ssyncadd.s32 @!p0 $0xFFFFF800  }
0x1d0: {  	[bflag:$0x0] =	sbarrier.arrive $0xFFFF  }
0x1d1: {  	v4 =	vld [tilespmem:$0xC000]  }
0x1d2: {  	v5 =	vld [tilespmem:$0xC010]  }
0x1d3: {  	v6 =	vld [tilespmem:$0xC020]  }
0x1d4: {  	v7 =	vld [tilespmem:$0xC030]  }
0x1d5: {  	v8 =	vld [tilespmem:$0xC040]  }
0x1d6: {  	[tilespmem:$0xC800] =	vst v4;
	v4 =	vld [tilespmem:$0xC050]  }
0x1d7: {  	[tilespmem:$0xC810] =	vst v5;
	v5 =	vld [tilespmem:$0xC060]  }
0x1d8: {  	[tilespmem:$0xC820] =	vst v6;
	v6 =	vld [tilespmem:$0xC070]  }
0x1d9: {  	[tilespmem:$0xC830] =	vst v7;
	v7 =	vld [tilespmem:$0xC080]  }
0x1da: {  	[tilespmem:$0xC840] =	vst v8;
	v8 =	vld [tilespmem:$0xC090]  }
0x1db: {  	[tilespmem:$0xC850] =	vst v4;
	v4 =	vld [tilespmem:$0xC0A0]  }
0x1dc: {  	[tilespmem:$0xC860] =	vst v5;
	v5 =	vld [tilespmem:$0xC0B0]  }
0x1dd: {  	[tilespmem:$0xC870] =	vst v6;
	v6 =	vld [tilespmem:$0xC0C0]  }
0x1de: {  	[tilespmem:$0xC880] =	vst v7;
	v7 =	vld [tilespmem:$0xC0D0]  }
0x1df: {  	[tilespmem:$0xC890] =	vst v8;
	v8 =	vld [tilespmem:$0xC0E0]  }
0x1e0: {  	[tilespmem:$0xC8A0] =	vst v4;
	v4 =	vld [tilespmem:$0xC0F0]  }
0x1e1: {  	[tilespmem:$0xC8B0] =	vst v5;
	v5 =	vld [tilespmem:$0xC100]  }
0x1e2: {  	[tilespmem:$0xC8C0] =	vst v6;
	v6 =	vld [tilespmem:$0xC110]  }
0x1e3: {  	[tilespmem:$0xC8D0] =	vst v7;
	v7 =	vld [tilespmem:$0xC120]  }
0x1e4: {  	[tilespmem:$0xC8E0] =	vst v8;
	v8 =	vld [tilespmem:$0xC130]  }
0x1e5: {  	[tilespmem:$0xC8F0] =	vst v4;
	v4 =	vld [tilespmem:$0xC140]  }
0x1e6: {  	[tilespmem:$0xC900] =	vst v5;
	v5 =	vld [tilespmem:$0xC150]  }
0x1e7: {  	[tilespmem:$0xC910] =	vst v6;
	v6 =	vld [tilespmem:$0xC160]  }
0x1e8: {  	[tilespmem:$0xC920] =	vst v7;
	v7 =	vld [tilespmem:$0xC170]  }
0x1e9: {  	[tilespmem:$0xC930] =	vst v8;
	v8 =	vld [tilespmem:$0xC180]  }
0x1ea: {  	[tilespmem:$0xC940] =	vst v4;
	v4 =	vld [tilespmem:$0xC190]  }
0x1eb: {  	[tilespmem:$0xC950] =	vst v5;
	v5 =	vld [tilespmem:$0xC1A0]  }
0x1ec: {  	[tilespmem:$0xC960] =	vst v6;
	v6 =	vld [tilespmem:$0xC1B0]  }
0x1ed: {  	[tilespmem:$0xC970] =	vst v7;
	v7 =	vld [tilespmem:$0xC1C0]  }
0x1ee: {  	[tilespmem:$0xC980] =	vst v8;
	v8 =	vld [tilespmem:$0xC1D0]  }
0x1ef: {  	[tilespmem:$0xC990] =	vst v4;
	v4 =	vld [tilespmem:$0xC1E0]  }
0x1f0: {  	[tilespmem:$0xC9A0] =	vst v5;
	v5 =	vld [tilespmem:$0xC1F0]  }
0x1f1: {  	[tilespmem:$0xC9B0] =	vst v6;
	v6 =	vld [tilespmem:$0xC200]  }
0x1f2: {  	[tilespmem:$0xC9C0] =	vst v7;
	v7 =	vld [tilespmem:$0xC210]  }
0x1f3: {  	[tilespmem:$0xC9D0] =	vst v8;
	v8 =	vld [tilespmem:$0xC220]  }
0x1f4: {  	[tilespmem:$0xC9E0] =	vst v4  }
0x1f5: {  	[tilespmem:$0xC9F0] =	vst v5  }
0x1f6: {  	[tilespmem:$0xCA00] =	vst v6  }
0x1f7: {  	[tilespmem:$0xCA10] =	vst v7  }
0x1f8: {  	[tilespmem:$0xCA20] =	vst v8  }
0x1f9: {  	v4 =	vld [tilespmem:$0xC230]  }
0x1fa: {  	v5 =	vld [tilespmem:$0xC240]  }
0x1fb: {  	v6 =	vld [tilespmem:$0xC250]  }
0x1fc: {  	v7 =	vld [tilespmem:$0xC260]  }
0x1fd: {  	v8 =	vld [tilespmem:$0xC270]  }
0x1fe: {  	[tilespmem:$0xCA30] =	vst v4;
	v4 =	vld [tilespmem:$0xC280]  }
0x1ff: {  	[tilespmem:$0xCA40] =	vst v5;
	v5 =	vld [tilespmem:$0xC290]  }
0x200: {  	[tilespmem:$0xCA50] =	vst v6;
	v6 =	vld [tilespmem:$0xC2A0]  }
0x201: {  	[tilespmem:$0xCA60] =	vst v7;
	v7 =	vld [tilespmem:$0xC2B0]  }
0x202: {  	[tilespmem:$0xCA70] =	vst v8;
	v8 =	vld [tilespmem:$0xC2C0]  }
0x203: {  	[tilespmem:$0xCA80] =	vst v4;
	v4 =	vld [tilespmem:$0xC2D0]  }
0x204: {  	[tilespmem:$0xCA90] =	vst v5;
	v5 =	vld [tilespmem:$0xC2E0]  }
0x205: {  	[tilespmem:$0xCAA0] =	vst v6;
	v6 =	vld [tilespmem:$0xC2F0]  }
0x206: {  	[tilespmem:$0xCAB0] =	vst v7;
	v7 =	vld [tilespmem:$0xC300]  }
0x207: {  	[tilespmem:$0xCAC0] =	vst v8;
	v8 =	vld [tilespmem:$0xC310]  }
0x208: {  	[tilespmem:$0xCAD0] =	vst v4;
	v4 =	vld [tilespmem:$0xC320]  }
0x209: {  	[tilespmem:$0xCAE0] =	vst v5;
	v5 =	vld [tilespmem:$0xC330]  }
0x20a: {  	[tilespmem:$0xCAF0] =	vst v6;
	v6 =	vld [tilespmem:$0xC340]  }
0x20b: {  	[tilespmem:$0xCB00] =	vst v7;
	v7 =	vld [tilespmem:$0xC350]  }
0x20c: {  	[tilespmem:$0xCB10] =	vst v8;
	v8 =	vld [tilespmem:$0xC360]  }
0x20d: {  	[tilespmem:$0xCB20] =	vst v4;
	v4 =	vld [tilespmem:$0xC370]  }
0x20e: {  	[tilespmem:$0xCB30] =	vst v5;
	v5 =	vld [tilespmem:$0xC380]  }
0x20f: {  	[tilespmem:$0xCB40] =	vst v6;
	v6 =	vld [tilespmem:$0xC390]  }
0x210: {  	[tilespmem:$0xCB50] =	vst v7;
	v7 =	vld [tilespmem:$0xC3A0]  }
0x211: {  	[tilespmem:$0xCB60] =	vst v8;
	v8 =	vld [tilespmem:$0xC3B0]  }
0x212: {  	[tilespmem:$0xCB70] =	vst v4;
	v4 =	vld [tilespmem:$0xC3C0]  }
0x213: {  	[tilespmem:$0xCB80] =	vst v5;
	v5 =	vld [tilespmem:$0xC3D0]  }
0x214: {  	[tilespmem:$0xCB90] =	vst v6;
	v6 =	vld [tilespmem:$0xC3E0]  }
0x215: {  	[tilespmem:$0xCBA0] =	vst v7;
	v7 =	vld [tilespmem:$0xC3F0]  }
0x216: {  	[tilespmem:$0xCBB0] =	vst v8;
	v8 =	vld [tilespmem:$0xC400]  }
0x217: {  	[tilespmem:$0xCBC0] =	vst v4;
	v4 =	vld [tilespmem:$0xC410]  }
0x218: {  	[tilespmem:$0xCBD0] =	vst v5;
	v5 =	vld [tilespmem:$0xC420]  }
0x219: {  	[tilespmem:$0xCBE0] =	vst v6;
	v6 =	vld [tilespmem:$0xC430]  }
0x21a: {  	[tilespmem:$0xCBF0] =	vst v7;
	v7 =	vld [tilespmem:$0xC440]  }
0x21b: {  	[tilespmem:$0xCC00] =	vst v8;
	v8 =	vld [tilespmem:$0xC450]  }
0x21c: {  	[tilespmem:$0xCC10] =	vst v4;
	v4 =	vld [tilespmem:$0xC460]  }
0x21d: {  	[tilespmem:$0xCC20] =	vst v5;
	v5 =	vld [tilespmem:$0xC470]  }
0x21e: {  	[tilespmem:$0xCC30] =	vst v6;
	v6 =	vld [tilespmem:$0xC480]  }
0x21f: {  	[tilespmem:$0xCC40] =	vst v7;
	v7 =	vld [tilespmem:$0xC490]  }
0x220: {  	[tilespmem:$0xCC50] =	vst v8;
	v8 =	vld [tilespmem:$0xC4A0]  }
0x221: {  	[tilespmem:$0xCC60] =	vst v4;
	v4 =	vld [tilespmem:$0xC4B0]  }
0x222: {  	[tilespmem:$0xCC70] =	vst v5;
	v5 =	vld [tilespmem:$0xC4C0]  }
0x223: {  	[tilespmem:$0xCC80] =	vst v6;
	v6 =	vld [tilespmem:$0xC4D0]  }
0x224: {  	[tilespmem:$0xCC90] =	vst v7;
	v7 =	vld [tilespmem:$0xC4E0]  }
0x225: {  	[tilespmem:$0xCCA0] =	vst v8;
	v8 =	vld [tilespmem:$0xC4F0]  }
0x226: {  	[tilespmem:$0xCCB0] =	vst v4;
	v4 =	vld [tilespmem:$0xC500]  }
0x227: {  	[tilespmem:$0xCCC0] =	vst v5;
	v5 =	vld [tilespmem:$0xC510]  }
0x228: {  	[tilespmem:$0xCCD0] =	vst v6;
	v6 =	vld [tilespmem:$0xC520]  }
0x229: {  	[tilespmem:$0xCCE0] =	vst v7;
	v7 =	vld [tilespmem:$0xC530]  }
0x22a: {  	[tilespmem:$0xCCF0] =	vst v8;
	v8 =	vld [tilespmem:$0xC540]  }
0x22b: {  	[tilespmem:$0xCD00] =	vst v4;
	v4 =	vld [tilespmem:$0xC550]  }
0x22c: {  	[tilespmem:$0xCD10] =	vst v5;
	v5 =	vld [tilespmem:$0xC560]  }
0x22d: {  	[tilespmem:$0xCD20] =	vst v6;
	v6 =	vld [tilespmem:$0xC570]  }
0x22e: {  	[tilespmem:$0xCD30] =	vst v7;
	v7 =	vld [tilespmem:$0xC580]  }
0x22f: {  	[tilespmem:$0xCD40] =	vst v8;
	v8 =	vld [tilespmem:$0xC590]  }
0x230: {  	[tilespmem:$0xCD50] =	vst v4;
	v4 =	vld [tilespmem:$0xC5A0]  }
0x231: {  	[tilespmem:$0xCD60] =	vst v5;
	v5 =	vld [tilespmem:$0xC5B0]  }
0x232: {  	[tilespmem:$0xCD70] =	vst v6;
	v6 =	vld [tilespmem:$0xC5C0]  }
0x233: {  	[tilespmem:$0xCD80] =	vst v7;
	v7 =	vld [tilespmem:$0xC5D0]  }
0x234: {  	[tilespmem:$0xCD90] =	vst v8;
	v8 =	vld [tilespmem:$0xC5E0]  }
0x235: {  	[tilespmem:$0xCDA0] =	vst v4;
	v4 =	vld [tilespmem:$0xC5F0]  }
0x236: {  	[tilespmem:$0xCDB0] =	vst v5;
	v5 =	vld [tilespmem:$0xC600]  }
0x237: {  	[tilespmem:$0xCDC0] =	vst v6;
	v6 =	vld [tilespmem:$0xC610]  }
0x238: {  	[tilespmem:$0xCDD0] =	vst v7;
	v7 =	vld [tilespmem:$0xC620]  }
0x239: {  	[tilespmem:$0xCDE0] =	vst v8;
	v8 =	vld [tilespmem:$0xC630]  }
0x23a: {  	[tilespmem:$0xCDF0] =	vst v4;
	v4 =	vld [tilespmem:$0xC640]  }
0x23b: {  	[tilespmem:$0xCE00] =	vst v5;
	v5 =	vld [tilespmem:$0xC650]  }
0x23c: {  	[tilespmem:$0xCE10] =	vst v6;
	v6 =	vld [tilespmem:$0xC660]  }
0x23d: {  	[tilespmem:$0xCE20] =	vst v7;
	v7 =	vld [tilespmem:$0xC670]  }
0x23e: {  	[tilespmem:$0xCE30] =	vst v8;
	v8 =	vld [tilespmem:$0xC680]  }
0x23f: {  	[tilespmem:$0xCE40] =	vst v4;
	v4 =	vld [tilespmem:$0xC690]  }
0x240: {  	[tilespmem:$0xCE50] =	vst v5;
	v5 =	vld [tilespmem:$0xC6A0]  }
0x241: {  	[tilespmem:$0xCE60] =	vst v6;
	v6 =	vld [tilespmem:$0xC6B0]  }
0x242: {  	[tilespmem:$0xCE70] =	vst v7;
	v7 =	vld [tilespmem:$0xC6C0]  }
0x243: {  	[tilespmem:$0xCE80] =	vst v8;
	v8 =	vld [tilespmem:$0xC6D0]  }
0x244: {  	[tilespmem:$0xCE90] =	vst v4;
	v4 =	vld [tilespmem:$0xC6E0]  }
0x245: {  	[tilespmem:$0xCEA0] =	vst v5;
	v5 =	vld [tilespmem:$0xC6F0]  }
0x246: {  	[tilespmem:$0xCEB0] =	vst v6;
	v6 =	vld [tilespmem:$0xC700]  }
0x247: {  	[tilespmem:$0xCEC0] =	vst v7;
	v7 =	vld [tilespmem:$0xC710]  }
0x248: {  	[tilespmem:$0xCED0] =	vst v8;
	v8 =	vld [tilespmem:$0xC720]  }
0x249: {  	[tilespmem:$0xCEE0] =	vst v4;
	v4 =	vld [tilespmem:$0xC730]  }
0x24a: {  	[tilespmem:$0xCEF0] =	vst v5;
	v5 =	vld [tilespmem:$0xC740]  }
0x24b: {  	[tilespmem:$0xCF00] =	vst v6;
	v6 =	vld [tilespmem:$0xC750]  }
0x24c: {  	[tilespmem:$0xCF10] =	vst v7;
	v7 =	vld [tilespmem:$0xC760]  }
0x24d: {  	[tilespmem:$0xCF20] =	vst v8;
	v8 =	vld [tilespmem:$0xC770]  }
0x24e: {  	[tilespmem:$0xCF30] =	vst v4;
	v4 =	vld [tilespmem:$0xC780]  }
0x24f: {  	[tilespmem:$0xCF40] =	vst v5;
	v5 =	vld [tilespmem:$0xC790]  }
0x250: {  	[tilespmem:$0xCF50] =	vst v6;
	v6 =	vld [tilespmem:$0xC7A0]  }
0x251: {  	[tilespmem:$0xCF60] =	vst v7;
	v7 =	vld [tilespmem:$0xC7B0]  }
0x252: {  	[tilespmem:$0xCF70] =	vst v8;
	v8 =	vld [tilespmem:$0xC7C0]  }
0x253: {  	[tilespmem:$0xCF80] =	vst v4;
	v4 =	vld [tilespmem:$0xC7D0]  }
0x254: {  	[tilespmem:$0xCF90] =	vst v5;
	v5 =	vld [tilespmem:$0xC7E0]  }
0x255: {  	[tilespmem:$0xCFA0] =	vst v6;
	v6 =	vld [tilespmem:$0xC7F0]  }
0x256: {  	[tilespmem:$0xCFB0] =	vst v7  }
0x257: {  	[tilespmem:$0xCFC0] =	vst v8  }
0x258: {  	[tilespmem:$0xCFD0] =	vst v4  }
0x259: {  	[tilespmem:$0xCFE0] =	vst v5  }
0x25a: {  	[tilespmem:$0xCFF0] =	vst v6  }
0x25b: {  	[spmem:s1] =	stream.indirect.scatter.add.s32 [tilespmem:s19], [sflag:$0x1], $0x80, s18, s17, $0xb8;
	[tilespmem:$0x10190] =	vst v63  }
0x25c: {  	_ =	swait.ge [sflag:s13], $0x800  }
0x25d: {  	[sflag:s13] =	ssyncset.done $0x0  }
0x25e: {  	[sflag:s13] =	ssyncadd.s32 $0xFFFFF800  }
0x25f: {  	[spmem:s2] =	stream.indirect.scatter.add.s32 [tilespmem:s20], [sflag:$0x1], $0x10, s18, s17, $0xb8;
	[tilespmem:$0x10190] =	vst v63  }
0x260: {  	_ =	swait.ge [sflag:s13], $0x100  }
0x261: {  	[sflag:s13] =	ssyncset.done $0x0  }
0x262: {  	[sflag:s13] =	ssyncadd.s32 $0xFFFFFF00  }
0x263: {  	[bflag:$0x0] =	sbarrier.arrive $0xFFFF  }
0x264: {  	[tilespmem:s21], [sflag:$0x1] =	stream.linear.gather [spmem:s1], $0x800, $0x38;
	[tilespmem:$0x10190] =	vst v63  }
0x265: {  	_ =	swait.ge [sflag:s13], $0x800  }
0x266: {  	[sflag:s13] =	ssyncset.done $0x0  }
0x267: {  	[sflag:s13] =	ssyncadd.s32 $0xFFFFF800  }
0x268: {  	[tilespmem:s22], [sflag:$0x1] =	stream.linear.gather [spmem:s2], $0x800, $0x38;
	[tilespmem:$0x10190] =	vst v63  }
0x269: {  	_ =	swait.ge [sflag:s13], $0x800  }
0x26a: {  	[sflag:s13] =	ssyncset.done $0x0  }
0x26b: {  	[sflag:s13] =	ssyncadd.s32 $0xFFFFF800  }
0x26c: {  	v4 =	vld [tilespmem:$0xD000]  }
0x26d: {  	v5 =	vld [tilespmem:$0xD010]  }
0x26e: {  	v6 =	vld [tilespmem:$0xD020]  }
0x26f: {  	v7 =	vld [tilespmem:$0xD030]  }
0x270: {  	v8 =	vld [tilespmem:$0xD040]  }
0x271: {  	v9 =	vld [tilespmem:$0xD050]  }
0x272: {  	v10 =	vld [tilespmem:$0xD060]  }
0x273: {  	[tilespmem:$0xD800] =	vst v4;
	v4 =	vld [tilespmem:$0xD070]  }
0x274: {  	[tilespmem:$0xD810] =	vst v5;
	v5 =	vld [tilespmem:$0xD080]  }
0x275: {  	[tilespmem:$0xD820] =	vst v6;
	v6 =	vld [tilespmem:$0xD090]  }
0x276: {  	[tilespmem:$0xD830] =	vst v7;
	v7 =	vld [tilespmem:$0xD0A0]  }
0x277: {  	[tilespmem:$0xD840] =	vst v8;
	v8 =	vld [tilespmem:$0xD0B0]  }
0x278: {  	[tilespmem:$0xD850] =	vst v9;
	v9 =	vld [tilespmem:$0xD0C0]  }
0x279: {  	[tilespmem:$0xD860] =	vst v10;
	v10 =	vld [tilespmem:$0xD0D0]  }
0x27a: {  	[tilespmem:$0xD870] =	vst v4;
	v4 =	vld [tilespmem:$0xD0E0]  }
0x27b: {  	[tilespmem:$0xD880] =	vst v5;
	v5 =	vld [tilespmem:$0xD0F0]  }
0x27c: {  	[tilespmem:$0xD890] =	vst v6;
	v6 =	vld [tilespmem:$0xD100]  }
0x27d: {  	[tilespmem:$0xD8A0] =	vst v7;
	v7 =	vld [tilespmem:$0xD110]  }
0x27e: {  	[tilespmem:$0xD8B0] =	vst v8;
	v8 =	vld [tilespmem:$0xD120]  }
0x27f: {  	[tilespmem:$0xD8C0] =	vst v9;
	v9 =	vld [tilespmem:$0xD130]  }
0x280: {  	[tilespmem:$0xD8D0] =	vst v10;
	v10 =	vld [tilespmem:$0xD140]  }
0x281: {  	[tilespmem:$0xD8E0] =	vst v4;
	v4 =	vld [tilespmem:$0xD150]  }
0x282: {  	[tilespmem:$0xD8F0] =	vst v5;
	v5 =	vld [tilespmem:$0xD160]  }
0x283: {  	[tilespmem:$0xD900] =	vst v6;
	v6 =	vld [tilespmem:$0xD170]  }
0x284: {  	[tilespmem:$0xD910] =	vst v7;
	v7 =	vld [tilespmem:$0xD180]  }
0x285: {  	[tilespmem:$0xD920] =	vst v8;
	v8 =	vld [tilespmem:$0xD190]  }
0x286: {  	[tilespmem:$0xD930] =	vst v9;
	v9 =	vld [tilespmem:$0xD1A0]  }
0x287: {  	[tilespmem:$0xD940] =	vst v10;
	v10 =	vld [tilespmem:$0xD1B0]  }
0x288: {  	[tilespmem:$0xD950] =	vst v4;
	v4 =	vld [tilespmem:$0xD1C0]  }
0x289: {  	[tilespmem:$0xD960] =	vst v5;
	v5 =	vld [tilespmem:$0xD1D0]  }
0x28a: {  	[tilespmem:$0xD970] =	vst v6;
	v6 =	vld [tilespmem:$0xD1E0]  }
0x28b: {  	[tilespmem:$0xD980] =	vst v7;
	v7 =	vld [tilespmem:$0xD1F0]  }
0x28c: {  	[tilespmem:$0xD990] =	vst v8;
	v8 =	vld [tilespmem:$0xD200]  }
0x28d: {  	[tilespmem:$0xD9A0] =	vst v9;
	v9 =	vld [tilespmem:$0xD210]  }
0x28e: {  	[tilespmem:$0xD9B0] =	vst v10;
	v10 =	vld [tilespmem:$0xD220]  }
0x28f: {  	[tilespmem:$0xD9C0] =	vst v4;
	v4 =	vld [tilespmem:$0xD230]  }
0x290: {  	[tilespmem:$0xD9D0] =	vst v5;
	v5 =	vld [tilespmem:$0xD240]  }
0x291: {  	[tilespmem:$0xD9E0] =	vst v6;
	v6 =	vld [tilespmem:$0xD250]  }
0x292: {  	[tilespmem:$0xD9F0] =	vst v7;
	v7 =	vld [tilespmem:$0xD260]  }
0x293: {  	[tilespmem:$0xDA00] =	vst v8;
	v8 =	vld [tilespmem:$0xD270]  }
0x294: {  	[tilespmem:$0xDA10] =	vst v9;
	v9 =	vld [tilespmem:$0xD280]  }
0x295: {  	[tilespmem:$0xDA20] =	vst v10;
	v10 =	vld [tilespmem:$0xD290]  }
0x296: {  	[tilespmem:$0xDA30] =	vst v4;
	v4 =	vld [tilespmem:$0xD2A0]  }
0x297: {  	[tilespmem:$0xDA40] =	vst v5;
	v5 =	vld [tilespmem:$0xD2B0]  }
0x298: {  	[tilespmem:$0xDA50] =	vst v6;
	v6 =	vld [tilespmem:$0xD2C0]  }
0x299: {  	[tilespmem:$0xDA60] =	vst v7;
	v7 =	vld [tilespmem:$0xD2D0]  }
0x29a: {  	[tilespmem:$0xDA70] =	vst v8;
	v8 =	vld [tilespmem:$0xD2E0]  }
0x29b: {  	[tilespmem:$0xDA80] =	vst v9;
	v9 =	vld [tilespmem:$0xD2F0]  }
0x29c: {  	[tilespmem:$0xDA90] =	vst v10;
	v10 =	vld [tilespmem:$0xD300]  }
0x29d: {  	[tilespmem:$0xDAA0] =	vst v4;
	v4 =	vld [tilespmem:$0xD310]  }
0x29e: {  	[tilespmem:$0xDAB0] =	vst v5;
	v5 =	vld [tilespmem:$0xD320]  }
0x29f: {  	[tilespmem:$0xDAC0] =	vst v6;
	v6 =	vld [tilespmem:$0xD330]  }
0x2a0: {  	[tilespmem:$0xDAD0] =	vst v7;
	v7 =	vld [tilespmem:$0xD340]  }
0x2a1: {  	[tilespmem:$0xDAE0] =	vst v8;
	v8 =	vld [tilespmem:$0xD350]  }
0x2a2: {  	[tilespmem:$0xDAF0] =	vst v9;
	v9 =	vld [tilespmem:$0xD360]  }
0x2a3: {  	[tilespmem:$0xDB00] =	vst v10;
	v10 =	vld [tilespmem:$0xD370]  }
0x2a4: {  	[tilespmem:$0xDB10] =	vst v4;
	v4 =	vld [tilespmem:$0xD380]  }
0x2a5: {  	[tilespmem:$0xDB20] =	vst v5;
	v5 =	vld [tilespmem:$0xD390]  }
0x2a6: {  	[tilespmem:$0xDB30] =	vst v6;
	v6 =	vld [tilespmem:$0xD3A0]  }
0x2a7: {  	[tilespmem:$0xDB40] =	vst v7;
	v7 =	vld [tilespmem:$0xD3B0]  }
0x2a8: {  	[tilespmem:$0xDB50] =	vst v8;
	v8 =	vld [tilespmem:$0xD3C0]  }
0x2a9: {  	[tilespmem:$0xDB60] =	vst v9;
	v9 =	vld [tilespmem:$0xD3D0]  }
0x2aa: {  	[tilespmem:$0xDB70] =	vst v10;
	v10 =	vld [tilespmem:$0xD3E0]  }
0x2ab: {  	[tilespmem:$0xDB80] =	vst v4;
	v4 =	vld [tilespmem:$0xD3F0]  }
0x2ac: {  	[tilespmem:$0xDB90] =	vst v5;
	v5 =	vld [tilespmem:$0xD400]  }
0x2ad: {  	[tilespmem:$0xDBA0] =	vst v6;
	v6 =	vld [tilespmem:$0xD410]  }
0x2ae: {  	[tilespmem:$0xDBB0] =	vst v7;
	v7 =	vld [tilespmem:$0xD420]  }
0x2af: {  	[tilespmem:$0xDBC0] =	vst v8;
	v8 =	vld [tilespmem:$0xD430]  }
0x2b0: {  	[tilespmem:$0xDBD0] =	vst v9;
	v9 =	vld [tilespmem:$0xD440]  }
0x2b1: {  	[tilespmem:$0xDBE0] =	vst v10;
	v10 =	vld [tilespmem:$0xD450]  }
0x2b2: {  	[tilespmem:$0xDBF0] =	vst v4;
	v4 =	vld [tilespmem:$0xD460]  }
0x2b3: {  	[tilespmem:$0xDC00] =	vst v5;
	v5 =	vld [tilespmem:$0xD470]  }
0x2b4: {  	[tilespmem:$0xDC10] =	vst v6;
	v6 =	vld [tilespmem:$0xD480]  }
0x2b5: {  	[tilespmem:$0xDC20] =	vst v7;
	v7 =	vld [tilespmem:$0xD490]  }
0x2b6: {  	[tilespmem:$0xDC30] =	vst v8;
	v8 =	vld [tilespmem:$0xD4A0]  }
0x2b7: {  	[tilespmem:$0xDC40] =	vst v9;
	v9 =	vld [tilespmem:$0xD4B0]  }
0x2b8: {  	[tilespmem:$0xDC50] =	vst v10;
	v10 =	vld [tilespmem:$0xD4C0]  }
0x2b9: {  	[tilespmem:$0xDC60] =	vst v4;
	v4 =	vld [tilespmem:$0xD4D0]  }
0x2ba: {  	[tilespmem:$0xDC70] =	vst v5;
	v5 =	vld [tilespmem:$0xD4E0]  }
0x2bb: {  	[tilespmem:$0xDC80] =	vst v6;
	v6 =	vld [tilespmem:$0xD4F0]  }
0x2bc: {  	[tilespmem:$0xDC90] =	vst v7;
	v7 =	vld [tilespmem:$0xD500]  }
0x2bd: {  	[tilespmem:$0xDCA0] =	vst v8;
	v8 =	vld [tilespmem:$0xD510]  }
0x2be: {  	[tilespmem:$0xDCB0] =	vst v9;
	v9 =	vld [tilespmem:$0xD520]  }
0x2bf: {  	[tilespmem:$0xDCC0] =	vst v10;
	v10 =	vld [tilespmem:$0xD530]  }
0x2c0: {  	[tilespmem:$0xDCD0] =	vst v4;
	v4 =	vld [tilespmem:$0xD540]  }
0x2c1: {  	[tilespmem:$0xDCE0] =	vst v5;
	v5 =	vld [tilespmem:$0xD550]  }
0x2c2: {  	[tilespmem:$0xDCF0] =	vst v6;
	v6 =	vld [tilespmem:$0xD560]  }
0x2c3: {  	[tilespmem:$0xDD00] =	vst v7;
	v7 =	vld [tilespmem:$0xD570]  }
0x2c4: {  	[tilespmem:$0xDD10] =	vst v8;
	v8 =	vld [tilespmem:$0xD580]  }
0x2c5: {  	[tilespmem:$0xDD20] =	vst v9;
	v9 =	vld [tilespmem:$0xD590]  }
0x2c6: {  	[tilespmem:$0xDD30] =	vst v10;
	v10 =	vld [tilespmem:$0xD5A0]  }
0x2c7: {  	[tilespmem:$0xDD40] =	vst v4;
	v4 =	vld [tilespmem:$0xD5B0]  }
0x2c8: {  	[tilespmem:$0xDD50] =	vst v5;
	v5 =	vld [tilespmem:$0xD5C0]  }
0x2c9: {  	[tilespmem:$0xDD60] =	vst v6;
	v6 =	vld [tilespmem:$0xD5D0]  }
0x2ca: {  	[tilespmem:$0xDD70] =	vst v7;
	v7 =	vld [tilespmem:$0xD5E0]  }
0x2cb: {  	[tilespmem:$0xDD80] =	vst v8;
	v8 =	vld [tilespmem:$0xD5F0]  }
0x2cc: {  	[tilespmem:$0xDD90] =	vst v9;
	v9 =	vld [tilespmem:$0xD600]  }
0x2cd: {  	[tilespmem:$0xDDA0] =	vst v10;
	v10 =	vld [tilespmem:$0xD610]  }
0x2ce: {  	[tilespmem:$0xDDB0] =	vst v4;
	v4 =	vld [tilespmem:$0xD620]  }
0x2cf: {  	[tilespmem:$0xDDC0] =	vst v5;
	v5 =	vld [tilespmem:$0xD630]  }
0x2d0: {  	[tilespmem:$0xDDD0] =	vst v6;
	v6 =	vld [tilespmem:$0xD640]  }
0x2d1: {  	[tilespmem:$0xDDE0] =	vst v7;
	v7 =	vld [tilespmem:$0xD650]  }
0x2d2: {  	[tilespmem:$0xDDF0] =	vst v8;
	v8 =	vld [tilespmem:$0xD660]  }
0x2d3: {  	[tilespmem:$0xDE00] =	vst v9;
	v9 =	vld [tilespmem:$0xD670]  }
0x2d4: {  	[tilespmem:$0xDE10] =	vst v10;
	v10 =	vld [tilespmem:$0xD680]  }
0x2d5: {  	[tilespmem:$0xDE20] =	vst v4;
	v4 =	vld [tilespmem:$0xD690]  }
0x2d6: {  	[tilespmem:$0xDE30] =	vst v5;
	v5 =	vld [tilespmem:$0xD6A0]  }
0x2d7: {  	[tilespmem:$0xDE40] =	vst v6;
	v6 =	vld [tilespmem:$0xD6B0]  }
0x2d8: {  	[tilespmem:$0xDE50] =	vst v7;
	v7 =	vld [tilespmem:$0xD6C0]  }
0x2d9: {  	[tilespmem:$0xDE60] =	vst v8;
	v8 =	vld [tilespmem:$0xD6D0]  }
0x2da: {  	[tilespmem:$0xDE70] =	vst v9;
	v9 =	vld [tilespmem:$0xD6E0]  }
0x2db: {  	[tilespmem:$0xDE80] =	vst v10;
	v10 =	vld [tilespmem:$0xD6F0]  }
0x2dc: {  	[tilespmem:$0xDE90] =	vst v4;
	v4 =	vld [tilespmem:$0xD700]  }
0x2dd: {  	[tilespmem:$0xDEA0] =	vst v5;
	v5 =	vld [tilespmem:$0xD710]  }
0x2de: {  	[tilespmem:$0xDEB0] =	vst v6;
	v6 =	vld [tilespmem:$0xD720]  }
0x2df: {  	[tilespmem:$0xDEC0] =	vst v7;
	v7 =	vld [tilespmem:$0xD730]  }
0x2e0: {  	[tilespmem:$0xDED0] =	vst v8;
	v8 =	vld [tilespmem:$0xD740]  }
0x2e1: {  	[tilespmem:$0xDEE0] =	vst v9;
	v9 =	vld [tilespmem:$0xD750]  }
0x2e2: {  	[tilespmem:$0xDEF0] =	vst v10;
	v10 =	vld [tilespmem:$0xD760]  }
0x2e3: {  	[tilespmem:$0xDF00] =	vst v4;
	v4 =	vld [tilespmem:$0xF800]  }
0x2e4: {  	[tilespmem:$0xDF10] =	vst v5;
	v5 =	vld [tilespmem:$0xD770]  }
0x2e5: {  	[tilespmem:$0xDF20] =	vst v6;
	v6 =	vld [tilespmem:$0xF880]  }
0x2e6: {  	[tilespmem:$0xDF30] =	vst v7;
	v7 =	vld [tilespmem:$0xD780]  }
0x2e7: {  	[tilespmem:$0xDF40] =	vst v8;
	v8 =	vld [tilespmem:$0xD790]  }
0x2e8: {  	[tilespmem:$0xDF50] =	vst v9;
	v9 =	vld [tilespmem:$0xD7A0]  }
0x2e9: {  	[tilespmem:$0xDF60] =	vst v10;
	(xrf0) =	vadd.scan.msk.s32 $0xffff, v4;
	v4 =	vld [tilespmem:$0xD7B0]  }
0x2ea: {  	[tilespmem:$0xDF70] =	vst v5;
	v5 =	vld [tilespmem:$0xD7C0]  }
0x2eb: {  	[tilespmem:$0xDF80] =	vst v7;
	v7 =	vld [tilespmem:$0xD7E0]  }
0x2ec: {  	[tilespmem:$0xDF90] =	vst v8;
	v8 =	vld [tilespmem:$0xD7F0];
	(xrf0) =	vadd.scan.msk.s32 $0xffff, v6  }
0x2ed: {  	[tilespmem:$0xDFA0] =	vst v9;
	v6 =	vld [tilespmem:$0xD7D0]  }
0x2ee: {  	[tilespmem:$0xDFB0] =	vst v4  }
0x2ef: {  	[tilespmem:$0xDFC0] =	vst v5;
	v4, _, _ =	vpop (xrf0)  }
0x2f0: {  	[tilespmem:$0xDFE0] =	vst v7;
	(v2sf) =	vpush v4, $0xF  }
0x2f1: {  	[tilespmem:$0xDFF0] =	vst v8  }
0x2f2: {  	s26 =	simm.s32 $0xDFF0;
	[tilespmem:$0xDFD0] =	vst v6;
	v5, _, _ =	vpop (xrf0)  }
0x2f3: {  	v12 =	vld [tilespmem:s26+$0x0];
	(v2sf) =	vpush v5, $0xF;
	_ =	sdelay $0x2  }
0x2f4: {  	v14 =	vld [tilespmem:s26+$0xFFFFFFF0];
	_ =	sdelay $0x1  }
0x2f5: {  	v15 =	vld [tilespmem:s26+$0xFFFFFFE0];
	(xrf0) =	vadd.scan.msk.s32 $0xffff, v12;
	_ =	sdelay $0x1  }
0x2f6: {  	v13 =	vld [tilespmem:s26+$0xFFFFFFD0]  }
0x2f7: {  	(xrf0) =	vadd.scan.msk.s32 $0xffff, v14;
	_ =	sdelay $0x1  }
0x2f8: {  	(xrf0) =	vadd.scan.msk.s32 $0xffff, v15  }
0x2f9: {  	v16, _, _ =	vpop (xrf0)  }
0x2fa: {  	(xrf0) =	vadd.scan.msk.s32 $0xffff, v13;
	s10 =	spop (v2sf);
	(v2sf) =	vpush v16, $0xF;
	_ =	sdelay $0x1  }
0x2fb: {  	v7, _, _ =	vpop (xrf0)  }
0x2fc: {  	s26 =	spop (v2sf);
	(v2sf) =	vpush v7, $0xF  }
0x2fd: {  	vm1 =	vmmov vm5;
	s23 =	simm.s32 $0x7E0;
	s28 =	simm.s32 $0x7D0;
	v9, _, _ =	vpop (xrf0)  }
0x2fe: {  	s30 =	simm.s32 $0x0;
	v18 =	vmov s28;
	v6 =	vmov s23;
	(v2sf) =	vpush v9, $0xF  }
0x2ff: {  	s29 =	simm.s32 $0x7C0;
	v18 =	vshll.u32 v18, $0x13;
	v19 =	vshll.u32 v6, $0x13;
	v6 =	vadd.s32 s30, v12;
	s0 =	smul.u32 $0x3, s10;
	s10 =	simm.s32 $0xDFB0;
	v11, _, _ =	vpop (xrf0)  }
0x300: {  	v8 =	vmov s29;
	v20 =	vsub.s32 v6, v16;
	v6 =	vld [tilespmem:s10+$0x0];
	(v2sf) =	vpush v11, $0xF  }
0x301: {  	v17 =	vimm.s32 $0xFFFFFFFF;
	s28 =	simm.s32 $0x7A0;
	v18 =	vor.u32 v3, v18;
	v10 =	vshll.u32 v8, $0x13  }
0x302: {  	v23 =	vbroadcast v9, $0xF;
	v24 =	vsub.s32 v15, v9;
	v8 =	vld [tilespmem:s10+$0xFFFFFFF0];
	v9 =	vmov s28;
	s28 =	simm.s32 $0x780  }
0x303: {  	v28 =	vor.u32 v3, v10;
	v19 =	vor.u32 v3, v19;
	v27 =	vmov s28;
	s28 =	simm.s32 $0x7F0  }
0x304: {  	v62 =	vsub.s32 v28, v13;
	v16 =	vbroadcast v16, $0xF;
	v63 =	vmov s28  }
0x305: {  	v25 =	vbroadcast v11, $0xF;
	v26 =	vsub.s32 v13, v11;
	v11 =	vld [tilespmem:s10+$0xFFFFFFE0];
	v28 =	vshll.u32 v63, $0x13;
	(xrf0) =	vadd.scan.msk.s32 $0xffff, v6  }
0x306: {  	v21 =	vbroadcast v7, $0xF;
	v22 =	vsub.s32 v14, v7;
	p1 =	slt.s32 s0, s26;
	v13 =	vld [tilespmem:s10+$0xFFFFFFD0];
	v28 =	vor.u32 v3, v28  }
0x307: {  	v14 =	vsub.s32 v19, v14;
	v16 =	vadd.s32 v16, v20;
	s26 =	smov.u32 @p1 s0;
	v12 =	vsub.s32 v28, v12;
	(xrf0) =	vadd.scan.msk.s32 $0xffff, v8  }
0x308: {  	s29 =	simm.s32 $0x790;
	v15 =	vsub.s32 v18, v15;
	v5 =	vmov s26;
	v12 =	vadd.s32 v16, v12;
	s23 =	spop (v2sf)  }
0x309: {  	v7 =	vmov s29;
	vm12 =	vlt.s32 v16, v5;
	v16 =	vadd.s32 v21, v22;
	s0 =	sadd.s32 $0x0, s23  }
0x30a: {  	v20 =	vadd.s32 v23, v24;
	(xrf0) =	vadd.scan.msk.s32 $0xffff, v11;
	v19 =	vsel vm12, $0xFFFFFFFF, v12;
	v16 =	vadd.s32 s0, v16  }
0x30b: {  	v10 =	vshll.u32 v9, $0x13;
	v9 =	vshll.u32 v27, $0x13;
	(xrf0) =	vadd.scan.msk.s32 $0xffff, v13;
	vm14 =	vgt.s32 v17, v19;
	v12, _, _ =	vpop (xrf0);
	s28 =	spop (v2sf)  }
0x30c: {  	v18 =	vadd.s32 v25, v26;
	v19 =	vsel vm14, v17, v19;
	(v2sf) =	vpush v12, $0xF;
	s0 =	sadd.s32 s28, s0  }
0x30d: {  	s28 =	spop (v2sf);
	vm13 =	vlt.s32 v16, v5;
	v14 =	vadd.s32 v16, v14;
	v20 =	vadd.s32 s0, v20;
	v16, _, _ =	vpop (xrf0)  }
0x30e: {  	s0 =	sadd.s32 s28, s0;
	v15 =	vadd.s32 v20, v15;
	vm1 =	vlt.s32 v20, v5;
	(v2sf) =	vpush v16, $0xF  }
0x30f: {  	s28 =	spop (v2sf);
	v14 =	vsel vm13, $0xFFFFFFFF, v14;
	v20 =	vsel vm1, $0xFFFFFFFF, v15;
	v15 =	vadd.s32 s0, v18  }
0x310: {  	s31 =	sadd.s32 s28, s0;
	vm0 =	vgt.s32 v19, v14;
	v18, _, _ =	vpop (xrf0);
	vm15 =	vlt.s32 v15, v5;
	v15 =	vadd.s32 v15, v62  }
0x311: {  	v21 =	vsel vm0, v19, v14;
	v14 =	vadd.s32 s31, v6;
	v17, _, _ =	vpop (xrf0);
	(v2sf) =	vpush v18, $0xF  }
0x312: {  	s30 =	simm.s32 $0x7B0;
	v19 =	vsel vm15, $0xFFFFFFFF, v15;
	vm0 =	vgt.s32 v21, v20;
	(v2sf) =	vpush v17, $0xF  }
0x313: {  	s29 =	simm.s32 $0x7B0;
	s28 =	simm.s32 $0x4;
	s0 =	simm.s32 $0xDF70;
	v15 =	vsub.s32 v14, v12;
	v14 =	vbroadcast v16, $0xF;
	v20 =	vsel vm0, v21, v20  }
.LBB2_5:
0x314: {  	v21 =	vld [tilespmem:s0+$0x0];
	s28 =	sadd.s32 $0x4, s28;
	v16 =	vsub.s32 v8, v16;
	v22 =	vbroadcast v18, $0xF;
	s30 =	sadd.s32 $0xFFFFFFC0, s30;
	vm0 =	vgt.s32 v20, v19  }
0x315: {  	v18 =	vsub.s32 v11, v18;
	v24 =	vbroadcast v17, $0xF;
	s10 =	sadd.s32 $0xFFFFFFF0, s30;
	v23 =	vld [tilespmem:s0+$0xFFFFFFF0];
	s23 =	sadd.s32 $0xFFFFFFE0, s30;
	p1 =	slt.u32 s28, $0x7C;
	v19 =	vsel vm0, v20, v19  }
0x316: {  	v17 =	vsub.s32 v13, v17;
	v20 =	vmov s10;
	v25 =	vld [tilespmem:s0+$0xFFFFFFE0];
	v26 =	vmov s23;
	s10 =	sadd.s32 $0xFFFFFFD0, s30  }
0x317: {  	v29 =	vor.u32 v3, v9;
	v20 =	vshll.u32 v20, $0x13;
	v27 =	vld [tilespmem:s0+$0xFFFFFFD0];
	v28 =	vmov s10  }
0x318: {  	v13 =	vsub.s32 v29, v13;
	v9 =	vshll.u32 v28, $0x13  }
0x319: {  	v30 =	vshll.u32 v7, $0x13;
	v29 =	vor.u32 v3, v10;
	v7 =	vmovc v26;
	v28 =	vmov s29;
	s29 =	smov.u32 s30;
	(xrf0) =	vadd.scan.msk.s32 $0xffff, v21  }
0x31a: {  	v12 =	vbroadcast v12, $0xF;
	v10 =	vmovc v20;
	v26 =	vshll.u32 v28, $0x13;
	v28 =	vor.u32 v3, v30;
	(xrf0) =	vadd.scan.msk.s32 $0xffff, v23  }
0x31b: {  	v20 =	vor.u32 v3, v26;
	v26 =	vsub.s32 v29, v8;
	v28 =	vsub.s32 v28, v11;
	(xrf0) =	vadd.scan.msk.s32 $0xffff, v25  }
0x31c: {  	v29 =	vadd.s32 v12, v15;
	v15 =	vadd.s32 v24, v17;
	v12 =	vsub.s32 v20, v6;
	(xrf0) =	vadd.scan.msk.s32 $0xffff, v27;
	s10 =	spop (v2sf)  }
0x31d: {  	vm0 =	vlt.s32 v29, v5;
	v20 =	vadd.s32 v14, v16;
	v6 =	vmovc v21;
	v24 =	vadd.s32 v29, v12;
	s10 =	sadd.s32 s31, s10;
	s23 =	spop (v2sf)  }
0x31e: {  	v17 =	vadd.s32 v22, v18;
	v8 =	vmovc v23;
	v11 =	vmovc v25;
	v14 =	vsel vm0, $0xFFFFFFFF, v24;
	v20 =	vadd.s32 s10, v20;
	s10 =	sadd.s32 s23, s10  }
0x31f: {  	v12, _, _ =	vpop (xrf0);
	vm0 =	vlt.s32 v20, v5;
	v22 =	vadd.s32 v20, v26;
	v17 =	vadd.s32 s10, v17  }
0x320: {  	(v2sf) =	vpush v12, $0xF;
	v16, _, _ =	vpop (xrf0);
	v20 =	vsel vm0, $0xFFFFFFFF, v22;
	v21 =	vadd.s32 v17, v28;
	s23 =	spop (v2sf)  }
0x321: {  	vm0 =	vgt.s32 v19, v14;
	vm1 =	vlt.s32 v17, v5;
	(v2sf) =	vpush v16, $0xF;
	v18, _, _ =	vpop (xrf0);
	s10 =	sadd.s32 s23, s10;
	s23 =	spop (v2sf)  }
.Ltmp1:
0x322: {  	v14 =	vsel vm0, v19, v14;
	v21 =	vsel vm1, $0xFFFFFFFF, v21;
	v17, _, _ =	vpop (xrf0);
	v15 =	vadd.s32 s10, v15;
	s31 =	sadd.s32 s23, s10;
	(pc) =	sbr.rel @p1 .LBB2_5-.Ltmp1, $4  }
0x323: {  	vm0 =	vgt.s32 v14, v20;
	vm1 =	vlt.s32 v15, v5;
	v15 =	vadd.s32 v15, v13;
	v13 =	vmovc v27  }
0x324: {  	v20 =	vsel vm0, v14, v20;
	(v2sf) =	vpush v18, $0xF;
	v19 =	vsel vm1, $0xFFFFFFFF, v15  }
0x325: {  	v14 =	vadd.s32 s31, v6;
	vm0 =	vgt.s32 v20, v21;
	(v2sf) =	vpush v17, $0xF  }
0x326: {  	s0 =	sadd.s32 $0xFFFFFFC0, s0;
	v15 =	vsub.s32 v14, v12;
	v14 =	vbroadcast v16, $0xF;
	v20 =	vsel vm0, v20, v21  }
0x327: {  	_ =	sdelay $0x1  }
0x328: {  	v16 =	vsub.s32 v8, v16;
	v21 =	vbroadcast v18, $0xF;
	vm0 =	vgt.s32 v20, v19  }
0x329: {  	v54 =	vsub.s32 v11, v18;
	v22 =	vbroadcast v17, $0xF;
	v9 =	vor.u32 v3, v9  }
0x32a: {  	v55 =	vsub.s32 v13, v17;
	v56 =	vmov s29;
	v10 =	vor.u32 v3, v10  }
0x32b: {  	v7 =	vshll.u32 v7, $0x13;
	v12 =	vbroadcast v12, $0xF;
	v19 =	vsel vm0, v20, v19  }
0x32c: {  	v9 =	vsub.s32 v9, v13;
	v13 =	vshll.u32 v56, $0x13;
	v7 =	vor.u32 v3, v7  }
0x32d: {  	v57 =	vsub.s32 v10, v8;
	v60 =	vadd.s32 v14, v16;
	v13 =	vor.u32 v3, v13  }
0x32e: {  	v7 =	vsub.s32 v7, v11;
	v58 =	vadd.s32 v12, v15;
	v6 =	vsub.s32 v13, v6;
	s0 =	spop (v2sf)  }
0x32f: {  	v59 =	vadd.s32 v22, v55;
	vm12 =	vlt.s32 v58, v5;
	v6 =	vadd.s32 v58, v6;
	s0 =	sadd.s32 s31, s0  }
0x330: {  	v61 =	vadd.s32 v21, v54;
	v6 =	vsel vm12, $0xFFFFFFFF, v6;
	s10 =	spop (v2sf);
	v10 =	vadd.s32 s0, v60  }
0x331: {  	vm1 =	vgt.s32 v19, v6;
	s0 =	sadd.s32 s10, s0;
	vm13 =	vlt.s32 v10, v5;
	v8 =	vadd.s32 v10, v57  }
0x332: {  	v6 =	vsel vm1, v19, v6;
	v62 =	vadd.s32 s0, v61;
	v8 =	vsel vm13, $0xFFFFFFFF, v8;
	s30 =	spop (v2sf)  }
0x333: {  	v7 =	vadd.s32 v62, v7;
	vm14 =	vlt.s32 v62, v5;
	s0 =	sadd.s32 s30, s0;
	vm1 =	vgt.s32 v6, v8  }
0x334: {  	v7 =	vsel vm14, $0xFFFFFFFF, v7;
	v63 =	vadd.s32 s0, v59;
	v6 =	vsel vm1, v6, v8  }
0x335: {  	vm15 =	vlt.s32 v63, v5;
	v5 =	vadd.s32 v63, v9;
	vm1 =	vgt.s32 v6, v7  }
0x336: {  	v5 =	vsel vm15, $0xFFFFFFFF, v5;
	v6 =	vsel vm1, v6, v7  }
0x337: {  	vm0 =	vgt.s32 v6, v5  }
0x338: {  	v5 =	vsel vm0, v6, v5  }
0x339: {  	v5 =	vxor.u32 @!p0 $0x80000000, v5  }
0x33a: {  	(xrf0) =	vmax.scan.msk.u32 @!p0 $0xffff, v5;
	_ =	sdelay $0x5  }
0x33b: {  	v5, _, _ =	vpop @!p0 (xrf0)  }
0x33c: {  	(v2sf) =	vpush @!p0 v5, $0xF;
	_ =	sdelay $0xd  }
0x33d: {  	s31 =	spop (v2sf)  }
0x33e: {  	s0 =	spop @!p0 (v2sf)  }
0x33f: {  	s10 =	sshra.s32 @!p0 s0, $0x9  }
0x340: {  	s0 =	sand.u32 @!p0 $0x7FFFF, s0;
	s10 =	sand.u32 @!p0 $0xFFFFFC00, s10  }
0x341: {  	s0 =	ssub.s32 @!p0 s26, s0;
	s10 =	sxor.u32 @!p0 $0xFFC00000, s10  }
0x342: {  	s0 =	sadd.s32 @!p0 s0, s10  }
0x343: {  	v4 =	vbroadcast @!p0 v4, $0xF;
	vm0 =	vcmask @!p0 $0xB08;
	v5 =	vmov @!p0 s26;
	p1 =	slt.s32 @!p0 s0, $0x0  }
0x344: {  	v6 =	vlaneseq.u32 @!p0;
	v5 =	vnsel @!p0 vm0, $0x0, v5;
	vm0 =	vcmask @!p0 $0x704;
	s10 =	sxor.u32 @!p0 $0x7FFFFFFF, s0;
	p1 =	por !p1, p0  }
0x345: {  	v4 =	vsel @!p0 vm0, v4, v5;
	vm0 =	veq.s32 @!p0 v6, $0x0;
	s10 =	smov.u32 @p1 s0  }
0x346: {  	s23 =	simm.s32 @!p0 $0x10080;
	s0 =	sshrl.u32 @!p0 s25, $0x3;
	v4 =	vsel @!p0 vm0, s10, v4  }
0x347: {  	s24 =	sadd.s32 $0x1, s24;
	s0 =	sadd.s32 @!p0 s7, s0;
	s10 =	simm.s32 @!p0 $0x0;
	[tilespmem:$0x10080] =	vst @!p0 v4  }
0x348: {  	[hbm4b:s0+s10] =	stream.linear.scatter @!p0 [tilespmem:s23], [sflag:$0x1], $0x80, $0x38;
	[tilespmem:$0x10190] =	vst v63  }
0x349: {  	p1 =	sne.s32 s24, $0x4;
	s0 =	simm.s32 @!p0 $0x1  }
.Ltmp2:
0x34a: {  	_ =	swait.ge @!p0 [sflag:s0], $0x80;
	(pc) =	sbr.rel @p1 .LBB2_2-.Ltmp2, $3  }
0x34b: {  	[sflag:s0] =	ssyncset.done @!p0 $0x0  }
0x34c: {  	[sflag:s0] =	ssyncadd.s32 @!p0 $0xFFFFFF80  }
0x34d: {  	[bflag:$0x0] =	sbarrier.arrive $0xFFFF;
	_ =	sdelay $0x1  }
0x34e: {  	s10 =	rddreg [dreg:$0x5]  }
0x34f: {  	s0 =	rddreg [dreg:$0x4];
	s10 =	sadd.s32 $0x1, s10  }
0x350: {  	p1 =	sne.s32 s10, s0  }
.Ltmp3:
0x351: {  	_ = 	snop;
	(pc) =	sbr.rel @p1 .LBB2_1-.Ltmp3, $1  }
0x352: {  	_ =	sdelay $0x3  }
0x353: {  	_ =	sfence.sel $0x180000  }
0x354: {  	[bflag:$0x0] =	sbarrier.arrive $0xFFFF  }
0x355: {  	_ =	strace $0x90000047  }
0x356: {  	[bflag:$0x2] =	sbarrier.arrive $0xFFFF  }
0x357: {  	s0 =	rddreg [dreg:$0x3]  }
0x358: {  	s0 =	sadd.s32 @!p0 $0x100000, s0  }
0x359: {  	[sflag:s0] =	ssyncadd.tile.s32 @!p0 $0x1;
	_ =	shalt  }
.Lfunc_end2:
_tile_overlayer_lowered:
.L_overlay_start_2:
0x35a: {  	(tag) =	ssettag $0x2  }
0x35b: {  	s0 =	rddreg [dreg:$0x0];
	s2 =	stileid.u32  }
0x35c: {  	s1 =	rddreg [dreg:$0x1];
	p0 =	sne.s32 s2, $0x0  }
0x35d: {  	s3 =	rddreg [dreg:$0x2];
	[bflag:$0x3] =	sbarrier.arrive $0xFFFF;
	s2 =	simm.s32 @!p0 $0x1C01  }
0x35e: {  	[timem:s3], [sflag:s2] =	dma.local @!p0 [hbm:s0], s1  }
0x35f: {  	s0 =	simm.s32 @!p0 $0x1  }
0x360: {  	_ =	swait.ge @!p0 [sflag:s0], s1  }
0x361: {  	s1 =	ssub.s32 @!p0 $0x0, s1;
	[sflag:s0] =	ssyncset.done @!p0 $0x0  }
0x362: {  	[sflag:s0] =	ssyncadd.s32 @!p0 s1  }
0x363: {  	[bflag:$0x3] =	sbarrier.arrive $0xFFFF  }
0x364: {  	_ =	shalt  }

</sc_bundles>
